<compile_context>
chip_gen: v7x
topology: tpu7x:2x2x1
jax: 0.10.2.dev20260603
libtpu: 0.0.44.dev20260713+nightly
codegen_flags: <defaults>
</compile_context>

<pallas_src>
import functools

import jax
import jax.numpy as jnp
from jax import lax
from jax.experimental import pallas as pl
from jax.experimental.pallas import tpu as pltpu
from jax.experimental.pallas import tpu_sc as plsc

_NC, _NS, _L = 2, 16, 16
_NW = _NC * _NS
_CH = 64
_NBUF = 8


def _acc_rows(N):
    return ((N + _NS * 8 - 1) // (_NS * 8)) * _NS * 8


def _span_copy(sid, NA, copy_fn):
    rpt = NA // _NS
    copy_fn(sid * rpt, rpt)



def _make_deg_kernel(EP, NA):
    ept = EP // _NW
    nchunk = ept // _CH
    assert EP == ept * _NW and ept == nchunk * _CH
    mesh = plsc.VectorSubcoreMesh(core_axis_name="c", subcore_axis_name="s")

    @functools.partial(
        pl.kernel,
        out_type=jax.ShapeDtypeStruct((_NC, NA, _L), jnp.float32),
        mesh=mesh,
        compiler_params=pltpu.CompilerParams(use_tc_tiling_on_sc=False),
        scratch_types=[
            pltpu.VMEM_SHARED((NA, _L), jnp.float32),
            pltpu.VMEM((_CH, _L), jnp.float32),
            pltpu.VMEM((nchunk, _CH), jnp.int32),
            pltpu.SemaphoreType.DMA,
        ],
    )
    def deg_kernel(ei4_hbm, zero_hbm, out_hbm, acc, ones_v, idx_v, sem):
        cid = lax.axis_index("c")
        sid = lax.axis_index("s")

        def fill(i, carry):
            ones_v[i, :] = jnp.ones((_L,), jnp.float32)
            return carry

        lax.fori_loop(0, _CH, fill, None)
        pltpu.sync_copy(ei4_hbm.at[1, sid, pl.ds(cid * nchunk, nchunk)],
                        idx_v)
        _span_copy(sid, NA,
                   lambda r, n: pltpu.sync_copy(zero_hbm.at[pl.ds(r, n)],
                                                acc.at[pl.ds(r, n)]))
        plsc.subcore_barrier()

        def fire(i, carry):
            pltpu.async_copy(ones_v, acc.at[idx_v.at[i]], sem, add=True)
            return carry

        lax.fori_loop(0, nchunk, fire, None)

        def drain(i, carry):
            pltpu.make_async_copy(ones_v, acc.at[idx_v.at[0]], sem).wait()
            return carry

        lax.fori_loop(0, nchunk, drain, None)
        plsc.subcore_barrier()
        _span_copy(sid, NA,
                   lambda r, n: pltpu.sync_copy(acc.at[pl.ds(r, n)],
                                                out_hbm.at[cid, pl.ds(r, n)]))

    return deg_kernel


def _make_mp_kernel(EP, NA, D):
    dh = D // _NC
    ept = EP // _NS
    nchunk = ept // _CH
    assert EP == ept * _NS and ept == nchunk * _CH and D == dh * _NC
    assert nchunk % _NBUF == 0 and nchunk // _NBUF >= 2
    nmain = nchunk // _NBUF - 1
    mesh = plsc.VectorSubcoreMesh(core_axis_name="c", subcore_axis_name="s")

    @functools.partial(
        pl.kernel,
        out_type=jax.ShapeDtypeStruct((NA, D), jnp.float32),
        mesh=mesh,
        compiler_params=pltpu.CompilerParams(use_tc_tiling_on_sc=False),
        scratch_types=[
            pltpu.VMEM_SHARED((NA, dh), jnp.float32),
            pltpu.VMEM((_NBUF, _CH, dh), jnp.float32),
            pltpu.VMEM((nchunk, _CH), jnp.int32),
            pltpu.VMEM((nchunk, _CH), jnp.int32),
            [pltpu.SemaphoreType.DMA] * _NBUF,
            [pltpu.SemaphoreType.DMA] * _NBUF,
        ],
    )
    def mp_kernel(y3_hbm, ei4_hbm, zero_hbm, out_hbm,
                  acc, rows_v, src_v, dst_v, gsem, ssem):
        cid = lax.axis_index("c")
        sid = lax.axis_index("s")
        yh = y3_hbm.at[cid]

        pltpu.sync_copy(ei4_hbm.at[0, sid], src_v)
        pltpu.sync_copy(ei4_hbm.at[1, sid], dst_v)
        _span_copy(sid, NA,
                   lambda r, n: pltpu.sync_copy(zero_hbm.at[pl.ds(r, n)],
                                                acc.at[pl.ds(r, n)]))
        plsc.subcore_barrier()

        def fire_gather(g, b):
            pltpu.async_copy(yh.at[src_v.at[g]], rows_v.at[b], gsem[b])

        def wait_gather(b):
            pltpu.make_async_copy(yh.at[src_v.at[0]], rows_v.at[b],
                                  gsem[b]).wait()

        def fire_scatter(g, b):
            pltpu.async_copy(rows_v.at[b], acc.at[dst_v.at[g]], ssem[b],
                             add=True)

        def wait_scatter(b):
            pltpu.make_async_copy(rows_v.at[b], acc.at[dst_v.at[0]],
                                  ssem[b]).wait()

        for b in range(_NBUF):
            fire_gather(b, b)

        def ring(k, carry):
            g0 = k * _NBUF
            for b in range(_NBUF):
                wait_gather(b)
                fire_scatter(g0 + b, b)
            for b in range(_NBUF):
                wait_scatter(b)
                fire_gather(g0 + _NBUF + b, b)
            return carry

        lax.fori_loop(0, nmain, ring, None)

        g0 = nmain * _NBUF
        for b in range(_NBUF):
            wait_gather(b)
            fire_scatter(g0 + b, b)
        for b in range(_NBUF):
            wait_scatter(b)

        plsc.subcore_barrier()
        _span_copy(sid, NA,
                   lambda r, n: pltpu.sync_copy(
                       acc.at[pl.ds(r, n)],
                       out_hbm.at[pl.ds(r, n), pl.ds(cid * dh, dh)]))

    return mp_kernel



_RB = 2000


def _halves(pair_ref):
    return jnp.concatenate([pair_ref[0], pair_ref[1]], axis=1)


def _store_halves(pair_ref, x, dh):
    pair_ref[0] = x[:, :dh]
    pair_ref[1] = x[:, dh:]


def _dinv_block(degpair_ref):
    deg = degpair_ref[0, :, 0:1] + degpair_ref[1, :, 0:1] + 1.0
    return lax.rsqrt(deg)


def _tc1a_body(nf_ref, pw_ref, pb_ref, w1_ref, xw_ref):
    x0 = jnp.dot(nf_ref[...], pw_ref[...],
                 preferred_element_type=jnp.float32) + pb_ref[...]
    xw_ref[...] = jnp.dot(x0, w1_ref[...],
                          preferred_element_type=jnp.float32)


def _tc1b_body(degpair_ref, xw_ref, y1_ref):
    dinv = _dinv_block(degpair_ref)
    _store_halves(y1_ref, xw_ref[...] * dinv, xw_ref.shape[1] // _NC)


def _tc2_body(degpair_ref, acc_ref, y1_ref, b1_ref, w2_ref, y2_ref):
    dinv = _dinv_block(degpair_ref)
    h = jnp.maximum(dinv * (acc_ref[...] + _halves(y1_ref)) + b1_ref[...],
                    0.0)
    xw = jnp.dot(h, w2_ref[...], preferred_element_type=jnp.float32)
    _store_halves(y2_ref, xw * dinv, w2_ref.shape[1] // _NC)


def _tc3_body(degpair_ref, acc_ref, y2_ref, b2_ref, out_ref):
    dinv = _dinv_block(degpair_ref)
    out_ref[...] = jnp.maximum(
        dinv * (acc_ref[...] + _halves(y2_ref)) + b2_ref[...], 0.0)


def _row_spec(d):
    return pl.BlockSpec((_RB, d), lambda i: (i, 0))


def _pair_spec(d):
    return pl.BlockSpec((_NC, _RB, d), lambda i: (0, i, 0))


def _full_spec(r, c):
    return pl.BlockSpec((r, c), lambda i: (0, 0))



def kernel(node_features, edge_index, proj_W, proj_b, W1, b1, W2, b2):
    N, in_dim = node_features.shape
    E = edge_index.shape[1]
    proj_dim = proj_W.shape[1]
    hid = W1.shape[1]
    dh = hid // _NC
    NA = _acc_rows(N)

    unit = _NS * _CH * _NBUF * 2
    EP = ((E + unit - 1) // unit) * unit
    ei = edge_index.astype(jnp.int32)
    if EP > E:
        r = jnp.arange(EP - E, dtype=jnp.int32)
        pad = jnp.stack([r % N, N + r % (NA - N)])
        ei = jnp.concatenate([ei, pad], axis=1)
    nchunk_mp = EP // (_NS * _CH)
    ei4 = ei.reshape(2, _NS, nchunk_mp, _CH)
    zeros16 = jnp.zeros((NA, _L), jnp.float32)
    zeros_dh = jnp.zeros((NA, dh), jnp.float32)

    degpair = _make_deg_kernel(EP, NA)(ei4, zeros16)

    grid = (N // _RB,)
    xw1 = pl.pallas_call(
        _tc1a_body,
        grid=grid,
        in_specs=[_row_spec(in_dim), _full_spec(in_dim, proj_dim),
                  _full_spec(1, proj_dim), _full_spec(proj_dim, hid)],
        out_specs=_row_spec(hid),
        out_shape=jax.ShapeDtypeStruct((N, hid), jnp.float32),
    )(node_features, proj_W, proj_b.reshape(1, -1), W1)

    y1 = pl.pallas_call(
        _tc1b_body,
        grid=grid,
        in_specs=[_pair_spec(_L), _row_spec(hid)],
        out_specs=_pair_spec(dh),
        out_shape=jax.ShapeDtypeStruct((_NC, N, dh), jnp.float32),
    )(degpair, xw1)

    mp = _make_mp_kernel(EP, NA, hid)
    accp1 = mp(y1, ei4, zeros_dh)

    y2 = pl.pallas_call(
        _tc2_body,
        grid=grid,
        in_specs=[_pair_spec(_L), _row_spec(hid), _pair_spec(dh),
                  _full_spec(1, hid), _full_spec(hid, hid)],
        out_specs=_pair_spec(dh),
        out_shape=jax.ShapeDtypeStruct((_NC, N, dh), jnp.float32),
    )(degpair, accp1, y1, b1.reshape(1, -1), W2)

    accp2 = mp(y2, ei4, zeros_dh)

    out = pl.pallas_call(
        _tc3_body,
        grid=grid,
        in_specs=[_pair_spec(_L), _row_spec(hid), _pair_spec(dh),
                  _full_spec(1, hid)],
        out_specs=_row_spec(hid),
        out_shape=jax.ShapeDtypeStruct((N, hid), jnp.float32),
    )(degpair, accp2, y2, b2.reshape(1, -1))

    return out

# --- scband reference (transcript-rebuilt; emitter-appended) ---
"""Pipeline reference for scband-graph-constructor-1657857376972 (READ-ONLY COPY).

The authoritative reference and input builder live on the scoring server;
editing this copy changes nothing except your own understanding.
"""

import jax, jax.numpy as jnp
import numpy as np


def gcn_conv(x, edge_index, W, b):
    # PyG-style GCNConv: add self-loops, symmetric normalization, linear, bias
    N = x.shape[0]
    loops = jnp.arange(N, dtype=edge_index.dtype)
    src = jnp.concatenate([edge_index[0], loops])
    dst = jnp.concatenate([edge_index[1], loops])
    deg = jnp.zeros((N,), x.dtype).at[dst].add(1.0)
    dinv = jnp.where(deg > 0, deg ** -0.5, 0.0)
    norm = dinv[src] * dinv[dst]
    xw = x @ W
    msg = xw[src] * norm[:, None]
    out = jnp.zeros((N, W.shape[1]), x.dtype).at[dst].add(msg)
    return out + b


def setup_inputs(seed: int = 0) -> dict:
    key = jax.random.key(seed)
    ks = jax.random.split(key, 8)
    N, E = 10000, 320000
    input_dim, hidden_dim, proj_dim = 128, 128, 256
    node_features = jax.random.normal(ks[0], (N, input_dim), dtype=jnp.float32)
    edge_index = jax.random.randint(ks[1], (2, E), 0, N, dtype=jnp.int64)
    proj_W = jax.random.normal(ks[2], (input_dim, proj_dim), dtype=jnp.float32) / np.sqrt(input_dim)
    proj_b = jnp.zeros((proj_dim,), jnp.float32)
    W1 = jax.random.normal(ks[3], (proj_dim, hidden_dim), dtype=jnp.float32) / np.sqrt(proj_dim)
    b1 = jnp.zeros((hidden_dim,), jnp.float32)
    W2 = jax.random.normal(ks[4], (hidden_dim, hidden_dim), dtype=jnp.float32) / np.sqrt(hidden_dim)
    b2 = jnp.zeros((hidden_dim,), jnp.float32)
    return {"node_features": node_features, "edge_index": edge_index,
            "proj_W": proj_W, "proj_b": proj_b, "W1": W1, "b1": b1, "W2": W2, "b2": b2}


def reference(node_features, edge_index, proj_W, proj_b, W1, b1, W2, b2):
    x = node_features @ proj_W + proj_b
    x = jax.nn.relu(gcn_conv(x, edge_index, W1, b1))
    x = jax.nn.relu(gcn_conv(x, edge_index, W2, b2))
    # global_max_pool with batch = arange(N): every node is its own graph
    batch = jnp.arange(x.shape[0])
    x = jax.ops.segment_max(x, batch, num_segments=x.shape[0])
    return x

if __name__ == "__main__":
    import jax
    _d = setup_inputs()
    print(jax.jit(kernel)(*tuple(_d.values())))

</pallas_src>

<mosaic_0001>
#map = affine_map<(d0, d1) -> (0, 0, 0, 0)>
#map1 = affine_map<(d0, d1) -> (0, 0)>
#map2 = affine_map<(d0, d1) -> (0, 0, 0)>
module attributes {stable_mosaic.version = 14 : i64} {
  func.func @deg_kernel(%arg0: i32, %arg1: i32, %arg2: memref<2x16x320x64xi32, #tpu.memory_space<hbm>>, %arg3: memref<10112x16xf32, #tpu.memory_space<hbm>>, %arg4: memref<2x10112x16xf32, #tpu.memory_space<hbm>>, %arg5: memref<10112x16xf32, #tpu.memory_space<vmem_shared>>, %arg6: memref<64x16xf32, #tpu.memory_space<vmem>>, %arg7: memref<160x64xi32, #tpu.memory_space<vmem>>, %arg8: memref<!tpu.dma_semaphore, #tpu.memory_space<semaphore_mem>>) attributes {dimension_semantics = [#tpu.dimension_semantics<core_parallel>, #tpu.dimension_semantics<subcore_parallel>], iteration_bounds = array<i64: 2, 16>, scalar_prefetch = 0 : i64, scratch_operands = 4 : i64, tpu.core_type = #tpu.core_type<sc_vector_subcore>, window_params = [{transform_indices = #map}, {transform_indices = #map1}, {transform_indices = #map2}]} {
    %scan3A = arith.constant 0 : i32
    %scan3A_0 = arith.constant 64 : i32
    %scan3A_1 = arith.addi %scan3A, %scan3A_0 : i32
    %scan3A_2 = arith.constant 1 : i32
    scf.for %scan3A_20 = %scan3A to %scan3A_1 step %scan3A_2  : i32 {
      %broadcast_in_dim3A = arith.constant 1.000000e+00 : f32
      %broadcast_in_dim3A_21 = vector.broadcast %broadcast_in_dim3A : f32 to vector<16xf32>
      %swap3A = arith.index_cast %scan3A_20 : i32 to index
      %swap3A_22 = arith.constant 0 : index
      %swap3A_23 = tpu.vector_load %arg6[%swap3A, %swap3A_22] {strides = array<i32>} : memref<64x16xf32, #tpu.memory_space<vmem>>, vector<1x16xf32>,
      %swap3A_24 = vector.shape_cast %swap3A_23 : vector<1x16xf32> to vector<16xf32>
      %swap3A_25 = vector.shape_cast %broadcast_in_dim3A_21 : vector<16xf32> to vector<1x16xf32>
      tpu.vector_store %arg6[%swap3A, %swap3A_22], %swap3A_25 {strides = array<i32>} : memref<64x16xf32, #tpu.memory_space<vmem>>, vector<1x16xf32>,
    }
    %scan3A_3 = arith.constant 64 : i32
    %mul3A = arith.constant 160 : i32
    %mul3A_4 = arith.muli %arg0, %mul3A : i32
    %run_scoped3A = arith.constant 1 : i32
    "tpu.region"() ({
      %run_scoped3A_20 = tpu.sem_alloc : memref<!tpu.dma_semaphore, #tpu.memory_space<semaphore_mem>>
      %dma_start3A = arith.constant 0 : i32
      %dma_start3A_21 = tpu.memref_slice %arg2[%run_scoped3A, %arg1, %mul3A_4, %dma_start3A] : memref<2x16x320x64xi32, #tpu.memory_space<hbm>> -> memref<1x1x160x64xi32, #tpu.memory_space<hbm>>
      %dma_start3A_22 = tpu.memref_squeeze %dma_start3A_21 : memref<1x1x160x64xi32, #tpu.memory_space<hbm>> -> memref<160x64xi32, #tpu.memory_space<hbm>>
      %dma_start3A_23 = arith.constant 0 : i32
      %dma_start3A_24 = tpu.memref_slice %arg2[%run_scoped3A, %arg1, %mul3A_4, %dma_start3A_23] : memref<2x16x320x64xi32, #tpu.memory_space<hbm>> -> memref<1x1x160x64xi32, #tpu.memory_space<hbm>>
      %dma_start3A_25 = tpu.memref_squeeze %dma_start3A_24 : memref<1x1x160x64xi32, #tpu.memory_space<hbm>> -> memref<160x64xi32, #tpu.memory_space<hbm>>
      tpu.enqueue_dma source(%dma_start3A_25 : memref<160x64xi32, #tpu.memory_space<hbm>>) target(%arg7 : memref<160x64xi32, #tpu.memory_space<vmem>>) target_semaphore(%run_scoped3A_20 : memref<!tpu.dma_semaphore, #tpu.memory_space<semaphore_mem>>)
      %dma_wait3A = arith.constant 0 : i32
      %dma_wait3A_26 = tpu.memref_slice %arg2[%run_scoped3A, %arg1, %mul3A_4, %dma_wait3A] : memref<2x16x320x64xi32, #tpu.memory_space<hbm>> -> memref<1x1x160x64xi32, #tpu.memory_space<hbm>>
      %dma_wait3A_27 = tpu.memref_squeeze %dma_wait3A_26 : memref<1x1x160x64xi32, #tpu.memory_space<hbm>> -> memref<160x64xi32, #tpu.memory_space<hbm>>
      %dma_wait3A_28 = arith.constant 0 : i32
      %dma_wait3A_29 = tpu.memref_slice %arg2[%run_scoped3A, %arg1, %mul3A_4, %dma_wait3A_28] : memref<2x16x320x64xi32, #tpu.memory_space<hbm>> -> memref<1x1x160x64xi32, #tpu.memory_space<hbm>>
      %dma_wait3A_30 = tpu.memref_squeeze %dma_wait3A_29 : memref<1x1x160x64xi32, #tpu.memory_space<hbm>> -> memref<160x64xi32, #tpu.memory_space<hbm>>
      tpu.wait_dma2 semaphore(%run_scoped3A_20 : memref<!tpu.dma_semaphore, #tpu.memory_space<semaphore_mem>>) src(%dma_wait3A_30 : memref<160x64xi32, #tpu.memory_space<hbm>>) dst(%arg7 : memref<160x64xi32, #tpu.memory_space<vmem>>)
      tpu.yield
    }) : () -> ()
    %mul3A_5 = arith.constant 632 : i32
    %mul3A_6 = arith.muli %arg1, %mul3A_5 : i32
    "tpu.region"() ({
      %run_scoped3A_20 = tpu.sem_alloc : memref<!tpu.dma_semaphore, #tpu.memory_space<semaphore_mem>>
      %dma_start3A = arith.constant 0 : i32
      %dma_start3A_21 = tpu.memref_slice %arg5[%mul3A_6, %dma_start3A] : memref<10112x16xf32, #tpu.memory_space<vmem_shared>> -> memref<632x16xf32, #tpu.memory_space<vmem_shared>>
      %dma_start3A_22 = arith.constant 0 : i32
      %dma_start3A_23 = tpu.memref_slice %arg3[%mul3A_6, %dma_start3A_22] : memref<10112x16xf32, #tpu.memory_space<hbm>> -> memref<632x16xf32, #tpu.memory_space<hbm>>
      tpu.enqueue_dma source(%dma_start3A_23 : memref<632x16xf32, #tpu.memory_space<hbm>>) target(%dma_start3A_21 : memref<632x16xf32, #tpu.memory_space<vmem_shared>>) target_semaphore(%run_scoped3A_20 : memref<!tpu.dma_semaphore, #tpu.memory_space<semaphore_mem>>)
      %dma_wait3A = arith.constant 0 : i32
      %dma_wait3A_24 = tpu.memref_slice %arg5[%mul3A_6, %dma_wait3A] : memref<10112x16xf32, #tpu.memory_space<vmem_shared>> -> memref<632x16xf32, #tpu.memory_space<vmem_shared>>
      %dma_wait3A_25 = arith.constant 0 : i32
      %dma_wait3A_26 = tpu.memref_slice %arg3[%mul3A_6, %dma_wait3A_25] : memref<10112x16xf32, #tpu.memory_space<hbm>> -> memref<632x16xf32, #tpu.memory_space<hbm>>
      tpu.wait_dma2 semaphore(%run_scoped3A_20 : memref<!tpu.dma_semaphore, #tpu.memory_space<semaphore_mem>>) src(%dma_wait3A_26 : memref<632x16xf32, #tpu.memory_space<hbm>>) dst(%dma_wait3A_24 : memref<632x16xf32, #tpu.memory_space<vmem_shared>>)
      tpu.yield
    }) : () -> ()
    %barrier3A = arith.constant 0 : index
    tpu.barrier barrier_id(%barrier3A)
    %scan3A_7 = arith.constant 0 : i32
    %scan3A_8 = arith.constant 160 : i32
    %scan3A_9 = arith.addi %scan3A_7, %scan3A_8 : i32
    %scan3A_10 = arith.constant 1 : i32
    scf.for %scan3A_20 = %scan3A_7 to %scan3A_9 step %scan3A_10  : i32 {
      %dma_start3A = arith.constant 0 : i32
      %dma_start3A_21 = tpu.memref_slice %arg7[%scan3A_20, %dma_start3A] : memref<160x64xi32, #tpu.memory_space<vmem>> -> memref<1x64xi32, #tpu.memory_space<vmem>>
      %dma_start3A_22 = tpu.memref_squeeze %dma_start3A_21 : memref<1x64xi32, #tpu.memory_space<vmem>> -> memref<64xi32, #tpu.memory_space<vmem>>
      %dma_start3A_23 = arith.constant 0 : i32
      %dma_start3A_24 = arith.constant 0 : i32
      %dma_start3A_25 = tpu.memref_slice %arg5[%dma_start3A_23, %dma_start3A_24] : memref<10112x16xf32, #tpu.memory_space<vmem_shared>> -> memref<10112x16xf32, #tpu.memory_space<vmem_shared>>
      tpu.enqueue_indirect_dma source(%arg6 : memref<64x16xf32, #tpu.memory_space<vmem>>) target(%dma_start3A_25 : memref<10112x16xf32, #tpu.memory_space<vmem_shared>>) offsets(%dma_start3A_22 : memref<64xi32, #tpu.memory_space<vmem>>) semaphore(%arg8 : memref<!tpu.dma_semaphore, #tpu.memory_space<semaphore_mem>>) {add = true}
    }
    %scan3A_11 = arith.constant 160 : i32
    %scan3A_12 = arith.constant 0 : i32
    %scan3A_13 = arith.constant 160 : i32
    %scan3A_14 = arith.addi %scan3A_12, %scan3A_13 : i32
    %scan3A_15 = arith.constant 1 : i32
    scf.for %scan3A_20 = %scan3A_12 to %scan3A_14 step %scan3A_15  : i32 {
      %dma_wait3A = arith.constant 0 : i32
      %dma_wait3A_21 = arith.constant 0 : i32
      %dma_wait3A_22 = tpu.memref_slice %arg7[%dma_wait3A, %dma_wait3A_21] : memref<160x64xi32, #tpu.memory_space<vmem>> -> memref<1x64xi32, #tpu.memory_space<vmem>>
      %dma_wait3A_23 = tpu.memref_squeeze %dma_wait3A_22 : memref<1x64xi32, #tpu.memory_space<vmem>> -> memref<64xi32, #tpu.memory_space<vmem>>
      %dma_wait3A_24 = arith.constant 0 : i32
      %dma_wait3A_25 = arith.constant 0 : i32
      %dma_wait3A_26 = tpu.memref_slice %arg5[%dma_wait3A_24, %dma_wait3A_25] : memref<10112x16xf32, #tpu.memory_space<vmem_shared>> -> memref<10112x16xf32, #tpu.memory_space<vmem_shared>>
      tpu.wait_indirect_dma semaphore(%arg8 : memref<!tpu.dma_semaphore, #tpu.memory_space<semaphore_mem>>) src(%arg6 : memref<64x16xf32, #tpu.memory_space<vmem>>) dst(%dma_wait3A_26 : memref<10112x16xf32, #tpu.memory_space<vmem_shared>>)
    }
    %scan3A_16 = arith.constant 160 : i32
    %barrier3A_17 = arith.constant 0 : index
    tpu.barrier barrier_id(%barrier3A_17)
    %mul3A_18 = arith.constant 632 : i32
    %mul3A_19 = arith.muli %arg1, %mul3A_18 : i32
    "tpu.region"() ({
      %run_scoped3A_20 = tpu.sem_alloc : memref<!tpu.dma_semaphore, #tpu.memory_space<semaphore_mem>>
      %dma_start3A = arith.constant 0 : i32
      %dma_start3A_21 = tpu.memref_slice %arg4[%arg0, %mul3A_19, %dma_start3A] : memref<2x10112x16xf32, #tpu.memory_space<hbm>> -> memref<1x632x16xf32, #tpu.memory_space<hbm>>
      %dma_start3A_22 = tpu.memref_squeeze %dma_start3A_21 : memref<1x632x16xf32, #tpu.memory_space<hbm>> -> memref<632x16xf32, #tpu.memory_space<hbm>>
      %dma_start3A_23 = arith.constant 0 : i32
      %dma_start3A_24 = tpu.memref_slice %arg5[%mul3A_19, %dma_start3A_23] : memref<10112x16xf32, #tpu.memory_space<vmem_shared>> -> memref<632x16xf32, #tpu.memory_space<vmem_shared>>
      tpu.enqueue_dma source(%dma_start3A_24 : memref<632x16xf32, #tpu.memory_space<vmem_shared>>) target(%dma_start3A_22 : memref<632x16xf32, #tpu.memory_space<hbm>>) target_semaphore(%run_scoped3A_20 : memref<!tpu.dma_semaphore, #tpu.memory_space<semaphore_mem>>)
      %dma_wait3A = arith.constant 0 : i32
      %dma_wait3A_25 = tpu.memref_slice %arg4[%arg0, %mul3A_19, %dma_wait3A] : memref<2x10112x16xf32, #tpu.memory_space<hbm>> -> memref<1x632x16xf32, #tpu.memory_space<hbm>>
      %dma_wait3A_26 = tpu.memref_squeeze %dma_wait3A_25 : memref<1x632x16xf32, #tpu.memory_space<hbm>> -> memref<632x16xf32, #tpu.memory_space<hbm>>
      %dma_wait3A_27 = arith.constant 0 : i32
      %dma_wait3A_28 = tpu.memref_slice %arg5[%mul3A_19, %dma_wait3A_27] : memref<10112x16xf32, #tpu.memory_space<vmem_shared>> -> memref<632x16xf32, #tpu.memory_space<vmem_shared>>
      tpu.wait_dma2 semaphore(%run_scoped3A_20 : memref<!tpu.dma_semaphore, #tpu.memory_space<semaphore_mem>>) src(%dma_wait3A_28 : memref<632x16xf32, #tpu.memory_space<vmem_shared>>) dst(%dma_wait3A_26 : memref<632x16xf32, #tpu.memory_space<hbm>>)
      tpu.yield
    }) : () -> ()
    return
  }
}

#map = affine_map<(d0, d1) -> (0, 0, 0)>
#map1 = affine_map<(d0, d1) -> (0, 0, 0, 0)>
#map2 = affine_map<(d0, d1) -> (0, 0)>
module attributes {stable_mosaic.version = 14 : i64} {
  func.func @mp_kernel(%arg0: i32, %arg1: i32, %arg2: memref<2x10000x64xf32, #tpu.memory_space<hbm>>, %arg3: memref<2x16x320x64xi32, #tpu.memory_space<hbm>>, %arg4: memref<10112x64xf32, #tpu.memory_space<hbm>>, %arg5: memref<10112x128xf32, #tpu.memory_space<hbm>>, %arg6: memref<10112x64xf32, #tpu.memory_space<vmem_shared>>, %arg7: memref<8x64x64xf32, #tpu.memory_space<vmem>>, %arg8: memref<320x64xi32, #tpu.memory_space<vmem>>, %arg9: memref<320x64xi32, #tpu.memory_space<vmem>>, %arg10: memref<!tpu.dma_semaphore, #tpu.memory_space<semaphore_mem>>, %arg11: memref<!tpu.dma_semaphore, #tpu.memory_space<semaphore_mem>>, %arg12: memref<!tpu.dma_semaphore, #tpu.memory_space<semaphore_mem>>, %arg13: memref<!tpu.dma_semaphore, #tpu.memory_space<semaphore_mem>>, %arg14: memref<!tpu.dma_semaphore, #tpu.memory_space<semaphore_mem>>, %arg15: memref<!tpu.dma_semaphore, #tpu.memory_space<semaphore_mem>>, %arg16: memref<!tpu.dma_semaphore, #tpu.memory_space<semaphore_mem>>, %arg17: memref<!tpu.dma_semaphore, #tpu.memory_space<semaphore_mem>>, %arg18: memref<!tpu.dma_semaphore, #tpu.memory_space<semaphore_mem>>, %arg19: memref<!tpu.dma_semaphore, #tpu.memory_space<semaphore_mem>>, %arg20: memref<!tpu.dma_semaphore, #tpu.memory_space<semaphore_mem>>, %arg21: memref<!tpu.dma_semaphore, #tpu.memory_space<semaphore_mem>>, %arg22: memref<!tpu.dma_semaphore, #tpu.memory_space<semaphore_mem>>, %arg23: memref<!tpu.dma_semaphore, #tpu.memory_space<semaphore_mem>>, %arg24: memref<!tpu.dma_semaphore, #tpu.memory_space<semaphore_mem>>, %arg25: memref<!tpu.dma_semaphore, #tpu.memory_space<semaphore_mem>>) attributes {dimension_semantics = [#tpu.dimension_semantics<core_parallel>, #tpu.dimension_semantics<subcore_parallel>], iteration_bounds = array<i64: 2, 16>, scalar_prefetch = 0 : i64, scratch_operands = 20 : i64, tpu.core_type = #tpu.core_type<sc_vector_subcore>, window_params = [{transform_indices = #map}, {transform_indices = #map1}, {transform_indices = #map2}, {transform_indices = #map2}]} {
    %run_scoped3A = arith.constant 0 : i32
    "tpu.region"() ({
      %run_scoped3A_457 = tpu.sem_alloc : memref<!tpu.dma_semaphore, #tpu.memory_space<semaphore_mem>>
      %dma_start3A_458 = arith.constant 0 : i32
      %dma_start3A_459 = arith.constant 0 : i32
      %dma_start3A_460 = tpu.memref_slice %arg3[%run_scoped3A, %arg1, %dma_start3A_458, %dma_start3A_459] : memref<2x16x320x64xi32, #tpu.memory_space<hbm>> -> memref<1x1x320x64xi32, #tpu.memory_space<hbm>>
      %dma_start3A_461 = tpu.memref_squeeze %dma_start3A_460 : memref<1x1x320x64xi32, #tpu.memory_space<hbm>> -> memref<320x64xi32, #tpu.memory_space<hbm>>
      %dma_start3A_462 = arith.constant 0 : i32
      %dma_start3A_463 = arith.constant 0 : i32
      %dma_start3A_464 = tpu.memref_slice %arg3[%run_scoped3A, %arg1, %dma_start3A_462, %dma_start3A_463] : memref<2x16x320x64xi32, #tpu.memory_space<hbm>> -> memref<1x1x320x64xi32, #tpu.memory_space<hbm>>
      %dma_start3A_465 = tpu.memref_squeeze %dma_start3A_464 : memref<1x1x320x64xi32, #tpu.memory_space<hbm>> -> memref<320x64xi32, #tpu.memory_space<hbm>>
      tpu.enqueue_dma source(%dma_start3A_465 : memref<320x64xi32, #tpu.memory_space<hbm>>) target(%arg8 : memref<320x64xi32, #tpu.memory_space<vmem>>) target_semaphore(%run_scoped3A_457 : memref<!tpu.dma_semaphore, #tpu.memory_space<semaphore_mem>>)
      %dma_wait3A_466 = arith.constant 0 : i32
      %dma_wait3A_467 = arith.constant 0 : i32
      %dma_wait3A_468 = tpu.memref_slice %arg3[%run_scoped3A, %arg1, %dma_wait3A_466, %dma_wait3A_467] : memref<2x16x320x64xi32, #tpu.memory_space<hbm>> -> memref<1x1x320x64xi32, #tpu.memory_space<hbm>>
      %dma_wait3A_469 = tpu.memref_squeeze %dma_wait3A_468 : memref<1x1x320x64xi32, #tpu.memory_space<hbm>> -> memref<320x64xi32, #tpu.memory_space<hbm>>
      %dma_wait3A_470 = arith.constant 0 : i32
      %dma_wait3A_471 = arith.constant 0 : i32
      %dma_wait3A_472 = tpu.memref_slice %arg3[%run_scoped3A, %arg1, %dma_wait3A_470, %dma_wait3A_471] : memref<2x16x320x64xi32, #tpu.memory_space<hbm>> -> memref<1x1x320x64xi32, #tpu.memory_space<hbm>>
      %dma_wait3A_473 = tpu.memref_squeeze %dma_wait3A_472 : memref<1x1x320x64xi32, #tpu.memory_space<hbm>> -> memref<320x64xi32, #tpu.memory_space<hbm>>
      tpu.wait_dma2 semaphore(%run_scoped3A_457 : memref<!tpu.dma_semaphore, #tpu.memory_space<semaphore_mem>>) src(%dma_wait3A_473 : memref<320x64xi32, #tpu.memory_space<hbm>>) dst(%arg8 : memref<320x64xi32, #tpu.memory_space<vmem>>)
      tpu.yield
    }) : () -> ()
    %run_scoped3A_0 = arith.constant 1 : i32
    "tpu.region"() ({
      %run_scoped3A_457 = tpu.sem_alloc : memref<!tpu.dma_semaphore, #tpu.memory_space<semaphore_mem>>
      %dma_start3A_458 = arith.constant 0 : i32
      %dma_start3A_459 = arith.constant 0 : i32
      %dma_start3A_460 = tpu.memref_slice %arg3[%run_scoped3A_0, %arg1, %dma_start3A_458, %dma_start3A_459] : memref<2x16x320x64xi32, #tpu.memory_space<hbm>> -> memref<1x1x320x64xi32, #tpu.memory_space<hbm>>
      %dma_start3A_461 = tpu.memref_squeeze %dma_start3A_460 : memref<1x1x320x64xi32, #tpu.memory_space<hbm>> -> memref<320x64xi32, #tpu.memory_space<hbm>>
      %dma_start3A_462 = arith.constant 0 : i32
      %dma_start3A_463 = arith.constant 0 : i32
      %dma_start3A_464 = tpu.memref_slice %arg3[%run_scoped3A_0, %arg1, %dma_start3A_462, %dma_start3A_463] : memref<2x16x320x64xi32, #tpu.memory_space<hbm>> -> memref<1x1x320x64xi32, #tpu.memory_space<hbm>>
      %dma_start3A_465 = tpu.memref_squeeze %dma_start3A_464 : memref<1x1x320x64xi32, #tpu.memory_space<hbm>> -> memref<320x64xi32, #tpu.memory_space<hbm>>
      tpu.enqueue_dma source(%dma_start3A_465 : memref<320x64xi32, #tpu.memory_space<hbm>>) target(%arg9 : memref<320x64xi32, #tpu.memory_space<vmem>>) target_semaphore(%run_scoped3A_457 : memref<!tpu.dma_semaphore, #tpu.memory_space<semaphore_mem>>)
      %dma_wait3A_466 = arith.constant 0 : i32
      %dma_wait3A_467 = arith.constant 0 : i32
      %dma_wait3A_468 = tpu.memref_slice %arg3[%run_scoped3A_0, %arg1, %dma_wait3A_466, %dma_wait3A_467] : memref<2x16x320x64xi32, #tpu.memory_space<hbm>> -> memref<1x1x320x64xi32, #tpu.memory_space<hbm>>
      %dma_wait3A_469 = tpu.memref_squeeze %dma_wait3A_468 : memref<1x1x320x64xi32, #tpu.memory_space<hbm>> -> memref<320x64xi32, #tpu.memory_space<hbm>>
      %dma_wait3A_470 = arith.constant 0 : i32
      %dma_wait3A_471 = arith.constant 0 : i32
      %dma_wait3A_472 = tpu.memref_slice %arg3[%run_scoped3A_0, %arg1, %dma_wait3A_470, %dma_wait3A_471] : memref<2x16x320x64xi32, #tpu.memory_space<hbm>> -> memref<1x1x320x64xi32, #tpu.memory_space<hbm>>
      %dma_wait3A_473 = tpu.memref_squeeze %dma_wait3A_472 : memref<1x1x320x64xi32, #tpu.memory_space<hbm>> -> memref<320x64xi32, #tpu.memory_space<hbm>>
      tpu.wait_dma2 semaphore(%run_scoped3A_457 : memref<!tpu.dma_semaphore, #tpu.memory_space<semaphore_mem>>) src(%dma_wait3A_473 : memref<320x64xi32, #tpu.memory_space<hbm>>) dst(%arg9 : memref<320x64xi32, #tpu.memory_space<vmem>>)
      tpu.yield
    }) : () -> ()
    %mul3A = arith.constant 632 : i32
    %mul3A_1 = arith.muli %arg1, %mul3A : i32
    "tpu.region"() ({
      %run_scoped3A_457 = tpu.sem_alloc : memref<!tpu.dma_semaphore, #tpu.memory_space<semaphore_mem>>
      %dma_start3A_458 = arith.constant 0 : i32
      %dma_start3A_459 = tpu.memref_slice %arg6[%mul3A_1, %dma_start3A_458] : memref<10112x64xf32, #tpu.memory_space<vmem_shared>> -> memref<632x64xf32, #tpu.memory_space<vmem_shared>>
      %dma_start3A_460 = arith.constant 0 : i32
      %dma_start3A_461 = tpu.memref_slice %arg4[%mul3A_1, %dma_start3A_460] : memref<10112x64xf32, #tpu.memory_space<hbm>> -> memref<632x64xf32, #tpu.memory_space<hbm>>
      tpu.enqueue_dma source(%dma_start3A_461 : memref<632x64xf32, #tpu.memory_space<hbm>>) target(%dma_start3A_459 : memref<632x64xf32, #tpu.memory_space<vmem_shared>>) target_semaphore(%run_scoped3A_457 : memref<!tpu.dma_semaphore, #tpu.memory_space<semaphore_mem>>)
      %dma_wait3A_462 = arith.constant 0 : i32
      %dma_wait3A_463 = tpu.memref_slice %arg6[%mul3A_1, %dma_wait3A_462] : memref<10112x64xf32, #tpu.memory_space<vmem_shared>> -> memref<632x64xf32, #tpu.memory_space<vmem_shared>>
      %dma_wait3A_464 = arith.constant 0 : i32
      %dma_wait3A_465 = tpu.memref_slice %arg4[%mul3A_1, %dma_wait3A_464] : memref<10112x64xf32, #tpu.memory_space<hbm>> -> memref<632x64xf32, #tpu.memory_space<hbm>>
      tpu.wait_dma2 semaphore(%run_scoped3A_457 : memref<!tpu.dma_semaphore, #tpu.memory_space<semaphore_mem>>) src(%dma_wait3A_465 : memref<632x64xf32, #tpu.memory_space<hbm>>) dst(%dma_wait3A_463 : memref<632x64xf32, #tpu.memory_space<vmem_shared>>)
      tpu.yield
    }) : () -> ()
    %barrier3A = arith.constant 0 : index
    tpu.barrier barrier_id(%barrier3A)
    %dma_start3A = arith.constant 0 : i32
    %dma_start3A_2 = arith.constant 0 : i32
    %dma_start3A_3 = arith.constant 0 : i32
    %dma_start3A_4 = arith.constant 0 : i32
    %dma_start3A_5 = tpu.memref_slice %arg7[%dma_start3A_2, %dma_start3A_3, %dma_start3A_4] : memref<8x64x64xf32, #tpu.memory_space<vmem>> -> memref<1x64x64xf32, #tpu.memory_space<vmem>>
    %dma_start3A_6 = tpu.memref_squeeze %dma_start3A_5 : memref<1x64x64xf32, #tpu.memory_space<vmem>> -> memref<64x64xf32, #tpu.memory_space<vmem>>
    %dma_start3A_7 = arith.constant 0 : i32
    %dma_start3A_8 = tpu.memref_slice %arg8[%dma_start3A, %dma_start3A_7] : memref<320x64xi32, #tpu.memory_space<vmem>> -> memref<1x64xi32, #tpu.memory_space<vmem>>
    %dma_start3A_9 = tpu.memref_squeeze %dma_start3A_8 : memref<1x64xi32, #tpu.memory_space<vmem>> -> memref<64xi32, #tpu.memory_space<vmem>>
    %dma_start3A_10 = arith.constant 0 : i32
    %dma_start3A_11 = arith.constant 0 : i32
    %dma_start3A_12 = tpu.memref_slice %arg2[%arg0, %dma_start3A_10, %dma_start3A_11] : memref<2x10000x64xf32, #tpu.memory_space<hbm>> -> memref<1x10000x64xf32, #tpu.memory_space<hbm>>
    %dma_start3A_13 = tpu.memref_squeeze %dma_start3A_12 : memref<1x10000x64xf32, #tpu.memory_space<hbm>> -> memref<10000x64xf32, #tpu.memory_space<hbm>>
    %dma_start3A_14 = arith.constant 0 : i32
    %dma_start3A_15 = arith.constant 0 : i32
    %dma_start3A_16 = tpu.memref_slice %dma_start3A_13[%dma_start3A_14, %dma_start3A_15] : memref<10000x64xf32, #tpu.memory_space<hbm>> -> memref<10000x64xf32, #tpu.memory_space<hbm>>
    tpu.enqueue_indirect_dma source(%dma_start3A_16 : memref<10000x64xf32, #tpu.memory_space<hbm>>) target(%dma_start3A_6 : memref<64x64xf32, #tpu.memory_space<vmem>>) offsets(%dma_start3A_9 : memref<64xi32, #tpu.memory_space<vmem>>) semaphore(%arg10 : memref<!tpu.dma_semaphore, #tpu.memory_space<semaphore_mem>>)
    %dma_start3A_17 = arith.constant 1 : i32
    %dma_start3A_18 = arith.constant 1 : i32
    %dma_start3A_19 = arith.constant 0 : i32
    %dma_start3A_20 = arith.constant 0 : i32
    %dma_start3A_21 = tpu.memref_slice %arg7[%dma_start3A_18, %dma_start3A_19, %dma_start3A_20] : memref<8x64x64xf32, #tpu.memory_space<vmem>> -> memref<1x64x64xf32, #tpu.memory_space<vmem>>
    %dma_start3A_22 = tpu.memref_squeeze %dma_start3A_21 : memref<1x64x64xf32, #tpu.memory_space<vmem>> -> memref<64x64xf32, #tpu.memory_space<vmem>>
    %dma_start3A_23 = arith.constant 0 : i32
    %dma_start3A_24 = tpu.memref_slice %arg8[%dma_start3A_17, %dma_start3A_23] : memref<320x64xi32, #tpu.memory_space<vmem>> -> memref<1x64xi32, #tpu.memory_space<vmem>>
    %dma_start3A_25 = tpu.memref_squeeze %dma_start3A_24 : memref<1x64xi32, #tpu.memory_space<vmem>> -> memref<64xi32, #tpu.memory_space<vmem>>
    %dma_start3A_26 = arith.constant 0 : i32
    %dma_start3A_27 = arith.constant 0 : i32
    %dma_start3A_28 = tpu.memref_slice %arg2[%arg0, %dma_start3A_26, %dma_start3A_27] : memref<2x10000x64xf32, #tpu.memory_space<hbm>> -> memref<1x10000x64xf32, #tpu.memory_space<hbm>>
    %dma_start3A_29 = tpu.memref_squeeze %dma_start3A_28 : memref<1x10000x64xf32, #tpu.memory_space<hbm>> -> memref<10000x64xf32, #tpu.memory_space<hbm>>
    %dma_start3A_30 = arith.constant 0 : i32
    %dma_start3A_31 = arith.constant 0 : i32
    %dma_start3A_32 = tpu.memref_slice %dma_start3A_29[%dma_start3A_30, %dma_start3A_31] : memref<10000x64xf32, #tpu.memory_space<hbm>> -> memref<10000x64xf32, #tpu.memory_space<hbm>>
    tpu.enqueue_indirect_dma source(%dma_start3A_32 : memref<10000x64xf32, #tpu.memory_space<hbm>>) target(%dma_start3A_22 : memref<64x64xf32, #tpu.memory_space<vmem>>) offsets(%dma_start3A_25 : memref<64xi32, #tpu.memory_space<vmem>>) semaphore(%arg11 : memref<!tpu.dma_semaphore, #tpu.memory_space<semaphore_mem>>)
    %dma_start3A_33 = arith.constant 2 : i32
    %dma_start3A_34 = arith.constant 2 : i32
    %dma_start3A_35 = arith.constant 0 : i32
    %dma_start3A_36 = arith.constant 0 : i32
    %dma_start3A_37 = tpu.memref_slice %arg7[%dma_start3A_34, %dma_start3A_35, %dma_start3A_36] : memref<8x64x64xf32, #tpu.memory_space<vmem>> -> memref<1x64x64xf32, #tpu.memory_space<vmem>>
    %dma_start3A_38 = tpu.memref_squeeze %dma_start3A_37 : memref<1x64x64xf32, #tpu.memory_space<vmem>> -> memref<64x64xf32, #tpu.memory_space<vmem>>
    %dma_start3A_39 = arith.constant 0 : i32
    %dma_start3A_40 = tpu.memref_slice %arg8[%dma_start3A_33, %dma_start3A_39] : memref<320x64xi32, #tpu.memory_space<vmem>> -> memref<1x64xi32, #tpu.memory_space<vmem>>
    %dma_start3A_41 = tpu.memref_squeeze %dma_start3A_40 : memref<1x64xi32, #tpu.memory_space<vmem>> -> memref<64xi32, #tpu.memory_space<vmem>>
    %dma_start3A_42 = arith.constant 0 : i32
    %dma_start3A_43 = arith.constant 0 : i32
    %dma_start3A_44 = tpu.memref_slice %arg2[%arg0, %dma_start3A_42, %dma_start3A_43] : memref<2x10000x64xf32, #tpu.memory_space<hbm>> -> memref<1x10000x64xf32, #tpu.memory_space<hbm>>
    %dma_start3A_45 = tpu.memref_squeeze %dma_start3A_44 : memref<1x10000x64xf32, #tpu.memory_space<hbm>> -> memref<10000x64xf32, #tpu.memory_space<hbm>>
    %dma_start3A_46 = arith.constant 0 : i32
    %dma_start3A_47 = arith.constant 0 : i32
    %dma_start3A_48 = tpu.memref_slice %dma_start3A_45[%dma_start3A_46, %dma_start3A_47] : memref<10000x64xf32, #tpu.memory_space<hbm>> -> memref<10000x64xf32, #tpu.memory_space<hbm>>
    tpu.enqueue_indirect_dma source(%dma_start3A_48 : memref<10000x64xf32, #tpu.memory_space<hbm>>) target(%dma_start3A_38 : memref<64x64xf32, #tpu.memory_space<vmem>>) offsets(%dma_start3A_41 : memref<64xi32, #tpu.memory_space<vmem>>) semaphore(%arg12 : memref<!tpu.dma_semaphore, #tpu.memory_space<semaphore_mem>>)
    %dma_start3A_49 = arith.constant 3 : i32
    %dma_start3A_50 = arith.constant 3 : i32
    %dma_start3A_51 = arith.constant 0 : i32
    %dma_start3A_52 = arith.constant 0 : i32
    %dma_start3A_53 = tpu.memref_slice %arg7[%dma_start3A_50, %dma_start3A_51, %dma_start3A_52] : memref<8x64x64xf32, #tpu.memory_space<vmem>> -> memref<1x64x64xf32, #tpu.memory_space<vmem>>
    %dma_start3A_54 = tpu.memref_squeeze %dma_start3A_53 : memref<1x64x64xf32, #tpu.memory_space<vmem>> -> memref<64x64xf32, #tpu.memory_space<vmem>>
    %dma_start3A_55 = arith.constant 0 : i32
    %dma_start3A_56 = tpu.memref_slice %arg8[%dma_start3A_49, %dma_start3A_55] : memref<320x64xi32, #tpu.memory_space<vmem>> -> memref<1x64xi32, #tpu.memory_space<vmem>>
    %dma_start3A_57 = tpu.memref_squeeze %dma_start3A_56 : memref<1x64xi32, #tpu.memory_space<vmem>> -> memref<64xi32, #tpu.memory_space<vmem>>
    %dma_start3A_58 = arith.constant 0 : i32
    %dma_start3A_59 = arith.constant 0 : i32
    %dma_start3A_60 = tpu.memref_slice %arg2[%arg0, %dma_start3A_58, %dma_start3A_59] : memref<2x10000x64xf32, #tpu.memory_space<hbm>> -> memref<1x10000x64xf32, #tpu.memory_space<hbm>>
    %dma_start3A_61 = tpu.memref_squeeze %dma_start3A_60 : memref<1x10000x64xf32, #tpu.memory_space<hbm>> -> memref<10000x64xf32, #tpu.memory_space<hbm>>
    %dma_start3A_62 = arith.constant 0 : i32
    %dma_start3A_63 = arith.constant 0 : i32
    %dma_start3A_64 = tpu.memref_slice %dma_start3A_61[%dma_start3A_62, %dma_start3A_63] : memref<10000x64xf32, #tpu.memory_space<hbm>> -> memref<10000x64xf32, #tpu.memory_space<hbm>>
    tpu.enqueue_indirect_dma source(%dma_start3A_64 : memref<10000x64xf32, #tpu.memory_space<hbm>>) target(%dma_start3A_54 : memref<64x64xf32, #tpu.memory_space<vmem>>) offsets(%dma_start3A_57 : memref<64xi32, #tpu.memory_space<vmem>>) semaphore(%arg13 : memref<!tpu.dma_semaphore, #tpu.memory_space<semaphore_mem>>)
    %dma_start3A_65 = arith.constant 4 : i32
    %dma_start3A_66 = arith.constant 4 : i32
    %dma_start3A_67 = arith.constant 0 : i32
    %dma_start3A_68 = arith.constant 0 : i32
    %dma_start3A_69 = tpu.memref_slice %arg7[%dma_start3A_66, %dma_start3A_67, %dma_start3A_68] : memref<8x64x64xf32, #tpu.memory_space<vmem>> -> memref<1x64x64xf32, #tpu.memory_space<vmem>>
    %dma_start3A_70 = tpu.memref_squeeze %dma_start3A_69 : memref<1x64x64xf32, #tpu.memory_space<vmem>> -> memref<64x64xf32, #tpu.memory_space<vmem>>
    %dma_start3A_71 = arith.constant 0 : i32
    %dma_start3A_72 = tpu.memref_slice %arg8[%dma_start3A_65, %dma_start3A_71] : memref<320x64xi32, #tpu.memory_space<vmem>> -> memref<1x64xi32, #tpu.memory_space<vmem>>
    %dma_start3A_73 = tpu.memref_squeeze %dma_start3A_72 : memref<1x64xi32, #tpu.memory_space<vmem>> -> memref<64xi32, #tpu.memory_space<vmem>>
    %dma_start3A_74 = arith.constant 0 : i32
    %dma_start3A_75 = arith.constant 0 : i32
    %dma_start3A_76 = tpu.memref_slice %arg2[%arg0, %dma_start3A_74, %dma_start3A_75] : memref<2x10000x64xf32, #tpu.memory_space<hbm>> -> memref<1x10000x64xf32, #tpu.memory_space<hbm>>
    %dma_start3A_77 = tpu.memref_squeeze %dma_start3A_76 : memref<1x10000x64xf32, #tpu.memory_space<hbm>> -> memref<10000x64xf32, #tpu.memory_space<hbm>>
    %dma_start3A_78 = arith.constant 0 : i32
    %dma_start3A_79 = arith.constant 0 : i32
    %dma_start3A_80 = tpu.memref_slice %dma_start3A_77[%dma_start3A_78, %dma_start3A_79] : memref<10000x64xf32, #tpu.memory_space<hbm>> -> memref<10000x64xf32, #tpu.memory_space<hbm>>
    tpu.enqueue_indirect_dma source(%dma_start3A_80 : memref<10000x64xf32, #tpu.memory_space<hbm>>) target(%dma_start3A_70 : memref<64x64xf32, #tpu.memory_space<vmem>>) offsets(%dma_start3A_73 : memref<64xi32, #tpu.memory_space<vmem>>) semaphore(%arg14 : memref<!tpu.dma_semaphore, #tpu.memory_space<semaphore_mem>>)
    %dma_start3A_81 = arith.constant 5 : i32
    %dma_start3A_82 = arith.constant 5 : i32
    %dma_start3A_83 = arith.constant 0 : i32
    %dma_start3A_84 = arith.constant 0 : i32
    %dma_start3A_85 = tpu.memref_slice %arg7[%dma_start3A_82, %dma_start3A_83, %dma_start3A_84] : memref<8x64x64xf32, #tpu.memory_space<vmem>> -> memref<1x64x64xf32, #tpu.memory_space<vmem>>
    %dma_start3A_86 = tpu.memref_squeeze %dma_start3A_85 : memref<1x64x64xf32, #tpu.memory_space<vmem>> -> memref<64x64xf32, #tpu.memory_space<vmem>>
    %dma_start3A_87 = arith.constant 0 : i32
    %dma_start3A_88 = tpu.memref_slice %arg8[%dma_start3A_81, %dma_start3A_87] : memref<320x64xi32, #tpu.memory_space<vmem>> -> memref<1x64xi32, #tpu.memory_space<vmem>>
    %dma_start3A_89 = tpu.memref_squeeze %dma_start3A_88 : memref<1x64xi32, #tpu.memory_space<vmem>> -> memref<64xi32, #tpu.memory_space<vmem>>
    %dma_start3A_90 = arith.constant 0 : i32
    %dma_start3A_91 = arith.constant 0 : i32
    %dma_start3A_92 = tpu.memref_slice %arg2[%arg0, %dma_start3A_90, %dma_start3A_91] : memref<2x10000x64xf32, #tpu.memory_space<hbm>> -> memref<1x10000x64xf32, #tpu.memory_space<hbm>>
    %dma_start3A_93 = tpu.memref_squeeze %dma_start3A_92 : memref<1x10000x64xf32, #tpu.memory_space<hbm>> -> memref<10000x64xf32, #tpu.memory_space<hbm>>
    %dma_start3A_94 = arith.constant 0 : i32
    %dma_start3A_95 = arith.constant 0 : i32
    %dma_start3A_96 = tpu.memref_slice %dma_start3A_93[%dma_start3A_94, %dma_start3A_95] : memref<10000x64xf32, #tpu.memory_space<hbm>> -> memref<10000x64xf32, #tpu.memory_space<hbm>>
    tpu.enqueue_indirect_dma source(%dma_start3A_96 : memref<10000x64xf32, #tpu.memory_space<hbm>>) target(%dma_start3A_86 : memref<64x64xf32, #tpu.memory_space<vmem>>) offsets(%dma_start3A_89 : memref<64xi32, #tpu.memory_space<vmem>>) semaphore(%arg15 : memref<!tpu.dma_semaphore, #tpu.memory_space<semaphore_mem>>)
    %dma_start3A_97 = arith.constant 6 : i32
    %dma_start3A_98 = arith.constant 6 : i32
    %dma_start3A_99 = arith.constant 0 : i32
    %dma_start3A_100 = arith.constant 0 : i32
    %dma_start3A_101 = tpu.memref_slice %arg7[%dma_start3A_98, %dma_start3A_99, %dma_start3A_100] : memref<8x64x64xf32, #tpu.memory_space<vmem>> -> memref<1x64x64xf32, #tpu.memory_space<vmem>>
    %dma_start3A_102 = tpu.memref_squeeze %dma_start3A_101 : memref<1x64x64xf32, #tpu.memory_space<vmem>> -> memref<64x64xf32, #tpu.memory_space<vmem>>
    %dma_start3A_103 = arith.constant 0 : i32
    %dma_start3A_104 = tpu.memref_slice %arg8[%dma_start3A_97, %dma_start3A_103] : memref<320x64xi32, #tpu.memory_space<vmem>> -> memref<1x64xi32, #tpu.memory_space<vmem>>
    %dma_start3A_105 = tpu.memref_squeeze %dma_start3A_104 : memref<1x64xi32, #tpu.memory_space<vmem>> -> memref<64xi32, #tpu.memory_space<vmem>>
    %dma_start3A_106 = arith.constant 0 : i32
    %dma_start3A_107 = arith.constant 0 : i32
    %dma_start3A_108 = tpu.memref_slice %arg2[%arg0, %dma_start3A_106, %dma_start3A_107] : memref<2x10000x64xf32, #tpu.memory_space<hbm>> -> memref<1x10000x64xf32, #tpu.memory_space<hbm>>
    %dma_start3A_109 = tpu.memref_squeeze %dma_start3A_108 : memref<1x10000x64xf32, #tpu.memory_space<hbm>> -> memref<10000x64xf32, #tpu.memory_space<hbm>>
    %dma_start3A_110 = arith.constant 0 : i32
    %dma_start3A_111 = arith.constant 0 : i32
    %dma_start3A_112 = tpu.memref_slice %dma_start3A_109[%dma_start3A_110, %dma_start3A_111] : memref<10000x64xf32, #tpu.memory_space<hbm>> -> memref<10000x64xf32, #tpu.memory_space<hbm>>
    tpu.enqueue_indirect_dma source(%dma_start3A_112 : memref<10000x64xf32, #tpu.memory_space<hbm>>) target(%dma_start3A_102 : memref<64x64xf32, #tpu.memory_space<vmem>>) offsets(%dma_start3A_105 : memref<64xi32, #tpu.memory_space<vmem>>) semaphore(%arg16 : memref<!tpu.dma_semaphore, #tpu.memory_space<semaphore_mem>>)
    %dma_start3A_113 = arith.constant 7 : i32
    %dma_start3A_114 = arith.constant 7 : i32
    %dma_start3A_115 = arith.constant 0 : i32
    %dma_start3A_116 = arith.constant 0 : i32
    %dma_start3A_117 = tpu.memref_slice %arg7[%dma_start3A_114, %dma_start3A_115, %dma_start3A_116] : memref<8x64x64xf32, #tpu.memory_space<vmem>> -> memref<1x64x64xf32, #tpu.memory_space<vmem>>
    %dma_start3A_118 = tpu.memref_squeeze %dma_start3A_117 : memref<1x64x64xf32, #tpu.memory_space<vmem>> -> memref<64x64xf32, #tpu.memory_space<vmem>>
    %dma_start3A_119 = arith.constant 0 : i32
    %dma_start3A_120 = tpu.memref_slice %arg8[%dma_start3A_113, %dma_start3A_119] : memref<320x64xi32, #tpu.memory_space<vmem>> -> memref<1x64xi32, #tpu.memory_space<vmem>>
    %dma_start3A_121 = tpu.memref_squeeze %dma_start3A_120 : memref<1x64xi32, #tpu.memory_space<vmem>> -> memref<64xi32, #tpu.memory_space<vmem>>
    %dma_start3A_122 = arith.constant 0 : i32
    %dma_start3A_123 = arith.constant 0 : i32
    %dma_start3A_124 = tpu.memref_slice %arg2[%arg0, %dma_start3A_122, %dma_start3A_123] : memref<2x10000x64xf32, #tpu.memory_space<hbm>> -> memref<1x10000x64xf32, #tpu.memory_space<hbm>>
    %dma_start3A_125 = tpu.memref_squeeze %dma_start3A_124 : memref<1x10000x64xf32, #tpu.memory_space<hbm>> -> memref<10000x64xf32, #tpu.memory_space<hbm>>
    %dma_start3A_126 = arith.constant 0 : i32
    %dma_start3A_127 = arith.constant 0 : i32
    %dma_start3A_128 = tpu.memref_slice %dma_start3A_125[%dma_start3A_126, %dma_start3A_127] : memref<10000x64xf32, #tpu.memory_space<hbm>> -> memref<10000x64xf32, #tpu.memory_space<hbm>>
    tpu.enqueue_indirect_dma source(%dma_start3A_128 : memref<10000x64xf32, #tpu.memory_space<hbm>>) target(%dma_start3A_118 : memref<64x64xf32, #tpu.memory_space<vmem>>) offsets(%dma_start3A_121 : memref<64xi32, #tpu.memory_space<vmem>>) semaphore(%arg17 : memref<!tpu.dma_semaphore, #tpu.memory_space<semaphore_mem>>)
    %scan3A = arith.constant 0 : i32
    %scan3A_129 = arith.constant 39 : i32
    %scan3A_130 = arith.addi %scan3A, %scan3A_129 : i32
    %scan3A_131 = arith.constant 1 : i32
    scf.for %scan3A_457 = %scan3A to %scan3A_130 step %scan3A_131  : i32 {
      %mul3A_458 = arith.constant 8 : i32
      %mul3A_459 = arith.muli %scan3A_457, %mul3A_458 : i32
      %dma_wait3A_460 = arith.constant 0 : i32
      %dma_wait3A_461 = arith.constant 0 : i32
      %dma_wait3A_462 = arith.constant 0 : i32
      %dma_wait3A_463 = arith.constant 0 : i32
      %dma_wait3A_464 = tpu.memref_slice %arg7[%dma_wait3A_461, %dma_wait3A_462, %dma_wait3A_463] : memref<8x64x64xf32, #tpu.memory_space<vmem>> -> memref<1x64x64xf32, #tpu.memory_space<vmem>>
      %dma_wait3A_465 = tpu.memref_squeeze %dma_wait3A_464 : memref<1x64x64xf32, #tpu.memory_space<vmem>> -> memref<64x64xf32, #tpu.memory_space<vmem>>
      %dma_wait3A_466 = arith.constant 0 : i32
      %dma_wait3A_467 = tpu.memref_slice %arg8[%dma_wait3A_460, %dma_wait3A_466] : memref<320x64xi32, #tpu.memory_space<vmem>> -> memref<1x64xi32, #tpu.memory_space<vmem>>
      %dma_wait3A_468 = tpu.memref_squeeze %dma_wait3A_467 : memref<1x64xi32, #tpu.memory_space<vmem>> -> memref<64xi32, #tpu.memory_space<vmem>>
      %dma_wait3A_469 = arith.constant 0 : i32
      %dma_wait3A_470 = arith.constant 0 : i32
      %dma_wait3A_471 = tpu.memref_slice %arg2[%arg0, %dma_wait3A_469, %dma_wait3A_470] : memref<2x10000x64xf32, #tpu.memory_space<hbm>> -> memref<1x10000x64xf32, #tpu.memory_space<hbm>>
      %dma_wait3A_472 = tpu.memref_squeeze %dma_wait3A_471 : memref<1x10000x64xf32, #tpu.memory_space<hbm>> -> memref<10000x64xf32, #tpu.memory_space<hbm>>
      %dma_wait3A_473 = arith.constant 0 : i32
      %dma_wait3A_474 = arith.constant 0 : i32
      %dma_wait3A_475 = tpu.memref_slice %dma_wait3A_472[%dma_wait3A_473, %dma_wait3A_474] : memref<10000x64xf32, #tpu.memory_space<hbm>> -> memref<10000x64xf32, #tpu.memory_space<hbm>>
      tpu.wait_indirect_dma semaphore(%arg10 : memref<!tpu.dma_semaphore, #tpu.memory_space<semaphore_mem>>) src(%dma_wait3A_475 : memref<10000x64xf32, #tpu.memory_space<hbm>>) dst(%dma_wait3A_465 : memref<64x64xf32, #tpu.memory_space<vmem>>)
      %add3A = arith.constant 0 : i32
      %add3A_476 = arith.addi %mul3A_459, %add3A : i32
      %dma_start3A_477 = arith.constant 0 : i32
      %dma_start3A_478 = arith.constant 0 : i32
      %dma_start3A_479 = arith.constant 0 : i32
      %dma_start3A_480 = tpu.memref_slice %arg7[%dma_start3A_477, %dma_start3A_478, %dma_start3A_479] : memref<8x64x64xf32, #tpu.memory_space<vmem>> -> memref<1x64x64xf32, #tpu.memory_space<vmem>>
      %dma_start3A_481 = tpu.memref_squeeze %dma_start3A_480 : memref<1x64x64xf32, #tpu.memory_space<vmem>> -> memref<64x64xf32, #tpu.memory_space<vmem>>
      %dma_start3A_482 = arith.constant 0 : i32
      %dma_start3A_483 = tpu.memref_slice %arg9[%add3A_476, %dma_start3A_482] : memref<320x64xi32, #tpu.memory_space<vmem>> -> memref<1x64xi32, #tpu.memory_space<vmem>>
      %dma_start3A_484 = tpu.memref_squeeze %dma_start3A_483 : memref<1x64xi32, #tpu.memory_space<vmem>> -> memref<64xi32, #tpu.memory_space<vmem>>
      %dma_start3A_485 = arith.constant 0 : i32
      %dma_start3A_486 = arith.constant 0 : i32
      %dma_start3A_487 = tpu.memref_slice %arg6[%dma_start3A_485, %dma_start3A_486] : memref<10112x64xf32, #tpu.memory_space<vmem_shared>> -> memref<10112x64xf32, #tpu.memory_space<vmem_shared>>
      tpu.enqueue_indirect_dma source(%dma_start3A_481 : memref<64x64xf32, #tpu.memory_space<vmem>>) target(%dma_start3A_487 : memref<10112x64xf32, #tpu.memory_space<vmem_shared>>) offsets(%dma_start3A_484 : memref<64xi32, #tpu.memory_space<vmem>>) semaphore(%arg18 : memref<!tpu.dma_semaphore, #tpu.memory_space<semaphore_mem>>) {add = true}
      %dma_wait3A_488 = arith.constant 0 : i32
      %dma_wait3A_489 = arith.constant 1 : i32
      %dma_wait3A_490 = arith.constant 0 : i32
      %dma_wait3A_491 = arith.constant 0 : i32
      %dma_wait3A_492 = tpu.memref_slice %arg7[%dma_wait3A_489, %dma_wait3A_490, %dma_wait3A_491] : memref<8x64x64xf32, #tpu.memory_space<vmem>> -> memref<1x64x64xf32, #tpu.memory_space<vmem>>
      %dma_wait3A_493 = tpu.memref_squeeze %dma_wait3A_492 : memref<1x64x64xf32, #tpu.memory_space<vmem>> -> memref<64x64xf32, #tpu.memory_space<vmem>>
      %dma_wait3A_494 = arith.constant 0 : i32
      %dma_wait3A_495 = tpu.memref_slice %arg8[%dma_wait3A_488, %dma_wait3A_494] : memref<320x64xi32, #tpu.memory_space<vmem>> -> memref<1x64xi32, #tpu.memory_space<vmem>>
      %dma_wait3A_496 = tpu.memref_squeeze %dma_wait3A_495 : memref<1x64xi32, #tpu.memory_space<vmem>> -> memref<64xi32, #tpu.memory_space<vmem>>
      %dma_wait3A_497 = arith.constant 0 : i32
      %dma_wait3A_498 = arith.constant 0 : i32
      %dma_wait3A_499 = tpu.memref_slice %arg2[%arg0, %dma_wait3A_497, %dma_wait3A_498] : memref<2x10000x64xf32, #tpu.memory_space<hbm>> -> memref<1x10000x64xf32, #tpu.memory_space<hbm>>
      %dma_wait3A_500 = tpu.memref_squeeze %dma_wait3A_499 : memref<1x10000x64xf32, #tpu.memory_space<hbm>> -> memref<10000x64xf32, #tpu.memory_space<hbm>>
      %dma_wait3A_501 = arith.constant 0 : i32
      %dma_wait3A_502 = arith.constant 0 : i32
      %dma_wait3A_503 = tpu.memref_slice %dma_wait3A_500[%dma_wait3A_501, %dma_wait3A_502] : memref<10000x64xf32, #tpu.memory_space<hbm>> -> memref<10000x64xf32, #tpu.memory_space<hbm>>
      tpu.wait_indirect_dma semaphore(%arg11 : memref<!tpu.dma_semaphore, #tpu.memory_space<semaphore_mem>>) src(%dma_wait3A_503 : memref<10000x64xf32, #tpu.memory_space<hbm>>) dst(%dma_wait3A_493 : memref<64x64xf32, #tpu.memory_space<vmem>>)
      %add3A_504 = arith.constant 1 : i32
      %add3A_505 = arith.addi %mul3A_459, %add3A_504 : i32
      %dma_start3A_506 = arith.constant 1 : i32
      %dma_start3A_507 = arith.constant 0 : i32
      %dma_start3A_508 = arith.constant 0 : i32
      %dma_start3A_509 = tpu.memref_slice %arg7[%dma_start3A_506, %dma_start3A_507, %dma_start3A_508] : memref<8x64x64xf32, #tpu.memory_space<vmem>> -> memref<1x64x64xf32, #tpu.memory_space<vmem>>
      %dma_start3A_510 = tpu.memref_squeeze %dma_start3A_509 : memref<1x64x64xf32, #tpu.memory_space<vmem>> -> memref<64x64xf32, #tpu.memory_space<vmem>>
      %dma_start3A_511 = arith.constant 0 : i32
      %dma_start3A_512 = tpu.memref_slice %arg9[%add3A_505, %dma_start3A_511] : memref<320x64xi32, #tpu.memory_space<vmem>> -> memref<1x64xi32, #tpu.memory_space<vmem>>
      %dma_start3A_513 = tpu.memref_squeeze %dma_start3A_512 : memref<1x64xi32, #tpu.memory_space<vmem>> -> memref<64xi32, #tpu.memory_space<vmem>>
      %dma_start3A_514 = arith.constant 0 : i32
      %dma_start3A_515 = arith.constant 0 : i32
      %dma_start3A_516 = tpu.memref_slice %arg6[%dma_start3A_514, %dma_start3A_515] : memref<10112x64xf32, #tpu.memory_space<vmem_shared>> -> memref<10112x64xf32, #tpu.memory_space<vmem_shared>>
      tpu.enqueue_indirect_dma source(%dma_start3A_510 : memref<64x64xf32, #tpu.memory_space<vmem>>) target(%dma_start3A_516 : memref<10112x64xf32, #tpu.memory_space<vmem_shared>>) offsets(%dma_start3A_513 : memref<64xi32, #tpu.memory_space<vmem>>) semaphore(%arg19 : memref<!tpu.dma_semaphore, #tpu.memory_space<semaphore_mem>>) {add = true}
      %dma_wait3A_517 = arith.constant 0 : i32
      %dma_wait3A_518 = arith.constant 2 : i32
      %dma_wait3A_519 = arith.constant 0 : i32
      %dma_wait3A_520 = arith.constant 0 : i32
      %dma_wait3A_521 = tpu.memref_slice %arg7[%dma_wait3A_518, %dma_wait3A_519, %dma_wait3A_520] : memref<8x64x64xf32, #tpu.memory_space<vmem>> -> memref<1x64x64xf32, #tpu.memory_space<vmem>>
      %dma_wait3A_522 = tpu.memref_squeeze %dma_wait3A_521 : memref<1x64x64xf32, #tpu.memory_space<vmem>> -> memref<64x64xf32, #tpu.memory_space<vmem>>
      %dma_wait3A_523 = arith.constant 0 : i32
      %dma_wait3A_524 = tpu.memref_slice %arg8[%dma_wait3A_517, %dma_wait3A_523] : memref<320x64xi32, #tpu.memory_space<vmem>> -> memref<1x64xi32, #tpu.memory_space<vmem>>
      %dma_wait3A_525 = tpu.memref_squeeze %dma_wait3A_524 : memref<1x64xi32, #tpu.memory_space<vmem>> -> memref<64xi32, #tpu.memory_space<vmem>>
      %dma_wait3A_526 = arith.constant 0 : i32
      %dma_wait3A_527 = arith.constant 0 : i32
      %dma_wait3A_528 = tpu.memref_slice %arg2[%arg0, %dma_wait3A_526, %dma_wait3A_527] : memref<2x10000x64xf32, #tpu.memory_space<hbm>> -> memref<1x10000x64xf32, #tpu.memory_space<hbm>>
      %dma_wait3A_529 = tpu.memref_squeeze %dma_wait3A_528 : memref<1x10000x64xf32, #tpu.memory_space<hbm>> -> memref<10000x64xf32, #tpu.memory_space<hbm>>
      %dma_wait3A_530 = arith.constant 0 : i32
      %dma_wait3A_531 = arith.constant 0 : i32
      %dma_wait3A_532 = tpu.memref_slice %dma_wait3A_529[%dma_wait3A_530, %dma_wait3A_531] : memref<10000x64xf32, #tpu.memory_space<hbm>> -> memref<10000x64xf32, #tpu.memory_space<hbm>>
      tpu.wait_indirect_dma semaphore(%arg12 : memref<!tpu.dma_semaphore, #tpu.memory_space<semaphore_mem>>) src(%dma_wait3A_532 : memref<10000x64xf32, #tpu.memory_space<hbm>>) dst(%dma_wait3A_522 : memref<64x64xf32, #tpu.memory_space<vmem>>)
      %add3A_533 = arith.constant 2 : i32
      %add3A_534 = arith.addi %mul3A_459, %add3A_533 : i32
      %dma_start3A_535 = arith.constant 2 : i32
      %dma_start3A_536 = arith.constant 0 : i32
      %dma_start3A_537 = arith.constant 0 : i32
      %dma_start3A_538 = tpu.memref_slice %arg7[%dma_start3A_535, %dma_start3A_536, %dma_start3A_537] : memref<8x64x64xf32, #tpu.memory_space<vmem>> -> memref<1x64x64xf32, #tpu.memory_space<vmem>>
      %dma_start3A_539 = tpu.memref_squeeze %dma_start3A_538 : memref<1x64x64xf32, #tpu.memory_space<vmem>> -> memref<64x64xf32, #tpu.memory_space<vmem>>
      %dma_start3A_540 = arith.constant 0 : i32
      %dma_start3A_541 = tpu.memref_slice %arg9[%add3A_534, %dma_start3A_540] : memref<320x64xi32, #tpu.memory_space<vmem>> -> memref<1x64xi32, #tpu.memory_space<vmem>>
      %dma_start3A_542 = tpu.memref_squeeze %dma_start3A_541 : memref<1x64xi32, #tpu.memory_space<vmem>> -> memref<64xi32, #tpu.memory_space<vmem>>
      %dma_start3A_543 = arith.constant 0 : i32
      %dma_start3A_544 = arith.constant 0 : i32
      %dma_start3A_545 = tpu.memref_slice %arg6[%dma_start3A_543, %dma_start3A_544] : memref<10112x64xf32, #tpu.memory_space<vmem_shared>> -> memref<10112x64xf32, #tpu.memory_space<vmem_shared>>
      tpu.enqueue_indirect_dma source(%dma_start3A_539 : memref<64x64xf32, #tpu.memory_space<vmem>>) target(%dma_start3A_545 : memref<10112x64xf32, #tpu.memory_space<vmem_shared>>) offsets(%dma_start3A_542 : memref<64xi32, #tpu.memory_space<vmem>>) semaphore(%arg20 : memref<!tpu.dma_semaphore, #tpu.memory_space<semaphore_mem>>) {add = true}
      %dma_wait3A_546 = arith.constant 0 : i32
      %dma_wait3A_547 = arith.constant 3 : i32
      %dma_wait3A_548 = arith.constant 0 : i32
      %dma_wait3A_549 = arith.constant 0 : i32
      %dma_wait3A_550 = tpu.memref_slice %arg7[%dma_wait3A_547, %dma_wait3A_548, %dma_wait3A_549] : memref<8x64x64xf32, #tpu.memory_space<vmem>> -> memref<1x64x64xf32, #tpu.memory_space<vmem>>
      %dma_wait3A_551 = tpu.memref_squeeze %dma_wait3A_550 : memref<1x64x64xf32, #tpu.memory_space<vmem>> -> memref<64x64xf32, #tpu.memory_space<vmem>>
      %dma_wait3A_552 = arith.constant 0 : i32
      %dma_wait3A_553 = tpu.memref_slice %arg8[%dma_wait3A_546, %dma_wait3A_552] : memref<320x64xi32, #tpu.memory_space<vmem>> -> memref<1x64xi32, #tpu.memory_space<vmem>>
      %dma_wait3A_554 = tpu.memref_squeeze %dma_wait3A_553 : memref<1x64xi32, #tpu.memory_space<vmem>> -> memref<64xi32, #tpu.memory_space<vmem>>
      %dma_wait3A_555 = arith.constant 0 : i32
      %dma_wait3A_556 = arith.constant 0 : i32
      %dma_wait3A_557 = tpu.memref_slice %arg2[%arg0, %dma_wait3A_555, %dma_wait3A_556] : memref<2x10000x64xf32, #tpu.memory_space<hbm>> -> memref<1x10000x64xf32, #tpu.memory_space<hbm>>
      %dma_wait3A_558 = tpu.memref_squeeze %dma_wait3A_557 : memref<1x10000x64xf32, #tpu.memory_space<hbm>> -> memref<10000x64xf32, #tpu.memory_space<hbm>>
      %dma_wait3A_559 = arith.constant 0 : i32
      %dma_wait3A_560 = arith.constant 0 : i32
      %dma_wait3A_561 = tpu.memref_slice %dma_wait3A_558[%dma_wait3A_559, %dma_wait3A_560] : memref<10000x64xf32, #tpu.memory_space<hbm>> -> memref<10000x64xf32, #tpu.memory_space<hbm>>
      tpu.wait_indirect_dma semaphore(%arg13 : memref<!tpu.dma_semaphore, #tpu.memory_space<semaphore_mem>>) src(%dma_wait3A_561 : memref<10000x64xf32, #tpu.memory_space<hbm>>) dst(%dma_wait3A_551 : memref<64x64xf32, #tpu.memory_space<vmem>>)
      %add3A_562 = arith.constant 3 : i32
      %add3A_563 = arith.addi %mul3A_459, %add3A_562 : i32
      %dma_start3A_564 = arith.constant 3 : i32
      %dma_start3A_565 = arith.constant 0 : i32
      %dma_start3A_566 = arith.constant 0 : i32
      %dma_start3A_567 = tpu.memref_slice %arg7[%dma_start3A_564, %dma_start3A_565, %dma_start3A_566] : memref<8x64x64xf32, #tpu.memory_space<vmem>> -> memref<1x64x64xf32, #tpu.memory_space<vmem>>
      %dma_start3A_568 = tpu.memref_squeeze %dma_start3A_567 : memref<1x64x64xf32, #tpu.memory_space<vmem>> -> memref<64x64xf32, #tpu.memory_space<vmem>>
      %dma_start3A_569 = arith.constant 0 : i32
      %dma_start3A_570 = tpu.memref_slice %arg9[%add3A_563, %dma_start3A_569] : memref<320x64xi32, #tpu.memory_space<vmem>> -> memref<1x64xi32, #tpu.memory_space<vmem>>
      %dma_start3A_571 = tpu.memref_squeeze %dma_start3A_570 : memref<1x64xi32, #tpu.memory_space<vmem>> -> memref<64xi32, #tpu.memory_space<vmem>>
      %dma_start3A_572 = arith.constant 0 : i32
      %dma_start3A_573 = arith.constant 0 : i32
      %dma_start3A_574 = tpu.memref_slice %arg6[%dma_start3A_572, %dma_start3A_573] : memref<10112x64xf32, #tpu.memory_space<vmem_shared>> -> memref<10112x64xf32, #tpu.memory_space<vmem_shared>>
      tpu.enqueue_indirect_dma source(%dma_start3A_568 : memref<64x64xf32, #tpu.memory_space<vmem>>) target(%dma_start3A_574 : memref<10112x64xf32, #tpu.memory_space<vmem_shared>>) offsets(%dma_start3A_571 : memref<64xi32, #tpu.memory_space<vmem>>) semaphore(%arg21 : memref<!tpu.dma_semaphore, #tpu.memory_space<semaphore_mem>>) {add = true}
      %dma_wait3A_575 = arith.constant 0 : i32
      %dma_wait3A_576 = arith.constant 4 : i32
      %dma_wait3A_577 = arith.constant 0 : i32
      %dma_wait3A_578 = arith.constant 0 : i32
      %dma_wait3A_579 = tpu.memref_slice %arg7[%dma_wait3A_576, %dma_wait3A_577, %dma_wait3A_578] : memref<8x64x64xf32, #tpu.memory_space<vmem>> -> memref<1x64x64xf32, #tpu.memory_space<vmem>>
      %dma_wait3A_580 = tpu.memref_squeeze %dma_wait3A_579 : memref<1x64x64xf32, #tpu.memory_space<vmem>> -> memref<64x64xf32, #tpu.memory_space<vmem>>
      %dma_wait3A_581 = arith.constant 0 : i32
      %dma_wait3A_582 = tpu.memref_slice %arg8[%dma_wait3A_575, %dma_wait3A_581] : memref<320x64xi32, #tpu.memory_space<vmem>> -> memref<1x64xi32, #tpu.memory_space<vmem>>
      %dma_wait3A_583 = tpu.memref_squeeze %dma_wait3A_582 : memref<1x64xi32, #tpu.memory_space<vmem>> -> memref<64xi32, #tpu.memory_space<vmem>>
      %dma_wait3A_584 = arith.constant 0 : i32
      %dma_wait3A_585 = arith.constant 0 : i32
      %dma_wait3A_586 = tpu.memref_slice %arg2[%arg0, %dma_wait3A_584, %dma_wait3A_585] : memref<2x10000x64xf32, #tpu.memory_space<hbm>> -> memref<1x10000x64xf32, #tpu.memory_space<hbm>>
      %dma_wait3A_587 = tpu.memref_squeeze %dma_wait3A_586 : memref<1x10000x64xf32, #tpu.memory_space<hbm>> -> memref<10000x64xf32, #tpu.memory_space<hbm>>
      %dma_wait3A_588 = arith.constant 0 : i32
      %dma_wait3A_589 = arith.constant 0 : i32
      %dma_wait3A_590 = tpu.memref_slice %dma_wait3A_587[%dma_wait3A_588, %dma_wait3A_589] : memref<10000x64xf32, #tpu.memory_space<hbm>> -> memref<10000x64xf32, #tpu.memory_space<hbm>>
      tpu.wait_indirect_dma semaphore(%arg14 : memref<!tpu.dma_semaphore, #tpu.memory_space<semaphore_mem>>) src(%dma_wait3A_590 : memref<10000x64xf32, #tpu.memory_space<hbm>>) dst(%dma_wait3A_580 : memref<64x64xf32, #tpu.memory_space<vmem>>)
      %add3A_591 = arith.constant 4 : i32
      %add3A_592 = arith.addi %mul3A_459, %add3A_591 : i32
      %dma_start3A_593 = arith.constant 4 : i32
      %dma_start3A_594 = arith.constant 0 : i32
      %dma_start3A_595 = arith.constant 0 : i32
      %dma_start3A_596 = tpu.memref_slice %arg7[%dma_start3A_593, %dma_start3A_594, %dma_start3A_595] : memref<8x64x64xf32, #tpu.memory_space<vmem>> -> memref<1x64x64xf32, #tpu.memory_space<vmem>>
      %dma_start3A_597 = tpu.memref_squeeze %dma_start3A_596 : memref<1x64x64xf32, #tpu.memory_space<vmem>> -> memref<64x64xf32, #tpu.memory_space<vmem>>
      %dma_start3A_598 = arith.constant 0 : i32
      %dma_start3A_599 = tpu.memref_slice %arg9[%add3A_592, %dma_start3A_598] : memref<320x64xi32, #tpu.memory_space<vmem>> -> memref<1x64xi32, #tpu.memory_space<vmem>>
      %dma_start3A_600 = tpu.memref_squeeze %dma_start3A_599 : memref<1x64xi32, #tpu.memory_space<vmem>> -> memref<64xi32, #tpu.memory_space<vmem>>
      %dma_start3A_601 = arith.constant 0 : i32
      %dma_start3A_602 = arith.constant 0 : i32
      %dma_start3A_603 = tpu.memref_slice %arg6[%dma_start3A_601, %dma_start3A_602] : memref<10112x64xf32, #tpu.memory_space<vmem_shared>> -> memref<10112x64xf32, #tpu.memory_space<vmem_shared>>
      tpu.enqueue_indirect_dma source(%dma_start3A_597 : memref<64x64xf32, #tpu.memory_space<vmem>>) target(%dma_start3A_603 : memref<10112x64xf32, #tpu.memory_space<vmem_shared>>) offsets(%dma_start3A_600 : memref<64xi32, #tpu.memory_space<vmem>>) semaphore(%arg22 : memref<!tpu.dma_semaphore, #tpu.memory_space<semaphore_mem>>) {add = true}
      %dma_wait3A_604 = arith.constant 0 : i32
      %dma_wait3A_605 = arith.constant 5 : i32
      %dma_wait3A_606 = arith.constant 0 : i32
      %dma_wait3A_607 = arith.constant 0 : i32
      %dma_wait3A_608 = tpu.memref_slice %arg7[%dma_wait3A_605, %dma_wait3A_606, %dma_wait3A_607] : memref<8x64x64xf32, #tpu.memory_space<vmem>> -> memref<1x64x64xf32, #tpu.memory_space<vmem>>
      %dma_wait3A_609 = tpu.memref_squeeze %dma_wait3A_608 : memref<1x64x64xf32, #tpu.memory_space<vmem>> -> memref<64x64xf32, #tpu.memory_space<vmem>>
      %dma_wait3A_610 = arith.constant 0 : i32
      %dma_wait3A_611 = tpu.memref_slice %arg8[%dma_wait3A_604, %dma_wait3A_610] : memref<320x64xi32, #tpu.memory_space<vmem>> -> memref<1x64xi32, #tpu.memory_space<vmem>>
      %dma_wait3A_612 = tpu.memref_squeeze %dma_wait3A_611 : memref<1x64xi32, #tpu.memory_space<vmem>> -> memref<64xi32, #tpu.memory_space<vmem>>
      %dma_wait3A_613 = arith.constant 0 : i32
      %dma_wait3A_614 = arith.constant 0 : i32
      %dma_wait3A_615 = tpu.memref_slice %arg2[%arg0, %dma_wait3A_613, %dma_wait3A_614] : memref<2x10000x64xf32, #tpu.memory_space<hbm>> -> memref<1x10000x64xf32, #tpu.memory_space<hbm>>
      %dma_wait3A_616 = tpu.memref_squeeze %dma_wait3A_615 : memref<1x10000x64xf32, #tpu.memory_space<hbm>> -> memref<10000x64xf32, #tpu.memory_space<hbm>>
      %dma_wait3A_617 = arith.constant 0 : i32
      %dma_wait3A_618 = arith.constant 0 : i32
      %dma_wait3A_619 = tpu.memref_slice %dma_wait3A_616[%dma_wait3A_617, %dma_wait3A_618] : memref<10000x64xf32, #tpu.memory_space<hbm>> -> memref<10000x64xf32, #tpu.memory_space<hbm>>
      tpu.wait_indirect_dma semaphore(%arg15 : memref<!tpu.dma_semaphore, #tpu.memory_space<semaphore_mem>>) src(%dma_wait3A_619 : memref<10000x64xf32, #tpu.memory_space<hbm>>) dst(%dma_wait3A_609 : memref<64x64xf32, #tpu.memory_space<vmem>>)
      %add3A_620 = arith.constant 5 : i32
      %add3A_621 = arith.addi %mul3A_459, %add3A_620 : i32
      %dma_start3A_622 = arith.constant 5 : i32
      %dma_start3A_623 = arith.constant 0 : i32
      %dma_start3A_624 = arith.constant 0 : i32
      %dma_start3A_625 = tpu.memref_slice %arg7[%dma_start3A_622, %dma_start3A_623, %dma_start3A_624] : memref<8x64x64xf32, #tpu.memory_space<vmem>> -> memref<1x64x64xf32, #tpu.memory_space<vmem>>
      %dma_start3A_626 = tpu.memref_squeeze %dma_start3A_625 : memref<1x64x64xf32, #tpu.memory_space<vmem>> -> memref<64x64xf32, #tpu.memory_space<vmem>>
      %dma_start3A_627 = arith.constant 0 : i32
      %dma_start3A_628 = tpu.memref_slice %arg9[%add3A_621, %dma_start3A_627] : memref<320x64xi32, #tpu.memory_space<vmem>> -> memref<1x64xi32, #tpu.memory_space<vmem>>
      %dma_start3A_629 = tpu.memref_squeeze %dma_start3A_628 : memref<1x64xi32, #tpu.memory_space<vmem>> -> memref<64xi32, #tpu.memory_space<vmem>>
      %dma_start3A_630 = arith.constant 0 : i32
      %dma_start3A_631 = arith.constant 0 : i32
      %dma_start3A_632 = tpu.memref_slice %arg6[%dma_start3A_630, %dma_start3A_631] : memref<10112x64xf32, #tpu.memory_space<vmem_shared>> -> memref<10112x64xf32, #tpu.memory_space<vmem_shared>>
      tpu.enqueue_indirect_dma source(%dma_start3A_626 : memref<64x64xf32, #tpu.memory_space<vmem>>) target(%dma_start3A_632 : memref<10112x64xf32, #tpu.memory_space<vmem_shared>>) offsets(%dma_start3A_629 : memref<64xi32, #tpu.memory_space<vmem>>) semaphore(%arg23 : memref<!tpu.dma_semaphore, #tpu.memory_space<semaphore_mem>>) {add = true}
      %dma_wait3A_633 = arith.constant 0 : i32
      %dma_wait3A_634 = arith.constant 6 : i32
      %dma_wait3A_635 = arith.constant 0 : i32
      %dma_wait3A_636 = arith.constant 0 : i32
      %dma_wait3A_637 = tpu.memref_slice %arg7[%dma_wait3A_634, %dma_wait3A_635, %dma_wait3A_636] : memref<8x64x64xf32, #tpu.memory_space<vmem>> -> memref<1x64x64xf32, #tpu.memory_space<vmem>>
      %dma_wait3A_638 = tpu.memref_squeeze %dma_wait3A_637 : memref<1x64x64xf32, #tpu.memory_space<vmem>> -> memref<64x64xf32, #tpu.memory_space<vmem>>
      %dma_wait3A_639 = arith.constant 0 : i32
      %dma_wait3A_640 = tpu.memref_slice %arg8[%dma_wait3A_633, %dma_wait3A_639] : memref<320x64xi32, #tpu.memory_space<vmem>> -> memref<1x64xi32, #tpu.memory_space<vmem>>
      %dma_wait3A_641 = tpu.memref_squeeze %dma_wait3A_640 : memref<1x64xi32, #tpu.memory_space<vmem>> -> memref<64xi32, #tpu.memory_space<vmem>>
      %dma_wait3A_642 = arith.constant 0 : i32
      %dma_wait3A_643 = arith.constant 0 : i32
      %dma_wait3A_644 = tpu.memref_slice %arg2[%arg0, %dma_wait3A_642, %dma_wait3A_643] : memref<2x10000x64xf32, #tpu.memory_space<hbm>> -> memref<1x10000x64xf32, #tpu.memory_space<hbm>>
      %dma_wait3A_645 = tpu.memref_squeeze %dma_wait3A_644 : memref<1x10000x64xf32, #tpu.memory_space<hbm>> -> memref<10000x64xf32, #tpu.memory_space<hbm>>
      %dma_wait3A_646 = arith.constant 0 : i32
      %dma_wait3A_647 = arith.constant 0 : i32
      %dma_wait3A_648 = tpu.memref_slice %dma_wait3A_645[%dma_wait3A_646, %dma_wait3A_647] : memref<10000x64xf32, #tpu.memory_space<hbm>> -> memref<10000x64xf32, #tpu.memory_space<hbm>>
      tpu.wait_indirect_dma semaphore(%arg16 : memref<!tpu.dma_semaphore, #tpu.memory_space<semaphore_mem>>) src(%dma_wait3A_648 : memref<10000x64xf32, #tpu.memory_space<hbm>>) dst(%dma_wait3A_638 : memref<64x64xf32, #tpu.memory_space<vmem>>)
      %add3A_649 = arith.constant 6 : i32
      %add3A_650 = arith.addi %mul3A_459, %add3A_649 : i32
      %dma_start3A_651 = arith.constant 6 : i32
      %dma_start3A_652 = arith.constant 0 : i32
      %dma_start3A_653 = arith.constant 0 : i32
      %dma_start3A_654 = tpu.memref_slice %arg7[%dma_start3A_651, %dma_start3A_652, %dma_start3A_653] : memref<8x64x64xf32, #tpu.memory_space<vmem>> -> memref<1x64x64xf32, #tpu.memory_space<vmem>>
      %dma_start3A_655 = tpu.memref_squeeze %dma_start3A_654 : memref<1x64x64xf32, #tpu.memory_space<vmem>> -> memref<64x64xf32, #tpu.memory_space<vmem>>
      %dma_start3A_656 = arith.constant 0 : i32
      %dma_start3A_657 = tpu.memref_slice %arg9[%add3A_650, %dma_start3A_656] : memref<320x64xi32, #tpu.memory_space<vmem>> -> memref<1x64xi32, #tpu.memory_space<vmem>>
      %dma_start3A_658 = tpu.memref_squeeze %dma_start3A_657 : memref<1x64xi32, #tpu.memory_space<vmem>> -> memref<64xi32, #tpu.memory_space<vmem>>
      %dma_start3A_659 = arith.constant 0 : i32
      %dma_start3A_660 = arith.constant 0 : i32
      %dma_start3A_661 = tpu.memref_slice %arg6[%dma_start3A_659, %dma_start3A_660] : memref<10112x64xf32, #tpu.memory_space<vmem_shared>> -> memref<10112x64xf32, #tpu.memory_space<vmem_shared>>
      tpu.enqueue_indirect_dma source(%dma_start3A_655 : memref<64x64xf32, #tpu.memory_space<vmem>>) target(%dma_start3A_661 : memref<10112x64xf32, #tpu.memory_space<vmem_shared>>) offsets(%dma_start3A_658 : memref<64xi32, #tpu.memory_space<vmem>>) semaphore(%arg24 : memref<!tpu.dma_semaphore, #tpu.memory_space<semaphore_mem>>) {add = true}
      %dma_wait3A_662 = arith.constant 0 : i32
      %dma_wait3A_663 = arith.constant 7 : i32
      %dma_wait3A_664 = arith.constant 0 : i32
      %dma_wait3A_665 = arith.constant 0 : i32
      %dma_wait3A_666 = tpu.memref_slice %arg7[%dma_wait3A_663, %dma_wait3A_664, %dma_wait3A_665] : memref<8x64x64xf32, #tpu.memory_space<vmem>> -> memref<1x64x64xf32, #tpu.memory_space<vmem>>
      %dma_wait3A_667 = tpu.memref_squeeze %dma_wait3A_666 : memref<1x64x64xf32, #tpu.memory_space<vmem>> -> memref<64x64xf32, #tpu.memory_space<vmem>>
      %dma_wait3A_668 = arith.constant 0 : i32
      %dma_wait3A_669 = tpu.memref_slice %arg8[%dma_wait3A_662, %dma_wait3A_668] : memref<320x64xi32, #tpu.memory_space<vmem>> -> memref<1x64xi32, #tpu.memory_space<vmem>>
      %dma_wait3A_670 = tpu.memref_squeeze %dma_wait3A_669 : memref<1x64xi32, #tpu.memory_space<vmem>> -> memref<64xi32, #tpu.memory_space<vmem>>
      %dma_wait3A_671 = arith.constant 0 : i32
      %dma_wait3A_672 = arith.constant 0 : i32
      %dma_wait3A_673 = tpu.memref_slice %arg2[%arg0, %dma_wait3A_671, %dma_wait3A_672] : memref<2x10000x64xf32, #tpu.memory_space<hbm>> -> memref<1x10000x64xf32, #tpu.memory_space<hbm>>
      %dma_wait3A_674 = tpu.memref_squeeze %dma_wait3A_673 : memref<1x10000x64xf32, #tpu.memory_space<hbm>> -> memref<10000x64xf32, #tpu.memory_space<hbm>>
      %dma_wait3A_675 = arith.constant 0 : i32
      %dma_wait3A_676 = arith.constant 0 : i32
      %dma_wait3A_677 = tpu.memref_slice %dma_wait3A_674[%dma_wait3A_675, %dma_wait3A_676] : memref<10000x64xf32, #tpu.memory_space<hbm>> -> memref<10000x64xf32, #tpu.memory_space<hbm>>
      tpu.wait_indirect_dma semaphore(%arg17 : memref<!tpu.dma_semaphore, #tpu.memory_space<semaphore_mem>>) src(%dma_wait3A_677 : memref<10000x64xf32, #tpu.memory_space<hbm>>) dst(%dma_wait3A_667 : memref<64x64xf32, #tpu.memory_space<vmem>>)
      %add3A_678 = arith.constant 7 : i32
      %add3A_679 = arith.addi %mul3A_459, %add3A_678 : i32
      %dma_start3A_680 = arith.constant 7 : i32
      %dma_start3A_681 = arith.constant 0 : i32
      %dma_start3A_682 = arith.constant 0 : i32
      %dma_start3A_683 = tpu.memref_slice %arg7[%dma_start3A_680, %dma_start3A_681, %dma_start3A_682] : memref<8x64x64xf32, #tpu.memory_space<vmem>> -> memref<1x64x64xf32, #tpu.memory_space<vmem>>
      %dma_start3A_684 = tpu.memref_squeeze %dma_start3A_683 : memref<1x64x64xf32, #tpu.memory_space<vmem>> -> memref<64x64xf32, #tpu.memory_space<vmem>>
      %dma_start3A_685 = arith.constant 0 : i32
      %dma_start3A_686 = tpu.memref_slice %arg9[%add3A_679, %dma_start3A_685] : memref<320x64xi32, #tpu.memory_space<vmem>> -> memref<1x64xi32, #tpu.memory_space<vmem>>
      %dma_start3A_687 = tpu.memref_squeeze %dma_start3A_686 : memref<1x64xi32, #tpu.memory_space<vmem>> -> memref<64xi32, #tpu.memory_space<vmem>>
      %dma_start3A_688 = arith.constant 0 : i32
      %dma_start3A_689 = arith.constant 0 : i32
      %dma_start3A_690 = tpu.memref_slice %arg6[%dma_start3A_688, %dma_start3A_689] : memref<10112x64xf32, #tpu.memory_space<vmem_shared>> -> memref<10112x64xf32, #tpu.memory_space<vmem_shared>>
      tpu.enqueue_indirect_dma source(%dma_start3A_684 : memref<64x64xf32, #tpu.memory_space<vmem>>) target(%dma_start3A_690 : memref<10112x64xf32, #tpu.memory_space<vmem_shared>>) offsets(%dma_start3A_687 : memref<64xi32, #tpu.memory_space<vmem>>) semaphore(%arg25 : memref<!tpu.dma_semaphore, #tpu.memory_space<semaphore_mem>>) {add = true}
      %dma_wait3A_691 = arith.constant 0 : i32
      %dma_wait3A_692 = arith.constant 0 : i32
      %dma_wait3A_693 = arith.constant 0 : i32
      %dma_wait3A_694 = arith.constant 0 : i32
      %dma_wait3A_695 = tpu.memref_slice %arg7[%dma_wait3A_691, %dma_wait3A_693, %dma_wait3A_694] : memref<8x64x64xf32, #tpu.memory_space<vmem>> -> memref<1x64x64xf32, #tpu.memory_space<vmem>>
      %dma_wait3A_696 = tpu.memref_squeeze %dma_wait3A_695 : memref<1x64x64xf32, #tpu.memory_space<vmem>> -> memref<64x64xf32, #tpu.memory_space<vmem>>
      %dma_wait3A_697 = arith.constant 0 : i32
      %dma_wait3A_698 = tpu.memref_slice %arg9[%dma_wait3A_692, %dma_wait3A_697] : memref<320x64xi32, #tpu.memory_space<vmem>> -> memref<1x64xi32, #tpu.memory_space<vmem>>
      %dma_wait3A_699 = tpu.memref_squeeze %dma_wait3A_698 : memref<1x64xi32, #tpu.memory_space<vmem>> -> memref<64xi32, #tpu.memory_space<vmem>>
      %dma_wait3A_700 = arith.constant 0 : i32
      %dma_wait3A_701 = arith.constant 0 : i32
      %dma_wait3A_702 = tpu.memref_slice %arg6[%dma_wait3A_700, %dma_wait3A_701] : memref<10112x64xf32, #tpu.memory_space<vmem_shared>> -> memref<10112x64xf32, #tpu.memory_space<vmem_shared>>
      tpu.wait_indirect_dma semaphore(%arg18 : memref<!tpu.dma_semaphore, #tpu.memory_space<semaphore_mem>>) src(%dma_wait3A_696 : memref<64x64xf32, #tpu.memory_space<vmem>>) dst(%dma_wait3A_702 : memref<10112x64xf32, #tpu.memory_space<vmem_shared>>)
      %add3A_703 = arith.constant 8 : i32
      %add3A_704 = arith.addi %mul3A_459, %add3A_703 : i32
      %add3A_705 = arith.constant 0 : i32
      %add3A_706 = arith.addi %add3A_704, %add3A_705 : i32
      %dma_start3A_707 = arith.constant 0 : i32
      %dma_start3A_708 = arith.constant 0 : i32
      %dma_start3A_709 = arith.constant 0 : i32
      %dma_start3A_710 = tpu.memref_slice %arg7[%dma_start3A_707, %dma_start3A_708, %dma_start3A_709] : memref<8x64x64xf32, #tpu.memory_space<vmem>> -> memref<1x64x64xf32, #tpu.memory_space<vmem>>
      %dma_start3A_711 = tpu.memref_squeeze %dma_start3A_710 : memref<1x64x64xf32, #tpu.memory_space<vmem>> -> memref<64x64xf32, #tpu.memory_space<vmem>>
      %dma_start3A_712 = arith.constant 0 : i32
      %dma_start3A_713 = tpu.memref_slice %arg8[%add3A_706, %dma_start3A_712] : memref<320x64xi32, #tpu.memory_space<vmem>> -> memref<1x64xi32, #tpu.memory_space<vmem>>
      %dma_start3A_714 = tpu.memref_squeeze %dma_start3A_713 : memref<1x64xi32, #tpu.memory_space<vmem>> -> memref<64xi32, #tpu.memory_space<vmem>>
      %dma_start3A_715 = arith.constant 0 : i32
      %dma_start3A_716 = arith.constant 0 : i32
      %dma_start3A_717 = tpu.memref_slice %arg2[%arg0, %dma_start3A_715, %dma_start3A_716] : memref<2x10000x64xf32, #tpu.memory_space<hbm>> -> memref<1x10000x64xf32, #tpu.memory_space<hbm>>
      %dma_start3A_718 = tpu.memref_squeeze %dma_start3A_717 : memref<1x10000x64xf32, #tpu.memory_space<hbm>> -> memref<10000x64xf32, #tpu.memory_space<hbm>>
      %dma_start3A_719 = arith.constant 0 : i32
      %dma_start3A_720 = arith.constant 0 : i32
      %dma_start3A_721 = tpu.memref_slice %dma_start3A_718[%dma_start3A_719, %dma_start3A_720] : memref<10000x64xf32, #tpu.memory_space<hbm>> -> memref<10000x64xf32, #tpu.memory_space<hbm>>
      tpu.enqueue_indirect_dma source(%dma_start3A_721 : memref<10000x64xf32, #tpu.memory_space<hbm>>) target(%dma_start3A_711 : memref<64x64xf32, #tpu.memory_space<vmem>>) offsets(%dma_start3A_714 : memref<64xi32, #tpu.memory_space<vmem>>) semaphore(%arg10 : memref<!tpu.dma_semaphore, #tpu.memory_space<semaphore_mem>>)
      %dma_wait3A_722 = arith.constant 1 : i32
      %dma_wait3A_723 = arith.constant 0 : i32
      %dma_wait3A_724 = arith.constant 0 : i32
      %dma_wait3A_725 = arith.constant 0 : i32
      %dma_wait3A_726 = tpu.memref_slice %arg7[%dma_wait3A_722, %dma_wait3A_724, %dma_wait3A_725] : memref<8x64x64xf32, #tpu.memory_space<vmem>> -> memref<1x64x64xf32, #tpu.memory_space<vmem>>
      %dma_wait3A_727 = tpu.memref_squeeze %dma_wait3A_726 : memref<1x64x64xf32, #tpu.memory_space<vmem>> -> memref<64x64xf32, #tpu.memory_space<vmem>>
      %dma_wait3A_728 = arith.constant 0 : i32
      %dma_wait3A_729 = tpu.memref_slice %arg9[%dma_wait3A_723, %dma_wait3A_728] : memref<320x64xi32, #tpu.memory_space<vmem>> -> memref<1x64xi32, #tpu.memory_space<vmem>>
      %dma_wait3A_730 = tpu.memref_squeeze %dma_wait3A_729 : memref<1x64xi32, #tpu.memory_space<vmem>> -> memref<64xi32, #tpu.memory_space<vmem>>
      %dma_wait3A_731 = arith.constant 0 : i32
      %dma_wait3A_732 = arith.constant 0 : i32
      %dma_wait3A_733 = tpu.memref_slice %arg6[%dma_wait3A_731, %dma_wait3A_732] : memref<10112x64xf32, #tpu.memory_space<vmem_shared>> -> memref<10112x64xf32, #tpu.memory_space<vmem_shared>>
      tpu.wait_indirect_dma semaphore(%arg19 : memref<!tpu.dma_semaphore, #tpu.memory_space<semaphore_mem>>) src(%dma_wait3A_727 : memref<64x64xf32, #tpu.memory_space<vmem>>) dst(%dma_wait3A_733 : memref<10112x64xf32, #tpu.memory_space<vmem_shared>>)
      %add3A_734 = arith.constant 8 : i32
      %add3A_735 = arith.addi %mul3A_459, %add3A_734 : i32
      %add3A_736 = arith.constant 1 : i32
      %add3A_737 = arith.addi %add3A_735, %add3A_736 : i32
      %dma_start3A_738 = arith.constant 1 : i32
      %dma_start3A_739 = arith.constant 0 : i32
      %dma_start3A_740 = arith.constant 0 : i32
      %dma_start3A_741 = tpu.memref_slice %arg7[%dma_start3A_738, %dma_start3A_739, %dma_start3A_740] : memref<8x64x64xf32, #tpu.memory_space<vmem>> -> memref<1x64x64xf32, #tpu.memory_space<vmem>>
      %dma_start3A_742 = tpu.memref_squeeze %dma_start3A_741 : memref<1x64x64xf32, #tpu.memory_space<vmem>> -> memref<64x64xf32, #tpu.memory_space<vmem>>
      %dma_start3A_743 = arith.constant 0 : i32
      %dma_start3A_744 = tpu.memref_slice %arg8[%add3A_737, %dma_start3A_743] : memref<320x64xi32, #tpu.memory_space<vmem>> -> memref<1x64xi32, #tpu.memory_space<vmem>>
      %dma_start3A_745 = tpu.memref_squeeze %dma_start3A_744 : memref<1x64xi32, #tpu.memory_space<vmem>> -> memref<64xi32, #tpu.memory_space<vmem>>
      %dma_start3A_746 = arith.constant 0 : i32
      %dma_start3A_747 = arith.constant 0 : i32
      %dma_start3A_748 = tpu.memref_slice %arg2[%arg0, %dma_start3A_746, %dma_start3A_747] : memref<2x10000x64xf32, #tpu.memory_space<hbm>> -> memref<1x10000x64xf32, #tpu.memory_space<hbm>>
      %dma_start3A_749 = tpu.memref_squeeze %dma_start3A_748 : memref<1x10000x64xf32, #tpu.memory_space<hbm>> -> memref<10000x64xf32, #tpu.memory_space<hbm>>
      %dma_start3A_750 = arith.constant 0 : i32
      %dma_start3A_751 = arith.constant 0 : i32
      %dma_start3A_752 = tpu.memref_slice %dma_start3A_749[%dma_start3A_750, %dma_start3A_751] : memref<10000x64xf32, #tpu.memory_space<hbm>> -> memref<10000x64xf32, #tpu.memory_space<hbm>>
      tpu.enqueue_indirect_dma source(%dma_start3A_752 : memref<10000x64xf32, #tpu.memory_space<hbm>>) target(%dma_start3A_742 : memref<64x64xf32, #tpu.memory_space<vmem>>) offsets(%dma_start3A_745 : memref<64xi32, #tpu.memory_space<vmem>>) semaphore(%arg11 : memref<!tpu.dma_semaphore, #tpu.memory_space<semaphore_mem>>)
      %dma_wait3A_753 = arith.constant 2 : i32
      %dma_wait3A_754 = arith.constant 0 : i32
      %dma_wait3A_755 = arith.constant 0 : i32
      %dma_wait3A_756 = arith.constant 0 : i32
      %dma_wait3A_757 = tpu.memref_slice %arg7[%dma_wait3A_753, %dma_wait3A_755, %dma_wait3A_756] : memref<8x64x64xf32, #tpu.memory_space<vmem>> -> memref<1x64x64xf32, #tpu.memory_space<vmem>>
      %dma_wait3A_758 = tpu.memref_squeeze %dma_wait3A_757 : memref<1x64x64xf32, #tpu.memory_space<vmem>> -> memref<64x64xf32, #tpu.memory_space<vmem>>
      %dma_wait3A_759 = arith.constant 0 : i32
      %dma_wait3A_760 = tpu.memref_slice %arg9[%dma_wait3A_754, %dma_wait3A_759] : memref<320x64xi32, #tpu.memory_space<vmem>> -> memref<1x64xi32, #tpu.memory_space<vmem>>
      %dma_wait3A_761 = tpu.memref_squeeze %dma_wait3A_760 : memref<1x64xi32, #tpu.memory_space<vmem>> -> memref<64xi32, #tpu.memory_space<vmem>>
      %dma_wait3A_762 = arith.constant 0 : i32
      %dma_wait3A_763 = arith.constant 0 : i32
      %dma_wait3A_764 = tpu.memref_slice %arg6[%dma_wait3A_762, %dma_wait3A_763] : memref<10112x64xf32, #tpu.memory_space<vmem_shared>> -> memref<10112x64xf32, #tpu.memory_space<vmem_shared>>
      tpu.wait_indirect_dma semaphore(%arg20 : memref<!tpu.dma_semaphore, #tpu.memory_space<semaphore_mem>>) src(%dma_wait3A_758 : memref<64x64xf32, #tpu.memory_space<vmem>>) dst(%dma_wait3A_764 : memref<10112x64xf32, #tpu.memory_space<vmem_shared>>)
      %add3A_765 = arith.constant 8 : i32
      %add3A_766 = arith.addi %mul3A_459, %add3A_765 : i32
      %add3A_767 = arith.constant 2 : i32
      %add3A_768 = arith.addi %add3A_766, %add3A_767 : i32
      %dma_start3A_769 = arith.constant 2 : i32
      %dma_start3A_770 = arith.constant 0 : i32
      %dma_start3A_771 = arith.constant 0 : i32
      %dma_start3A_772 = tpu.memref_slice %arg7[%dma_start3A_769, %dma_start3A_770, %dma_start3A_771] : memref<8x64x64xf32, #tpu.memory_space<vmem>> -> memref<1x64x64xf32, #tpu.memory_space<vmem>>
      %dma_start3A_773 = tpu.memref_squeeze %dma_start3A_772 : memref<1x64x64xf32, #tpu.memory_space<vmem>> -> memref<64x64xf32, #tpu.memory_space<vmem>>
      %dma_start3A_774 = arith.constant 0 : i32
      %dma_start3A_775 = tpu.memref_slice %arg8[%add3A_768, %dma_start3A_774] : memref<320x64xi32, #tpu.memory_space<vmem>> -> memref<1x64xi32, #tpu.memory_space<vmem>>
      %dma_start3A_776 = tpu.memref_squeeze %dma_start3A_775 : memref<1x64xi32, #tpu.memory_space<vmem>> -> memref<64xi32, #tpu.memory_space<vmem>>
      %dma_start3A_777 = arith.constant 0 : i32
      %dma_start3A_778 = arith.constant 0 : i32
      %dma_start3A_779 = tpu.memref_slice %arg2[%arg0, %dma_start3A_777, %dma_start3A_778] : memref<2x10000x64xf32, #tpu.memory_space<hbm>> -> memref<1x10000x64xf32, #tpu.memory_space<hbm>>
      %dma_start3A_780 = tpu.memref_squeeze %dma_start3A_779 : memref<1x10000x64xf32, #tpu.memory_space<hbm>> -> memref<10000x64xf32, #tpu.memory_space<hbm>>
      %dma_start3A_781 = arith.constant 0 : i32
      %dma_start3A_782 = arith.constant 0 : i32
      %dma_start3A_783 = tpu.memref_slice %dma_start3A_780[%dma_start3A_781, %dma_start3A_782] : memref<10000x64xf32, #tpu.memory_space<hbm>> -> memref<10000x64xf32, #tpu.memory_space<hbm>>
      tpu.enqueue_indirect_dma source(%dma_start3A_783 : memref<10000x64xf32, #tpu.memory_space<hbm>>) target(%dma_start3A_773 : memref<64x64xf32, #tpu.memory_space<vmem>>) offsets(%dma_start3A_776 : memref<64xi32, #tpu.memory_space<vmem>>) semaphore(%arg12 : memref<!tpu.dma_semaphore, #tpu.memory_space<semaphore_mem>>)
      %dma_wait3A_784 = arith.constant 3 : i32
      %dma_wait3A_785 = arith.constant 0 : i32
      %dma_wait3A_786 = arith.constant 0 : i32
      %dma_wait3A_787 = arith.constant 0 : i32
      %dma_wait3A_788 = tpu.memref_slice %arg7[%dma_wait3A_784, %dma_wait3A_786, %dma_wait3A_787] : memref<8x64x64xf32, #tpu.memory_space<vmem>> -> memref<1x64x64xf32, #tpu.memory_space<vmem>>
      %dma_wait3A_789 = tpu.memref_squeeze %dma_wait3A_788 : memref<1x64x64xf32, #tpu.memory_space<vmem>> -> memref<64x64xf32, #tpu.memory_space<vmem>>
      %dma_wait3A_790 = arith.constant 0 : i32
      %dma_wait3A_791 = tpu.memref_slice %arg9[%dma_wait3A_785, %dma_wait3A_790] : memref<320x64xi32, #tpu.memory_space<vmem>> -> memref<1x64xi32, #tpu.memory_space<vmem>>
      %dma_wait3A_792 = tpu.memref_squeeze %dma_wait3A_791 : memref<1x64xi32, #tpu.memory_space<vmem>> -> memref<64xi32, #tpu.memory_space<vmem>>
      %dma_wait3A_793 = arith.constant 0 : i32
      %dma_wait3A_794 = arith.constant 0 : i32
      %dma_wait3A_795 = tpu.memref_slice %arg6[%dma_wait3A_793, %dma_wait3A_794] : memref<10112x64xf32, #tpu.memory_space<vmem_shared>> -> memref<10112x64xf32, #tpu.memory_space<vmem_shared>>
      tpu.wait_indirect_dma semaphore(%arg21 : memref<!tpu.dma_semaphore, #tpu.memory_space<semaphore_mem>>) src(%dma_wait3A_789 : memref<64x64xf32, #tpu.memory_space<vmem>>) dst(%dma_wait3A_795 : memref<10112x64xf32, #tpu.memory_space<vmem_shared>>)
      %add3A_796 = arith.constant 8 : i32
      %add3A_797 = arith.addi %mul3A_459, %add3A_796 : i32
      %add3A_798 = arith.constant 3 : i32
      %add3A_799 = arith.addi %add3A_797, %add3A_798 : i32
      %dma_start3A_800 = arith.constant 3 : i32
      %dma_start3A_801 = arith.constant 0 : i32
      %dma_start3A_802 = arith.constant 0 : i32
      %dma_start3A_803 = tpu.memref_slice %arg7[%dma_start3A_800, %dma_start3A_801, %dma_start3A_802] : memref<8x64x64xf32, #tpu.memory_space<vmem>> -> memref<1x64x64xf32, #tpu.memory_space<vmem>>
      %dma_start3A_804 = tpu.memref_squeeze %dma_start3A_803 : memref<1x64x64xf32, #tpu.memory_space<vmem>> -> memref<64x64xf32, #tpu.memory_space<vmem>>
      %dma_start3A_805 = arith.constant 0 : i32
      %dma_start3A_806 = tpu.memref_slice %arg8[%add3A_799, %dma_start3A_805] : memref<320x64xi32, #tpu.memory_space<vmem>> -> memref<1x64xi32, #tpu.memory_space<vmem>>
      %dma_start3A_807 = tpu.memref_squeeze %dma_start3A_806 : memref<1x64xi32, #tpu.memory_space<vmem>> -> memref<64xi32, #tpu.memory_space<vmem>>
      %dma_start3A_808 = arith.constant 0 : i32
      %dma_start3A_809 = arith.constant 0 : i32
      %dma_start3A_810 = tpu.memref_slice %arg2[%arg0, %dma_start3A_808, %dma_start3A_809] : memref<2x10000x64xf32, #tpu.memory_space<hbm>> -> memref<1x10000x64xf32, #tpu.memory_space<hbm>>
      %dma_start3A_811 = tpu.memref_squeeze %dma_start3A_810 : memref<1x10000x64xf32, #tpu.memory_space<hbm>> -> memref<10000x64xf32, #tpu.memory_space<hbm>>
      %dma_start3A_812 = arith.constant 0 : i32
      %dma_start3A_813 = arith.constant 0 : i32
      %dma_start3A_814 = tpu.memref_slice %dma_start3A_811[%dma_start3A_812, %dma_start3A_813] : memref<10000x64xf32, #tpu.memory_space<hbm>> -> memref<10000x64xf32, #tpu.memory_space<hbm>>
      tpu.enqueue_indirect_dma source(%dma_start3A_814 : memref<10000x64xf32, #tpu.memory_space<hbm>>) target(%dma_start3A_804 : memref<64x64xf32, #tpu.memory_space<vmem>>) offsets(%dma_start3A_807 : memref<64xi32, #tpu.memory_space<vmem>>) semaphore(%arg13 : memref<!tpu.dma_semaphore, #tpu.memory_space<semaphore_mem>>)
      %dma_wait3A_815 = arith.constant 4 : i32
      %dma_wait3A_816 = arith.constant 0 : i32
      %dma_wait3A_817 = arith.constant 0 : i32
      %dma_wait3A_818 = arith.constant 0 : i32
      %dma_wait3A_819 = tpu.memref_slice %arg7[%dma_wait3A_815, %dma_wait3A_817, %dma_wait3A_818] : memref<8x64x64xf32, #tpu.memory_space<vmem>> -> memref<1x64x64xf32, #tpu.memory_space<vmem>>
      %dma_wait3A_820 = tpu.memref_squeeze %dma_wait3A_819 : memref<1x64x64xf32, #tpu.memory_space<vmem>> -> memref<64x64xf32, #tpu.memory_space<vmem>>
      %dma_wait3A_821 = arith.constant 0 : i32
      %dma_wait3A_822 = tpu.memref_slice %arg9[%dma_wait3A_816, %dma_wait3A_821] : memref<320x64xi32, #tpu.memory_space<vmem>> -> memref<1x64xi32, #tpu.memory_space<vmem>>
      %dma_wait3A_823 = tpu.memref_squeeze %dma_wait3A_822 : memref<1x64xi32, #tpu.memory_space<vmem>> -> memref<64xi32, #tpu.memory_space<vmem>>
      %dma_wait3A_824 = arith.constant 0 : i32
      %dma_wait3A_825 = arith.constant 0 : i32
      %dma_wait3A_826 = tpu.memref_slice %arg6[%dma_wait3A_824, %dma_wait3A_825] : memref<10112x64xf32, #tpu.memory_space<vmem_shared>> -> memref<10112x64xf32, #tpu.memory_space<vmem_shared>>
      tpu.wait_indirect_dma semaphore(%arg22 : memref<!tpu.dma_semaphore, #tpu.memory_space<semaphore_mem>>) src(%dma_wait3A_820 : memref<64x64xf32, #tpu.memory_space<vmem>>) dst(%dma_wait3A_826 : memref<10112x64xf32, #tpu.memory_space<vmem_shared>>)
      %add3A_827 = arith.constant 8 : i32
      %add3A_828 = arith.addi %mul3A_459, %add3A_827 : i32
      %add3A_829 = arith.constant 4 : i32
      %add3A_830 = arith.addi %add3A_828, %add3A_829 : i32
      %dma_start3A_831 = arith.constant 4 : i32
      %dma_start3A_832 = arith.constant 0 : i32
      %dma_start3A_833 = arith.constant 0 : i32
      %dma_start3A_834 = tpu.memref_slice %arg7[%dma_start3A_831, %dma_start3A_832, %dma_start3A_833] : memref<8x64x64xf32, #tpu.memory_space<vmem>> -> memref<1x64x64xf32, #tpu.memory_space<vmem>>
      %dma_start3A_835 = tpu.memref_squeeze %dma_start3A_834 : memref<1x64x64xf32, #tpu.memory_space<vmem>> -> memref<64x64xf32, #tpu.memory_space<vmem>>
      %dma_start3A_836 = arith.constant 0 : i32
      %dma_start3A_837 = tpu.memref_slice %arg8[%add3A_830, %dma_start3A_836] : memref<320x64xi32, #tpu.memory_space<vmem>> -> memref<1x64xi32, #tpu.memory_space<vmem>>
      %dma_start3A_838 = tpu.memref_squeeze %dma_start3A_837 : memref<1x64xi32, #tpu.memory_space<vmem>> -> memref<64xi32, #tpu.memory_space<vmem>>
      %dma_start3A_839 = arith.constant 0 : i32
      %dma_start3A_840 = arith.constant 0 : i32
      %dma_start3A_841 = tpu.memref_slice %arg2[%arg0, %dma_start3A_839, %dma_start3A_840] : memref<2x10000x64xf32, #tpu.memory_space<hbm>> -> memref<1x10000x64xf32, #tpu.memory_space<hbm>>
      %dma_start3A_842 = tpu.memref_squeeze %dma_start3A_841 : memref<1x10000x64xf32, #tpu.memory_space<hbm>> -> memref<10000x64xf32, #tpu.memory_space<hbm>>
      %dma_start3A_843 = arith.constant 0 : i32
      %dma_start3A_844 = arith.constant 0 : i32
      %dma_start3A_845 = tpu.memref_slice %dma_start3A_842[%dma_start3A_843, %dma_start3A_844] : memref<10000x64xf32, #tpu.memory_space<hbm>> -> memref<10000x64xf32, #tpu.memory_space<hbm>>
      tpu.enqueue_indirect_dma source(%dma_start3A_845 : memref<10000x64xf32, #tpu.memory_space<hbm>>) target(%dma_start3A_835 : memref<64x64xf32, #tpu.memory_space<vmem>>) offsets(%dma_start3A_838 : memref<64xi32, #tpu.memory_space<vmem>>) semaphore(%arg14 : memref<!tpu.dma_semaphore, #tpu.memory_space<semaphore_mem>>)
      %dma_wait3A_846 = arith.constant 5 : i32
      %dma_wait3A_847 = arith.constant 0 : i32
      %dma_wait3A_848 = arith.constant 0 : i32
      %dma_wait3A_849 = arith.constant 0 : i32
      %dma_wait3A_850 = tpu.memref_slice %arg7[%dma_wait3A_846, %dma_wait3A_848, %dma_wait3A_849] : memref<8x64x64xf32, #tpu.memory_space<vmem>> -> memref<1x64x64xf32, #tpu.memory_space<vmem>>
      %dma_wait3A_851 = tpu.memref_squeeze %dma_wait3A_850 : memref<1x64x64xf32, #tpu.memory_space<vmem>> -> memref<64x64xf32, #tpu.memory_space<vmem>>
      %dma_wait3A_852 = arith.constant 0 : i32
      %dma_wait3A_853 = tpu.memref_slice %arg9[%dma_wait3A_847, %dma_wait3A_852] : memref<320x64xi32, #tpu.memory_space<vmem>> -> memref<1x64xi32, #tpu.memory_space<vmem>>
      %dma_wait3A_854 = tpu.memref_squeeze %dma_wait3A_853 : memref<1x64xi32, #tpu.memory_space<vmem>> -> memref<64xi32, #tpu.memory_space<vmem>>
      %dma_wait3A_855 = arith.constant 0 : i32
      %dma_wait3A_856 = arith.constant 0 : i32
      %dma_wait3A_857 = tpu.memref_slice %arg6[%dma_wait3A_855, %dma_wait3A_856] : memref<10112x64xf32, #tpu.memory_space<vmem_shared>> -> memref<10112x64xf32, #tpu.memory_space<vmem_shared>>
      tpu.wait_indirect_dma semaphore(%arg23 : memref<!tpu.dma_semaphore, #tpu.memory_space<semaphore_mem>>) src(%dma_wait3A_851 : memref<64x64xf32, #tpu.memory_space<vmem>>) dst(%dma_wait3A_857 : memref<10112x64xf32, #tpu.memory_space<vmem_shared>>)
      %add3A_858 = arith.constant 8 : i32
      %add3A_859 = arith.addi %mul3A_459, %add3A_858 : i32
      %add3A_860 = arith.constant 5 : i32
      %add3A_861 = arith.addi %add3A_859, %add3A_860 : i32
      %dma_start3A_862 = arith.constant 5 : i32
      %dma_start3A_863 = arith.constant 0 : i32
      %dma_start3A_864 = arith.constant 0 : i32
      %dma_start3A_865 = tpu.memref_slice %arg7[%dma_start3A_862, %dma_start3A_863, %dma_start3A_864] : memref<8x64x64xf32, #tpu.memory_space<vmem>> -> memref<1x64x64xf32, #tpu.memory_space<vmem>>
      %dma_start3A_866 = tpu.memref_squeeze %dma_start3A_865 : memref<1x64x64xf32, #tpu.memory_space<vmem>> -> memref<64x64xf32, #tpu.memory_space<vmem>>
      %dma_start3A_867 = arith.constant 0 : i32
      %dma_start3A_868 = tpu.memref_slice %arg8[%add3A_861, %dma_start3A_867] : memref<320x64xi32, #tpu.memory_space<vmem>> -> memref<1x64xi32, #tpu.memory_space<vmem>>
      %dma_start3A_869 = tpu.memref_squeeze %dma_start3A_868 : memref<1x64xi32, #tpu.memory_space<vmem>> -> memref<64xi32, #tpu.memory_space<vmem>>
      %dma_start3A_870 = arith.constant 0 : i32
      %dma_start3A_871 = arith.constant 0 : i32
      %dma_start3A_872 = tpu.memref_slice %arg2[%arg0, %dma_start3A_870, %dma_start3A_871] : memref<2x10000x64xf32, #tpu.memory_space<hbm>> -> memref<1x10000x64xf32, #tpu.memory_space<hbm>>
      %dma_start3A_873 = tpu.memref_squeeze %dma_start3A_872 : memref<1x10000x64xf32, #tpu.memory_space<hbm>> -> memref<10000x64xf32, #tpu.memory_space<hbm>>
      %dma_start3A_874 = arith.constant 0 : i32
      %dma_start3A_875 = arith.constant 0 : i32
      %dma_start3A_876 = tpu.memref_slice %dma_start3A_873[%dma_start3A_874, %dma_start3A_875] : memref<10000x64xf32, #tpu.memory_space<hbm>> -> memref<10000x64xf32, #tpu.memory_space<hbm>>
      tpu.enqueue_indirect_dma source(%dma_start3A_876 : memref<10000x64xf32, #tpu.memory_space<hbm>>) target(%dma_start3A_866 : memref<64x64xf32, #tpu.memory_space<vmem>>) offsets(%dma_start3A_869 : memref<64xi32, #tpu.memory_space<vmem>>) semaphore(%arg15 : memref<!tpu.dma_semaphore, #tpu.memory_space<semaphore_mem>>)
      %dma_wait3A_877 = arith.constant 6 : i32
      %dma_wait3A_878 = arith.constant 0 : i32
      %dma_wait3A_879 = arith.constant 0 : i32
      %dma_wait3A_880 = arith.constant 0 : i32
      %dma_wait3A_881 = tpu.memref_slice %arg7[%dma_wait3A_877, %dma_wait3A_879, %dma_wait3A_880] : memref<8x64x64xf32, #tpu.memory_space<vmem>> -> memref<1x64x64xf32, #tpu.memory_space<vmem>>
      %dma_wait3A_882 = tpu.memref_squeeze %dma_wait3A_881 : memref<1x64x64xf32, #tpu.memory_space<vmem>> -> memref<64x64xf32, #tpu.memory_space<vmem>>
      %dma_wait3A_883 = arith.constant 0 : i32
      %dma_wait3A_884 = tpu.memref_slice %arg9[%dma_wait3A_878, %dma_wait3A_883] : memref<320x64xi32, #tpu.memory_space<vmem>> -> memref<1x64xi32, #tpu.memory_space<vmem>>
      %dma_wait3A_885 = tpu.memref_squeeze %dma_wait3A_884 : memref<1x64xi32, #tpu.memory_space<vmem>> -> memref<64xi32, #tpu.memory_space<vmem>>
      %dma_wait3A_886 = arith.constant 0 : i32
      %dma_wait3A_887 = arith.constant 0 : i32
      %dma_wait3A_888 = tpu.memref_slice %arg6[%dma_wait3A_886, %dma_wait3A_887] : memref<10112x64xf32, #tpu.memory_space<vmem_shared>> -> memref<10112x64xf32, #tpu.memory_space<vmem_shared>>
      tpu.wait_indirect_dma semaphore(%arg24 : memref<!tpu.dma_semaphore, #tpu.memory_space<semaphore_mem>>) src(%dma_wait3A_882 : memref<64x64xf32, #tpu.memory_space<vmem>>) dst(%dma_wait3A_888 : memref<10112x64xf32, #tpu.memory_space<vmem_shared>>)
      %add3A_889 = arith.constant 8 : i32
      %add3A_890 = arith.addi %mul3A_459, %add3A_889 : i32
      %add3A_891 = arith.constant 6 : i32
      %add3A_892 = arith.addi %add3A_890, %add3A_891 : i32
      %dma_start3A_893 = arith.constant 6 : i32
      %dma_start3A_894 = arith.constant 0 : i32
      %dma_start3A_895 = arith.constant 0 : i32
      %dma_start3A_896 = tpu.memref_slice %arg7[%dma_start3A_893, %dma_start3A_894, %dma_start3A_895] : memref<8x64x64xf32, #tpu.memory_space<vmem>> -> memref<1x64x64xf32, #tpu.memory_space<vmem>>
      %dma_start3A_897 = tpu.memref_squeeze %dma_start3A_896 : memref<1x64x64xf32, #tpu.memory_space<vmem>> -> memref<64x64xf32, #tpu.memory_space<vmem>>
      %dma_start3A_898 = arith.constant 0 : i32
      %dma_start3A_899 = tpu.memref_slice %arg8[%add3A_892, %dma_start3A_898] : memref<320x64xi32, #tpu.memory_space<vmem>> -> memref<1x64xi32, #tpu.memory_space<vmem>>
      %dma_start3A_900 = tpu.memref_squeeze %dma_start3A_899 : memref<1x64xi32, #tpu.memory_space<vmem>> -> memref<64xi32, #tpu.memory_space<vmem>>
      %dma_start3A_901 = arith.constant 0 : i32
      %dma_start3A_902 = arith.constant 0 : i32
      %dma_start3A_903 = tpu.memref_slice %arg2[%arg0, %dma_start3A_901, %dma_start3A_902] : memref<2x10000x64xf32, #tpu.memory_space<hbm>> -> memref<1x10000x64xf32, #tpu.memory_space<hbm>>
      %dma_start3A_904 = tpu.memref_squeeze %dma_start3A_903 : memref<1x10000x64xf32, #tpu.memory_space<hbm>> -> memref<10000x64xf32, #tpu.memory_space<hbm>>
      %dma_start3A_905 = arith.constant 0 : i32
      %dma_start3A_906 = arith.constant 0 : i32
      %dma_start3A_907 = tpu.memref_slice %dma_start3A_904[%dma_start3A_905, %dma_start3A_906] : memref<10000x64xf32, #tpu.memory_space<hbm>> -> memref<10000x64xf32, #tpu.memory_space<hbm>>
      tpu.enqueue_indirect_dma source(%dma_start3A_907 : memref<10000x64xf32, #tpu.memory_space<hbm>>) target(%dma_start3A_897 : memref<64x64xf32, #tpu.memory_space<vmem>>) offsets(%dma_start3A_900 : memref<64xi32, #tpu.memory_space<vmem>>) semaphore(%arg16 : memref<!tpu.dma_semaphore, #tpu.memory_space<semaphore_mem>>)
      %dma_wait3A_908 = arith.constant 7 : i32
      %dma_wait3A_909 = arith.constant 0 : i32
      %dma_wait3A_910 = arith.constant 0 : i32
      %dma_wait3A_911 = arith.constant 0 : i32
      %dma_wait3A_912 = tpu.memref_slice %arg7[%dma_wait3A_908, %dma_wait3A_910, %dma_wait3A_911] : memref<8x64x64xf32, #tpu.memory_space<vmem>> -> memref<1x64x64xf32, #tpu.memory_space<vmem>>
      %dma_wait3A_913 = tpu.memref_squeeze %dma_wait3A_912 : memref<1x64x64xf32, #tpu.memory_space<vmem>> -> memref<64x64xf32, #tpu.memory_space<vmem>>
      %dma_wait3A_914 = arith.constant 0 : i32
      %dma_wait3A_915 = tpu.memref_slice %arg9[%dma_wait3A_909, %dma_wait3A_914] : memref<320x64xi32, #tpu.memory_space<vmem>> -> memref<1x64xi32, #tpu.memory_space<vmem>>
      %dma_wait3A_916 = tpu.memref_squeeze %dma_wait3A_915 : memref<1x64xi32, #tpu.memory_space<vmem>> -> memref<64xi32, #tpu.memory_space<vmem>>
      %dma_wait3A_917 = arith.constant 0 : i32
      %dma_wait3A_918 = arith.constant 0 : i32
      %dma_wait3A_919 = tpu.memref_slice %arg6[%dma_wait3A_917, %dma_wait3A_918] : memref<10112x64xf32, #tpu.memory_space<vmem_shared>> -> memref<10112x64xf32, #tpu.memory_space<vmem_shared>>
      tpu.wait_indirect_dma semaphore(%arg25 : memref<!tpu.dma_semaphore, #tpu.memory_space<semaphore_mem>>) src(%dma_wait3A_913 : memref<64x64xf32, #tpu.memory_space<vmem>>) dst(%dma_wait3A_919 : memref<10112x64xf32, #tpu.memory_space<vmem_shared>>)
      %add3A_920 = arith.constant 8 : i32
      %add3A_921 = arith.addi %mul3A_459, %add3A_920 : i32
      %add3A_922 = arith.constant 7 : i32
      %add3A_923 = arith.addi %add3A_921, %add3A_922 : i32
      %dma_start3A_924 = arith.constant 7 : i32
      %dma_start3A_925 = arith.constant 0 : i32
      %dma_start3A_926 = arith.constant 0 : i32
      %dma_start3A_927 = tpu.memref_slice %arg7[%dma_start3A_924, %dma_start3A_925, %dma_start3A_926] : memref<8x64x64xf32, #tpu.memory_space<vmem>> -> memref<1x64x64xf32, #tpu.memory_space<vmem>>
      %dma_start3A_928 = tpu.memref_squeeze %dma_start3A_927 : memref<1x64x64xf32, #tpu.memory_space<vmem>> -> memref<64x64xf32, #tpu.memory_space<vmem>>
      %dma_start3A_929 = arith.constant 0 : i32
      %dma_start3A_930 = tpu.memref_slice %arg8[%add3A_923, %dma_start3A_929] : memref<320x64xi32, #tpu.memory_space<vmem>> -> memref<1x64xi32, #tpu.memory_space<vmem>>
      %dma_start3A_931 = tpu.memref_squeeze %dma_start3A_930 : memref<1x64xi32, #tpu.memory_space<vmem>> -> memref<64xi32, #tpu.memory_space<vmem>>
      %dma_start3A_932 = arith.constant 0 : i32
      %dma_start3A_933 = arith.constant 0 : i32
      %dma_start3A_934 = tpu.memref_slice %arg2[%arg0, %dma_start3A_932, %dma_start3A_933] : memref<2x10000x64xf32, #tpu.memory_space<hbm>> -> memref<1x10000x64xf32, #tpu.memory_space<hbm>>
      %dma_start3A_935 = tpu.memref_squeeze %dma_start3A_934 : memref<1x10000x64xf32, #tpu.memory_space<hbm>> -> memref<10000x64xf32, #tpu.memory_space<hbm>>
      %dma_start3A_936 = arith.constant 0 : i32
      %dma_start3A_937 = arith.constant 0 : i32
      %dma_start3A_938 = tpu.memref_slice %dma_start3A_935[%dma_start3A_936, %dma_start3A_937] : memref<10000x64xf32, #tpu.memory_space<hbm>> -> memref<10000x64xf32, #tpu.memory_space<hbm>>
      tpu.enqueue_indirect_dma source(%dma_start3A_938 : memref<10000x64xf32, #tpu.memory_space<hbm>>) target(%dma_start3A_928 : memref<64x64xf32, #tpu.memory_space<vmem>>) offsets(%dma_start3A_931 : memref<64xi32, #tpu.memory_space<vmem>>) semaphore(%arg17 : memref<!tpu.dma_semaphore, #tpu.memory_space<semaphore_mem>>)
    }
    %scan3A_132 = arith.constant 39 : i32
    %dma_wait3A = arith.constant 0 : i32
    %dma_wait3A_133 = arith.constant 0 : i32
    %dma_wait3A_134 = arith.constant 0 : i32
    %dma_wait3A_135 = arith.constant 0 : i32
    %dma_wait3A_136 = tpu.memref_slice %arg7[%dma_wait3A_133, %dma_wait3A_134, %dma_wait3A_135] : memref<8x64x64xf32, #tpu.memory_space<vmem>> -> memref<1x64x64xf32, #tpu.memory_space<vmem>>
    %dma_wait3A_137 = tpu.memref_squeeze %dma_wait3A_136 : memref<1x64x64xf32, #tpu.memory_space<vmem>> -> memref<64x64xf32, #tpu.memory_space<vmem>>
    %dma_wait3A_138 = arith.constant 0 : i32
    %dma_wait3A_139 = tpu.memref_slice %arg8[%dma_wait3A, %dma_wait3A_138] : memref<320x64xi32, #tpu.memory_space<vmem>> -> memref<1x64xi32, #tpu.memory_space<vmem>>
    %dma_wait3A_140 = tpu.memref_squeeze %dma_wait3A_139 : memref<1x64xi32, #tpu.memory_space<vmem>> -> memref<64xi32, #tpu.memory_space<vmem>>
    %dma_wait3A_141 = arith.constant 0 : i32
    %dma_wait3A_142 = arith.constant 0 : i32
    %dma_wait3A_143 = tpu.memref_slice %arg2[%arg0, %dma_wait3A_141, %dma_wait3A_142] : memref<2x10000x64xf32, #tpu.memory_space<hbm>> -> memref<1x10000x64xf32, #tpu.memory_space<hbm>>
    %dma_wait3A_144 = tpu.memref_squeeze %dma_wait3A_143 : memref<1x10000x64xf32, #tpu.memory_space<hbm>> -> memref<10000x64xf32, #tpu.memory_space<hbm>>
    %dma_wait3A_145 = arith.constant 0 : i32
    %dma_wait3A_146 = arith.constant 0 : i32
    %dma_wait3A_147 = tpu.memref_slice %dma_wait3A_144[%dma_wait3A_145, %dma_wait3A_146] : memref<10000x64xf32, #tpu.memory_space<hbm>> -> memref<10000x64xf32, #tpu.memory_space<hbm>>
    tpu.wait_indirect_dma semaphore(%arg10 : memref<!tpu.dma_semaphore, #tpu.memory_space<semaphore_mem>>) src(%dma_wait3A_147 : memref<10000x64xf32, #tpu.memory_space<hbm>>) dst(%dma_wait3A_137 : memref<64x64xf32, #tpu.memory_space<vmem>>)
    %dma_start3A_148 = arith.constant 0 : i32
    %dma_start3A_149 = arith.constant 312 : i32
    %dma_start3A_150 = arith.constant 0 : i32
    %dma_start3A_151 = arith.constant 0 : i32
    %dma_start3A_152 = tpu.memref_slice %arg7[%dma_start3A_148, %dma_start3A_150, %dma_start3A_151] : memref<8x64x64xf32, #tpu.memory_space<vmem>> -> memref<1x64x64xf32, #tpu.memory_space<vmem>>
    %dma_start3A_153 = tpu.memref_squeeze %dma_start3A_152 : memref<1x64x64xf32, #tpu.memory_space<vmem>> -> memref<64x64xf32, #tpu.memory_space<vmem>>
    %dma_start3A_154 = arith.constant 0 : i32
    %dma_start3A_155 = tpu.memref_slice %arg9[%dma_start3A_149, %dma_start3A_154] : memref<320x64xi32, #tpu.memory_space<vmem>> -> memref<1x64xi32, #tpu.memory_space<vmem>>
    %dma_start3A_156 = tpu.memref_squeeze %dma_start3A_155 : memref<1x64xi32, #tpu.memory_space<vmem>> -> memref<64xi32, #tpu.memory_space<vmem>>
    %dma_start3A_157 = arith.constant 0 : i32
    %dma_start3A_158 = arith.constant 0 : i32
    %dma_start3A_159 = tpu.memref_slice %arg6[%dma_start3A_157, %dma_start3A_158] : memref<10112x64xf32, #tpu.memory_space<vmem_shared>> -> memref<10112x64xf32, #tpu.memory_space<vmem_shared>>
    tpu.enqueue_indirect_dma source(%dma_start3A_153 : memref<64x64xf32, #tpu.memory_space<vmem>>) target(%dma_start3A_159 : memref<10112x64xf32, #tpu.memory_space<vmem_shared>>) offsets(%dma_start3A_156 : memref<64xi32, #tpu.memory_space<vmem>>) semaphore(%arg18 : memref<!tpu.dma_semaphore, #tpu.memory_space<semaphore_mem>>) {add = true}
    %dma_wait3A_160 = arith.constant 0 : i32
    %dma_wait3A_161 = arith.constant 1 : i32
    %dma_wait3A_162 = arith.constant 0 : i32
    %dma_wait3A_163 = arith.constant 0 : i32
    %dma_wait3A_164 = tpu.memref_slice %arg7[%dma_wait3A_161, %dma_wait3A_162, %dma_wait3A_163] : memref<8x64x64xf32, #tpu.memory_space<vmem>> -> memref<1x64x64xf32, #tpu.memory_space<vmem>>
    %dma_wait3A_165 = tpu.memref_squeeze %dma_wait3A_164 : memref<1x64x64xf32, #tpu.memory_space<vmem>> -> memref<64x64xf32, #tpu.memory_space<vmem>>
    %dma_wait3A_166 = arith.constant 0 : i32
    %dma_wait3A_167 = tpu.memref_slice %arg8[%dma_wait3A_160, %dma_wait3A_166] : memref<320x64xi32, #tpu.memory_space<vmem>> -> memref<1x64xi32, #tpu.memory_space<vmem>>
    %dma_wait3A_168 = tpu.memref_squeeze %dma_wait3A_167 : memref<1x64xi32, #tpu.memory_space<vmem>> -> memref<64xi32, #tpu.memory_space<vmem>>
    %dma_wait3A_169 = arith.constant 0 : i32
    %dma_wait3A_170 = arith.constant 0 : i32
    %dma_wait3A_171 = tpu.memref_slice %arg2[%arg0, %dma_wait3A_169, %dma_wait3A_170] : memref<2x10000x64xf32, #tpu.memory_space<hbm>> -> memref<1x10000x64xf32, #tpu.memory_space<hbm>>
    %dma_wait3A_172 = tpu.memref_squeeze %dma_wait3A_171 : memref<1x10000x64xf32, #tpu.memory_space<hbm>> -> memref<10000x64xf32, #tpu.memory_space<hbm>>
    %dma_wait3A_173 = arith.constant 0 : i32
    %dma_wait3A_174 = arith.constant 0 : i32
    %dma_wait3A_175 = tpu.memref_slice %dma_wait3A_172[%dma_wait3A_173, %dma_wait3A_174] : memref<10000x64xf32, #tpu.memory_space<hbm>> -> memref<10000x64xf32, #tpu.memory_space<hbm>>
    tpu.wait_indirect_dma semaphore(%arg11 : memref<!tpu.dma_semaphore, #tpu.memory_space<semaphore_mem>>) src(%dma_wait3A_175 : memref<10000x64xf32, #tpu.memory_space<hbm>>) dst(%dma_wait3A_165 : memref<64x64xf32, #tpu.memory_space<vmem>>)
    %dma_start3A_176 = arith.constant 1 : i32
    %dma_start3A_177 = arith.constant 313 : i32
    %dma_start3A_178 = arith.constant 0 : i32
    %dma_start3A_179 = arith.constant 0 : i32
    %dma_start3A_180 = tpu.memref_slice %arg7[%dma_start3A_176, %dma_start3A_178, %dma_start3A_179] : memref<8x64x64xf32, #tpu.memory_space<vmem>> -> memref<1x64x64xf32, #tpu.memory_space<vmem>>
    %dma_start3A_181 = tpu.memref_squeeze %dma_start3A_180 : memref<1x64x64xf32, #tpu.memory_space<vmem>> -> memref<64x64xf32, #tpu.memory_space<vmem>>
    %dma_start3A_182 = arith.constant 0 : i32
    %dma_start3A_183 = tpu.memref_slice %arg9[%dma_start3A_177, %dma_start3A_182] : memref<320x64xi32, #tpu.memory_space<vmem>> -> memref<1x64xi32, #tpu.memory_space<vmem>>
    %dma_start3A_184 = tpu.memref_squeeze %dma_start3A_183 : memref<1x64xi32, #tpu.memory_space<vmem>> -> memref<64xi32, #tpu.memory_space<vmem>>
    %dma_start3A_185 = arith.constant 0 : i32
    %dma_start3A_186 = arith.constant 0 : i32
    %dma_start3A_187 = tpu.memref_slice %arg6[%dma_start3A_185, %dma_start3A_186] : memref<10112x64xf32, #tpu.memory_space<vmem_shared>> -> memref<10112x64xf32, #tpu.memory_space<vmem_shared>>
    tpu.enqueue_indirect_dma source(%dma_start3A_181 : memref<64x64xf32, #tpu.memory_space<vmem>>) target(%dma_start3A_187 : memref<10112x64xf32, #tpu.memory_space<vmem_shared>>) offsets(%dma_start3A_184 : memref<64xi32, #tpu.memory_space<vmem>>) semaphore(%arg19 : memref<!tpu.dma_semaphore, #tpu.memory_space<semaphore_mem>>) {add = true}
    %dma_wait3A_188 = arith.constant 0 : i32
    %dma_wait3A_189 = arith.constant 2 : i32
    %dma_wait3A_190 = arith.constant 0 : i32
    %dma_wait3A_191 = arith.constant 0 : i32
    %dma_wait3A_192 = tpu.memref_slice %arg7[%dma_wait3A_189, %dma_wait3A_190, %dma_wait3A_191] : memref<8x64x64xf32, #tpu.memory_space<vmem>> -> memref<1x64x64xf32, #tpu.memory_space<vmem>>
    %dma_wait3A_193 = tpu.memref_squeeze %dma_wait3A_192 : memref<1x64x64xf32, #tpu.memory_space<vmem>> -> memref<64x64xf32, #tpu.memory_space<vmem>>
    %dma_wait3A_194 = arith.constant 0 : i32
    %dma_wait3A_195 = tpu.memref_slice %arg8[%dma_wait3A_188, %dma_wait3A_194] : memref<320x64xi32, #tpu.memory_space<vmem>> -> memref<1x64xi32, #tpu.memory_space<vmem>>
    %dma_wait3A_196 = tpu.memref_squeeze %dma_wait3A_195 : memref<1x64xi32, #tpu.memory_space<vmem>> -> memref<64xi32, #tpu.memory_space<vmem>>
    %dma_wait3A_197 = arith.constant 0 : i32
    %dma_wait3A_198 = arith.constant 0 : i32
    %dma_wait3A_199 = tpu.memref_slice %arg2[%arg0, %dma_wait3A_197, %dma_wait3A_198] : memref<2x10000x64xf32, #tpu.memory_space<hbm>> -> memref<1x10000x64xf32, #tpu.memory_space<hbm>>
    %dma_wait3A_200 = tpu.memref_squeeze %dma_wait3A_199 : memref<1x10000x64xf32, #tpu.memory_space<hbm>> -> memref<10000x64xf32, #tpu.memory_space<hbm>>
    %dma_wait3A_201 = arith.constant 0 : i32
    %dma_wait3A_202 = arith.constant 0 : i32
    %dma_wait3A_203 = tpu.memref_slice %dma_wait3A_200[%dma_wait3A_201, %dma_wait3A_202] : memref<10000x64xf32, #tpu.memory_space<hbm>> -> memref<10000x64xf32, #tpu.memory_space<hbm>>
    tpu.wait_indirect_dma semaphore(%arg12 : memref<!tpu.dma_semaphore, #tpu.memory_space<semaphore_mem>>) src(%dma_wait3A_203 : memref<10000x64xf32, #tpu.memory_space<hbm>>) dst(%dma_wait3A_193 : memref<64x64xf32, #tpu.memory_space<vmem>>)
    %dma_start3A_204 = arith.constant 2 : i32
    %dma_start3A_205 = arith.constant 314 : i32
    %dma_start3A_206 = arith.constant 0 : i32
    %dma_start3A_207 = arith.constant 0 : i32
    %dma_start3A_208 = tpu.memref_slice %arg7[%dma_start3A_204, %dma_start3A_206, %dma_start3A_207] : memref<8x64x64xf32, #tpu.memory_space<vmem>> -> memref<1x64x64xf32, #tpu.memory_space<vmem>>
    %dma_start3A_209 = tpu.memref_squeeze %dma_start3A_208 : memref<1x64x64xf32, #tpu.memory_space<vmem>> -> memref<64x64xf32, #tpu.memory_space<vmem>>
    %dma_start3A_210 = arith.constant 0 : i32
    %dma_start3A_211 = tpu.memref_slice %arg9[%dma_start3A_205, %dma_start3A_210] : memref<320x64xi32, #tpu.memory_space<vmem>> -> memref<1x64xi32, #tpu.memory_space<vmem>>
    %dma_start3A_212 = tpu.memref_squeeze %dma_start3A_211 : memref<1x64xi32, #tpu.memory_space<vmem>> -> memref<64xi32, #tpu.memory_space<vmem>>
    %dma_start3A_213 = arith.constant 0 : i32
    %dma_start3A_214 = arith.constant 0 : i32
    %dma_start3A_215 = tpu.memref_slice %arg6[%dma_start3A_213, %dma_start3A_214] : memref<10112x64xf32, #tpu.memory_space<vmem_shared>> -> memref<10112x64xf32, #tpu.memory_space<vmem_shared>>
    tpu.enqueue_indirect_dma source(%dma_start3A_209 : memref<64x64xf32, #tpu.memory_space<vmem>>) target(%dma_start3A_215 : memref<10112x64xf32, #tpu.memory_space<vmem_shared>>) offsets(%dma_start3A_212 : memref<64xi32, #tpu.memory_space<vmem>>) semaphore(%arg20 : memref<!tpu.dma_semaphore, #tpu.memory_space<semaphore_mem>>) {add = true}
    %dma_wait3A_216 = arith.constant 0 : i32
    %dma_wait3A_217 = arith.constant 3 : i32
    %dma_wait3A_218 = arith.constant 0 : i32
    %dma_wait3A_219 = arith.constant 0 : i32
    %dma_wait3A_220 = tpu.memref_slice %arg7[%dma_wait3A_217, %dma_wait3A_218, %dma_wait3A_219] : memref<8x64x64xf32, #tpu.memory_space<vmem>> -> memref<1x64x64xf32, #tpu.memory_space<vmem>>
    %dma_wait3A_221 = tpu.memref_squeeze %dma_wait3A_220 : memref<1x64x64xf32, #tpu.memory_space<vmem>> -> memref<64x64xf32, #tpu.memory_space<vmem>>
    %dma_wait3A_222 = arith.constant 0 : i32
    %dma_wait3A_223 = tpu.memref_slice %arg8[%dma_wait3A_216, %dma_wait3A_222] : memref<320x64xi32, #tpu.memory_space<vmem>> -> memref<1x64xi32, #tpu.memory_space<vmem>>
    %dma_wait3A_224 = tpu.memref_squeeze %dma_wait3A_223 : memref<1x64xi32, #tpu.memory_space<vmem>> -> memref<64xi32, #tpu.memory_space<vmem>>
    %dma_wait3A_225 = arith.constant 0 : i32
    %dma_wait3A_226 = arith.constant 0 : i32
    %dma_wait3A_227 = tpu.memref_slice %arg2[%arg0, %dma_wait3A_225, %dma_wait3A_226] : memref<2x10000x64xf32, #tpu.memory_space<hbm>> -> memref<1x10000x64xf32, #tpu.memory_space<hbm>>
    %dma_wait3A_228 = tpu.memref_squeeze %dma_wait3A_227 : memref<1x10000x64xf32, #tpu.memory_space<hbm>> -> memref<10000x64xf32, #tpu.memory_space<hbm>>
    %dma_wait3A_229 = arith.constant 0 : i32
    %dma_wait3A_230 = arith.constant 0 : i32
    %dma_wait3A_231 = tpu.memref_slice %dma_wait3A_228[%dma_wait3A_229, %dma_wait3A_230] : memref<10000x64xf32, #tpu.memory_space<hbm>> -> memref<10000x64xf32, #tpu.memory_space<hbm>>
    tpu.wait_indirect_dma semaphore(%arg13 : memref<!tpu.dma_semaphore, #tpu.memory_space<semaphore_mem>>) src(%dma_wait3A_231 : memref<10000x64xf32, #tpu.memory_space<hbm>>) dst(%dma_wait3A_221 : memref<64x64xf32, #tpu.memory_space<vmem>>)
    %dma_start3A_232 = arith.constant 3 : i32
    %dma_start3A_233 = arith.constant 315 : i32
    %dma_start3A_234 = arith.constant 0 : i32
    %dma_start3A_235 = arith.constant 0 : i32
    %dma_start3A_236 = tpu.memref_slice %arg7[%dma_start3A_232, %dma_start3A_234, %dma_start3A_235] : memref<8x64x64xf32, #tpu.memory_space<vmem>> -> memref<1x64x64xf32, #tpu.memory_space<vmem>>
    %dma_start3A_237 = tpu.memref_squeeze %dma_start3A_236 : memref<1x64x64xf32, #tpu.memory_space<vmem>> -> memref<64x64xf32, #tpu.memory_space<vmem>>
    %dma_start3A_238 = arith.constant 0 : i32
    %dma_start3A_239 = tpu.memref_slice %arg9[%dma_start3A_233, %dma_start3A_238] : memref<320x64xi32, #tpu.memory_space<vmem>> -> memref<1x64xi32, #tpu.memory_space<vmem>>
    %dma_start3A_240 = tpu.memref_squeeze %dma_start3A_239 : memref<1x64xi32, #tpu.memory_space<vmem>> -> memref<64xi32, #tpu.memory_space<vmem>>
    %dma_start3A_241 = arith.constant 0 : i32
    %dma_start3A_242 = arith.constant 0 : i32
    %dma_start3A_243 = tpu.memref_slice %arg6[%dma_start3A_241, %dma_start3A_242] : memref<10112x64xf32, #tpu.memory_space<vmem_shared>> -> memref<10112x64xf32, #tpu.memory_space<vmem_shared>>
    tpu.enqueue_indirect_dma source(%dma_start3A_237 : memref<64x64xf32, #tpu.memory_space<vmem>>) target(%dma_start3A_243 : memref<10112x64xf32, #tpu.memory_space<vmem_shared>>) offsets(%dma_start3A_240 : memref<64xi32, #tpu.memory_space<vmem>>) semaphore(%arg21 : memref<!tpu.dma_semaphore, #tpu.memory_space<semaphore_mem>>) {add = true}
    %dma_wait3A_244 = arith.constant 0 : i32
    %dma_wait3A_245 = arith.constant 4 : i32
    %dma_wait3A_246 = arith.constant 0 : i32
    %dma_wait3A_247 = arith.constant 0 : i32
    %dma_wait3A_248 = tpu.memref_slice %arg7[%dma_wait3A_245, %dma_wait3A_246, %dma_wait3A_247] : memref<8x64x64xf32, #tpu.memory_space<vmem>> -> memref<1x64x64xf32, #tpu.memory_space<vmem>>
    %dma_wait3A_249 = tpu.memref_squeeze %dma_wait3A_248 : memref<1x64x64xf32, #tpu.memory_space<vmem>> -> memref<64x64xf32, #tpu.memory_space<vmem>>
    %dma_wait3A_250 = arith.constant 0 : i32
    %dma_wait3A_251 = tpu.memref_slice %arg8[%dma_wait3A_244, %dma_wait3A_250] : memref<320x64xi32, #tpu.memory_space<vmem>> -> memref<1x64xi32, #tpu.memory_space<vmem>>
    %dma_wait3A_252 = tpu.memref_squeeze %dma_wait3A_251 : memref<1x64xi32, #tpu.memory_space<vmem>> -> memref<64xi32, #tpu.memory_space<vmem>>
    %dma_wait3A_253 = arith.constant 0 : i32
    %dma_wait3A_254 = arith.constant 0 : i32
    %dma_wait3A_255 = tpu.memref_slice %arg2[%arg0, %dma_wait3A_253, %dma_wait3A_254] : memref<2x10000x64xf32, #tpu.memory_space<hbm>> -> memref<1x10000x64xf32, #tpu.memory_space<hbm>>
    %dma_wait3A_256 = tpu.memref_squeeze %dma_wait3A_255 : memref<1x10000x64xf32, #tpu.memory_space<hbm>> -> memref<10000x64xf32, #tpu.memory_space<hbm>>
    %dma_wait3A_257 = arith.constant 0 : i32
    %dma_wait3A_258 = arith.constant 0 : i32
    %dma_wait3A_259 = tpu.memref_slice %dma_wait3A_256[%dma_wait3A_257, %dma_wait3A_258] : memref<10000x64xf32, #tpu.memory_space<hbm>> -> memref<10000x64xf32, #tpu.memory_space<hbm>>
    tpu.wait_indirect_dma semaphore(%arg14 : memref<!tpu.dma_semaphore, #tpu.memory_space<semaphore_mem>>) src(%dma_wait3A_259 : memref<10000x64xf32, #tpu.memory_space<hbm>>) dst(%dma_wait3A_249 : memref<64x64xf32, #tpu.memory_space<vmem>>)
    %dma_start3A_260 = arith.constant 4 : i32
    %dma_start3A_261 = arith.constant 316 : i32
    %dma_start3A_262 = arith.constant 0 : i32
    %dma_start3A_263 = arith.constant 0 : i32
    %dma_start3A_264 = tpu.memref_slice %arg7[%dma_start3A_260, %dma_start3A_262, %dma_start3A_263] : memref<8x64x64xf32, #tpu.memory_space<vmem>> -> memref<1x64x64xf32, #tpu.memory_space<vmem>>
    %dma_start3A_265 = tpu.memref_squeeze %dma_start3A_264 : memref<1x64x64xf32, #tpu.memory_space<vmem>> -> memref<64x64xf32, #tpu.memory_space<vmem>>
    %dma_start3A_266 = arith.constant 0 : i32
    %dma_start3A_267 = tpu.memref_slice %arg9[%dma_start3A_261, %dma_start3A_266] : memref<320x64xi32, #tpu.memory_space<vmem>> -> memref<1x64xi32, #tpu.memory_space<vmem>>
    %dma_start3A_268 = tpu.memref_squeeze %dma_start3A_267 : memref<1x64xi32, #tpu.memory_space<vmem>> -> memref<64xi32, #tpu.memory_space<vmem>>
    %dma_start3A_269 = arith.constant 0 : i32
    %dma_start3A_270 = arith.constant 0 : i32
    %dma_start3A_271 = tpu.memref_slice %arg6[%dma_start3A_269, %dma_start3A_270] : memref<10112x64xf32, #tpu.memory_space<vmem_shared>> -> memref<10112x64xf32, #tpu.memory_space<vmem_shared>>
    tpu.enqueue_indirect_dma source(%dma_start3A_265 : memref<64x64xf32, #tpu.memory_space<vmem>>) target(%dma_start3A_271 : memref<10112x64xf32, #tpu.memory_space<vmem_shared>>) offsets(%dma_start3A_268 : memref<64xi32, #tpu.memory_space<vmem>>) semaphore(%arg22 : memref<!tpu.dma_semaphore, #tpu.memory_space<semaphore_mem>>) {add = true}
    %dma_wait3A_272 = arith.constant 0 : i32
    %dma_wait3A_273 = arith.constant 5 : i32
    %dma_wait3A_274 = arith.constant 0 : i32
    %dma_wait3A_275 = arith.constant 0 : i32
    %dma_wait3A_276 = tpu.memref_slice %arg7[%dma_wait3A_273, %dma_wait3A_274, %dma_wait3A_275] : memref<8x64x64xf32, #tpu.memory_space<vmem>> -> memref<1x64x64xf32, #tpu.memory_space<vmem>>
    %dma_wait3A_277 = tpu.memref_squeeze %dma_wait3A_276 : memref<1x64x64xf32, #tpu.memory_space<vmem>> -> memref<64x64xf32, #tpu.memory_space<vmem>>
    %dma_wait3A_278 = arith.constant 0 : i32
    %dma_wait3A_279 = tpu.memref_slice %arg8[%dma_wait3A_272, %dma_wait3A_278] : memref<320x64xi32, #tpu.memory_space<vmem>> -> memref<1x64xi32, #tpu.memory_space<vmem>>
    %dma_wait3A_280 = tpu.memref_squeeze %dma_wait3A_279 : memref<1x64xi32, #tpu.memory_space<vmem>> -> memref<64xi32, #tpu.memory_space<vmem>>
    %dma_wait3A_281 = arith.constant 0 : i32
    %dma_wait3A_282 = arith.constant 0 : i32
    %dma_wait3A_283 = tpu.memref_slice %arg2[%arg0, %dma_wait3A_281, %dma_wait3A_282] : memref<2x10000x64xf32, #tpu.memory_space<hbm>> -> memref<1x10000x64xf32, #tpu.memory_space<hbm>>
    %dma_wait3A_284 = tpu.memref_squeeze %dma_wait3A_283 : memref<1x10000x64xf32, #tpu.memory_space<hbm>> -> memref<10000x64xf32, #tpu.memory_space<hbm>>
    %dma_wait3A_285 = arith.constant 0 : i32
    %dma_wait3A_286 = arith.constant 0 : i32
    %dma_wait3A_287 = tpu.memref_slice %dma_wait3A_284[%dma_wait3A_285, %dma_wait3A_286] : memref<10000x64xf32, #tpu.memory_space<hbm>> -> memref<10000x64xf32, #tpu.memory_space<hbm>>
    tpu.wait_indirect_dma semaphore(%arg15 : memref<!tpu.dma_semaphore, #tpu.memory_space<semaphore_mem>>) src(%dma_wait3A_287 : memref<10000x64xf32, #tpu.memory_space<hbm>>) dst(%dma_wait3A_277 : memref<64x64xf32, #tpu.memory_space<vmem>>)
    %dma_start3A_288 = arith.constant 5 : i32
    %dma_start3A_289 = arith.constant 317 : i32
    %dma_start3A_290 = arith.constant 0 : i32
    %dma_start3A_291 = arith.constant 0 : i32
    %dma_start3A_292 = tpu.memref_slice %arg7[%dma_start3A_288, %dma_start3A_290, %dma_start3A_291] : memref<8x64x64xf32, #tpu.memory_space<vmem>> -> memref<1x64x64xf32, #tpu.memory_space<vmem>>
    %dma_start3A_293 = tpu.memref_squeeze %dma_start3A_292 : memref<1x64x64xf32, #tpu.memory_space<vmem>> -> memref<64x64xf32, #tpu.memory_space<vmem>>
    %dma_start3A_294 = arith.constant 0 : i32
    %dma_start3A_295 = tpu.memref_slice %arg9[%dma_start3A_289, %dma_start3A_294] : memref<320x64xi32, #tpu.memory_space<vmem>> -> memref<1x64xi32, #tpu.memory_space<vmem>>
    %dma_start3A_296 = tpu.memref_squeeze %dma_start3A_295 : memref<1x64xi32, #tpu.memory_space<vmem>> -> memref<64xi32, #tpu.memory_space<vmem>>
    %dma_start3A_297 = arith.constant 0 : i32
    %dma_start3A_298 = arith.constant 0 : i32
    %dma_start3A_299 = tpu.memref_slice %arg6[%dma_start3A_297, %dma_start3A_298] : memref<10112x64xf32, #tpu.memory_space<vmem_shared>> -> memref<10112x64xf32, #tpu.memory_space<vmem_shared>>
    tpu.enqueue_indirect_dma source(%dma_start3A_293 : memref<64x64xf32, #tpu.memory_space<vmem>>) target(%dma_start3A_299 : memref<10112x64xf32, #tpu.memory_space<vmem_shared>>) offsets(%dma_start3A_296 : memref<64xi32, #tpu.memory_space<vmem>>) semaphore(%arg23 : memref<!tpu.dma_semaphore, #tpu.memory_space<semaphore_mem>>) {add = true}
    %dma_wait3A_300 = arith.constant 0 : i32
    %dma_wait3A_301 = arith.constant 6 : i32
    %dma_wait3A_302 = arith.constant 0 : i32
    %dma_wait3A_303 = arith.constant 0 : i32
    %dma_wait3A_304 = tpu.memref_slice %arg7[%dma_wait3A_301, %dma_wait3A_302, %dma_wait3A_303] : memref<8x64x64xf32, #tpu.memory_space<vmem>> -> memref<1x64x64xf32, #tpu.memory_space<vmem>>
    %dma_wait3A_305 = tpu.memref_squeeze %dma_wait3A_304 : memref<1x64x64xf32, #tpu.memory_space<vmem>> -> memref<64x64xf32, #tpu.memory_space<vmem>>
    %dma_wait3A_306 = arith.constant 0 : i32
    %dma_wait3A_307 = tpu.memref_slice %arg8[%dma_wait3A_300, %dma_wait3A_306] : memref<320x64xi32, #tpu.memory_space<vmem>> -> memref<1x64xi32, #tpu.memory_space<vmem>>
    %dma_wait3A_308 = tpu.memref_squeeze %dma_wait3A_307 : memref<1x64xi32, #tpu.memory_space<vmem>> -> memref<64xi32, #tpu.memory_space<vmem>>
    %dma_wait3A_309 = arith.constant 0 : i32
    %dma_wait3A_310 = arith.constant 0 : i32
    %dma_wait3A_311 = tpu.memref_slice %arg2[%arg0, %dma_wait3A_309, %dma_wait3A_310] : memref<2x10000x64xf32, #tpu.memory_space<hbm>> -> memref<1x10000x64xf32, #tpu.memory_space<hbm>>
    %dma_wait3A_312 = tpu.memref_squeeze %dma_wait3A_311 : memref<1x10000x64xf32, #tpu.memory_space<hbm>> -> memref<10000x64xf32, #tpu.memory_space<hbm>>
    %dma_wait3A_313 = arith.constant 0 : i32
    %dma_wait3A_314 = arith.constant 0 : i32
    %dma_wait3A_315 = tpu.memref_slice %dma_wait3A_312[%dma_wait3A_313, %dma_wait3A_314] : memref<10000x64xf32, #tpu.memory_space<hbm>> -> memref<10000x64xf32, #tpu.memory_space<hbm>>
    tpu.wait_indirect_dma semaphore(%arg16 : memref<!tpu.dma_semaphore, #tpu.memory_space<semaphore_mem>>) src(%dma_wait3A_315 : memref<10000x64xf32, #tpu.memory_space<hbm>>) dst(%dma_wait3A_305 : memref<64x64xf32, #tpu.memory_space<vmem>>)
    %dma_start3A_316 = arith.constant 6 : i32
    %dma_start3A_317 = arith.constant 318 : i32
    %dma_start3A_318 = arith.constant 0 : i32
    %dma_start3A_319 = arith.constant 0 : i32
    %dma_start3A_320 = tpu.memref_slice %arg7[%dma_start3A_316, %dma_start3A_318, %dma_start3A_319] : memref<8x64x64xf32, #tpu.memory_space<vmem>> -> memref<1x64x64xf32, #tpu.memory_space<vmem>>
    %dma_start3A_321 = tpu.memref_squeeze %dma_start3A_320 : memref<1x64x64xf32, #tpu.memory_space<vmem>> -> memref<64x64xf32, #tpu.memory_space<vmem>>
    %dma_start3A_322 = arith.constant 0 : i32
    %dma_start3A_323 = tpu.memref_slice %arg9[%dma_start3A_317, %dma_start3A_322] : memref<320x64xi32, #tpu.memory_space<vmem>> -> memref<1x64xi32, #tpu.memory_space<vmem>>
    %dma_start3A_324 = tpu.memref_squeeze %dma_start3A_323 : memref<1x64xi32, #tpu.memory_space<vmem>> -> memref<64xi32, #tpu.memory_space<vmem>>
    %dma_start3A_325 = arith.constant 0 : i32
    %dma_start3A_326 = arith.constant 0 : i32
    %dma_start3A_327 = tpu.memref_slice %arg6[%dma_start3A_325, %dma_start3A_326] : memref<10112x64xf32, #tpu.memory_space<vmem_shared>> -> memref<10112x64xf32, #tpu.memory_space<vmem_shared>>
    tpu.enqueue_indirect_dma source(%dma_start3A_321 : memref<64x64xf32, #tpu.memory_space<vmem>>) target(%dma_start3A_327 : memref<10112x64xf32, #tpu.memory_space<vmem_shared>>) offsets(%dma_start3A_324 : memref<64xi32, #tpu.memory_space<vmem>>) semaphore(%arg24 : memref<!tpu.dma_semaphore, #tpu.memory_space<semaphore_mem>>) {add = true}
    %dma_wait3A_328 = arith.constant 0 : i32
    %dma_wait3A_329 = arith.constant 7 : i32
    %dma_wait3A_330 = arith.constant 0 : i32
    %dma_wait3A_331 = arith.constant 0 : i32
    %dma_wait3A_332 = tpu.memref_slice %arg7[%dma_wait3A_329, %dma_wait3A_330, %dma_wait3A_331] : memref<8x64x64xf32, #tpu.memory_space<vmem>> -> memref<1x64x64xf32, #tpu.memory_space<vmem>>
    %dma_wait3A_333 = tpu.memref_squeeze %dma_wait3A_332 : memref<1x64x64xf32, #tpu.memory_space<vmem>> -> memref<64x64xf32, #tpu.memory_space<vmem>>
    %dma_wait3A_334 = arith.constant 0 : i32
    %dma_wait3A_335 = tpu.memref_slice %arg8[%dma_wait3A_328, %dma_wait3A_334] : memref<320x64xi32, #tpu.memory_space<vmem>> -> memref<1x64xi32, #tpu.memory_space<vmem>>
    %dma_wait3A_336 = tpu.memref_squeeze %dma_wait3A_335 : memref<1x64xi32, #tpu.memory_space<vmem>> -> memref<64xi32, #tpu.memory_space<vmem>>
    %dma_wait3A_337 = arith.constant 0 : i32
    %dma_wait3A_338 = arith.constant 0 : i32
    %dma_wait3A_339 = tpu.memref_slice %arg2[%arg0, %dma_wait3A_337, %dma_wait3A_338] : memref<2x10000x64xf32, #tpu.memory_space<hbm>> -> memref<1x10000x64xf32, #tpu.memory_space<hbm>>
    %dma_wait3A_340 = tpu.memref_squeeze %dma_wait3A_339 : memref<1x10000x64xf32, #tpu.memory_space<hbm>> -> memref<10000x64xf32, #tpu.memory_space<hbm>>
    %dma_wait3A_341 = arith.constant 0 : i32
    %dma_wait3A_342 = arith.constant 0 : i32
    %dma_wait3A_343 = tpu.memref_slice %dma_wait3A_340[%dma_wait3A_341, %dma_wait3A_342] : memref<10000x64xf32, #tpu.memory_space<hbm>> -> memref<10000x64xf32, #tpu.memory_space<hbm>>
    tpu.wait_indirect_dma semaphore(%arg17 : memref<!tpu.dma_semaphore, #tpu.memory_space<semaphore_mem>>) src(%dma_wait3A_343 : memref<10000x64xf32, #tpu.memory_space<hbm>>) dst(%dma_wait3A_333 : memref<64x64xf32, #tpu.memory_space<vmem>>)
    %dma_start3A_344 = arith.constant 7 : i32
    %dma_start3A_345 = arith.constant 319 : i32
    %dma_start3A_346 = arith.constant 0 : i32
    %dma_start3A_347 = arith.constant 0 : i32
    %dma_start3A_348 = tpu.memref_slice %arg7[%dma_start3A_344, %dma_start3A_346, %dma_start3A_347] : memref<8x64x64xf32, #tpu.memory_space<vmem>> -> memref<1x64x64xf32, #tpu.memory_space<vmem>>
    %dma_start3A_349 = tpu.memref_squeeze %dma_start3A_348 : memref<1x64x64xf32, #tpu.memory_space<vmem>> -> memref<64x64xf32, #tpu.memory_space<vmem>>
    %dma_start3A_350 = arith.constant 0 : i32
    %dma_start3A_351 = tpu.memref_slice %arg9[%dma_start3A_345, %dma_start3A_350] : memref<320x64xi32, #tpu.memory_space<vmem>> -> memref<1x64xi32, #tpu.memory_space<vmem>>
    %dma_start3A_352 = tpu.memref_squeeze %dma_start3A_351 : memref<1x64xi32, #tpu.memory_space<vmem>> -> memref<64xi32, #tpu.memory_space<vmem>>
    %dma_start3A_353 = arith.constant 0 : i32
    %dma_start3A_354 = arith.constant 0 : i32
    %dma_start3A_355 = tpu.memref_slice %arg6[%dma_start3A_353, %dma_start3A_354] : memref<10112x64xf32, #tpu.memory_space<vmem_shared>> -> memref<10112x64xf32, #tpu.memory_space<vmem_shared>>
    tpu.enqueue_indirect_dma source(%dma_start3A_349 : memref<64x64xf32, #tpu.memory_space<vmem>>) target(%dma_start3A_355 : memref<10112x64xf32, #tpu.memory_space<vmem_shared>>) offsets(%dma_start3A_352 : memref<64xi32, #tpu.memory_space<vmem>>) semaphore(%arg25 : memref<!tpu.dma_semaphore, #tpu.memory_space<semaphore_mem>>) {add = true}
    %dma_wait3A_356 = arith.constant 0 : i32
    %dma_wait3A_357 = arith.constant 0 : i32
    %dma_wait3A_358 = arith.constant 0 : i32
    %dma_wait3A_359 = arith.constant 0 : i32
    %dma_wait3A_360 = tpu.memref_slice %arg7[%dma_wait3A_356, %dma_wait3A_358, %dma_wait3A_359] : memref<8x64x64xf32, #tpu.memory_space<vmem>> -> memref<1x64x64xf32, #tpu.memory_space<vmem>>
    %dma_wait3A_361 = tpu.memref_squeeze %dma_wait3A_360 : memref<1x64x64xf32, #tpu.memory_space<vmem>> -> memref<64x64xf32, #tpu.memory_space<vmem>>
    %dma_wait3A_362 = arith.constant 0 : i32
    %dma_wait3A_363 = tpu.memref_slice %arg9[%dma_wait3A_357, %dma_wait3A_362] : memref<320x64xi32, #tpu.memory_space<vmem>> -> memref<1x64xi32, #tpu.memory_space<vmem>>
    %dma_wait3A_364 = tpu.memref_squeeze %dma_wait3A_363 : memref<1x64xi32, #tpu.memory_space<vmem>> -> memref<64xi32, #tpu.memory_space<vmem>>
    %dma_wait3A_365 = arith.constant 0 : i32
    %dma_wait3A_366 = arith.constant 0 : i32
    %dma_wait3A_367 = tpu.memref_slice %arg6[%dma_wait3A_365, %dma_wait3A_366] : memref<10112x64xf32, #tpu.memory_space<vmem_shared>> -> memref<10112x64xf32, #tpu.memory_space<vmem_shared>>
    tpu.wait_indirect_dma semaphore(%arg18 : memref<!tpu.dma_semaphore, #tpu.memory_space<semaphore_mem>>) src(%dma_wait3A_361 : memref<64x64xf32, #tpu.memory_space<vmem>>) dst(%dma_wait3A_367 : memref<10112x64xf32, #tpu.memory_space<vmem_shared>>)
    %dma_wait3A_368 = arith.constant 1 : i32
    %dma_wait3A_369 = arith.constant 0 : i32
    %dma_wait3A_370 = arith.constant 0 : i32
    %dma_wait3A_371 = arith.constant 0 : i32
    %dma_wait3A_372 = tpu.memref_slice %arg7[%dma_wait3A_368, %dma_wait3A_370, %dma_wait3A_371] : memref<8x64x64xf32, #tpu.memory_space<vmem>> -> memref<1x64x64xf32, #tpu.memory_space<vmem>>
    %dma_wait3A_373 = tpu.memref_squeeze %dma_wait3A_372 : memref<1x64x64xf32, #tpu.memory_space<vmem>> -> memref<64x64xf32, #tpu.memory_space<vmem>>
    %dma_wait3A_374 = arith.constant 0 : i32
    %dma_wait3A_375 = tpu.memref_slice %arg9[%dma_wait3A_369, %dma_wait3A_374] : memref<320x64xi32, #tpu.memory_space<vmem>> -> memref<1x64xi32, #tpu.memory_space<vmem>>
    %dma_wait3A_376 = tpu.memref_squeeze %dma_wait3A_375 : memref<1x64xi32, #tpu.memory_space<vmem>> -> memref<64xi32, #tpu.memory_space<vmem>>
    %dma_wait3A_377 = arith.constant 0 : i32
    %dma_wait3A_378 = arith.constant 0 : i32
    %dma_wait3A_379 = tpu.memref_slice %arg6[%dma_wait3A_377, %dma_wait3A_378] : memref<10112x64xf32, #tpu.memory_space<vmem_shared>> -> memref<10112x64xf32, #tpu.memory_space<vmem_shared>>
    tpu.wait_indirect_dma semaphore(%arg19 : memref<!tpu.dma_semaphore, #tpu.memory_space<semaphore_mem>>) src(%dma_wait3A_373 : memref<64x64xf32, #tpu.memory_space<vmem>>) dst(%dma_wait3A_379 : memref<10112x64xf32, #tpu.memory_space<vmem_shared>>)
    %dma_wait3A_380 = arith.constant 2 : i32
    %dma_wait3A_381 = arith.constant 0 : i32
    %dma_wait3A_382 = arith.constant 0 : i32
    %dma_wait3A_383 = arith.constant 0 : i32
    %dma_wait3A_384 = tpu.memref_slice %arg7[%dma_wait3A_380, %dma_wait3A_382, %dma_wait3A_383] : memref<8x64x64xf32, #tpu.memory_space<vmem>> -> memref<1x64x64xf32, #tpu.memory_space<vmem>>
    %dma_wait3A_385 = tpu.memref_squeeze %dma_wait3A_384 : memref<1x64x64xf32, #tpu.memory_space<vmem>> -> memref<64x64xf32, #tpu.memory_space<vmem>>
    %dma_wait3A_386 = arith.constant 0 : i32
    %dma_wait3A_387 = tpu.memref_slice %arg9[%dma_wait3A_381, %dma_wait3A_386] : memref<320x64xi32, #tpu.memory_space<vmem>> -> memref<1x64xi32, #tpu.memory_space<vmem>>
    %dma_wait3A_388 = tpu.memref_squeeze %dma_wait3A_387 : memref<1x64xi32, #tpu.memory_space<vmem>> -> memref<64xi32, #tpu.memory_space<vmem>>
    %dma_wait3A_389 = arith.constant 0 : i32
    %dma_wait3A_390 = arith.constant 0 : i32
    %dma_wait3A_391 = tpu.memref_slice %arg6[%dma_wait3A_389, %dma_wait3A_390] : memref<10112x64xf32, #tpu.memory_space<vmem_shared>> -> memref<10112x64xf32, #tpu.memory_space<vmem_shared>>
    tpu.wait_indirect_dma semaphore(%arg20 : memref<!tpu.dma_semaphore, #tpu.memory_space<semaphore_mem>>) src(%dma_wait3A_385 : memref<64x64xf32, #tpu.memory_space<vmem>>) dst(%dma_wait3A_391 : memref<10112x64xf32, #tpu.memory_space<vmem_shared>>)
    %dma_wait3A_392 = arith.constant 3 : i32
    %dma_wait3A_393 = arith.constant 0 : i32
    %dma_wait3A_394 = arith.constant 0 : i32
    %dma_wait3A_395 = arith.constant 0 : i32
    %dma_wait3A_396 = tpu.memref_slice %arg7[%dma_wait3A_392, %dma_wait3A_394, %dma_wait3A_395] : memref<8x64x64xf32, #tpu.memory_space<vmem>> -> memref<1x64x64xf32, #tpu.memory_space<vmem>>
    %dma_wait3A_397 = tpu.memref_squeeze %dma_wait3A_396 : memref<1x64x64xf32, #tpu.memory_space<vmem>> -> memref<64x64xf32, #tpu.memory_space<vmem>>
    %dma_wait3A_398 = arith.constant 0 : i32
    %dma_wait3A_399 = tpu.memref_slice %arg9[%dma_wait3A_393, %dma_wait3A_398] : memref<320x64xi32, #tpu.memory_space<vmem>> -> memref<1x64xi32, #tpu.memory_space<vmem>>
    %dma_wait3A_400 = tpu.memref_squeeze %dma_wait3A_399 : memref<1x64xi32, #tpu.memory_space<vmem>> -> memref<64xi32, #tpu.memory_space<vmem>>
    %dma_wait3A_401 = arith.constant 0 : i32
    %dma_wait3A_402 = arith.constant 0 : i32
    %dma_wait3A_403 = tpu.memref_slice %arg6[%dma_wait3A_401, %dma_wait3A_402] : memref<10112x64xf32, #tpu.memory_space<vmem_shared>> -> memref<10112x64xf32, #tpu.memory_space<vmem_shared>>
    tpu.wait_indirect_dma semaphore(%arg21 : memref<!tpu.dma_semaphore, #tpu.memory_space<semaphore_mem>>) src(%dma_wait3A_397 : memref<64x64xf32, #tpu.memory_space<vmem>>) dst(%dma_wait3A_403 : memref<10112x64xf32, #tpu.memory_space<vmem_shared>>)
    %dma_wait3A_404 = arith.constant 4 : i32
    %dma_wait3A_405 = arith.constant 0 : i32
    %dma_wait3A_406 = arith.constant 0 : i32
    %dma_wait3A_407 = arith.constant 0 : i32
    %dma_wait3A_408 = tpu.memref_slice %arg7[%dma_wait3A_404, %dma_wait3A_406, %dma_wait3A_407] : memref<8x64x64xf32, #tpu.memory_space<vmem>> -> memref<1x64x64xf32, #tpu.memory_space<vmem>>
    %dma_wait3A_409 = tpu.memref_squeeze %dma_wait3A_408 : memref<1x64x64xf32, #tpu.memory_space<vmem>> -> memref<64x64xf32, #tpu.memory_space<vmem>>
    %dma_wait3A_410 = arith.constant 0 : i32
    %dma_wait3A_411 = tpu.memref_slice %arg9[%dma_wait3A_405, %dma_wait3A_410] : memref<320x64xi32, #tpu.memory_space<vmem>> -> memref<1x64xi32, #tpu.memory_space<vmem>>
    %dma_wait3A_412 = tpu.memref_squeeze %dma_wait3A_411 : memref<1x64xi32, #tpu.memory_space<vmem>> -> memref<64xi32, #tpu.memory_space<vmem>>
    %dma_wait3A_413 = arith.constant 0 : i32
    %dma_wait3A_414 = arith.constant 0 : i32
    %dma_wait3A_415 = tpu.memref_slice %arg6[%dma_wait3A_413, %dma_wait3A_414] : memref<10112x64xf32, #tpu.memory_space<vmem_shared>> -> memref<10112x64xf32, #tpu.memory_space<vmem_shared>>
    tpu.wait_indirect_dma semaphore(%arg22 : memref<!tpu.dma_semaphore, #tpu.memory_space<semaphore_mem>>) src(%dma_wait3A_409 : memref<64x64xf32, #tpu.memory_space<vmem>>) dst(%dma_wait3A_415 : memref<10112x64xf32, #tpu.memory_space<vmem_shared>>)
    %dma_wait3A_416 = arith.constant 5 : i32
    %dma_wait3A_417 = arith.constant 0 : i32
    %dma_wait3A_418 = arith.constant 0 : i32
    %dma_wait3A_419 = arith.constant 0 : i32
    %dma_wait3A_420 = tpu.memref_slice %arg7[%dma_wait3A_416, %dma_wait3A_418, %dma_wait3A_419] : memref<8x64x64xf32, #tpu.memory_space<vmem>> -> memref<1x64x64xf32, #tpu.memory_space<vmem>>
    %dma_wait3A_421 = tpu.memref_squeeze %dma_wait3A_420 : memref<1x64x64xf32, #tpu.memory_space<vmem>> -> memref<64x64xf32, #tpu.memory_space<vmem>>
    %dma_wait3A_422 = arith.constant 0 : i32
    %dma_wait3A_423 = tpu.memref_slice %arg9[%dma_wait3A_417, %dma_wait3A_422] : memref<320x64xi32, #tpu.memory_space<vmem>> -> memref<1x64xi32, #tpu.memory_space<vmem>>
    %dma_wait3A_424 = tpu.memref_squeeze %dma_wait3A_423 : memref<1x64xi32, #tpu.memory_space<vmem>> -> memref<64xi32, #tpu.memory_space<vmem>>
    %dma_wait3A_425 = arith.constant 0 : i32
    %dma_wait3A_426 = arith.constant 0 : i32
    %dma_wait3A_427 = tpu.memref_slice %arg6[%dma_wait3A_425, %dma_wait3A_426] : memref<10112x64xf32, #tpu.memory_space<vmem_shared>> -> memref<10112x64xf32, #tpu.memory_space<vmem_shared>>
    tpu.wait_indirect_dma semaphore(%arg23 : memref<!tpu.dma_semaphore, #tpu.memory_space<semaphore_mem>>) src(%dma_wait3A_421 : memref<64x64xf32, #tpu.memory_space<vmem>>) dst(%dma_wait3A_427 : memref<10112x64xf32, #tpu.memory_space<vmem_shared>>)
    %dma_wait3A_428 = arith.constant 6 : i32
    %dma_wait3A_429 = arith.constant 0 : i32
    %dma_wait3A_430 = arith.constant 0 : i32
    %dma_wait3A_431 = arith.constant 0 : i32
    %dma_wait3A_432 = tpu.memref_slice %arg7[%dma_wait3A_428, %dma_wait3A_430, %dma_wait3A_431] : memref<8x64x64xf32, #tpu.memory_space<vmem>> -> memref<1x64x64xf32, #tpu.memory_space<vmem>>
    %dma_wait3A_433 = tpu.memref_squeeze %dma_wait3A_432 : memref<1x64x64xf32, #tpu.memory_space<vmem>> -> memref<64x64xf32, #tpu.memory_space<vmem>>
    %dma_wait3A_434 = arith.constant 0 : i32
    %dma_wait3A_435 = tpu.memref_slice %arg9[%dma_wait3A_429, %dma_wait3A_434] : memref<320x64xi32, #tpu.memory_space<vmem>> -> memref<1x64xi32, #tpu.memory_space<vmem>>
    %dma_wait3A_436 = tpu.memref_squeeze %dma_wait3A_435 : memref<1x64xi32, #tpu.memory_space<vmem>> -> memref<64xi32, #tpu.memory_space<vmem>>
    %dma_wait3A_437 = arith.constant 0 : i32
    %dma_wait3A_438 = arith.constant 0 : i32
    %dma_wait3A_439 = tpu.memref_slice %arg6[%dma_wait3A_437, %dma_wait3A_438] : memref<10112x64xf32, #tpu.memory_space<vmem_shared>> -> memref<10112x64xf32, #tpu.memory_space<vmem_shared>>
    tpu.wait_indirect_dma semaphore(%arg24 : memref<!tpu.dma_semaphore, #tpu.memory_space<semaphore_mem>>) src(%dma_wait3A_433 : memref<64x64xf32, #tpu.memory_space<vmem>>) dst(%dma_wait3A_439 : memref<10112x64xf32, #tpu.memory_space<vmem_shared>>)
    %dma_wait3A_440 = arith.constant 7 : i32
    %dma_wait3A_441 = arith.constant 0 : i32
    %dma_wait3A_442 = arith.constant 0 : i32
    %dma_wait3A_443 = arith.constant 0 : i32
    %dma_wait3A_444 = tpu.memref_slice %arg7[%dma_wait3A_440, %dma_wait3A_442, %dma_wait3A_443] : memref<8x64x64xf32, #tpu.memory_space<vmem>> -> memref<1x64x64xf32, #tpu.memory_space<vmem>>
    %dma_wait3A_445 = tpu.memref_squeeze %dma_wait3A_444 : memref<1x64x64xf32, #tpu.memory_space<vmem>> -> memref<64x64xf32, #tpu.memory_space<vmem>>
    %dma_wait3A_446 = arith.constant 0 : i32
    %dma_wait3A_447 = tpu.memref_slice %arg9[%dma_wait3A_441, %dma_wait3A_446] : memref<320x64xi32, #tpu.memory_space<vmem>> -> memref<1x64xi32, #tpu.memory_space<vmem>>
    %dma_wait3A_448 = tpu.memref_squeeze %dma_wait3A_447 : memref<1x64xi32, #tpu.memory_space<vmem>> -> memref<64xi32, #tpu.memory_space<vmem>>
    %dma_wait3A_449 = arith.constant 0 : i32
    %dma_wait3A_450 = arith.constant 0 : i32
    %dma_wait3A_451 = tpu.memref_slice %arg6[%dma_wait3A_449, %dma_wait3A_450] : memref<10112x64xf32, #tpu.memory_space<vmem_shared>> -> memref<10112x64xf32, #tpu.memory_space<vmem_shared>>
    tpu.wait_indirect_dma semaphore(%arg25 : memref<!tpu.dma_semaphore, #tpu.memory_space<semaphore_mem>>) src(%dma_wait3A_445 : memref<64x64xf32, #tpu.memory_space<vmem>>) dst(%dma_wait3A_451 : memref<10112x64xf32, #tpu.memory_space<vmem_shared>>)
    %barrier3A_452 = arith.constant 0 : index
    tpu.barrier barrier_id(%barrier3A_452)
    %mul3A_453 = arith.constant 632 : i32
    %mul3A_454 = arith.muli %arg1, %mul3A_453 : i32
    %mul3A_455 = arith.constant 64 : i32
    %mul3A_456 = arith.muli %arg0, %mul3A_455 : i32
    "tpu.region"() ({
      %run_scoped3A_457 = tpu.sem_alloc : memref<!tpu.dma_semaphore, #tpu.memory_space<semaphore_mem>>
      %dma_start3A_458 = tpu.memref_slice %arg5[%mul3A_454, %mul3A_456] : memref<10112x128xf32, #tpu.memory_space<hbm>> -> memref<632x64xf32, #tpu.memory_space<hbm>>
      %dma_start3A_459 = arith.constant 0 : i32
      %dma_start3A_460 = tpu.memref_slice %arg6[%mul3A_454, %dma_start3A_459] : memref<10112x64xf32, #tpu.memory_space<vmem_shared>> -> memref<632x64xf32, #tpu.memory_space<vmem_shared>>
      tpu.enqueue_dma source(%dma_start3A_460 : memref<632x64xf32, #tpu.memory_space<vmem_shared>>) target(%dma_start3A_458 : memref<632x64xf32, #tpu.memory_space<hbm>>) target_semaphore(%run_scoped3A_457 : memref<!tpu.dma_semaphore, #tpu.memory_space<semaphore_mem>>)
      %dma_wait3A_461 = tpu.memref_slice %arg5[%mul3A_454, %mul3A_456] : memref<10112x128xf32, #tpu.memory_space<hbm>> -> memref<632x64xf32, #tpu.memory_space<hbm>>
      %dma_wait3A_462 = arith.constant 0 : i32
      %dma_wait3A_463 = tpu.memref_slice %arg6[%mul3A_454, %dma_wait3A_462] : memref<10112x64xf32, #tpu.memory_space<vmem_shared>> -> memref<632x64xf32, #tpu.memory_space<vmem_shared>>
      tpu.wait_dma2 semaphore(%run_scoped3A_457 : memref<!tpu.dma_semaphore, #tpu.memory_space<semaphore_mem>>) src(%dma_wait3A_463 : memref<632x64xf32, #tpu.memory_space<vmem_shared>>) dst(%dma_wait3A_461 : memref<632x64xf32, #tpu.memory_space<hbm>>)
      tpu.yield
    }) : () -> ()
    return
  }
}

#map = affine_map<(d0, d1) -> (0, 0, 0)>
#map1 = affine_map<(d0, d1) -> (0, 0, 0, 0)>
#map2 = affine_map<(d0, d1) -> (0, 0)>
module attributes {stable_mosaic.version = 14 : i64} {
  func.func @mp_kernel(%arg0: i32, %arg1: i32, %arg2: memref<2x10000x64xf32, #tpu.memory_space<hbm>>, %arg3: memref<2x16x320x64xi32, #tpu.memory_space<hbm>>, %arg4: memref<10112x64xf32, #tpu.memory_space<hbm>>, %arg5: memref<10112x128xf32, #tpu.memory_space<hbm>>, %arg6: memref<10112x64xf32, #tpu.memory_space<vmem_shared>>, %arg7: memref<8x64x64xf32, #tpu.memory_space<vmem>>, %arg8: memref<320x64xi32, #tpu.memory_space<vmem>>, %arg9: memref<320x64xi32, #tpu.memory_space<vmem>>, %arg10: memref<!tpu.dma_semaphore, #tpu.memory_space<semaphore_mem>>, %arg11: memref<!tpu.dma_semaphore, #tpu.memory_space<semaphore_mem>>, %arg12: memref<!tpu.dma_semaphore, #tpu.memory_space<semaphore_mem>>, %arg13: memref<!tpu.dma_semaphore, #tpu.memory_space<semaphore_mem>>, %arg14: memref<!tpu.dma_semaphore, #tpu.memory_space<semaphore_mem>>, %arg15: memref<!tpu.dma_semaphore, #tpu.memory_space<semaphore_mem>>, %arg16: memref<!tpu.dma_semaphore, #tpu.memory_space<semaphore_mem>>, %arg17: memref<!tpu.dma_semaphore, #tpu.memory_space<semaphore_mem>>, %arg18: memref<!tpu.dma_semaphore, #tpu.memory_space<semaphore_mem>>, %arg19: memref<!tpu.dma_semaphore, #tpu.memory_space<semaphore_mem>>, %arg20: memref<!tpu.dma_semaphore, #tpu.memory_space<semaphore_mem>>, %arg21: memref<!tpu.dma_semaphore, #tpu.memory_space<semaphore_mem>>, %arg22: memref<!tpu.dma_semaphore, #tpu.memory_space<semaphore_mem>>, %arg23: memref<!tpu.dma_semaphore, #tpu.memory_space<semaphore_mem>>, %arg24: memref<!tpu.dma_semaphore, #tpu.memory_space<semaphore_mem>>, %arg25: memref<!tpu.dma_semaphore, #tpu.memory_space<semaphore_mem>>) attributes {dimension_semantics = [#tpu.dimension_semantics<core_parallel>, #tpu.dimension_semantics<subcore_parallel>], iteration_bounds = array<i64: 2, 16>, scalar_prefetch = 0 : i64, scratch_operands = 20 : i64, tpu.core_type = #tpu.core_type<sc_vector_subcore>, window_params = [{transform_indices = #map}, {transform_indices = #map1}, {transform_indices = #map2}, {transform_indices = #map2}]} {
    %run_scoped3A = arith.constant 0 : i32
    "tpu.region"() ({
      %run_scoped3A_457 = tpu.sem_alloc : memref<!tpu.dma_semaphore, #tpu.memory_space<semaphore_mem>>
      %dma_start3A_458 = arith.constant 0 : i32
      %dma_start3A_459 = arith.constant 0 : i32
      %dma_start3A_460 = tpu.memref_slice %arg3[%run_scoped3A, %arg1, %dma_start3A_458, %dma_start3A_459] : memref<2x16x320x64xi32, #tpu.memory_space<hbm>> -> memref<1x1x320x64xi32, #tpu.memory_space<hbm>>
      %dma_start3A_461 = tpu.memref_squeeze %dma_start3A_460 : memref<1x1x320x64xi32, #tpu.memory_space<hbm>> -> memref<320x64xi32, #tpu.memory_space<hbm>>
      %dma_start3A_462 = arith.constant 0 : i32
      %dma_start3A_463 = arith.constant 0 : i32
      %dma_start3A_464 = tpu.memref_slice %arg3[%run_scoped3A, %arg1, %dma_start3A_462, %dma_start3A_463] : memref<2x16x320x64xi32, #tpu.memory_space<hbm>> -> memref<1x1x320x64xi32, #tpu.memory_space<hbm>>
      %dma_start3A_465 = tpu.memref_squeeze %dma_start3A_464 : memref<1x1x320x64xi32, #tpu.memory_space<hbm>> -> memref<320x64xi32, #tpu.memory_space<hbm>>
      tpu.enqueue_dma source(%dma_start3A_465 : memref<320x64xi32, #tpu.memory_space<hbm>>) target(%arg8 : memref<320x64xi32, #tpu.memory_space<vmem>>) target_semaphore(%run_scoped3A_457 : memref<!tpu.dma_semaphore, #tpu.memory_space<semaphore_mem>>)
      %dma_wait3A_466 = arith.constant 0 : i32
      %dma_wait3A_467 = arith.constant 0 : i32
      %dma_wait3A_468 = tpu.memref_slice %arg3[%run_scoped3A, %arg1, %dma_wait3A_466, %dma_wait3A_467] : memref<2x16x320x64xi32, #tpu.memory_space<hbm>> -> memref<1x1x320x64xi32, #tpu.memory_space<hbm>>
      %dma_wait3A_469 = tpu.memref_squeeze %dma_wait3A_468 : memref<1x1x320x64xi32, #tpu.memory_space<hbm>> -> memref<320x64xi32, #tpu.memory_space<hbm>>
      %dma_wait3A_470 = arith.constant 0 : i32
      %dma_wait3A_471 = arith.constant 0 : i32
      %dma_wait3A_472 = tpu.memref_slice %arg3[%run_scoped3A, %arg1, %dma_wait3A_470, %dma_wait3A_471] : memref<2x16x320x64xi32, #tpu.memory_space<hbm>> -> memref<1x1x320x64xi32, #tpu.memory_space<hbm>>
      %dma_wait3A_473 = tpu.memref_squeeze %dma_wait3A_472 : memref<1x1x320x64xi32, #tpu.memory_space<hbm>> -> memref<320x64xi32, #tpu.memory_space<hbm>>
      tpu.wait_dma2 semaphore(%run_scoped3A_457 : memref<!tpu.dma_semaphore, #tpu.memory_space<semaphore_mem>>) src(%dma_wait3A_473 : memref<320x64xi32, #tpu.memory_space<hbm>>) dst(%arg8 : memref<320x64xi32, #tpu.memory_space<vmem>>)
      tpu.yield
    }) : () -> ()
    %run_scoped3A_0 = arith.constant 1 : i32
    "tpu.region"() ({
      %run_scoped3A_457 = tpu.sem_alloc : memref<!tpu.dma_semaphore, #tpu.memory_space<semaphore_mem>>
      %dma_start3A_458 = arith.constant 0 : i32
      %dma_start3A_459 = arith.constant 0 : i32
      %dma_start3A_460 = tpu.memref_slice %arg3[%run_scoped3A_0, %arg1, %dma_start3A_458, %dma_start3A_459] : memref<2x16x320x64xi32, #tpu.memory_space<hbm>> -> memref<1x1x320x64xi32, #tpu.memory_space<hbm>>
      %dma_start3A_461 = tpu.memref_squeeze %dma_start3A_460 : memref<1x1x320x64xi32, #tpu.memory_space<hbm>> -> memref<320x64xi32, #tpu.memory_space<hbm>>
      %dma_start3A_462 = arith.constant 0 : i32
      %dma_start3A_463 = arith.constant 0 : i32
      %dma_start3A_464 = tpu.memref_slice %arg3[%run_scoped3A_0, %arg1, %dma_start3A_462, %dma_start3A_463] : memref<2x16x320x64xi32, #tpu.memory_space<hbm>> -> memref<1x1x320x64xi32, #tpu.memory_space<hbm>>
      %dma_start3A_465 = tpu.memref_squeeze %dma_start3A_464 : memref<1x1x320x64xi32, #tpu.memory_space<hbm>> -> memref<320x64xi32, #tpu.memory_space<hbm>>
      tpu.enqueue_dma source(%dma_start3A_465 : memref<320x64xi32, #tpu.memory_space<hbm>>) target(%arg9 : memref<320x64xi32, #tpu.memory_space<vmem>>) target_semaphore(%run_scoped3A_457 : memref<!tpu.dma_semaphore, #tpu.memory_space<semaphore_mem>>)
      %dma_wait3A_466 = arith.constant 0 : i32
      %dma_wait3A_467 = arith.constant 0 : i32
      %dma_wait3A_468 = tpu.memref_slice %arg3[%run_scoped3A_0, %arg1, %dma_wait3A_466, %dma_wait3A_467] : memref<2x16x320x64xi32, #tpu.memory_space<hbm>> -> memref<1x1x320x64xi32, #tpu.memory_space<hbm>>
      %dma_wait3A_469 = tpu.memref_squeeze %dma_wait3A_468 : memref<1x1x320x64xi32, #tpu.memory_space<hbm>> -> memref<320x64xi32, #tpu.memory_space<hbm>>
      %dma_wait3A_470 = arith.constant 0 : i32
      %dma_wait3A_471 = arith.constant 0 : i32
      %dma_wait3A_472 = tpu.memref_slice %arg3[%run_scoped3A_0, %arg1, %dma_wait3A_470, %dma_wait3A_471] : memref<2x16x320x64xi32, #tpu.memory_space<hbm>> -> memref<1x1x320x64xi32, #tpu.memory_space<hbm>>
      %dma_wait3A_473 = tpu.memref_squeeze %dma_wait3A_472 : memref<1x1x320x64xi32, #tpu.memory_space<hbm>> -> memref<320x64xi32, #tpu.memory_space<hbm>>
      tpu.wait_dma2 semaphore(%run_scoped3A_457 : memref<!tpu.dma_semaphore, #tpu.memory_space<semaphore_mem>>) src(%dma_wait3A_473 : memref<320x64xi32, #tpu.memory_space<hbm>>) dst(%arg9 : memref<320x64xi32, #tpu.memory_space<vmem>>)
      tpu.yield
    }) : () -> ()
    %mul3A = arith.constant 632 : i32
    %mul3A_1 = arith.muli %arg1, %mul3A : i32
    "tpu.region"() ({
      %run_scoped3A_457 = tpu.sem_alloc : memref<!tpu.dma_semaphore, #tpu.memory_space<semaphore_mem>>
      %dma_start3A_458 = arith.constant 0 : i32
      %dma_start3A_459 = tpu.memref_slice %arg6[%mul3A_1, %dma_start3A_458] : memref<10112x64xf32, #tpu.memory_space<vmem_shared>> -> memref<632x64xf32, #tpu.memory_space<vmem_shared>>
      %dma_start3A_460 = arith.constant 0 : i32
      %dma_start3A_461 = tpu.memref_slice %arg4[%mul3A_1, %dma_start3A_460] : memref<10112x64xf32, #tpu.memory_space<hbm>> -> memref<632x64xf32, #tpu.memory_space<hbm>>
      tpu.enqueue_dma source(%dma_start3A_461 : memref<632x64xf32, #tpu.memory_space<hbm>>) target(%dma_start3A_459 : memref<632x64xf32, #tpu.memory_space<vmem_shared>>) target_semaphore(%run_scoped3A_457 : memref<!tpu.dma_semaphore, #tpu.memory_space<semaphore_mem>>)
      %dma_wait3A_462 = arith.constant 0 : i32
      %dma_wait3A_463 = tpu.memref_slice %arg6[%mul3A_1, %dma_wait3A_462] : memref<10112x64xf32, #tpu.memory_space<vmem_shared>> -> memref<632x64xf32, #tpu.memory_space<vmem_shared>>
      %dma_wait3A_464 = arith.constant 0 : i32
      %dma_wait3A_465 = tpu.memref_slice %arg4[%mul3A_1, %dma_wait3A_464] : memref<10112x64xf32, #tpu.memory_space<hbm>> -> memref<632x64xf32, #tpu.memory_space<hbm>>
      tpu.wait_dma2 semaphore(%run_scoped3A_457 : memref<!tpu.dma_semaphore, #tpu.memory_space<semaphore_mem>>) src(%dma_wait3A_465 : memref<632x64xf32, #tpu.memory_space<hbm>>) dst(%dma_wait3A_463 : memref<632x64xf32, #tpu.memory_space<vmem_shared>>)
      tpu.yield
    }) : () -> ()
    %barrier3A = arith.constant 0 : index
    tpu.barrier barrier_id(%barrier3A)
    %dma_start3A = arith.constant 0 : i32
    %dma_start3A_2 = arith.constant 0 : i32
    %dma_start3A_3 = arith.constant 0 : i32
    %dma_start3A_4 = arith.constant 0 : i32
    %dma_start3A_5 = tpu.memref_slice %arg7[%dma_start3A_2, %dma_start3A_3, %dma_start3A_4] : memref<8x64x64xf32, #tpu.memory_space<vmem>> -> memref<1x64x64xf32, #tpu.memory_space<vmem>>
    %dma_start3A_6 = tpu.memref_squeeze %dma_start3A_5 : memref<1x64x64xf32, #tpu.memory_space<vmem>> -> memref<64x64xf32, #tpu.memory_space<vmem>>
    %dma_start3A_7 = arith.constant 0 : i32
    %dma_start3A_8 = tpu.memref_slice %arg8[%dma_start3A, %dma_start3A_7] : memref<320x64xi32, #tpu.memory_space<vmem>> -> memref<1x64xi32, #tpu.memory_space<vmem>>
    %dma_start3A_9 = tpu.memref_squeeze %dma_start3A_8 : memref<1x64xi32, #tpu.memory_space<vmem>> -> memref<64xi32, #tpu.memory_space<vmem>>
    %dma_start3A_10 = arith.constant 0 : i32
    %dma_start3A_11 = arith.constant 0 : i32
    %dma_start3A_12 = tpu.memref_slice %arg2[%arg0, %dma_start3A_10, %dma_start3A_11] : memref<2x10000x64xf32, #tpu.memory_space<hbm>> -> memref<1x10000x64xf32, #tpu.memory_space<hbm>>
    %dma_start3A_13 = tpu.memref_squeeze %dma_start3A_12 : memref<1x10000x64xf32, #tpu.memory_space<hbm>> -> memref<10000x64xf32, #tpu.memory_space<hbm>>
    %dma_start3A_14 = arith.constant 0 : i32
    %dma_start3A_15 = arith.constant 0 : i32
    %dma_start3A_16 = tpu.memref_slice %dma_start3A_13[%dma_start3A_14, %dma_start3A_15] : memref<10000x64xf32, #tpu.memory_space<hbm>> -> memref<10000x64xf32, #tpu.memory_space<hbm>>
    tpu.enqueue_indirect_dma source(%dma_start3A_16 : memref<10000x64xf32, #tpu.memory_space<hbm>>) target(%dma_start3A_6 : memref<64x64xf32, #tpu.memory_space<vmem>>) offsets(%dma_start3A_9 : memref<64xi32, #tpu.memory_space<vmem>>) semaphore(%arg10 : memref<!tpu.dma_semaphore, #tpu.memory_space<semaphore_mem>>)
    %dma_start3A_17 = arith.constant 1 : i32
    %dma_start3A_18 = arith.constant 1 : i32
    %dma_start3A_19 = arith.constant 0 : i32
    %dma_start3A_20 = arith.constant 0 : i32
    %dma_start3A_21 = tpu.memref_slice %arg7[%dma_start3A_18, %dma_start3A_19, %dma_start3A_20] : memref<8x64x64xf32, #tpu.memory_space<vmem>> -> memref<1x64x64xf32, #tpu.memory_space<vmem>>
    %dma_start3A_22 = tpu.memref_squeeze %dma_start3A_21 : memref<1x64x64xf32, #tpu.memory_space<vmem>> -> memref<64x64xf32, #tpu.memory_space<vmem>>
    %dma_start3A_23 = arith.constant 0 : i32
    %dma_start3A_24 = tpu.memref_slice %arg8[%dma_start3A_17, %dma_start3A_23] : memref<320x64xi32, #tpu.memory_space<vmem>> -> memref<1x64xi32, #tpu.memory_space<vmem>>
    %dma_start3A_25 = tpu.memref_squeeze %dma_start3A_24 : memref<1x64xi32, #tpu.memory_space<vmem>> -> memref<64xi32, #tpu.memory_space<vmem>>
    %dma_start3A_26 = arith.constant 0 : i32
    %dma_start3A_27 = arith.constant 0 : i32
    %dma_start3A_28 = tpu.memref_slice %arg2[%arg0, %dma_start3A_26, %dma_start3A_27] : memref<2x10000x64xf32, #tpu.memory_space<hbm>> -> memref<1x10000x64xf32, #tpu.memory_space<hbm>>
    %dma_start3A_29 = tpu.memref_squeeze %dma_start3A_28 : memref<1x10000x64xf32, #tpu.memory_space<hbm>> -> memref<10000x64xf32, #tpu.memory_space<hbm>>
    %dma_start3A_30 = arith.constant 0 : i32
    %dma_start3A_31 = arith.constant 0 : i32
    %dma_start3A_32 = tpu.memref_slice %dma_start3A_29[%dma_start3A_30, %dma_start3A_31] : memref<10000x64xf32, #tpu.memory_space<hbm>> -> memref<10000x64xf32, #tpu.memory_space<hbm>>
    tpu.enqueue_indirect_dma source(%dma_start3A_32 : memref<10000x64xf32, #tpu.memory_space<hbm>>) target(%dma_start3A_22 : memref<64x64xf32, #tpu.memory_space<vmem>>) offsets(%dma_start3A_25 : memref<64xi32, #tpu.memory_space<vmem>>) semaphore(%arg11 : memref<!tpu.dma_semaphore, #tpu.memory_space<semaphore_mem>>)
    %dma_start3A_33 = arith.constant 2 : i32
    %dma_start3A_34 = arith.constant 2 : i32
    %dma_start3A_35 = arith.constant 0 : i32
    %dma_start3A_36 = arith.constant 0 : i32
    %dma_start3A_37 = tpu.memref_slice %arg7[%dma_start3A_34, %dma_start3A_35, %dma_start3A_36] : memref<8x64x64xf32, #tpu.memory_space<vmem>> -> memref<1x64x64xf32, #tpu.memory_space<vmem>>
    %dma_start3A_38 = tpu.memref_squeeze %dma_start3A_37 : memref<1x64x64xf32, #tpu.memory_space<vmem>> -> memref<64x64xf32, #tpu.memory_space<vmem>>
    %dma_start3A_39 = arith.constant 0 : i32
    %dma_start3A_40 = tpu.memref_slice %arg8[%dma_start3A_33, %dma_start3A_39] : memref<320x64xi32, #tpu.memory_space<vmem>> -> memref<1x64xi32, #tpu.memory_space<vmem>>
    %dma_start3A_41 = tpu.memref_squeeze %dma_start3A_40 : memref<1x64xi32, #tpu.memory_space<vmem>> -> memref<64xi32, #tpu.memory_space<vmem>>
    %dma_start3A_42 = arith.constant 0 : i32
    %dma_start3A_43 = arith.constant 0 : i32
    %dma_start3A_44 = tpu.memref_slice %arg2[%arg0, %dma_start3A_42, %dma_start3A_43] : memref<2x10000x64xf32, #tpu.memory_space<hbm>> -> memref<1x10000x64xf32, #tpu.memory_space<hbm>>
    %dma_start3A_45 = tpu.memref_squeeze %dma_start3A_44 : memref<1x10000x64xf32, #tpu.memory_space<hbm>> -> memref<10000x64xf32, #tpu.memory_space<hbm>>
    %dma_start3A_46 = arith.constant 0 : i32
    %dma_start3A_47 = arith.constant 0 : i32
    %dma_start3A_48 = tpu.memref_slice %dma_start3A_45[%dma_start3A_46, %dma_start3A_47] : memref<10000x64xf32, #tpu.memory_space<hbm>> -> memref<10000x64xf32, #tpu.memory_space<hbm>>
    tpu.enqueue_indirect_dma source(%dma_start3A_48 : memref<10000x64xf32, #tpu.memory_space<hbm>>) target(%dma_start3A_38 : memref<64x64xf32, #tpu.memory_space<vmem>>) offsets(%dma_start3A_41 : memref<64xi32, #tpu.memory_space<vmem>>) semaphore(%arg12 : memref<!tpu.dma_semaphore, #tpu.memory_space<semaphore_mem>>)
    %dma_start3A_49 = arith.constant 3 : i32
    %dma_start3A_50 = arith.constant 3 : i32
    %dma_start3A_51 = arith.constant 0 : i32
    %dma_start3A_52 = arith.constant 0 : i32
    %dma_start3A_53 = tpu.memref_slice %arg7[%dma_start3A_50, %dma_start3A_51, %dma_start3A_52] : memref<8x64x64xf32, #tpu.memory_space<vmem>> -> memref<1x64x64xf32, #tpu.memory_space<vmem>>
    %dma_start3A_54 = tpu.memref_squeeze %dma_start3A_53 : memref<1x64x64xf32, #tpu.memory_space<vmem>> -> memref<64x64xf32, #tpu.memory_space<vmem>>
    %dma_start3A_55 = arith.constant 0 : i32
    %dma_start3A_56 = tpu.memref_slice %arg8[%dma_start3A_49, %dma_start3A_55] : memref<320x64xi32, #tpu.memory_space<vmem>> -> memref<1x64xi32, #tpu.memory_space<vmem>>
    %dma_start3A_57 = tpu.memref_squeeze %dma_start3A_56 : memref<1x64xi32, #tpu.memory_space<vmem>> -> memref<64xi32, #tpu.memory_space<vmem>>
    %dma_start3A_58 = arith.constant 0 : i32
    %dma_start3A_59 = arith.constant 0 : i32
    %dma_start3A_60 = tpu.memref_slice %arg2[%arg0, %dma_start3A_58, %dma_start3A_59] : memref<2x10000x64xf32, #tpu.memory_space<hbm>> -> memref<1x10000x64xf32, #tpu.memory_space<hbm>>
    %dma_start3A_61 = tpu.memref_squeeze %dma_start3A_60 : memref<1x10000x64xf32, #tpu.memory_space<hbm>> -> memref<10000x64xf32, #tpu.memory_space<hbm>>
    %dma_start3A_62 = arith.constant 0 : i32
    %dma_start3A_63 = arith.constant 0 : i32
    %dma_start3A_64 = tpu.memref_slice %dma_start3A_61[%dma_start3A_62, %dma_start3A_63] : memref<10000x64xf32, #tpu.memory_space<hbm>> -> memref<10000x64xf32, #tpu.memory_space<hbm>>
    tpu.enqueue_indirect_dma source(%dma_start3A_64 : memref<10000x64xf32, #tpu.memory_space<hbm>>) target(%dma_start3A_54 : memref<64x64xf32, #tpu.memory_space<vmem>>) offsets(%dma_start3A_57 : memref<64xi32, #tpu.memory_space<vmem>>) semaphore(%arg13 : memref<!tpu.dma_semaphore, #tpu.memory_space<semaphore_mem>>)
    %dma_start3A_65 = arith.constant 4 : i32
    %dma_start3A_66 = arith.constant 4 : i32
    %dma_start3A_67 = arith.constant 0 : i32
    %dma_start3A_68 = arith.constant 0 : i32
    %dma_start3A_69 = tpu.memref_slice %arg7[%dma_start3A_66, %dma_start3A_67, %dma_start3A_68] : memref<8x64x64xf32, #tpu.memory_space<vmem>> -> memref<1x64x64xf32, #tpu.memory_space<vmem>>
    %dma_start3A_70 = tpu.memref_squeeze %dma_start3A_69 : memref<1x64x64xf32, #tpu.memory_space<vmem>> -> memref<64x64xf32, #tpu.memory_space<vmem>>
    %dma_start3A_71 = arith.constant 0 : i32
    %dma_start3A_72 = tpu.memref_slice %arg8[%dma_start3A_65, %dma_start3A_71] : memref<320x64xi32, #tpu.memory_space<vmem>> -> memref<1x64xi32, #tpu.memory_space<vmem>>
    %dma_start3A_73 = tpu.memref_squeeze %dma_start3A_72 : memref<1x64xi32, #tpu.memory_space<vmem>> -> memref<64xi32, #tpu.memory_space<vmem>>
    %dma_start3A_74 = arith.constant 0 : i32
    %dma_start3A_75 = arith.constant 0 : i32
    %dma_start3A_76 = tpu.memref_slice %arg2[%arg0, %dma_start3A_74, %dma_start3A_75] : memref<2x10000x64xf32, #tpu.memory_space<hbm>> -> memref<1x10000x64xf32, #tpu.memory_space<hbm>>
    %dma_start3A_77 = tpu.memref_squeeze %dma_start3A_76 : memref<1x10000x64xf32, #tpu.memory_space<hbm>> -> memref<10000x64xf32, #tpu.memory_space<hbm>>
    %dma_start3A_78 = arith.constant 0 : i32
    %dma_start3A_79 = arith.constant 0 : i32
    %dma_start3A_80 = tpu.memref_slice %dma_start3A_77[%dma_start3A_78, %dma_start3A_79] : memref<10000x64xf32, #tpu.memory_space<hbm>> -> memref<10000x64xf32, #tpu.memory_space<hbm>>
    tpu.enqueue_indirect_dma source(%dma_start3A_80 : memref<10000x64xf32, #tpu.memory_space<hbm>>) target(%dma_start3A_70 : memref<64x64xf32, #tpu.memory_space<vmem>>) offsets(%dma_start3A_73 : memref<64xi32, #tpu.memory_space<vmem>>) semaphore(%arg14 : memref<!tpu.dma_semaphore, #tpu.memory_space<semaphore_mem>>)
    %dma_start3A_81 = arith.constant 5 : i32
    %dma_start3A_82 = arith.constant 5 : i32
    %dma_start3A_83 = arith.constant 0 : i32
    %dma_start3A_84 = arith.constant 0 : i32
    %dma_start3A_85 = tpu.memref_slice %arg7[%dma_start3A_82, %dma_start3A_83, %dma_start3A_84] : memref<8x64x64xf32, #tpu.memory_space<vmem>> -> memref<1x64x64xf32, #tpu.memory_space<vmem>>
    %dma_start3A_86 = tpu.memref_squeeze %dma_start3A_85 : memref<1x64x64xf32, #tpu.memory_space<vmem>> -> memref<64x64xf32, #tpu.memory_space<vmem>>
    %dma_start3A_87 = arith.constant 0 : i32
    %dma_start3A_88 = tpu.memref_slice %arg8[%dma_start3A_81, %dma_start3A_87] : memref<320x64xi32, #tpu.memory_space<vmem>> -> memref<1x64xi32, #tpu.memory_space<vmem>>
    %dma_start3A_89 = tpu.memref_squeeze %dma_start3A_88 : memref<1x64xi32, #tpu.memory_space<vmem>> -> memref<64xi32, #tpu.memory_space<vmem>>
    %dma_start3A_90 = arith.constant 0 : i32
    %dma_start3A_91 = arith.constant 0 : i32
    %dma_start3A_92 = tpu.memref_slice %arg2[%arg0, %dma_start3A_90, %dma_start3A_91] : memref<2x10000x64xf32, #tpu.memory_space<hbm>> -> memref<1x10000x64xf32, #tpu.memory_space<hbm>>
    %dma_start3A_93 = tpu.memref_squeeze %dma_start3A_92 : memref<1x10000x64xf32, #tpu.memory_space<hbm>> -> memref<10000x64xf32, #tpu.memory_space<hbm>>
    %dma_start3A_94 = arith.constant 0 : i32
    %dma_start3A_95 = arith.constant 0 : i32
    %dma_start3A_96 = tpu.memref_slice %dma_start3A_93[%dma_start3A_94, %dma_start3A_95] : memref<10000x64xf32, #tpu.memory_space<hbm>> -> memref<10000x64xf32, #tpu.memory_space<hbm>>
    tpu.enqueue_indirect_dma source(%dma_start3A_96 : memref<10000x64xf32, #tpu.memory_space<hbm>>) target(%dma_start3A_86 : memref<64x64xf32, #tpu.memory_space<vmem>>) offsets(%dma_start3A_89 : memref<64xi32, #tpu.memory_space<vmem>>) semaphore(%arg15 : memref<!tpu.dma_semaphore, #tpu.memory_space<semaphore_mem>>)
    %dma_start3A_97 = arith.constant 6 : i32
    %dma_start3A_98 = arith.constant 6 : i32
    %dma_start3A_99 = arith.constant 0 : i32
    %dma_start3A_100 = arith.constant 0 : i32
    %dma_start3A_101 = tpu.memref_slice %arg7[%dma_start3A_98, %dma_start3A_99, %dma_start3A_100] : memref<8x64x64xf32, #tpu.memory_space<vmem>> -> memref<1x64x64xf32, #tpu.memory_space<vmem>>
    %dma_start3A_102 = tpu.memref_squeeze %dma_start3A_101 : memref<1x64x64xf32, #tpu.memory_space<vmem>> -> memref<64x64xf32, #tpu.memory_space<vmem>>
    %dma_start3A_103 = arith.constant 0 : i32
    %dma_start3A_104 = tpu.memref_slice %arg8[%dma_start3A_97, %dma_start3A_103] : memref<320x64xi32, #tpu.memory_space<vmem>> -> memref<1x64xi32, #tpu.memory_space<vmem>>
    %dma_start3A_105 = tpu.memref_squeeze %dma_start3A_104 : memref<1x64xi32, #tpu.memory_space<vmem>> -> memref<64xi32, #tpu.memory_space<vmem>>
    %dma_start3A_106 = arith.constant 0 : i32
    %dma_start3A_107 = arith.constant 0 : i32
    %dma_start3A_108 = tpu.memref_slice %arg2[%arg0, %dma_start3A_106, %dma_start3A_107] : memref<2x10000x64xf32, #tpu.memory_space<hbm>> -> memref<1x10000x64xf32, #tpu.memory_space<hbm>>
    %dma_start3A_109 = tpu.memref_squeeze %dma_start3A_108 : memref<1x10000x64xf32, #tpu.memory_space<hbm>> -> memref<10000x64xf32, #tpu.memory_space<hbm>>
    %dma_start3A_110 = arith.constant 0 : i32
    %dma_start3A_111 = arith.constant 0 : i32
    %dma_start3A_112 = tpu.memref_slice %dma_start3A_109[%dma_start3A_110, %dma_start3A_111] : memref<10000x64xf32, #tpu.memory_space<hbm>> -> memref<10000x64xf32, #tpu.memory_space<hbm>>
    tpu.enqueue_indirect_dma source(%dma_start3A_112 : memref<10000x64xf32, #tpu.memory_space<hbm>>) target(%dma_start3A_102 : memref<64x64xf32, #tpu.memory_space<vmem>>) offsets(%dma_start3A_105 : memref<64xi32, #tpu.memory_space<vmem>>) semaphore(%arg16 : memref<!tpu.dma_semaphore, #tpu.memory_space<semaphore_mem>>)
    %dma_start3A_113 = arith.constant 7 : i32
    %dma_start3A_114 = arith.constant 7 : i32
    %dma_start3A_115 = arith.constant 0 : i32
    %dma_start3A_116 = arith.constant 0 : i32
    %dma_start3A_117 = tpu.memref_slice %arg7[%dma_start3A_114, %dma_start3A_115, %dma_start3A_116] : memref<8x64x64xf32, #tpu.memory_space<vmem>> -> memref<1x64x64xf32, #tpu.memory_space<vmem>>
    %dma_start3A_118 = tpu.memref_squeeze %dma_start3A_117 : memref<1x64x64xf32, #tpu.memory_space<vmem>> -> memref<64x64xf32, #tpu.memory_space<vmem>>
    %dma_start3A_119 = arith.constant 0 : i32
    %dma_start3A_120 = tpu.memref_slice %arg8[%dma_start3A_113, %dma_start3A_119] : memref<320x64xi32, #tpu.memory_space<vmem>> -> memref<1x64xi32, #tpu.memory_space<vmem>>
    %dma_start3A_121 = tpu.memref_squeeze %dma_start3A_120 : memref<1x64xi32, #tpu.memory_space<vmem>> -> memref<64xi32, #tpu.memory_space<vmem>>
    %dma_start3A_122 = arith.constant 0 : i32
    %dma_start3A_123 = arith.constant 0 : i32
    %dma_start3A_124 = tpu.memref_slice %arg2[%arg0, %dma_start3A_122, %dma_start3A_123] : memref<2x10000x64xf32, #tpu.memory_space<hbm>> -> memref<1x10000x64xf32, #tpu.memory_space<hbm>>
    %dma_start3A_125 = tpu.memref_squeeze %dma_start3A_124 : memref<1x10000x64xf32, #tpu.memory_space<hbm>> -> memref<10000x64xf32, #tpu.memory_space<hbm>>
    %dma_start3A_126 = arith.constant 0 : i32
    %dma_start3A_127 = arith.constant 0 : i32
    %dma_start3A_128 = tpu.memref_slice %dma_start3A_125[%dma_start3A_126, %dma_start3A_127] : memref<10000x64xf32, #tpu.memory_space<hbm>> -> memref<10000x64xf32, #tpu.memory_space<hbm>>
    tpu.enqueue_indirect_dma source(%dma_start3A_128 : memref<10000x64xf32, #tpu.memory_space<hbm>>) target(%dma_start3A_118 : memref<64x64xf32, #tpu.memory_space<vmem>>) offsets(%dma_start3A_121 : memref<64xi32, #tpu.memory_space<vmem>>) semaphore(%arg17 : memref<!tpu.dma_semaphore, #tpu.memory_space<semaphore_mem>>)
    %scan3A = arith.constant 0 : i32
    %scan3A_129 = arith.constant 39 : i32
    %scan3A_130 = arith.addi %scan3A, %scan3A_129 : i32
    %scan3A_131 = arith.constant 1 : i32
    scf.for %scan3A_457 = %scan3A to %scan3A_130 step %scan3A_131  : i32 {
      %mul3A_458 = arith.constant 8 : i32
      %mul3A_459 = arith.muli %scan3A_457, %mul3A_458 : i32
      %dma_wait3A_460 = arith.constant 0 : i32
      %dma_wait3A_461 = arith.constant 0 : i32
      %dma_wait3A_462 = arith.constant 0 : i32
      %dma_wait3A_463 = arith.constant 0 : i32
      %dma_wait3A_464 = tpu.memref_slice %arg7[%dma_wait3A_461, %dma_wait3A_462, %dma_wait3A_463] : memref<8x64x64xf32, #tpu.memory_space<vmem>> -> memref<1x64x64xf32, #tpu.memory_space<vmem>>
      %dma_wait3A_465 = tpu.memref_squeeze %dma_wait3A_464 : memref<1x64x64xf32, #tpu.memory_space<vmem>> -> memref<64x64xf32, #tpu.memory_space<vmem>>
      %dma_wait3A_466 = arith.constant 0 : i32
      %dma_wait3A_467 = tpu.memref_slice %arg8[%dma_wait3A_460, %dma_wait3A_466] : memref<320x64xi32, #tpu.memory_space<vmem>> -> memref<1x64xi32, #tpu.memory_space<vmem>>
      %dma_wait3A_468 = tpu.memref_squeeze %dma_wait3A_467 : memref<1x64xi32, #tpu.memory_space<vmem>> -> memref<64xi32, #tpu.memory_space<vmem>>
      %dma_wait3A_469 = arith.constant 0 : i32
      %dma_wait3A_470 = arith.constant 0 : i32
      %dma_wait3A_471 = tpu.memref_slice %arg2[%arg0, %dma_wait3A_469, %dma_wait3A_470] : memref<2x10000x64xf32, #tpu.memory_space<hbm>> -> memref<1x10000x64xf32, #tpu.memory_space<hbm>>
      %dma_wait3A_472 = tpu.memref_squeeze %dma_wait3A_471 : memref<1x10000x64xf32, #tpu.memory_space<hbm>> -> memref<10000x64xf32, #tpu.memory_space<hbm>>
      %dma_wait3A_473 = arith.constant 0 : i32
      %dma_wait3A_474 = arith.constant 0 : i32
      %dma_wait3A_475 = tpu.memref_slice %dma_wait3A_472[%dma_wait3A_473, %dma_wait3A_474] : memref<10000x64xf32, #tpu.memory_space<hbm>> -> memref<10000x64xf32, #tpu.memory_space<hbm>>
      tpu.wait_indirect_dma semaphore(%arg10 : memref<!tpu.dma_semaphore, #tpu.memory_space<semaphore_mem>>) src(%dma_wait3A_475 : memref<10000x64xf32, #tpu.memory_space<hbm>>) dst(%dma_wait3A_465 : memref<64x64xf32, #tpu.memory_space<vmem>>)
      %add3A = arith.constant 0 : i32
      %add3A_476 = arith.addi %mul3A_459, %add3A : i32
      %dma_start3A_477 = arith.constant 0 : i32
      %dma_start3A_478 = arith.constant 0 : i32
      %dma_start3A_479 = arith.constant 0 : i32
      %dma_start3A_480 = tpu.memref_slice %arg7[%dma_start3A_477, %dma_start3A_478, %dma_start3A_479] : memref<8x64x64xf32, #tpu.memory_space<vmem>> -> memref<1x64x64xf32, #tpu.memory_space<vmem>>
      %dma_start3A_481 = tpu.memref_squeeze %dma_start3A_480 : memref<1x64x64xf32, #tpu.memory_space<vmem>> -> memref<64x64xf32, #tpu.memory_space<vmem>>
      %dma_start3A_482 = arith.constant 0 : i32
      %dma_start3A_483 = tpu.memref_slice %arg9[%add3A_476, %dma_start3A_482] : memref<320x64xi32, #tpu.memory_space<vmem>> -> memref<1x64xi32, #tpu.memory_space<vmem>>
      %dma_start3A_484 = tpu.memref_squeeze %dma_start3A_483 : memref<1x64xi32, #tpu.memory_space<vmem>> -> memref<64xi32, #tpu.memory_space<vmem>>
      %dma_start3A_485 = arith.constant 0 : i32
      %dma_start3A_486 = arith.constant 0 : i32
      %dma_start3A_487 = tpu.memref_slice %arg6[%dma_start3A_485, %dma_start3A_486] : memref<10112x64xf32, #tpu.memory_space<vmem_shared>> -> memref<10112x64xf32, #tpu.memory_space<vmem_shared>>
      tpu.enqueue_indirect_dma source(%dma_start3A_481 : memref<64x64xf32, #tpu.memory_space<vmem>>) target(%dma_start3A_487 : memref<10112x64xf32, #tpu.memory_space<vmem_shared>>) offsets(%dma_start3A_484 : memref<64xi32, #tpu.memory_space<vmem>>) semaphore(%arg18 : memref<!tpu.dma_semaphore, #tpu.memory_space<semaphore_mem>>) {add = true}
      %dma_wait3A_488 = arith.constant 0 : i32
      %dma_wait3A_489 = arith.constant 1 : i32
      %dma_wait3A_490 = arith.constant 0 : i32
      %dma_wait3A_491 = arith.constant 0 : i32
      %dma_wait3A_492 = tpu.memref_slice %arg7[%dma_wait3A_489, %dma_wait3A_490, %dma_wait3A_491] : memref<8x64x64xf32, #tpu.memory_space<vmem>> -> memref<1x64x64xf32, #tpu.memory_space<vmem>>
      %dma_wait3A_493 = tpu.memref_squeeze %dma_wait3A_492 : memref<1x64x64xf32, #tpu.memory_space<vmem>> -> memref<64x64xf32, #tpu.memory_space<vmem>>
      %dma_wait3A_494 = arith.constant 0 : i32
      %dma_wait3A_495 = tpu.memref_slice %arg8[%dma_wait3A_488, %dma_wait3A_494] : memref<320x64xi32, #tpu.memory_space<vmem>> -> memref<1x64xi32, #tpu.memory_space<vmem>>
      %dma_wait3A_496 = tpu.memref_squeeze %dma_wait3A_495 : memref<1x64xi32, #tpu.memory_space<vmem>> -> memref<64xi32, #tpu.memory_space<vmem>>
      %dma_wait3A_497 = arith.constant 0 : i32
      %dma_wait3A_498 = arith.constant 0 : i32
      %dma_wait3A_499 = tpu.memref_slice %arg2[%arg0, %dma_wait3A_497, %dma_wait3A_498] : memref<2x10000x64xf32, #tpu.memory_space<hbm>> -> memref<1x10000x64xf32, #tpu.memory_space<hbm>>
      %dma_wait3A_500 = tpu.memref_squeeze %dma_wait3A_499 : memref<1x10000x64xf32, #tpu.memory_space<hbm>> -> memref<10000x64xf32, #tpu.memory_space<hbm>>
      %dma_wait3A_501 = arith.constant 0 : i32
      %dma_wait3A_502 = arith.constant 0 : i32
      %dma_wait3A_503 = tpu.memref_slice %dma_wait3A_500[%dma_wait3A_501, %dma_wait3A_502] : memref<10000x64xf32, #tpu.memory_space<hbm>> -> memref<10000x64xf32, #tpu.memory_space<hbm>>
      tpu.wait_indirect_dma semaphore(%arg11 : memref<!tpu.dma_semaphore, #tpu.memory_space<semaphore_mem>>) src(%dma_wait3A_503 : memref<10000x64xf32, #tpu.memory_space<hbm>>) dst(%dma_wait3A_493 : memref<64x64xf32, #tpu.memory_space<vmem>>)
      %add3A_504 = arith.constant 1 : i32
      %add3A_505 = arith.addi %mul3A_459, %add3A_504 : i32
      %dma_start3A_506 = arith.constant 1 : i32
      %dma_start3A_507 = arith.constant 0 : i32
      %dma_start3A_508 = arith.constant 0 : i32
      %dma_start3A_509 = tpu.memref_slice %arg7[%dma_start3A_506, %dma_start3A_507, %dma_start3A_508] : memref<8x64x64xf32, #tpu.memory_space<vmem>> -> memref<1x64x64xf32, #tpu.memory_space<vmem>>
      %dma_start3A_510 = tpu.memref_squeeze %dma_start3A_509 : memref<1x64x64xf32, #tpu.memory_space<vmem>> -> memref<64x64xf32, #tpu.memory_space<vmem>>
      %dma_start3A_511 = arith.constant 0 : i32
      %dma_start3A_512 = tpu.memref_slice %arg9[%add3A_505, %dma_start3A_511] : memref<320x64xi32, #tpu.memory_space<vmem>> -> memref<1x64xi32, #tpu.memory_space<vmem>>
      %dma_start3A_513 = tpu.memref_squeeze %dma_start3A_512 : memref<1x64xi32, #tpu.memory_space<vmem>> -> memref<64xi32, #tpu.memory_space<vmem>>
      %dma_start3A_514 = arith.constant 0 : i32
      %dma_start3A_515 = arith.constant 0 : i32
      %dma_start3A_516 = tpu.memref_slice %arg6[%dma_start3A_514, %dma_start3A_515] : memref<10112x64xf32, #tpu.memory_space<vmem_shared>> -> memref<10112x64xf32, #tpu.memory_space<vmem_shared>>
      tpu.enqueue_indirect_dma source(%dma_start3A_510 : memref<64x64xf32, #tpu.memory_space<vmem>>) target(%dma_start3A_516 : memref<10112x64xf32, #tpu.memory_space<vmem_shared>>) offsets(%dma_start3A_513 : memref<64xi32, #tpu.memory_space<vmem>>) semaphore(%arg19 : memref<!tpu.dma_semaphore, #tpu.memory_space<semaphore_mem>>) {add = true}
      %dma_wait3A_517 = arith.constant 0 : i32
      %dma_wait3A_518 = arith.constant 2 : i32
      %dma_wait3A_519 = arith.constant 0 : i32
      %dma_wait3A_520 = arith.constant 0 : i32
      %dma_wait3A_521 = tpu.memref_slice %arg7[%dma_wait3A_518, %dma_wait3A_519, %dma_wait3A_520] : memref<8x64x64xf32, #tpu.memory_space<vmem>> -> memref<1x64x64xf32, #tpu.memory_space<vmem>>
      %dma_wait3A_522 = tpu.memref_squeeze %dma_wait3A_521 : memref<1x64x64xf32, #tpu.memory_space<vmem>> -> memref<64x64xf32, #tpu.memory_space<vmem>>
      %dma_wait3A_523 = arith.constant 0 : i32
      %dma_wait3A_524 = tpu.memref_slice %arg8[%dma_wait3A_517, %dma_wait3A_523] : memref<320x64xi32, #tpu.memory_space<vmem>> -> memref<1x64xi32, #tpu.memory_space<vmem>>
      %dma_wait3A_525 = tpu.memref_squeeze %dma_wait3A_524 : memref<1x64xi32, #tpu.memory_space<vmem>> -> memref<64xi32, #tpu.memory_space<vmem>>
      %dma_wait3A_526 = arith.constant 0 : i32
      %dma_wait3A_527 = arith.constant 0 : i32
      %dma_wait3A_528 = tpu.memref_slice %arg2[%arg0, %dma_wait3A_526, %dma_wait3A_527] : memref<2x10000x64xf32, #tpu.memory_space<hbm>> -> memref<1x10000x64xf32, #tpu.memory_space<hbm>>
      %dma_wait3A_529 = tpu.memref_squeeze %dma_wait3A_528 : memref<1x10000x64xf32, #tpu.memory_space<hbm>> -> memref<10000x64xf32, #tpu.memory_space<hbm>>
      %dma_wait3A_530 = arith.constant 0 : i32
      %dma_wait3A_531 = arith.constant 0 : i32
      %dma_wait3A_532 = tpu.memref_slice %dma_wait3A_529[%dma_wait3A_530, %dma_wait3A_531] : memref<10000x64xf32, #tpu.memory_space<hbm>> -> memref<10000x64xf32, #tpu.memory_space<hbm>>
      tpu.wait_indirect_dma semaphore(%arg12 : memref<!tpu.dma_semaphore, #tpu.memory_space<semaphore_mem>>) src(%dma_wait3A_532 : memref<10000x64xf32, #tpu.memory_space<hbm>>) dst(%dma_wait3A_522 : memref<64x64xf32, #tpu.memory_space<vmem>>)
      %add3A_533 = arith.constant 2 : i32
      %add3A_534 = arith.addi %mul3A_459, %add3A_533 : i32
      %dma_start3A_535 = arith.constant 2 : i32
      %dma_start3A_536 = arith.constant 0 : i32
      %dma_start3A_537 = arith.constant 0 : i32
      %dma_start3A_538 = tpu.memref_slice %arg7[%dma_start3A_535, %dma_start3A_536, %dma_start3A_537] : memref<8x64x64xf32, #tpu.memory_space<vmem>> -> memref<1x64x64xf32, #tpu.memory_space<vmem>>
      %dma_start3A_539 = tpu.memref_squeeze %dma_start3A_538 : memref<1x64x64xf32, #tpu.memory_space<vmem>> -> memref<64x64xf32, #tpu.memory_space<vmem>>
      %dma_start3A_540 = arith.constant 0 : i32
      %dma_start3A_541 = tpu.memref_slice %arg9[%add3A_534, %dma_start3A_540] : memref<320x64xi32, #tpu.memory_space<vmem>> -> memref<1x64xi32, #tpu.memory_space<vmem>>
      %dma_start3A_542 = tpu.memref_squeeze %dma_start3A_541 : memref<1x64xi32, #tpu.memory_space<vmem>> -> memref<64xi32, #tpu.memory_space<vmem>>
      %dma_start3A_543 = arith.constant 0 : i32
      %dma_start3A_544 = arith.constant 0 : i32
      %dma_start3A_545 = tpu.memref_slice %arg6[%dma_start3A_543, %dma_start3A_544] : memref<10112x64xf32, #tpu.memory_space<vmem_shared>> -> memref<10112x64xf32, #tpu.memory_space<vmem_shared>>
      tpu.enqueue_indirect_dma source(%dma_start3A_539 : memref<64x64xf32, #tpu.memory_space<vmem>>) target(%dma_start3A_545 : memref<10112x64xf32, #tpu.memory_space<vmem_shared>>) offsets(%dma_start3A_542 : memref<64xi32, #tpu.memory_space<vmem>>) semaphore(%arg20 : memref<!tpu.dma_semaphore, #tpu.memory_space<semaphore_mem>>) {add = true}
      %dma_wait3A_546 = arith.constant 0 : i32
      %dma_wait3A_547 = arith.constant 3 : i32
      %dma_wait3A_548 = arith.constant 0 : i32
      %dma_wait3A_549 = arith.constant 0 : i32
      %dma_wait3A_550 = tpu.memref_slice %arg7[%dma_wait3A_547, %dma_wait3A_548, %dma_wait3A_549] : memref<8x64x64xf32, #tpu.memory_space<vmem>> -> memref<1x64x64xf32, #tpu.memory_space<vmem>>
      %dma_wait3A_551 = tpu.memref_squeeze %dma_wait3A_550 : memref<1x64x64xf32, #tpu.memory_space<vmem>> -> memref<64x64xf32, #tpu.memory_space<vmem>>
      %dma_wait3A_552 = arith.constant 0 : i32
      %dma_wait3A_553 = tpu.memref_slice %arg8[%dma_wait3A_546, %dma_wait3A_552] : memref<320x64xi32, #tpu.memory_space<vmem>> -> memref<1x64xi32, #tpu.memory_space<vmem>>
      %dma_wait3A_554 = tpu.memref_squeeze %dma_wait3A_553 : memref<1x64xi32, #tpu.memory_space<vmem>> -> memref<64xi32, #tpu.memory_space<vmem>>
      %dma_wait3A_555 = arith.constant 0 : i32
      %dma_wait3A_556 = arith.constant 0 : i32
      %dma_wait3A_557 = tpu.memref_slice %arg2[%arg0, %dma_wait3A_555, %dma_wait3A_556] : memref<2x10000x64xf32, #tpu.memory_space<hbm>> -> memref<1x10000x64xf32, #tpu.memory_space<hbm>>
      %dma_wait3A_558 = tpu.memref_squeeze %dma_wait3A_557 : memref<1x10000x64xf32, #tpu.memory_space<hbm>> -> memref<10000x64xf32, #tpu.memory_space<hbm>>
      %dma_wait3A_559 = arith.constant 0 : i32
      %dma_wait3A_560 = arith.constant 0 : i32
      %dma_wait3A_561 = tpu.memref_slice %dma_wait3A_558[%dma_wait3A_559, %dma_wait3A_560] : memref<10000x64xf32, #tpu.memory_space<hbm>> -> memref<10000x64xf32, #tpu.memory_space<hbm>>
      tpu.wait_indirect_dma semaphore(%arg13 : memref<!tpu.dma_semaphore, #tpu.memory_space<semaphore_mem>>) src(%dma_wait3A_561 : memref<10000x64xf32, #tpu.memory_space<hbm>>) dst(%dma_wait3A_551 : memref<64x64xf32, #tpu.memory_space<vmem>>)
      %add3A_562 = arith.constant 3 : i32
      %add3A_563 = arith.addi %mul3A_459, %add3A_562 : i32
      %dma_start3A_564 = arith.constant 3 : i32
      %dma_start3A_565 = arith.constant 0 : i32
      %dma_start3A_566 = arith.constant 0 : i32
      %dma_start3A_567 = tpu.memref_slice %arg7[%dma_start3A_564, %dma_start3A_565, %dma_start3A_566] : memref<8x64x64xf32, #tpu.memory_space<vmem>> -> memref<1x64x64xf32, #tpu.memory_space<vmem>>
      %dma_start3A_568 = tpu.memref_squeeze %dma_start3A_567 : memref<1x64x64xf32, #tpu.memory_space<vmem>> -> memref<64x64xf32, #tpu.memory_space<vmem>>
      %dma_start3A_569 = arith.constant 0 : i32
      %dma_start3A_570 = tpu.memref_slice %arg9[%add3A_563, %dma_start3A_569] : memref<320x64xi32, #tpu.memory_space<vmem>> -> memref<1x64xi32, #tpu.memory_space<vmem>>
      %dma_start3A_571 = tpu.memref_squeeze %dma_start3A_570 : memref<1x64xi32, #tpu.memory_space<vmem>> -> memref<64xi32, #tpu.memory_space<vmem>>
      %dma_start3A_572 = arith.constant 0 : i32
      %dma_start3A_573 = arith.constant 0 : i32
      %dma_start3A_574 = tpu.memref_slice %arg6[%dma_start3A_572, %dma_start3A_573] : memref<10112x64xf32, #tpu.memory_space<vmem_shared>> -> memref<10112x64xf32, #tpu.memory_space<vmem_shared>>
      tpu.enqueue_indirect_dma source(%dma_start3A_568 : memref<64x64xf32, #tpu.memory_space<vmem>>) target(%dma_start3A_574 : memref<10112x64xf32, #tpu.memory_space<vmem_shared>>) offsets(%dma_start3A_571 : memref<64xi32, #tpu.memory_space<vmem>>) semaphore(%arg21 : memref<!tpu.dma_semaphore, #tpu.memory_space<semaphore_mem>>) {add = true}
      %dma_wait3A_575 = arith.constant 0 : i32
      %dma_wait3A_576 = arith.constant 4 : i32
      %dma_wait3A_577 = arith.constant 0 : i32
      %dma_wait3A_578 = arith.constant 0 : i32
      %dma_wait3A_579 = tpu.memref_slice %arg7[%dma_wait3A_576, %dma_wait3A_577, %dma_wait3A_578] : memref<8x64x64xf32, #tpu.memory_space<vmem>> -> memref<1x64x64xf32, #tpu.memory_space<vmem>>
      %dma_wait3A_580 = tpu.memref_squeeze %dma_wait3A_579 : memref<1x64x64xf32, #tpu.memory_space<vmem>> -> memref<64x64xf32, #tpu.memory_space<vmem>>
      %dma_wait3A_581 = arith.constant 0 : i32
      %dma_wait3A_582 = tpu.memref_slice %arg8[%dma_wait3A_575, %dma_wait3A_581] : memref<320x64xi32, #tpu.memory_space<vmem>> -> memref<1x64xi32, #tpu.memory_space<vmem>>
      %dma_wait3A_583 = tpu.memref_squeeze %dma_wait3A_582 : memref<1x64xi32, #tpu.memory_space<vmem>> -> memref<64xi32, #tpu.memory_space<vmem>>
      %dma_wait3A_584 = arith.constant 0 : i32
      %dma_wait3A_585 = arith.constant 0 : i32
      %dma_wait3A_586 = tpu.memref_slice %arg2[%arg0, %dma_wait3A_584, %dma_wait3A_585] : memref<2x10000x64xf32, #tpu.memory_space<hbm>> -> memref<1x10000x64xf32, #tpu.memory_space<hbm>>
      %dma_wait3A_587 = tpu.memref_squeeze %dma_wait3A_586 : memref<1x10000x64xf32, #tpu.memory_space<hbm>> -> memref<10000x64xf32, #tpu.memory_space<hbm>>
      %dma_wait3A_588 = arith.constant 0 : i32
      %dma_wait3A_589 = arith.constant 0 : i32
      %dma_wait3A_590 = tpu.memref_slice %dma_wait3A_587[%dma_wait3A_588, %dma_wait3A_589] : memref<10000x64xf32, #tpu.memory_space<hbm>> -> memref<10000x64xf32, #tpu.memory_space<hbm>>
      tpu.wait_indirect_dma semaphore(%arg14 : memref<!tpu.dma_semaphore, #tpu.memory_space<semaphore_mem>>) src(%dma_wait3A_590 : memref<10000x64xf32, #tpu.memory_space<hbm>>) dst(%dma_wait3A_580 : memref<64x64xf32, #tpu.memory_space<vmem>>)
      %add3A_591 = arith.constant 4 : i32
      %add3A_592 = arith.addi %mul3A_459, %add3A_591 : i32
      %dma_start3A_593 = arith.constant 4 : i32
      %dma_start3A_594 = arith.constant 0 : i32
      %dma_start3A_595 = arith.constant 0 : i32
      %dma_start3A_596 = tpu.memref_slice %arg7[%dma_start3A_593, %dma_start3A_594, %dma_start3A_595] : memref<8x64x64xf32, #tpu.memory_space<vmem>> -> memref<1x64x64xf32, #tpu.memory_space<vmem>>
      %dma_start3A_597 = tpu.memref_squeeze %dma_start3A_596 : memref<1x64x64xf32, #tpu.memory_space<vmem>> -> memref<64x64xf32, #tpu.memory_space<vmem>>
      %dma_start3A_598 = arith.constant 0 : i32
      %dma_start3A_599 = tpu.memref_slice %arg9[%add3A_592, %dma_start3A_598] : memref<320x64xi32, #tpu.memory_space<vmem>> -> memref<1x64xi32, #tpu.memory_space<vmem>>
      %dma_start3A_600 = tpu.memref_squeeze %dma_start3A_599 : memref<1x64xi32, #tpu.memory_space<vmem>> -> memref<64xi32, #tpu.memory_space<vmem>>
      %dma_start3A_601 = arith.constant 0 : i32
      %dma_start3A_602 = arith.constant 0 : i32
      %dma_start3A_603 = tpu.memref_slice %arg6[%dma_start3A_601, %dma_start3A_602] : memref<10112x64xf32, #tpu.memory_space<vmem_shared>> -> memref<10112x64xf32, #tpu.memory_space<vmem_shared>>
      tpu.enqueue_indirect_dma source(%dma_start3A_597 : memref<64x64xf32, #tpu.memory_space<vmem>>) target(%dma_start3A_603 : memref<10112x64xf32, #tpu.memory_space<vmem_shared>>) offsets(%dma_start3A_600 : memref<64xi32, #tpu.memory_space<vmem>>) semaphore(%arg22 : memref<!tpu.dma_semaphore, #tpu.memory_space<semaphore_mem>>) {add = true}
      %dma_wait3A_604 = arith.constant 0 : i32
      %dma_wait3A_605 = arith.constant 5 : i32
      %dma_wait3A_606 = arith.constant 0 : i32
      %dma_wait3A_607 = arith.constant 0 : i32
      %dma_wait3A_608 = tpu.memref_slice %arg7[%dma_wait3A_605, %dma_wait3A_606, %dma_wait3A_607] : memref<8x64x64xf32, #tpu.memory_space<vmem>> -> memref<1x64x64xf32, #tpu.memory_space<vmem>>
      %dma_wait3A_609 = tpu.memref_squeeze %dma_wait3A_608 : memref<1x64x64xf32, #tpu.memory_space<vmem>> -> memref<64x64xf32, #tpu.memory_space<vmem>>
      %dma_wait3A_610 = arith.constant 0 : i32
      %dma_wait3A_611 = tpu.memref_slice %arg8[%dma_wait3A_604, %dma_wait3A_610] : memref<320x64xi32, #tpu.memory_space<vmem>> -> memref<1x64xi32, #tpu.memory_space<vmem>>
      %dma_wait3A_612 = tpu.memref_squeeze %dma_wait3A_611 : memref<1x64xi32, #tpu.memory_space<vmem>> -> memref<64xi32, #tpu.memory_space<vmem>>
      %dma_wait3A_613 = arith.constant 0 : i32
      %dma_wait3A_614 = arith.constant 0 : i32
      %dma_wait3A_615 = tpu.memref_slice %arg2[%arg0, %dma_wait3A_613, %dma_wait3A_614] : memref<2x10000x64xf32, #tpu.memory_space<hbm>> -> memref<1x10000x64xf32, #tpu.memory_space<hbm>>
      %dma_wait3A_616 = tpu.memref_squeeze %dma_wait3A_615 : memref<1x10000x64xf32, #tpu.memory_space<hbm>> -> memref<10000x64xf32, #tpu.memory_space<hbm>>
      %dma_wait3A_617 = arith.constant 0 : i32
      %dma_wait3A_618 = arith.constant 0 : i32
      %dma_wait3A_619 = tpu.memref_slice %dma_wait3A_616[%dma_wait3A_617, %dma_wait3A_618] : memref<10000x64xf32, #tpu.memory_space<hbm>> -> memref<10000x64xf32, #tpu.memory_space<hbm>>
      tpu.wait_indirect_dma semaphore(%arg15 : memref<!tpu.dma_semaphore, #tpu.memory_space<semaphore_mem>>) src(%dma_wait3A_619 : memref<10000x64xf32, #tpu.memory_space<hbm>>) dst(%dma_wait3A_609 : memref<64x64xf32, #tpu.memory_space<vmem>>)
      %add3A_620 = arith.constant 5 : i32
      %add3A_621 = arith.addi %mul3A_459, %add3A_620 : i32
      %dma_start3A_622 = arith.constant 5 : i32
      %dma_start3A_623 = arith.constant 0 : i32
      %dma_start3A_624 = arith.constant 0 : i32
      %dma_start3A_625 = tpu.memref_slice %arg7[%dma_start3A_622, %dma_start3A_623, %dma_start3A_624] : memref<8x64x64xf32, #tpu.memory_space<vmem>> -> memref<1x64x64xf32, #tpu.memory_space<vmem>>
      %dma_start3A_626 = tpu.memref_squeeze %dma_start3A_625 : memref<1x64x64xf32, #tpu.memory_space<vmem>> -> memref<64x64xf32, #tpu.memory_space<vmem>>
      %dma_start3A_627 = arith.constant 0 : i32
      %dma_start3A_628 = tpu.memref_slice %arg9[%add3A_621, %dma_start3A_627] : memref<320x64xi32, #tpu.memory_space<vmem>> -> memref<1x64xi32, #tpu.memory_space<vmem>>
      %dma_start3A_629 = tpu.memref_squeeze %dma_start3A_628 : memref<1x64xi32, #tpu.memory_space<vmem>> -> memref<64xi32, #tpu.memory_space<vmem>>
      %dma_start3A_630 = arith.constant 0 : i32
      %dma_start3A_631 = arith.constant 0 : i32
      %dma_start3A_632 = tpu.memref_slice %arg6[%dma_start3A_630, %dma_start3A_631] : memref<10112x64xf32, #tpu.memory_space<vmem_shared>> -> memref<10112x64xf32, #tpu.memory_space<vmem_shared>>
      tpu.enqueue_indirect_dma source(%dma_start3A_626 : memref<64x64xf32, #tpu.memory_space<vmem>>) target(%dma_start3A_632 : memref<10112x64xf32, #tpu.memory_space<vmem_shared>>) offsets(%dma_start3A_629 : memref<64xi32, #tpu.memory_space<vmem>>) semaphore(%arg23 : memref<!tpu.dma_semaphore, #tpu.memory_space<semaphore_mem>>) {add = true}
      %dma_wait3A_633 = arith.constant 0 : i32
      %dma_wait3A_634 = arith.constant 6 : i32
      %dma_wait3A_635 = arith.constant 0 : i32
      %dma_wait3A_636 = arith.constant 0 : i32
      %dma_wait3A_637 = tpu.memref_slice %arg7[%dma_wait3A_634, %dma_wait3A_635, %dma_wait3A_636] : memref<8x64x64xf32, #tpu.memory_space<vmem>> -> memref<1x64x64xf32, #tpu.memory_space<vmem>>
      %dma_wait3A_638 = tpu.memref_squeeze %dma_wait3A_637 : memref<1x64x64xf32, #tpu.memory_space<vmem>> -> memref<64x64xf32, #tpu.memory_space<vmem>>
      %dma_wait3A_639 = arith.constant 0 : i32
      %dma_wait3A_640 = tpu.memref_slice %arg8[%dma_wait3A_633, %dma_wait3A_639] : memref<320x64xi32, #tpu.memory_space<vmem>> -> memref<1x64xi32, #tpu.memory_space<vmem>>
      %dma_wait3A_641 = tpu.memref_squeeze %dma_wait3A_640 : memref<1x64xi32, #tpu.memory_space<vmem>> -> memref<64xi32, #tpu.memory_space<vmem>>
      %dma_wait3A_642 = arith.constant 0 : i32
      %dma_wait3A_643 = arith.constant 0 : i32
      %dma_wait3A_644 = tpu.memref_slice %arg2[%arg0, %dma_wait3A_642, %dma_wait3A_643] : memref<2x10000x64xf32, #tpu.memory_space<hbm>> -> memref<1x10000x64xf32, #tpu.memory_space<hbm>>
      %dma_wait3A_645 = tpu.memref_squeeze %dma_wait3A_644 : memref<1x10000x64xf32, #tpu.memory_space<hbm>> -> memref<10000x64xf32, #tpu.memory_space<hbm>>
      %dma_wait3A_646 = arith.constant 0 : i32
      %dma_wait3A_647 = arith.constant 0 : i32
      %dma_wait3A_648 = tpu.memref_slice %dma_wait3A_645[%dma_wait3A_646, %dma_wait3A_647] : memref<10000x64xf32, #tpu.memory_space<hbm>> -> memref<10000x64xf32, #tpu.memory_space<hbm>>
      tpu.wait_indirect_dma semaphore(%arg16 : memref<!tpu.dma_semaphore, #tpu.memory_space<semaphore_mem>>) src(%dma_wait3A_648 : memref<10000x64xf32, #tpu.memory_space<hbm>>) dst(%dma_wait3A_638 : memref<64x64xf32, #tpu.memory_space<vmem>>)
      %add3A_649 = arith.constant 6 : i32
      %add3A_650 = arith.addi %mul3A_459, %add3A_649 : i32
      %dma_start3A_651 = arith.constant 6 : i32
      %dma_start3A_652 = arith.constant 0 : i32
      %dma_start3A_653 = arith.constant 0 : i32
      %dma_start3A_654 = tpu.memref_slice %arg7[%dma_start3A_651, %dma_start3A_652, %dma_start3A_653] : memref<8x64x64xf32, #tpu.memory_space<vmem>> -> memref<1x64x64xf32, #tpu.memory_space<vmem>>
      %dma_start3A_655 = tpu.memref_squeeze %dma_start3A_654 : memref<1x64x64xf32, #tpu.memory_space<vmem>> -> memref<64x64xf32, #tpu.memory_space<vmem>>
      %dma_start3A_656 = arith.constant 0 : i32
      %dma_start3A_657 = tpu.memref_slice %arg9[%add3A_650, %dma_start3A_656] : memref<320x64xi32, #tpu.memory_space<vmem>> -> memref<1x64xi32, #tpu.memory_space<vmem>>
      %dma_start3A_658 = tpu.memref_squeeze %dma_start3A_657 : memref<1x64xi32, #tpu.memory_space<vmem>> -> memref<64xi32, #tpu.memory_space<vmem>>
      %dma_start3A_659 = arith.constant 0 : i32
      %dma_start3A_660 = arith.constant 0 : i32
      %dma_start3A_661 = tpu.memref_slice %arg6[%dma_start3A_659, %dma_start3A_660] : memref<10112x64xf32, #tpu.memory_space<vmem_shared>> -> memref<10112x64xf32, #tpu.memory_space<vmem_shared>>
      tpu.enqueue_indirect_dma source(%dma_start3A_655 : memref<64x64xf32, #tpu.memory_space<vmem>>) target(%dma_start3A_661 : memref<10112x64xf32, #tpu.memory_space<vmem_shared>>) offsets(%dma_start3A_658 : memref<64xi32, #tpu.memory_space<vmem>>) semaphore(%arg24 : memref<!tpu.dma_semaphore, #tpu.memory_space<semaphore_mem>>) {add = true}
      %dma_wait3A_662 = arith.constant 0 : i32
      %dma_wait3A_663 = arith.constant 7 : i32
      %dma_wait3A_664 = arith.constant 0 : i32
      %dma_wait3A_665 = arith.constant 0 : i32
      %dma_wait3A_666 = tpu.memref_slice %arg7[%dma_wait3A_663, %dma_wait3A_664, %dma_wait3A_665] : memref<8x64x64xf32, #tpu.memory_space<vmem>> -> memref<1x64x64xf32, #tpu.memory_space<vmem>>
      %dma_wait3A_667 = tpu.memref_squeeze %dma_wait3A_666 : memref<1x64x64xf32, #tpu.memory_space<vmem>> -> memref<64x64xf32, #tpu.memory_space<vmem>>
      %dma_wait3A_668 = arith.constant 0 : i32
      %dma_wait3A_669 = tpu.memref_slice %arg8[%dma_wait3A_662, %dma_wait3A_668] : memref<320x64xi32, #tpu.memory_space<vmem>> -> memref<1x64xi32, #tpu.memory_space<vmem>>
      %dma_wait3A_670 = tpu.memref_squeeze %dma_wait3A_669 : memref<1x64xi32, #tpu.memory_space<vmem>> -> memref<64xi32, #tpu.memory_space<vmem>>
      %dma_wait3A_671 = arith.constant 0 : i32
      %dma_wait3A_672 = arith.constant 0 : i32
      %dma_wait3A_673 = tpu.memref_slice %arg2[%arg0, %dma_wait3A_671, %dma_wait3A_672] : memref<2x10000x64xf32, #tpu.memory_space<hbm>> -> memref<1x10000x64xf32, #tpu.memory_space<hbm>>
      %dma_wait3A_674 = tpu.memref_squeeze %dma_wait3A_673 : memref<1x10000x64xf32, #tpu.memory_space<hbm>> -> memref<10000x64xf32, #tpu.memory_space<hbm>>
      %dma_wait3A_675 = arith.constant 0 : i32
      %dma_wait3A_676 = arith.constant 0 : i32
      %dma_wait3A_677 = tpu.memref_slice %dma_wait3A_674[%dma_wait3A_675, %dma_wait3A_676] : memref<10000x64xf32, #tpu.memory_space<hbm>> -> memref<10000x64xf32, #tpu.memory_space<hbm>>
      tpu.wait_indirect_dma semaphore(%arg17 : memref<!tpu.dma_semaphore, #tpu.memory_space<semaphore_mem>>) src(%dma_wait3A_677 : memref<10000x64xf32, #tpu.memory_space<hbm>>) dst(%dma_wait3A_667 : memref<64x64xf32, #tpu.memory_space<vmem>>)
      %add3A_678 = arith.constant 7 : i32
      %add3A_679 = arith.addi %mul3A_459, %add3A_678 : i32
      %dma_start3A_680 = arith.constant 7 : i32
      %dma_start3A_681 = arith.constant 0 : i32
      %dma_start3A_682 = arith.constant 0 : i32
      %dma_start3A_683 = tpu.memref_slice %arg7[%dma_start3A_680, %dma_start3A_681, %dma_start3A_682] : memref<8x64x64xf32, #tpu.memory_space<vmem>> -> memref<1x64x64xf32, #tpu.memory_space<vmem>>
      %dma_start3A_684 = tpu.memref_squeeze %dma_start3A_683 : memref<1x64x64xf32, #tpu.memory_space<vmem>> -> memref<64x64xf32, #tpu.memory_space<vmem>>
      %dma_start3A_685 = arith.constant 0 : i32
      %dma_start3A_686 = tpu.memref_slice %arg9[%add3A_679, %dma_start3A_685] : memref<320x64xi32, #tpu.memory_space<vmem>> -> memref<1x64xi32, #tpu.memory_space<vmem>>
      %dma_start3A_687 = tpu.memref_squeeze %dma_start3A_686 : memref<1x64xi32, #tpu.memory_space<vmem>> -> memref<64xi32, #tpu.memory_space<vmem>>
      %dma_start3A_688 = arith.constant 0 : i32
      %dma_start3A_689 = arith.constant 0 : i32
      %dma_start3A_690 = tpu.memref_slice %arg6[%dma_start3A_688, %dma_start3A_689] : memref<10112x64xf32, #tpu.memory_space<vmem_shared>> -> memref<10112x64xf32, #tpu.memory_space<vmem_shared>>
      tpu.enqueue_indirect_dma source(%dma_start3A_684 : memref<64x64xf32, #tpu.memory_space<vmem>>) target(%dma_start3A_690 : memref<10112x64xf32, #tpu.memory_space<vmem_shared>>) offsets(%dma_start3A_687 : memref<64xi32, #tpu.memory_space<vmem>>) semaphore(%arg25 : memref<!tpu.dma_semaphore, #tpu.memory_space<semaphore_mem>>) {add = true}
      %dma_wait3A_691 = arith.constant 0 : i32
      %dma_wait3A_692 = arith.constant 0 : i32
      %dma_wait3A_693 = arith.constant 0 : i32
      %dma_wait3A_694 = arith.constant 0 : i32
      %dma_wait3A_695 = tpu.memref_slice %arg7[%dma_wait3A_691, %dma_wait3A_693, %dma_wait3A_694] : memref<8x64x64xf32, #tpu.memory_space<vmem>> -> memref<1x64x64xf32, #tpu.memory_space<vmem>>
      %dma_wait3A_696 = tpu.memref_squeeze %dma_wait3A_695 : memref<1x64x64xf32, #tpu.memory_space<vmem>> -> memref<64x64xf32, #tpu.memory_space<vmem>>
      %dma_wait3A_697 = arith.constant 0 : i32
      %dma_wait3A_698 = tpu.memref_slice %arg9[%dma_wait3A_692, %dma_wait3A_697] : memref<320x64xi32, #tpu.memory_space<vmem>> -> memref<1x64xi32, #tpu.memory_space<vmem>>
      %dma_wait3A_699 = tpu.memref_squeeze %dma_wait3A_698 : memref<1x64xi32, #tpu.memory_space<vmem>> -> memref<64xi32, #tpu.memory_space<vmem>>
      %dma_wait3A_700 = arith.constant 0 : i32
      %dma_wait3A_701 = arith.constant 0 : i32
      %dma_wait3A_702 = tpu.memref_slice %arg6[%dma_wait3A_700, %dma_wait3A_701] : memref<10112x64xf32, #tpu.memory_space<vmem_shared>> -> memref<10112x64xf32, #tpu.memory_space<vmem_shared>>
      tpu.wait_indirect_dma semaphore(%arg18 : memref<!tpu.dma_semaphore, #tpu.memory_space<semaphore_mem>>) src(%dma_wait3A_696 : memref<64x64xf32, #tpu.memory_space<vmem>>) dst(%dma_wait3A_702 : memref<10112x64xf32, #tpu.memory_space<vmem_shared>>)
      %add3A_703 = arith.constant 8 : i32
      %add3A_704 = arith.addi %mul3A_459, %add3A_703 : i32
      %add3A_705 = arith.constant 0 : i32
      %add3A_706 = arith.addi %add3A_704, %add3A_705 : i32
      %dma_start3A_707 = arith.constant 0 : i32
      %dma_start3A_708 = arith.constant 0 : i32
      %dma_start3A_709 = arith.constant 0 : i32
      %dma_start3A_710 = tpu.memref_slice %arg7[%dma_start3A_707, %dma_start3A_708, %dma_start3A_709] : memref<8x64x64xf32, #tpu.memory_space<vmem>> -> memref<1x64x64xf32, #tpu.memory_space<vmem>>
      %dma_start3A_711 = tpu.memref_squeeze %dma_start3A_710 : memref<1x64x64xf32, #tpu.memory_space<vmem>> -> memref<64x64xf32, #tpu.memory_space<vmem>>
      %dma_start3A_712 = arith.constant 0 : i32
      %dma_start3A_713 = tpu.memref_slice %arg8[%add3A_706, %dma_start3A_712] : memref<320x64xi32, #tpu.memory_space<vmem>> -> memref<1x64xi32, #tpu.memory_space<vmem>>
      %dma_start3A_714 = tpu.memref_squeeze %dma_start3A_713 : memref<1x64xi32, #tpu.memory_space<vmem>> -> memref<64xi32, #tpu.memory_space<vmem>>
      %dma_start3A_715 = arith.constant 0 : i32
      %dma_start3A_716 = arith.constant 0 : i32
      %dma_start3A_717 = tpu.memref_slice %arg2[%arg0, %dma_start3A_715, %dma_start3A_716] : memref<2x10000x64xf32, #tpu.memory_space<hbm>> -> memref<1x10000x64xf32, #tpu.memory_space<hbm>>
      %dma_start3A_718 = tpu.memref_squeeze %dma_start3A_717 : memref<1x10000x64xf32, #tpu.memory_space<hbm>> -> memref<10000x64xf32, #tpu.memory_space<hbm>>
      %dma_start3A_719 = arith.constant 0 : i32
      %dma_start3A_720 = arith.constant 0 : i32
      %dma_start3A_721 = tpu.memref_slice %dma_start3A_718[%dma_start3A_719, %dma_start3A_720] : memref<10000x64xf32, #tpu.memory_space<hbm>> -> memref<10000x64xf32, #tpu.memory_space<hbm>>
      tpu.enqueue_indirect_dma source(%dma_start3A_721 : memref<10000x64xf32, #tpu.memory_space<hbm>>) target(%dma_start3A_711 : memref<64x64xf32, #tpu.memory_space<vmem>>) offsets(%dma_start3A_714 : memref<64xi32, #tpu.memory_space<vmem>>) semaphore(%arg10 : memref<!tpu.dma_semaphore, #tpu.memory_space<semaphore_mem>>)
      %dma_wait3A_722 = arith.constant 1 : i32
      %dma_wait3A_723 = arith.constant 0 : i32
      %dma_wait3A_724 = arith.constant 0 : i32
      %dma_wait3A_725 = arith.constant 0 : i32
      %dma_wait3A_726 = tpu.memref_slice %arg7[%dma_wait3A_722, %dma_wait3A_724, %dma_wait3A_725] : memref<8x64x64xf32, #tpu.memory_space<vmem>> -> memref<1x64x64xf32, #tpu.memory_space<vmem>>
      %dma_wait3A_727 = tpu.memref_squeeze %dma_wait3A_726 : memref<1x64x64xf32, #tpu.memory_space<vmem>> -> memref<64x64xf32, #tpu.memory_space<vmem>>
      %dma_wait3A_728 = arith.constant 0 : i32
      %dma_wait3A_729 = tpu.memref_slice %arg9[%dma_wait3A_723, %dma_wait3A_728] : memref<320x64xi32, #tpu.memory_space<vmem>> -> memref<1x64xi32, #tpu.memory_space<vmem>>
      %dma_wait3A_730 = tpu.memref_squeeze %dma_wait3A_729 : memref<1x64xi32, #tpu.memory_space<vmem>> -> memref<64xi32, #tpu.memory_space<vmem>>
      %dma_wait3A_731 = arith.constant 0 : i32
      %dma_wait3A_732 = arith.constant 0 : i32
      %dma_wait3A_733 = tpu.memref_slice %arg6[%dma_wait3A_731, %dma_wait3A_732] : memref<10112x64xf32, #tpu.memory_space<vmem_shared>> -> memref<10112x64xf32, #tpu.memory_space<vmem_shared>>
      tpu.wait_indirect_dma semaphore(%arg19 : memref<!tpu.dma_semaphore, #tpu.memory_space<semaphore_mem>>) src(%dma_wait3A_727 : memref<64x64xf32, #tpu.memory_space<vmem>>) dst(%dma_wait3A_733 : memref<10112x64xf32, #tpu.memory_space<vmem_shared>>)
      %add3A_734 = arith.constant 8 : i32
      %add3A_735 = arith.addi %mul3A_459, %add3A_734 : i32
      %add3A_736 = arith.constant 1 : i32
      %add3A_737 = arith.addi %add3A_735, %add3A_736 : i32
      %dma_start3A_738 = arith.constant 1 : i32
      %dma_start3A_739 = arith.constant 0 : i32
      %dma_start3A_740 = arith.constant 0 : i32
      %dma_start3A_741 = tpu.memref_slice %arg7[%dma_start3A_738, %dma_start3A_739, %dma_start3A_740] : memref<8x64x64xf32, #tpu.memory_space<vmem>> -> memref<1x64x64xf32, #tpu.memory_space<vmem>>
      %dma_start3A_742 = tpu.memref_squeeze %dma_start3A_741 : memref<1x64x64xf32, #tpu.memory_space<vmem>> -> memref<64x64xf32, #tpu.memory_space<vmem>>
      %dma_start3A_743 = arith.constant 0 : i32
      %dma_start3A_744 = tpu.memref_slice %arg8[%add3A_737, %dma_start3A_743] : memref<320x64xi32, #tpu.memory_space<vmem>> -> memref<1x64xi32, #tpu.memory_space<vmem>>
      %dma_start3A_745 = tpu.memref_squeeze %dma_start3A_744 : memref<1x64xi32, #tpu.memory_space<vmem>> -> memref<64xi32, #tpu.memory_space<vmem>>
      %dma_start3A_746 = arith.constant 0 : i32
      %dma_start3A_747 = arith.constant 0 : i32
      %dma_start3A_748 = tpu.memref_slice %arg2[%arg0, %dma_start3A_746, %dma_start3A_747] : memref<2x10000x64xf32, #tpu.memory_space<hbm>> -> memref<1x10000x64xf32, #tpu.memory_space<hbm>>
      %dma_start3A_749 = tpu.memref_squeeze %dma_start3A_748 : memref<1x10000x64xf32, #tpu.memory_space<hbm>> -> memref<10000x64xf32, #tpu.memory_space<hbm>>
      %dma_start3A_750 = arith.constant 0 : i32
      %dma_start3A_751 = arith.constant 0 : i32
      %dma_start3A_752 = tpu.memref_slice %dma_start3A_749[%dma_start3A_750, %dma_start3A_751] : memref<10000x64xf32, #tpu.memory_space<hbm>> -> memref<10000x64xf32, #tpu.memory_space<hbm>>
      tpu.enqueue_indirect_dma source(%dma_start3A_752 : memref<10000x64xf32, #tpu.memory_space<hbm>>) target(%dma_start3A_742 : memref<64x64xf32, #tpu.memory_space<vmem>>) offsets(%dma_start3A_745 : memref<64xi32, #tpu.memory_space<vmem>>) semaphore(%arg11 : memref<!tpu.dma_semaphore, #tpu.memory_space<semaphore_mem>>)
      %dma_wait3A_753 = arith.constant 2 : i32
      %dma_wait3A_754 = arith.constant 0 : i32
      %dma_wait3A_755 = arith.constant 0 : i32
      %dma_wait3A_756 = arith.constant 0 : i32
      %dma_wait3A_757 = tpu.memref_slice %arg7[%dma_wait3A_753, %dma_wait3A_755, %dma_wait3A_756] : memref<8x64x64xf32, #tpu.memory_space<vmem>> -> memref<1x64x64xf32, #tpu.memory_space<vmem>>
      %dma_wait3A_758 = tpu.memref_squeeze %dma_wait3A_757 : memref<1x64x64xf32, #tpu.memory_space<vmem>> -> memref<64x64xf32, #tpu.memory_space<vmem>>
      %dma_wait3A_759 = arith.constant 0 : i32
      %dma_wait3A_760 = tpu.memref_slice %arg9[%dma_wait3A_754, %dma_wait3A_759] : memref<320x64xi32, #tpu.memory_space<vmem>> -> memref<1x64xi32, #tpu.memory_space<vmem>>
      %dma_wait3A_761 = tpu.memref_squeeze %dma_wait3A_760 : memref<1x64xi32, #tpu.memory_space<vmem>> -> memref<64xi32, #tpu.memory_space<vmem>>
      %dma_wait3A_762 = arith.constant 0 : i32
      %dma_wait3A_763 = arith.constant 0 : i32
      %dma_wait3A_764 = tpu.memref_slice %arg6[%dma_wait3A_762, %dma_wait3A_763] : memref<10112x64xf32, #tpu.memory_space<vmem_shared>> -> memref<10112x64xf32, #tpu.memory_space<vmem_shared>>
      tpu.wait_indirect_dma semaphore(%arg20 : memref<!tpu.dma_semaphore, #tpu.memory_space<semaphore_mem>>) src(%dma_wait3A_758 : memref<64x64xf32, #tpu.memory_space<vmem>>) dst(%dma_wait3A_764 : memref<10112x64xf32, #tpu.memory_space<vmem_shared>>)
      %add3A_765 = arith.constant 8 : i32
      %add3A_766 = arith.addi %mul3A_459, %add3A_765 : i32
      %add3A_767 = arith.constant 2 : i32
      %add3A_768 = arith.addi %add3A_766, %add3A_767 : i32
      %dma_start3A_769 = arith.constant 2 : i32
      %dma_start3A_770 = arith.constant 0 : i32
      %dma_start3A_771 = arith.constant 0 : i32
      %dma_start3A_772 = tpu.memref_slice %arg7[%dma_start3A_769, %dma_start3A_770, %dma_start3A_771] : memref<8x64x64xf32, #tpu.memory_space<vmem>> -> memref<1x64x64xf32, #tpu.memory_space<vmem>>
      %dma_start3A_773 = tpu.memref_squeeze %dma_start3A_772 : memref<1x64x64xf32, #tpu.memory_space<vmem>> -> memref<64x64xf32, #tpu.memory_space<vmem>>
      %dma_start3A_774 = arith.constant 0 : i32
      %dma_start3A_775 = tpu.memref_slice %arg8[%add3A_768, %dma_start3A_774] : memref<320x64xi32, #tpu.memory_space<vmem>> -> memref<1x64xi32, #tpu.memory_space<vmem>>
      %dma_start3A_776 = tpu.memref_squeeze %dma_start3A_775 : memref<1x64xi32, #tpu.memory_space<vmem>> -> memref<64xi32, #tpu.memory_space<vmem>>
      %dma_start3A_777 = arith.constant 0 : i32
      %dma_start3A_778 = arith.constant 0 : i32
      %dma_start3A_779 = tpu.memref_slice %arg2[%arg0, %dma_start3A_777, %dma_start3A_778] : memref<2x10000x64xf32, #tpu.memory_space<hbm>> -> memref<1x10000x64xf32, #tpu.memory_space<hbm>>
      %dma_start3A_780 = tpu.memref_squeeze %dma_start3A_779 : memref<1x10000x64xf32, #tpu.memory_space<hbm>> -> memref<10000x64xf32, #tpu.memory_space<hbm>>
      %dma_start3A_781 = arith.constant 0 : i32
      %dma_start3A_782 = arith.constant 0 : i32
      %dma_start3A_783 = tpu.memref_slice %dma_start3A_780[%dma_start3A_781, %dma_start3A_782] : memref<10000x64xf32, #tpu.memory_space<hbm>> -> memref<10000x64xf32, #tpu.memory_space<hbm>>
      tpu.enqueue_indirect_dma source(%dma_start3A_783 : memref<10000x64xf32, #tpu.memory_space<hbm>>) target(%dma_start3A_773 : memref<64x64xf32, #tpu.memory_space<vmem>>) offsets(%dma_start3A_776 : memref<64xi32, #tpu.memory_space<vmem>>) semaphore(%arg12 : memref<!tpu.dma_semaphore, #tpu.memory_space<semaphore_mem>>)
      %dma_wait3A_784 = arith.constant 3 : i32
      %dma_wait3A_785 = arith.constant 0 : i32
      %dma_wait3A_786 = arith.constant 0 : i32
      %dma_wait3A_787 = arith.constant 0 : i32
      %dma_wait3A_788 = tpu.memref_slice %arg7[%dma_wait3A_784, %dma_wait3A_786, %dma_wait3A_787] : memref<8x64x64xf32, #tpu.memory_space<vmem>> -> memref<1x64x64xf32, #tpu.memory_space<vmem>>
      %dma_wait3A_789 = tpu.memref_squeeze %dma_wait3A_788 : memref<1x64x64xf32, #tpu.memory_space<vmem>> -> memref<64x64xf32, #tpu.memory_space<vmem>>
      %dma_wait3A_790 = arith.constant 0 : i32
      %dma_wait3A_791 = tpu.memref_slice %arg9[%dma_wait3A_785, %dma_wait3A_790] : memref<320x64xi32, #tpu.memory_space<vmem>> -> memref<1x64xi32, #tpu.memory_space<vmem>>
      %dma_wait3A_792 = tpu.memref_squeeze %dma_wait3A_791 : memref<1x64xi32, #tpu.memory_space<vmem>> -> memref<64xi32, #tpu.memory_space<vmem>>
      %dma_wait3A_793 = arith.constant 0 : i32
      %dma_wait3A_794 = arith.constant 0 : i32
      %dma_wait3A_795 = tpu.memref_slice %arg6[%dma_wait3A_793, %dma_wait3A_794] : memref<10112x64xf32, #tpu.memory_space<vmem_shared>> -> memref<10112x64xf32, #tpu.memory_space<vmem_shared>>
      tpu.wait_indirect_dma semaphore(%arg21 : memref<!tpu.dma_semaphore, #tpu.memory_space<semaphore_mem>>) src(%dma_wait3A_789 : memref<64x64xf32, #tpu.memory_space<vmem>>) dst(%dma_wait3A_795 : memref<10112x64xf32, #tpu.memory_space<vmem_shared>>)
      %add3A_796 = arith.constant 8 : i32
      %add3A_797 = arith.addi %mul3A_459, %add3A_796 : i32
      %add3A_798 = arith.constant 3 : i32
      %add3A_799 = arith.addi %add3A_797, %add3A_798 : i32
      %dma_start3A_800 = arith.constant 3 : i32
      %dma_start3A_801 = arith.constant 0 : i32
      %dma_start3A_802 = arith.constant 0 : i32
      %dma_start3A_803 = tpu.memref_slice %arg7[%dma_start3A_800, %dma_start3A_801, %dma_start3A_802] : memref<8x64x64xf32, #tpu.memory_space<vmem>> -> memref<1x64x64xf32, #tpu.memory_space<vmem>>
      %dma_start3A_804 = tpu.memref_squeeze %dma_start3A_803 : memref<1x64x64xf32, #tpu.memory_space<vmem>> -> memref<64x64xf32, #tpu.memory_space<vmem>>
      %dma_start3A_805 = arith.constant 0 : i32
      %dma_start3A_806 = tpu.memref_slice %arg8[%add3A_799, %dma_start3A_805] : memref<320x64xi32, #tpu.memory_space<vmem>> -> memref<1x64xi32, #tpu.memory_space<vmem>>
      %dma_start3A_807 = tpu.memref_squeeze %dma_start3A_806 : memref<1x64xi32, #tpu.memory_space<vmem>> -> memref<64xi32, #tpu.memory_space<vmem>>
      %dma_start3A_808 = arith.constant 0 : i32
      %dma_start3A_809 = arith.constant 0 : i32
      %dma_start3A_810 = tpu.memref_slice %arg2[%arg0, %dma_start3A_808, %dma_start3A_809] : memref<2x10000x64xf32, #tpu.memory_space<hbm>> -> memref<1x10000x64xf32, #tpu.memory_space<hbm>>
      %dma_start3A_811 = tpu.memref_squeeze %dma_start3A_810 : memref<1x10000x64xf32, #tpu.memory_space<hbm>> -> memref<10000x64xf32, #tpu.memory_space<hbm>>
      %dma_start3A_812 = arith.constant 0 : i32
      %dma_start3A_813 = arith.constant 0 : i32
      %dma_start3A_814 = tpu.memref_slice %dma_start3A_811[%dma_start3A_812, %dma_start3A_813] : memref<10000x64xf32, #tpu.memory_space<hbm>> -> memref<10000x64xf32, #tpu.memory_space<hbm>>
      tpu.enqueue_indirect_dma source(%dma_start3A_814 : memref<10000x64xf32, #tpu.memory_space<hbm>>) target(%dma_start3A_804 : memref<64x64xf32, #tpu.memory_space<vmem>>) offsets(%dma_start3A_807 : memref<64xi32, #tpu.memory_space<vmem>>) semaphore(%arg13 : memref<!tpu.dma_semaphore, #tpu.memory_space<semaphore_mem>>)
      %dma_wait3A_815 = arith.constant 4 : i32
      %dma_wait3A_816 = arith.constant 0 : i32
      %dma_wait3A_817 = arith.constant 0 : i32
      %dma_wait3A_818 = arith.constant 0 : i32
      %dma_wait3A_819 = tpu.memref_slice %arg7[%dma_wait3A_815, %dma_wait3A_817, %dma_wait3A_818] : memref<8x64x64xf32, #tpu.memory_space<vmem>> -> memref<1x64x64xf32, #tpu.memory_space<vmem>>
      %dma_wait3A_820 = tpu.memref_squeeze %dma_wait3A_819 : memref<1x64x64xf32, #tpu.memory_space<vmem>> -> memref<64x64xf32, #tpu.memory_space<vmem>>
      %dma_wait3A_821 = arith.constant 0 : i32
      %dma_wait3A_822 = tpu.memref_slice %arg9[%dma_wait3A_816, %dma_wait3A_821] : memref<320x64xi32, #tpu.memory_space<vmem>> -> memref<1x64xi32, #tpu.memory_space<vmem>>
      %dma_wait3A_823 = tpu.memref_squeeze %dma_wait3A_822 : memref<1x64xi32, #tpu.memory_space<vmem>> -> memref<64xi32, #tpu.memory_space<vmem>>
      %dma_wait3A_824 = arith.constant 0 : i32
      %dma_wait3A_825 = arith.constant 0 : i32
      %dma_wait3A_826 = tpu.memref_slice %arg6[%dma_wait3A_824, %dma_wait3A_825] : memref<10112x64xf32, #tpu.memory_space<vmem_shared>> -> memref<10112x64xf32, #tpu.memory_space<vmem_shared>>
      tpu.wait_indirect_dma semaphore(%arg22 : memref<!tpu.dma_semaphore, #tpu.memory_space<semaphore_mem>>) src(%dma_wait3A_820 : memref<64x64xf32, #tpu.memory_space<vmem>>) dst(%dma_wait3A_826 : memref<10112x64xf32, #tpu.memory_space<vmem_shared>>)
      %add3A_827 = arith.constant 8 : i32
      %add3A_828 = arith.addi %mul3A_459, %add3A_827 : i32
      %add3A_829 = arith.constant 4 : i32
      %add3A_830 = arith.addi %add3A_828, %add3A_829 : i32
      %dma_start3A_831 = arith.constant 4 : i32
      %dma_start3A_832 = arith.constant 0 : i32
      %dma_start3A_833 = arith.constant 0 : i32
      %dma_start3A_834 = tpu.memref_slice %arg7[%dma_start3A_831, %dma_start3A_832, %dma_start3A_833] : memref<8x64x64xf32, #tpu.memory_space<vmem>> -> memref<1x64x64xf32, #tpu.memory_space<vmem>>
      %dma_start3A_835 = tpu.memref_squeeze %dma_start3A_834 : memref<1x64x64xf32, #tpu.memory_space<vmem>> -> memref<64x64xf32, #tpu.memory_space<vmem>>
      %dma_start3A_836 = arith.constant 0 : i32
      %dma_start3A_837 = tpu.memref_slice %arg8[%add3A_830, %dma_start3A_836] : memref<320x64xi32, #tpu.memory_space<vmem>> -> memref<1x64xi32, #tpu.memory_space<vmem>>
      %dma_start3A_838 = tpu.memref_squeeze %dma_start3A_837 : memref<1x64xi32, #tpu.memory_space<vmem>> -> memref<64xi32, #tpu.memory_space<vmem>>
      %dma_start3A_839 = arith.constant 0 : i32
      %dma_start3A_840 = arith.constant 0 : i32
      %dma_start3A_841 = tpu.memref_slice %arg2[%arg0, %dma_start3A_839, %dma_start3A_840] : memref<2x10000x64xf32, #tpu.memory_space<hbm>> -> memref<1x10000x64xf32, #tpu.memory_space<hbm>>
      %dma_start3A_842 = tpu.memref_squeeze %dma_start3A_841 : memref<1x10000x64xf32, #tpu.memory_space<hbm>> -> memref<10000x64xf32, #tpu.memory_space<hbm>>
      %dma_start3A_843 = arith.constant 0 : i32
      %dma_start3A_844 = arith.constant 0 : i32
      %dma_start3A_845 = tpu.memref_slice %dma_start3A_842[%dma_start3A_843, %dma_start3A_844] : memref<10000x64xf32, #tpu.memory_space<hbm>> -> memref<10000x64xf32, #tpu.memory_space<hbm>>
      tpu.enqueue_indirect_dma source(%dma_start3A_845 : memref<10000x64xf32, #tpu.memory_space<hbm>>) target(%dma_start3A_835 : memref<64x64xf32, #tpu.memory_space<vmem>>) offsets(%dma_start3A_838 : memref<64xi32, #tpu.memory_space<vmem>>) semaphore(%arg14 : memref<!tpu.dma_semaphore, #tpu.memory_space<semaphore_mem>>)
      %dma_wait3A_846 = arith.constant 5 : i32
      %dma_wait3A_847 = arith.constant 0 : i32
      %dma_wait3A_848 = arith.constant 0 : i32
      %dma_wait3A_849 = arith.constant 0 : i32
      %dma_wait3A_850 = tpu.memref_slice %arg7[%dma_wait3A_846, %dma_wait3A_848, %dma_wait3A_849] : memref<8x64x64xf32, #tpu.memory_space<vmem>> -> memref<1x64x64xf32, #tpu.memory_space<vmem>>
      %dma_wait3A_851 = tpu.memref_squeeze %dma_wait3A_850 : memref<1x64x64xf32, #tpu.memory_space<vmem>> -> memref<64x64xf32, #tpu.memory_space<vmem>>
      %dma_wait3A_852 = arith.constant 0 : i32
      %dma_wait3A_853 = tpu.memref_slice %arg9[%dma_wait3A_847, %dma_wait3A_852] : memref<320x64xi32, #tpu.memory_space<vmem>> -> memref<1x64xi32, #tpu.memory_space<vmem>>
      %dma_wait3A_854 = tpu.memref_squeeze %dma_wait3A_853 : memref<1x64xi32, #tpu.memory_space<vmem>> -> memref<64xi32, #tpu.memory_space<vmem>>
      %dma_wait3A_855 = arith.constant 0 : i32
      %dma_wait3A_856 = arith.constant 0 : i32
      %dma_wait3A_857 = tpu.memref_slice %arg6[%dma_wait3A_855, %dma_wait3A_856] : memref<10112x64xf32, #tpu.memory_space<vmem_shared>> -> memref<10112x64xf32, #tpu.memory_space<vmem_shared>>
      tpu.wait_indirect_dma semaphore(%arg23 : memref<!tpu.dma_semaphore, #tpu.memory_space<semaphore_mem>>) src(%dma_wait3A_851 : memref<64x64xf32, #tpu.memory_space<vmem>>) dst(%dma_wait3A_857 : memref<10112x64xf32, #tpu.memory_space<vmem_shared>>)
      %add3A_858 = arith.constant 8 : i32
      %add3A_859 = arith.addi %mul3A_459, %add3A_858 : i32
      %add3A_860 = arith.constant 5 : i32
      %add3A_861 = arith.addi %add3A_859, %add3A_860 : i32
      %dma_start3A_862 = arith.constant 5 : i32
      %dma_start3A_863 = arith.constant 0 : i32
      %dma_start3A_864 = arith.constant 0 : i32
      %dma_start3A_865 = tpu.memref_slice %arg7[%dma_start3A_862, %dma_start3A_863, %dma_start3A_864] : memref<8x64x64xf32, #tpu.memory_space<vmem>> -> memref<1x64x64xf32, #tpu.memory_space<vmem>>
      %dma_start3A_866 = tpu.memref_squeeze %dma_start3A_865 : memref<1x64x64xf32, #tpu.memory_space<vmem>> -> memref<64x64xf32, #tpu.memory_space<vmem>>
      %dma_start3A_867 = arith.constant 0 : i32
      %dma_start3A_868 = tpu.memref_slice %arg8[%add3A_861, %dma_start3A_867] : memref<320x64xi32, #tpu.memory_space<vmem>> -> memref<1x64xi32, #tpu.memory_space<vmem>>
      %dma_start3A_869 = tpu.memref_squeeze %dma_start3A_868 : memref<1x64xi32, #tpu.memory_space<vmem>> -> memref<64xi32, #tpu.memory_space<vmem>>
      %dma_start3A_870 = arith.constant 0 : i32
      %dma_start3A_871 = arith.constant 0 : i32
      %dma_start3A_872 = tpu.memref_slice %arg2[%arg0, %dma_start3A_870, %dma_start3A_871] : memref<2x10000x64xf32, #tpu.memory_space<hbm>> -> memref<1x10000x64xf32, #tpu.memory_space<hbm>>
      %dma_start3A_873 = tpu.memref_squeeze %dma_start3A_872 : memref<1x10000x64xf32, #tpu.memory_space<hbm>> -> memref<10000x64xf32, #tpu.memory_space<hbm>>
      %dma_start3A_874 = arith.constant 0 : i32
      %dma_start3A_875 = arith.constant 0 : i32
      %dma_start3A_876 = tpu.memref_slice %dma_start3A_873[%dma_start3A_874, %dma_start3A_875] : memref<10000x64xf32, #tpu.memory_space<hbm>> -> memref<10000x64xf32, #tpu.memory_space<hbm>>
      tpu.enqueue_indirect_dma source(%dma_start3A_876 : memref<10000x64xf32, #tpu.memory_space<hbm>>) target(%dma_start3A_866 : memref<64x64xf32, #tpu.memory_space<vmem>>) offsets(%dma_start3A_869 : memref<64xi32, #tpu.memory_space<vmem>>) semaphore(%arg15 : memref<!tpu.dma_semaphore, #tpu.memory_space<semaphore_mem>>)
      %dma_wait3A_877 = arith.constant 6 : i32
      %dma_wait3A_878 = arith.constant 0 : i32
      %dma_wait3A_879 = arith.constant 0 : i32
      %dma_wait3A_880 = arith.constant 0 : i32
      %dma_wait3A_881 = tpu.memref_slice %arg7[%dma_wait3A_877, %dma_wait3A_879, %dma_wait3A_880] : memref<8x64x64xf32, #tpu.memory_space<vmem>> -> memref<1x64x64xf32, #tpu.memory_space<vmem>>
      %dma_wait3A_882 = tpu.memref_squeeze %dma_wait3A_881 : memref<1x64x64xf32, #tpu.memory_space<vmem>> -> memref<64x64xf32, #tpu.memory_space<vmem>>
      %dma_wait3A_883 = arith.constant 0 : i32
      %dma_wait3A_884 = tpu.memref_slice %arg9[%dma_wait3A_878, %dma_wait3A_883] : memref<320x64xi32, #tpu.memory_space<vmem>> -> memref<1x64xi32, #tpu.memory_space<vmem>>
      %dma_wait3A_885 = tpu.memref_squeeze %dma_wait3A_884 : memref<1x64xi32, #tpu.memory_space<vmem>> -> memref<64xi32, #tpu.memory_space<vmem>>
      %dma_wait3A_886 = arith.constant 0 : i32
      %dma_wait3A_887 = arith.constant 0 : i32
      %dma_wait3A_888 = tpu.memref_slice %arg6[%dma_wait3A_886, %dma_wait3A_887] : memref<10112x64xf32, #tpu.memory_space<vmem_shared>> -> memref<10112x64xf32, #tpu.memory_space<vmem_shared>>
      tpu.wait_indirect_dma semaphore(%arg24 : memref<!tpu.dma_semaphore, #tpu.memory_space<semaphore_mem>>) src(%dma_wait3A_882 : memref<64x64xf32, #tpu.memory_space<vmem>>) dst(%dma_wait3A_888 : memref<10112x64xf32, #tpu.memory_space<vmem_shared>>)
      %add3A_889 = arith.constant 8 : i32
      %add3A_890 = arith.addi %mul3A_459, %add3A_889 : i32
      %add3A_891 = arith.constant 6 : i32
      %add3A_892 = arith.addi %add3A_890, %add3A_891 : i32
      %dma_start3A_893 = arith.constant 6 : i32
      %dma_start3A_894 = arith.constant 0 : i32
      %dma_start3A_895 = arith.constant 0 : i32
      %dma_start3A_896 = tpu.memref_slice %arg7[%dma_start3A_893, %dma_start3A_894, %dma_start3A_895] : memref<8x64x64xf32, #tpu.memory_space<vmem>> -> memref<1x64x64xf32, #tpu.memory_space<vmem>>
      %dma_start3A_897 = tpu.memref_squeeze %dma_start3A_896 : memref<1x64x64xf32, #tpu.memory_space<vmem>> -> memref<64x64xf32, #tpu.memory_space<vmem>>
      %dma_start3A_898 = arith.constant 0 : i32
      %dma_start3A_899 = tpu.memref_slice %arg8[%add3A_892, %dma_start3A_898] : memref<320x64xi32, #tpu.memory_space<vmem>> -> memref<1x64xi32, #tpu.memory_space<vmem>>
      %dma_start3A_900 = tpu.memref_squeeze %dma_start3A_899 : memref<1x64xi32, #tpu.memory_space<vmem>> -> memref<64xi32, #tpu.memory_space<vmem>>
      %dma_start3A_901 = arith.constant 0 : i32
      %dma_start3A_902 = arith.constant 0 : i32
      %dma_start3A_903 = tpu.memref_slice %arg2[%arg0, %dma_start3A_901, %dma_start3A_902] : memref<2x10000x64xf32, #tpu.memory_space<hbm>> -> memref<1x10000x64xf32, #tpu.memory_space<hbm>>
      %dma_start3A_904 = tpu.memref_squeeze %dma_start3A_903 : memref<1x10000x64xf32, #tpu.memory_space<hbm>> -> memref<10000x64xf32, #tpu.memory_space<hbm>>
      %dma_start3A_905 = arith.constant 0 : i32
      %dma_start3A_906 = arith.constant 0 : i32
      %dma_start3A_907 = tpu.memref_slice %dma_start3A_904[%dma_start3A_905, %dma_start3A_906] : memref<10000x64xf32, #tpu.memory_space<hbm>> -> memref<10000x64xf32, #tpu.memory_space<hbm>>
      tpu.enqueue_indirect_dma source(%dma_start3A_907 : memref<10000x64xf32, #tpu.memory_space<hbm>>) target(%dma_start3A_897 : memref<64x64xf32, #tpu.memory_space<vmem>>) offsets(%dma_start3A_900 : memref<64xi32, #tpu.memory_space<vmem>>) semaphore(%arg16 : memref<!tpu.dma_semaphore, #tpu.memory_space<semaphore_mem>>)
      %dma_wait3A_908 = arith.constant 7 : i32
      %dma_wait3A_909 = arith.constant 0 : i32
      %dma_wait3A_910 = arith.constant 0 : i32
      %dma_wait3A_911 = arith.constant 0 : i32
      %dma_wait3A_912 = tpu.memref_slice %arg7[%dma_wait3A_908, %dma_wait3A_910, %dma_wait3A_911] : memref<8x64x64xf32, #tpu.memory_space<vmem>> -> memref<1x64x64xf32, #tpu.memory_space<vmem>>
      %dma_wait3A_913 = tpu.memref_squeeze %dma_wait3A_912 : memref<1x64x64xf32, #tpu.memory_space<vmem>> -> memref<64x64xf32, #tpu.memory_space<vmem>>
      %dma_wait3A_914 = arith.constant 0 : i32
      %dma_wait3A_915 = tpu.memref_slice %arg9[%dma_wait3A_909, %dma_wait3A_914] : memref<320x64xi32, #tpu.memory_space<vmem>> -> memref<1x64xi32, #tpu.memory_space<vmem>>
      %dma_wait3A_916 = tpu.memref_squeeze %dma_wait3A_915 : memref<1x64xi32, #tpu.memory_space<vmem>> -> memref<64xi32, #tpu.memory_space<vmem>>
      %dma_wait3A_917 = arith.constant 0 : i32
      %dma_wait3A_918 = arith.constant 0 : i32
      %dma_wait3A_919 = tpu.memref_slice %arg6[%dma_wait3A_917, %dma_wait3A_918] : memref<10112x64xf32, #tpu.memory_space<vmem_shared>> -> memref<10112x64xf32, #tpu.memory_space<vmem_shared>>
      tpu.wait_indirect_dma semaphore(%arg25 : memref<!tpu.dma_semaphore, #tpu.memory_space<semaphore_mem>>) src(%dma_wait3A_913 : memref<64x64xf32, #tpu.memory_space<vmem>>) dst(%dma_wait3A_919 : memref<10112x64xf32, #tpu.memory_space<vmem_shared>>)
      %add3A_920 = arith.constant 8 : i32
      %add3A_921 = arith.addi %mul3A_459, %add3A_920 : i32
      %add3A_922 = arith.constant 7 : i32
      %add3A_923 = arith.addi %add3A_921, %add3A_922 : i32
      %dma_start3A_924 = arith.constant 7 : i32
      %dma_start3A_925 = arith.constant 0 : i32
      %dma_start3A_926 = arith.constant 0 : i32
      %dma_start3A_927 = tpu.memref_slice %arg7[%dma_start3A_924, %dma_start3A_925, %dma_start3A_926] : memref<8x64x64xf32, #tpu.memory_space<vmem>> -> memref<1x64x64xf32, #tpu.memory_space<vmem>>
      %dma_start3A_928 = tpu.memref_squeeze %dma_start3A_927 : memref<1x64x64xf32, #tpu.memory_space<vmem>> -> memref<64x64xf32, #tpu.memory_space<vmem>>
      %dma_start3A_929 = arith.constant 0 : i32
      %dma_start3A_930 = tpu.memref_slice %arg8[%add3A_923, %dma_start3A_929] : memref<320x64xi32, #tpu.memory_space<vmem>> -> memref<1x64xi32, #tpu.memory_space<vmem>>
      %dma_start3A_931 = tpu.memref_squeeze %dma_start3A_930 : memref<1x64xi32, #tpu.memory_space<vmem>> -> memref<64xi32, #tpu.memory_space<vmem>>
      %dma_start3A_932 = arith.constant 0 : i32
      %dma_start3A_933 = arith.constant 0 : i32
      %dma_start3A_934 = tpu.memref_slice %arg2[%arg0, %dma_start3A_932, %dma_start3A_933] : memref<2x10000x64xf32, #tpu.memory_space<hbm>> -> memref<1x10000x64xf32, #tpu.memory_space<hbm>>
      %dma_start3A_935 = tpu.memref_squeeze %dma_start3A_934 : memref<1x10000x64xf32, #tpu.memory_space<hbm>> -> memref<10000x64xf32, #tpu.memory_space<hbm>>
      %dma_start3A_936 = arith.constant 0 : i32
      %dma_start3A_937 = arith.constant 0 : i32
      %dma_start3A_938 = tpu.memref_slice %dma_start3A_935[%dma_start3A_936, %dma_start3A_937] : memref<10000x64xf32, #tpu.memory_space<hbm>> -> memref<10000x64xf32, #tpu.memory_space<hbm>>
      tpu.enqueue_indirect_dma source(%dma_start3A_938 : memref<10000x64xf32, #tpu.memory_space<hbm>>) target(%dma_start3A_928 : memref<64x64xf32, #tpu.memory_space<vmem>>) offsets(%dma_start3A_931 : memref<64xi32, #tpu.memory_space<vmem>>) semaphore(%arg17 : memref<!tpu.dma_semaphore, #tpu.memory_space<semaphore_mem>>)
    }
    %scan3A_132 = arith.constant 39 : i32
    %dma_wait3A = arith.constant 0 : i32
    %dma_wait3A_133 = arith.constant 0 : i32
    %dma_wait3A_134 = arith.constant 0 : i32
    %dma_wait3A_135 = arith.constant 0 : i32
    %dma_wait3A_136 = tpu.memref_slice %arg7[%dma_wait3A_133, %dma_wait3A_134, %dma_wait3A_135] : memref<8x64x64xf32, #tpu.memory_space<vmem>> -> memref<1x64x64xf32, #tpu.memory_space<vmem>>
    %dma_wait3A_137 = tpu.memref_squeeze %dma_wait3A_136 : memref<1x64x64xf32, #tpu.memory_space<vmem>> -> memref<64x64xf32, #tpu.memory_space<vmem>>
    %dma_wait3A_138 = arith.constant 0 : i32
    %dma_wait3A_139 = tpu.memref_slice %arg8[%dma_wait3A, %dma_wait3A_138] : memref<320x64xi32, #tpu.memory_space<vmem>> -> memref<1x64xi32, #tpu.memory_space<vmem>>
    %dma_wait3A_140 = tpu.memref_squeeze %dma_wait3A_139 : memref<1x64xi32, #tpu.memory_space<vmem>> -> memref<64xi32, #tpu.memory_space<vmem>>
    %dma_wait3A_141 = arith.constant 0 : i32
    %dma_wait3A_142 = arith.constant 0 : i32
    %dma_wait3A_143 = tpu.memref_slice %arg2[%arg0, %dma_wait3A_141, %dma_wait3A_142] : memref<2x10000x64xf32, #tpu.memory_space<hbm>> -> memref<1x10000x64xf32, #tpu.memory_space<hbm>>
    %dma_wait3A_144 = tpu.memref_squeeze %dma_wait3A_143 : memref<1x10000x64xf32, #tpu.memory_space<hbm>> -> memref<10000x64xf32, #tpu.memory_space<hbm>>
    %dma_wait3A_145 = arith.constant 0 : i32
    %dma_wait3A_146 = arith.constant 0 : i32
    %dma_wait3A_147 = tpu.memref_slice %dma_wait3A_144[%dma_wait3A_145, %dma_wait3A_146] : memref<10000x64xf32, #tpu.memory_space<hbm>> -> memref<10000x64xf32, #tpu.memory_space<hbm>>
    tpu.wait_indirect_dma semaphore(%arg10 : memref<!tpu.dma_semaphore, #tpu.memory_space<semaphore_mem>>) src(%dma_wait3A_147 : memref<10000x64xf32, #tpu.memory_space<hbm>>) dst(%dma_wait3A_137 : memref<64x64xf32, #tpu.memory_space<vmem>>)
    %dma_start3A_148 = arith.constant 0 : i32
    %dma_start3A_149 = arith.constant 312 : i32
    %dma_start3A_150 = arith.constant 0 : i32
    %dma_start3A_151 = arith.constant 0 : i32
    %dma_start3A_152 = tpu.memref_slice %arg7[%dma_start3A_148, %dma_start3A_150, %dma_start3A_151] : memref<8x64x64xf32, #tpu.memory_space<vmem>> -> memref<1x64x64xf32, #tpu.memory_space<vmem>>
    %dma_start3A_153 = tpu.memref_squeeze %dma_start3A_152 : memref<1x64x64xf32, #tpu.memory_space<vmem>> -> memref<64x64xf32, #tpu.memory_space<vmem>>
    %dma_start3A_154 = arith.constant 0 : i32
    %dma_start3A_155 = tpu.memref_slice %arg9[%dma_start3A_149, %dma_start3A_154] : memref<320x64xi32, #tpu.memory_space<vmem>> -> memref<1x64xi32, #tpu.memory_space<vmem>>
    %dma_start3A_156 = tpu.memref_squeeze %dma_start3A_155 : memref<1x64xi32, #tpu.memory_space<vmem>> -> memref<64xi32, #tpu.memory_space<vmem>>
    %dma_start3A_157 = arith.constant 0 : i32
    %dma_start3A_158 = arith.constant 0 : i32
    %dma_start3A_159 = tpu.memref_slice %arg6[%dma_start3A_157, %dma_start3A_158] : memref<10112x64xf32, #tpu.memory_space<vmem_shared>> -> memref<10112x64xf32, #tpu.memory_space<vmem_shared>>
    tpu.enqueue_indirect_dma source(%dma_start3A_153 : memref<64x64xf32, #tpu.memory_space<vmem>>) target(%dma_start3A_159 : memref<10112x64xf32, #tpu.memory_space<vmem_shared>>) offsets(%dma_start3A_156 : memref<64xi32, #tpu.memory_space<vmem>>) semaphore(%arg18 : memref<!tpu.dma_semaphore, #tpu.memory_space<semaphore_mem>>) {add = true}
    %dma_wait3A_160 = arith.constant 0 : i32
    %dma_wait3A_161 = arith.constant 1 : i32
    %dma_wait3A_162 = arith.constant 0 : i32
    %dma_wait3A_163 = arith.constant 0 : i32
    %dma_wait3A_164 = tpu.memref_slice %arg7[%dma_wait3A_161, %dma_wait3A_162, %dma_wait3A_163] : memref<8x64x64xf32, #tpu.memory_space<vmem>> -> memref<1x64x64xf32, #tpu.memory_space<vmem>>
    %dma_wait3A_165 = tpu.memref_squeeze %dma_wait3A_164 : memref<1x64x64xf32, #tpu.memory_space<vmem>> -> memref<64x64xf32, #tpu.memory_space<vmem>>
    %dma_wait3A_166 = arith.constant 0 : i32
    %dma_wait3A_167 = tpu.memref_slice %arg8[%dma_wait3A_160, %dma_wait3A_166] : memref<320x64xi32, #tpu.memory_space<vmem>> -> memref<1x64xi32, #tpu.memory_space<vmem>>
    %dma_wait3A_168 = tpu.memref_squeeze %dma_wait3A_167 : memref<1x64xi32, #tpu.memory_space<vmem>> -> memref<64xi32, #tpu.memory_space<vmem>>
    %dma_wait3A_169 = arith.constant 0 : i32
    %dma_wait3A_170 = arith.constant 0 : i32
    %dma_wait3A_171 = tpu.memref_slice %arg2[%arg0, %dma_wait3A_169, %dma_wait3A_170] : memref<2x10000x64xf32, #tpu.memory_space<hbm>> -> memref<1x10000x64xf32, #tpu.memory_space<hbm>>
    %dma_wait3A_172 = tpu.memref_squeeze %dma_wait3A_171 : memref<1x10000x64xf32, #tpu.memory_space<hbm>> -> memref<10000x64xf32, #tpu.memory_space<hbm>>
    %dma_wait3A_173 = arith.constant 0 : i32
    %dma_wait3A_174 = arith.constant 0 : i32
    %dma_wait3A_175 = tpu.memref_slice %dma_wait3A_172[%dma_wait3A_173, %dma_wait3A_174] : memref<10000x64xf32, #tpu.memory_space<hbm>> -> memref<10000x64xf32, #tpu.memory_space<hbm>>
    tpu.wait_indirect_dma semaphore(%arg11 : memref<!tpu.dma_semaphore, #tpu.memory_space<semaphore_mem>>) src(%dma_wait3A_175 : memref<10000x64xf32, #tpu.memory_space<hbm>>) dst(%dma_wait3A_165 : memref<64x64xf32, #tpu.memory_space<vmem>>)
    %dma_start3A_176 = arith.constant 1 : i32
    %dma_start3A_177 = arith.constant 313 : i32
    %dma_start3A_178 = arith.constant 0 : i32
    %dma_start3A_179 = arith.constant 0 : i32
    %dma_start3A_180 = tpu.memref_slice %arg7[%dma_start3A_176, %dma_start3A_178, %dma_start3A_179] : memref<8x64x64xf32, #tpu.memory_space<vmem>> -> memref<1x64x64xf32, #tpu.memory_space<vmem>>
    %dma_start3A_181 = tpu.memref_squeeze %dma_start3A_180 : memref<1x64x64xf32, #tpu.memory_space<vmem>> -> memref<64x64xf32, #tpu.memory_space<vmem>>
    %dma_start3A_182 = arith.constant 0 : i32
    %dma_start3A_183 = tpu.memref_slice %arg9[%dma_start3A_177, %dma_start3A_182] : memref<320x64xi32, #tpu.memory_space<vmem>> -> memref<1x64xi32, #tpu.memory_space<vmem>>
    %dma_start3A_184 = tpu.memref_squeeze %dma_start3A_183 : memref<1x64xi32, #tpu.memory_space<vmem>> -> memref<64xi32, #tpu.memory_space<vmem>>
    %dma_start3A_185 = arith.constant 0 : i32
    %dma_start3A_186 = arith.constant 0 : i32
    %dma_start3A_187 = tpu.memref_slice %arg6[%dma_start3A_185, %dma_start3A_186] : memref<10112x64xf32, #tpu.memory_space<vmem_shared>> -> memref<10112x64xf32, #tpu.memory_space<vmem_shared>>
    tpu.enqueue_indirect_dma source(%dma_start3A_181 : memref<64x64xf32, #tpu.memory_space<vmem>>) target(%dma_start3A_187 : memref<10112x64xf32, #tpu.memory_space<vmem_shared>>) offsets(%dma_start3A_184 : memref<64xi32, #tpu.memory_space<vmem>>) semaphore(%arg19 : memref<!tpu.dma_semaphore, #tpu.memory_space<semaphore_mem>>) {add = true}
    %dma_wait3A_188 = arith.constant 0 : i32
    %dma_wait3A_189 = arith.constant 2 : i32
    %dma_wait3A_190 = arith.constant 0 : i32
    %dma_wait3A_191 = arith.constant 0 : i32
    %dma_wait3A_192 = tpu.memref_slice %arg7[%dma_wait3A_189, %dma_wait3A_190, %dma_wait3A_191] : memref<8x64x64xf32, #tpu.memory_space<vmem>> -> memref<1x64x64xf32, #tpu.memory_space<vmem>>
    %dma_wait3A_193 = tpu.memref_squeeze %dma_wait3A_192 : memref<1x64x64xf32, #tpu.memory_space<vmem>> -> memref<64x64xf32, #tpu.memory_space<vmem>>
    %dma_wait3A_194 = arith.constant 0 : i32
    %dma_wait3A_195 = tpu.memref_slice %arg8[%dma_wait3A_188, %dma_wait3A_194] : memref<320x64xi32, #tpu.memory_space<vmem>> -> memref<1x64xi32, #tpu.memory_space<vmem>>
    %dma_wait3A_196 = tpu.memref_squeeze %dma_wait3A_195 : memref<1x64xi32, #tpu.memory_space<vmem>> -> memref<64xi32, #tpu.memory_space<vmem>>
    %dma_wait3A_197 = arith.constant 0 : i32
    %dma_wait3A_198 = arith.constant 0 : i32
    %dma_wait3A_199 = tpu.memref_slice %arg2[%arg0, %dma_wait3A_197, %dma_wait3A_198] : memref<2x10000x64xf32, #tpu.memory_space<hbm>> -> memref<1x10000x64xf32, #tpu.memory_space<hbm>>
    %dma_wait3A_200 = tpu.memref_squeeze %dma_wait3A_199 : memref<1x10000x64xf32, #tpu.memory_space<hbm>> -> memref<10000x64xf32, #tpu.memory_space<hbm>>
    %dma_wait3A_201 = arith.constant 0 : i32
    %dma_wait3A_202 = arith.constant 0 : i32
    %dma_wait3A_203 = tpu.memref_slice %dma_wait3A_200[%dma_wait3A_201, %dma_wait3A_202] : memref<10000x64xf32, #tpu.memory_space<hbm>> -> memref<10000x64xf32, #tpu.memory_space<hbm>>
    tpu.wait_indirect_dma semaphore(%arg12 : memref<!tpu.dma_semaphore, #tpu.memory_space<semaphore_mem>>) src(%dma_wait3A_203 : memref<10000x64xf32, #tpu.memory_space<hbm>>) dst(%dma_wait3A_193 : memref<64x64xf32, #tpu.memory_space<vmem>>)
    %dma_start3A_204 = arith.constant 2 : i32
    %dma_start3A_205 = arith.constant 314 : i32
    %dma_start3A_206 = arith.constant 0 : i32
    %dma_start3A_207 = arith.constant 0 : i32
    %dma_start3A_208 = tpu.memref_slice %arg7[%dma_start3A_204, %dma_start3A_206, %dma_start3A_207] : memref<8x64x64xf32, #tpu.memory_space<vmem>> -> memref<1x64x64xf32, #tpu.memory_space<vmem>>
    %dma_start3A_209 = tpu.memref_squeeze %dma_start3A_208 : memref<1x64x64xf32, #tpu.memory_space<vmem>> -> memref<64x64xf32, #tpu.memory_space<vmem>>
    %dma_start3A_210 = arith.constant 0 : i32
    %dma_start3A_211 = tpu.memref_slice %arg9[%dma_start3A_205, %dma_start3A_210] : memref<320x64xi32, #tpu.memory_space<vmem>> -> memref<1x64xi32, #tpu.memory_space<vmem>>
    %dma_start3A_212 = tpu.memref_squeeze %dma_start3A_211 : memref<1x64xi32, #tpu.memory_space<vmem>> -> memref<64xi32, #tpu.memory_space<vmem>>
    %dma_start3A_213 = arith.constant 0 : i32
    %dma_start3A_214 = arith.constant 0 : i32
    %dma_start3A_215 = tpu.memref_slice %arg6[%dma_start3A_213, %dma_start3A_214] : memref<10112x64xf32, #tpu.memory_space<vmem_shared>> -> memref<10112x64xf32, #tpu.memory_space<vmem_shared>>
    tpu.enqueue_indirect_dma source(%dma_start3A_209 : memref<64x64xf32, #tpu.memory_space<vmem>>) target(%dma_start3A_215 : memref<10112x64xf32, #tpu.memory_space<vmem_shared>>) offsets(%dma_start3A_212 : memref<64xi32, #tpu.memory_space<vmem>>) semaphore(%arg20 : memref<!tpu.dma_semaphore, #tpu.memory_space<semaphore_mem>>) {add = true}
    %dma_wait3A_216 = arith.constant 0 : i32
    %dma_wait3A_217 = arith.constant 3 : i32
    %dma_wait3A_218 = arith.constant 0 : i32
    %dma_wait3A_219 = arith.constant 0 : i32
    %dma_wait3A_220 = tpu.memref_slice %arg7[%dma_wait3A_217, %dma_wait3A_218, %dma_wait3A_219] : memref<8x64x64xf32, #tpu.memory_space<vmem>> -> memref<1x64x64xf32, #tpu.memory_space<vmem>>
    %dma_wait3A_221 = tpu.memref_squeeze %dma_wait3A_220 : memref<1x64x64xf32, #tpu.memory_space<vmem>> -> memref<64x64xf32, #tpu.memory_space<vmem>>
    %dma_wait3A_222 = arith.constant 0 : i32
    %dma_wait3A_223 = tpu.memref_slice %arg8[%dma_wait3A_216, %dma_wait3A_222] : memref<320x64xi32, #tpu.memory_space<vmem>> -> memref<1x64xi32, #tpu.memory_space<vmem>>
    %dma_wait3A_224 = tpu.memref_squeeze %dma_wait3A_223 : memref<1x64xi32, #tpu.memory_space<vmem>> -> memref<64xi32, #tpu.memory_space<vmem>>
    %dma_wait3A_225 = arith.constant 0 : i32
    %dma_wait3A_226 = arith.constant 0 : i32
    %dma_wait3A_227 = tpu.memref_slice %arg2[%arg0, %dma_wait3A_225, %dma_wait3A_226] : memref<2x10000x64xf32, #tpu.memory_space<hbm>> -> memref<1x10000x64xf32, #tpu.memory_space<hbm>>
    %dma_wait3A_228 = tpu.memref_squeeze %dma_wait3A_227 : memref<1x10000x64xf32, #tpu.memory_space<hbm>> -> memref<10000x64xf32, #tpu.memory_space<hbm>>
    %dma_wait3A_229 = arith.constant 0 : i32
    %dma_wait3A_230 = arith.constant 0 : i32
    %dma_wait3A_231 = tpu.memref_slice %dma_wait3A_228[%dma_wait3A_229, %dma_wait3A_230] : memref<10000x64xf32, #tpu.memory_space<hbm>> -> memref<10000x64xf32, #tpu.memory_space<hbm>>
    tpu.wait_indirect_dma semaphore(%arg13 : memref<!tpu.dma_semaphore, #tpu.memory_space<semaphore_mem>>) src(%dma_wait3A_231 : memref<10000x64xf32, #tpu.memory_space<hbm>>) dst(%dma_wait3A_221 : memref<64x64xf32, #tpu.memory_space<vmem>>)
    %dma_start3A_232 = arith.constant 3 : i32
    %dma_start3A_233 = arith.constant 315 : i32
    %dma_start3A_234 = arith.constant 0 : i32
    %dma_start3A_235 = arith.constant 0 : i32
    %dma_start3A_236 = tpu.memref_slice %arg7[%dma_start3A_232, %dma_start3A_234, %dma_start3A_235] : memref<8x64x64xf32, #tpu.memory_space<vmem>> -> memref<1x64x64xf32, #tpu.memory_space<vmem>>
    %dma_start3A_237 = tpu.memref_squeeze %dma_start3A_236 : memref<1x64x64xf32, #tpu.memory_space<vmem>> -> memref<64x64xf32, #tpu.memory_space<vmem>>
    %dma_start3A_238 = arith.constant 0 : i32
    %dma_start3A_239 = tpu.memref_slice %arg9[%dma_start3A_233, %dma_start3A_238] : memref<320x64xi32, #tpu.memory_space<vmem>> -> memref<1x64xi32, #tpu.memory_space<vmem>>
    %dma_start3A_240 = tpu.memref_squeeze %dma_start3A_239 : memref<1x64xi32, #tpu.memory_space<vmem>> -> memref<64xi32, #tpu.memory_space<vmem>>
    %dma_start3A_241 = arith.constant 0 : i32
    %dma_start3A_242 = arith.constant 0 : i32
    %dma_start3A_243 = tpu.memref_slice %arg6[%dma_start3A_241, %dma_start3A_242] : memref<10112x64xf32, #tpu.memory_space<vmem_shared>> -> memref<10112x64xf32, #tpu.memory_space<vmem_shared>>
    tpu.enqueue_indirect_dma source(%dma_start3A_237 : memref<64x64xf32, #tpu.memory_space<vmem>>) target(%dma_start3A_243 : memref<10112x64xf32, #tpu.memory_space<vmem_shared>>) offsets(%dma_start3A_240 : memref<64xi32, #tpu.memory_space<vmem>>) semaphore(%arg21 : memref<!tpu.dma_semaphore, #tpu.memory_space<semaphore_mem>>) {add = true}
    %dma_wait3A_244 = arith.constant 0 : i32
    %dma_wait3A_245 = arith.constant 4 : i32
    %dma_wait3A_246 = arith.constant 0 : i32
    %dma_wait3A_247 = arith.constant 0 : i32
    %dma_wait3A_248 = tpu.memref_slice %arg7[%dma_wait3A_245, %dma_wait3A_246, %dma_wait3A_247] : memref<8x64x64xf32, #tpu.memory_space<vmem>> -> memref<1x64x64xf32, #tpu.memory_space<vmem>>
    %dma_wait3A_249 = tpu.memref_squeeze %dma_wait3A_248 : memref<1x64x64xf32, #tpu.memory_space<vmem>> -> memref<64x64xf32, #tpu.memory_space<vmem>>
    %dma_wait3A_250 = arith.constant 0 : i32
    %dma_wait3A_251 = tpu.memref_slice %arg8[%dma_wait3A_244, %dma_wait3A_250] : memref<320x64xi32, #tpu.memory_space<vmem>> -> memref<1x64xi32, #tpu.memory_space<vmem>>
    %dma_wait3A_252 = tpu.memref_squeeze %dma_wait3A_251 : memref<1x64xi32, #tpu.memory_space<vmem>> -> memref<64xi32, #tpu.memory_space<vmem>>
    %dma_wait3A_253 = arith.constant 0 : i32
    %dma_wait3A_254 = arith.constant 0 : i32
    %dma_wait3A_255 = tpu.memref_slice %arg2[%arg0, %dma_wait3A_253, %dma_wait3A_254] : memref<2x10000x64xf32, #tpu.memory_space<hbm>> -> memref<1x10000x64xf32, #tpu.memory_space<hbm>>
    %dma_wait3A_256 = tpu.memref_squeeze %dma_wait3A_255 : memref<1x10000x64xf32, #tpu.memory_space<hbm>> -> memref<10000x64xf32, #tpu.memory_space<hbm>>
    %dma_wait3A_257 = arith.constant 0 : i32
    %dma_wait3A_258 = arith.constant 0 : i32
    %dma_wait3A_259 = tpu.memref_slice %dma_wait3A_256[%dma_wait3A_257, %dma_wait3A_258] : memref<10000x64xf32, #tpu.memory_space<hbm>> -> memref<10000x64xf32, #tpu.memory_space<hbm>>
    tpu.wait_indirect_dma semaphore(%arg14 : memref<!tpu.dma_semaphore, #tpu.memory_space<semaphore_mem>>) src(%dma_wait3A_259 : memref<10000x64xf32, #tpu.memory_space<hbm>>) dst(%dma_wait3A_249 : memref<64x64xf32, #tpu.memory_space<vmem>>)
    %dma_start3A_260 = arith.constant 4 : i32
    %dma_start3A_261 = arith.constant 316 : i32
    %dma_start3A_262 = arith.constant 0 : i32
    %dma_start3A_263 = arith.constant 0 : i32
    %dma_start3A_264 = tpu.memref_slice %arg7[%dma_start3A_260, %dma_start3A_262, %dma_start3A_263] : memref<8x64x64xf32, #tpu.memory_space<vmem>> -> memref<1x64x64xf32, #tpu.memory_space<vmem>>
    %dma_start3A_265 = tpu.memref_squeeze %dma_start3A_264 : memref<1x64x64xf32, #tpu.memory_space<vmem>> -> memref<64x64xf32, #tpu.memory_space<vmem>>
    %dma_start3A_266 = arith.constant 0 : i32
    %dma_start3A_267 = tpu.memref_slice %arg9[%dma_start3A_261, %dma_start3A_266] : memref<320x64xi32, #tpu.memory_space<vmem>> -> memref<1x64xi32, #tpu.memory_space<vmem>>
    %dma_start3A_268 = tpu.memref_squeeze %dma_start3A_267 : memref<1x64xi32, #tpu.memory_space<vmem>> -> memref<64xi32, #tpu.memory_space<vmem>>
    %dma_start3A_269 = arith.constant 0 : i32
    %dma_start3A_270 = arith.constant 0 : i32
    %dma_start3A_271 = tpu.memref_slice %arg6[%dma_start3A_269, %dma_start3A_270] : memref<10112x64xf32, #tpu.memory_space<vmem_shared>> -> memref<10112x64xf32, #tpu.memory_space<vmem_shared>>
    tpu.enqueue_indirect_dma source(%dma_start3A_265 : memref<64x64xf32, #tpu.memory_space<vmem>>) target(%dma_start3A_271 : memref<10112x64xf32, #tpu.memory_space<vmem_shared>>) offsets(%dma_start3A_268 : memref<64xi32, #tpu.memory_space<vmem>>) semaphore(%arg22 : memref<!tpu.dma_semaphore, #tpu.memory_space<semaphore_mem>>) {add = true}
    %dma_wait3A_272 = arith.constant 0 : i32
    %dma_wait3A_273 = arith.constant 5 : i32
    %dma_wait3A_274 = arith.constant 0 : i32
    %dma_wait3A_275 = arith.constant 0 : i32
    %dma_wait3A_276 = tpu.memref_slice %arg7[%dma_wait3A_273, %dma_wait3A_274, %dma_wait3A_275] : memref<8x64x64xf32, #tpu.memory_space<vmem>> -> memref<1x64x64xf32, #tpu.memory_space<vmem>>
    %dma_wait3A_277 = tpu.memref_squeeze %dma_wait3A_276 : memref<1x64x64xf32, #tpu.memory_space<vmem>> -> memref<64x64xf32, #tpu.memory_space<vmem>>
    %dma_wait3A_278 = arith.constant 0 : i32
    %dma_wait3A_279 = tpu.memref_slice %arg8[%dma_wait3A_272, %dma_wait3A_278] : memref<320x64xi32, #tpu.memory_space<vmem>> -> memref<1x64xi32, #tpu.memory_space<vmem>>
    %dma_wait3A_280 = tpu.memref_squeeze %dma_wait3A_279 : memref<1x64xi32, #tpu.memory_space<vmem>> -> memref<64xi32, #tpu.memory_space<vmem>>
    %dma_wait3A_281 = arith.constant 0 : i32
    %dma_wait3A_282 = arith.constant 0 : i32
    %dma_wait3A_283 = tpu.memref_slice %arg2[%arg0, %dma_wait3A_281, %dma_wait3A_282] : memref<2x10000x64xf32, #tpu.memory_space<hbm>> -> memref<1x10000x64xf32, #tpu.memory_space<hbm>>
    %dma_wait3A_284 = tpu.memref_squeeze %dma_wait3A_283 : memref<1x10000x64xf32, #tpu.memory_space<hbm>> -> memref<10000x64xf32, #tpu.memory_space<hbm>>
    %dma_wait3A_285 = arith.constant 0 : i32
    %dma_wait3A_286 = arith.constant 0 : i32
    %dma_wait3A_287 = tpu.memref_slice %dma_wait3A_284[%dma_wait3A_285, %dma_wait3A_286] : memref<10000x64xf32, #tpu.memory_space<hbm>> -> memref<10000x64xf32, #tpu.memory_space<hbm>>
    tpu.wait_indirect_dma semaphore(%arg15 : memref<!tpu.dma_semaphore, #tpu.memory_space<semaphore_mem>>) src(%dma_wait3A_287 : memref<10000x64xf32, #tpu.memory_space<hbm>>) dst(%dma_wait3A_277 : memref<64x64xf32, #tpu.memory_space<vmem>>)
    %dma_start3A_288 = arith.constant 5 : i32
    %dma_start3A_289 = arith.constant 317 : i32
    %dma_start3A_290 = arith.constant 0 : i32
    %dma_start3A_291 = arith.constant 0 : i32
    %dma_start3A_292 = tpu.memref_slice %arg7[%dma_start3A_288, %dma_start3A_290, %dma_start3A_291] : memref<8x64x64xf32, #tpu.memory_space<vmem>> -> memref<1x64x64xf32, #tpu.memory_space<vmem>>
    %dma_start3A_293 = tpu.memref_squeeze %dma_start3A_292 : memref<1x64x64xf32, #tpu.memory_space<vmem>> -> memref<64x64xf32, #tpu.memory_space<vmem>>
    %dma_start3A_294 = arith.constant 0 : i32
    %dma_start3A_295 = tpu.memref_slice %arg9[%dma_start3A_289, %dma_start3A_294] : memref<320x64xi32, #tpu.memory_space<vmem>> -> memref<1x64xi32, #tpu.memory_space<vmem>>
    %dma_start3A_296 = tpu.memref_squeeze %dma_start3A_295 : memref<1x64xi32, #tpu.memory_space<vmem>> -> memref<64xi32, #tpu.memory_space<vmem>>
    %dma_start3A_297 = arith.constant 0 : i32
    %dma_start3A_298 = arith.constant 0 : i32
    %dma_start3A_299 = tpu.memref_slice %arg6[%dma_start3A_297, %dma_start3A_298] : memref<10112x64xf32, #tpu.memory_space<vmem_shared>> -> memref<10112x64xf32, #tpu.memory_space<vmem_shared>>
    tpu.enqueue_indirect_dma source(%dma_start3A_293 : memref<64x64xf32, #tpu.memory_space<vmem>>) target(%dma_start3A_299 : memref<10112x64xf32, #tpu.memory_space<vmem_shared>>) offsets(%dma_start3A_296 : memref<64xi32, #tpu.memory_space<vmem>>) semaphore(%arg23 : memref<!tpu.dma_semaphore, #tpu.memory_space<semaphore_mem>>) {add = true}
    %dma_wait3A_300 = arith.constant 0 : i32
    %dma_wait3A_301 = arith.constant 6 : i32
    %dma_wait3A_302 = arith.constant 0 : i32
    %dma_wait3A_303 = arith.constant 0 : i32
    %dma_wait3A_304 = tpu.memref_slice %arg7[%dma_wait3A_301, %dma_wait3A_302, %dma_wait3A_303] : memref<8x64x64xf32, #tpu.memory_space<vmem>> -> memref<1x64x64xf32, #tpu.memory_space<vmem>>
    %dma_wait3A_305 = tpu.memref_squeeze %dma_wait3A_304 : memref<1x64x64xf32, #tpu.memory_space<vmem>> -> memref<64x64xf32, #tpu.memory_space<vmem>>
    %dma_wait3A_306 = arith.constant 0 : i32
    %dma_wait3A_307 = tpu.memref_slice %arg8[%dma_wait3A_300, %dma_wait3A_306] : memref<320x64xi32, #tpu.memory_space<vmem>> -> memref<1x64xi32, #tpu.memory_space<vmem>>
    %dma_wait3A_308 = tpu.memref_squeeze %dma_wait3A_307 : memref<1x64xi32, #tpu.memory_space<vmem>> -> memref<64xi32, #tpu.memory_space<vmem>>
    %dma_wait3A_309 = arith.constant 0 : i32
    %dma_wait3A_310 = arith.constant 0 : i32
    %dma_wait3A_311 = tpu.memref_slice %arg2[%arg0, %dma_wait3A_309, %dma_wait3A_310] : memref<2x10000x64xf32, #tpu.memory_space<hbm>> -> memref<1x10000x64xf32, #tpu.memory_space<hbm>>
    %dma_wait3A_312 = tpu.memref_squeeze %dma_wait3A_311 : memref<1x10000x64xf32, #tpu.memory_space<hbm>> -> memref<10000x64xf32, #tpu.memory_space<hbm>>
    %dma_wait3A_313 = arith.constant 0 : i32
    %dma_wait3A_314 = arith.constant 0 : i32
    %dma_wait3A_315 = tpu.memref_slice %dma_wait3A_312[%dma_wait3A_313, %dma_wait3A_314] : memref<10000x64xf32, #tpu.memory_space<hbm>> -> memref<10000x64xf32, #tpu.memory_space<hbm>>
    tpu.wait_indirect_dma semaphore(%arg16 : memref<!tpu.dma_semaphore, #tpu.memory_space<semaphore_mem>>) src(%dma_wait3A_315 : memref<10000x64xf32, #tpu.memory_space<hbm>>) dst(%dma_wait3A_305 : memref<64x64xf32, #tpu.memory_space<vmem>>)
    %dma_start3A_316 = arith.constant 6 : i32
    %dma_start3A_317 = arith.constant 318 : i32
    %dma_start3A_318 = arith.constant 0 : i32
    %dma_start3A_319 = arith.constant 0 : i32
    %dma_start3A_320 = tpu.memref_slice %arg7[%dma_start3A_316, %dma_start3A_318, %dma_start3A_319] : memref<8x64x64xf32, #tpu.memory_space<vmem>> -> memref<1x64x64xf32, #tpu.memory_space<vmem>>
    %dma_start3A_321 = tpu.memref_squeeze %dma_start3A_320 : memref<1x64x64xf32, #tpu.memory_space<vmem>> -> memref<64x64xf32, #tpu.memory_space<vmem>>
    %dma_start3A_322 = arith.constant 0 : i32
    %dma_start3A_323 = tpu.memref_slice %arg9[%dma_start3A_317, %dma_start3A_322] : memref<320x64xi32, #tpu.memory_space<vmem>> -> memref<1x64xi32, #tpu.memory_space<vmem>>
    %dma_start3A_324 = tpu.memref_squeeze %dma_start3A_323 : memref<1x64xi32, #tpu.memory_space<vmem>> -> memref<64xi32, #tpu.memory_space<vmem>>
    %dma_start3A_325 = arith.constant 0 : i32
    %dma_start3A_326 = arith.constant 0 : i32
    %dma_start3A_327 = tpu.memref_slice %arg6[%dma_start3A_325, %dma_start3A_326] : memref<10112x64xf32, #tpu.memory_space<vmem_shared>> -> memref<10112x64xf32, #tpu.memory_space<vmem_shared>>
    tpu.enqueue_indirect_dma source(%dma_start3A_321 : memref<64x64xf32, #tpu.memory_space<vmem>>) target(%dma_start3A_327 : memref<10112x64xf32, #tpu.memory_space<vmem_shared>>) offsets(%dma_start3A_324 : memref<64xi32, #tpu.memory_space<vmem>>) semaphore(%arg24 : memref<!tpu.dma_semaphore, #tpu.memory_space<semaphore_mem>>) {add = true}
    %dma_wait3A_328 = arith.constant 0 : i32
    %dma_wait3A_329 = arith.constant 7 : i32
    %dma_wait3A_330 = arith.constant 0 : i32
    %dma_wait3A_331 = arith.constant 0 : i32
    %dma_wait3A_332 = tpu.memref_slice %arg7[%dma_wait3A_329, %dma_wait3A_330, %dma_wait3A_331] : memref<8x64x64xf32, #tpu.memory_space<vmem>> -> memref<1x64x64xf32, #tpu.memory_space<vmem>>
    %dma_wait3A_333 = tpu.memref_squeeze %dma_wait3A_332 : memref<1x64x64xf32, #tpu.memory_space<vmem>> -> memref<64x64xf32, #tpu.memory_space<vmem>>
    %dma_wait3A_334 = arith.constant 0 : i32
    %dma_wait3A_335 = tpu.memref_slice %arg8[%dma_wait3A_328, %dma_wait3A_334] : memref<320x64xi32, #tpu.memory_space<vmem>> -> memref<1x64xi32, #tpu.memory_space<vmem>>
    %dma_wait3A_336 = tpu.memref_squeeze %dma_wait3A_335 : memref<1x64xi32, #tpu.memory_space<vmem>> -> memref<64xi32, #tpu.memory_space<vmem>>
    %dma_wait3A_337 = arith.constant 0 : i32
    %dma_wait3A_338 = arith.constant 0 : i32
    %dma_wait3A_339 = tpu.memref_slice %arg2[%arg0, %dma_wait3A_337, %dma_wait3A_338] : memref<2x10000x64xf32, #tpu.memory_space<hbm>> -> memref<1x10000x64xf32, #tpu.memory_space<hbm>>
    %dma_wait3A_340 = tpu.memref_squeeze %dma_wait3A_339 : memref<1x10000x64xf32, #tpu.memory_space<hbm>> -> memref<10000x64xf32, #tpu.memory_space<hbm>>
    %dma_wait3A_341 = arith.constant 0 : i32
    %dma_wait3A_342 = arith.constant 0 : i32
    %dma_wait3A_343 = tpu.memref_slice %dma_wait3A_340[%dma_wait3A_341, %dma_wait3A_342] : memref<10000x64xf32, #tpu.memory_space<hbm>> -> memref<10000x64xf32, #tpu.memory_space<hbm>>
    tpu.wait_indirect_dma semaphore(%arg17 : memref<!tpu.dma_semaphore, #tpu.memory_space<semaphore_mem>>) src(%dma_wait3A_343 : memref<10000x64xf32, #tpu.memory_space<hbm>>) dst(%dma_wait3A_333 : memref<64x64xf32, #tpu.memory_space<vmem>>)
    %dma_start3A_344 = arith.constant 7 : i32
    %dma_start3A_345 = arith.constant 319 : i32
    %dma_start3A_346 = arith.constant 0 : i32
    %dma_start3A_347 = arith.constant 0 : i32
    %dma_start3A_348 = tpu.memref_slice %arg7[%dma_start3A_344, %dma_start3A_346, %dma_start3A_347] : memref<8x64x64xf32, #tpu.memory_space<vmem>> -> memref<1x64x64xf32, #tpu.memory_space<vmem>>
    %dma_start3A_349 = tpu.memref_squeeze %dma_start3A_348 : memref<1x64x64xf32, #tpu.memory_space<vmem>> -> memref<64x64xf32, #tpu.memory_space<vmem>>
    %dma_start3A_350 = arith.constant 0 : i32
    %dma_start3A_351 = tpu.memref_slice %arg9[%dma_start3A_345, %dma_start3A_350] : memref<320x64xi32, #tpu.memory_space<vmem>> -> memref<1x64xi32, #tpu.memory_space<vmem>>
    %dma_start3A_352 = tpu.memref_squeeze %dma_start3A_351 : memref<1x64xi32, #tpu.memory_space<vmem>> -> memref<64xi32, #tpu.memory_space<vmem>>
    %dma_start3A_353 = arith.constant 0 : i32
    %dma_start3A_354 = arith.constant 0 : i32
    %dma_start3A_355 = tpu.memref_slice %arg6[%dma_start3A_353, %dma_start3A_354] : memref<10112x64xf32, #tpu.memory_space<vmem_shared>> -> memref<10112x64xf32, #tpu.memory_space<vmem_shared>>
    tpu.enqueue_indirect_dma source(%dma_start3A_349 : memref<64x64xf32, #tpu.memory_space<vmem>>) target(%dma_start3A_355 : memref<10112x64xf32, #tpu.memory_space<vmem_shared>>) offsets(%dma_start3A_352 : memref<64xi32, #tpu.memory_space<vmem>>) semaphore(%arg25 : memref<!tpu.dma_semaphore, #tpu.memory_space<semaphore_mem>>) {add = true}
    %dma_wait3A_356 = arith.constant 0 : i32
    %dma_wait3A_357 = arith.constant 0 : i32
    %dma_wait3A_358 = arith.constant 0 : i32
    %dma_wait3A_359 = arith.constant 0 : i32
    %dma_wait3A_360 = tpu.memref_slice %arg7[%dma_wait3A_356, %dma_wait3A_358, %dma_wait3A_359] : memref<8x64x64xf32, #tpu.memory_space<vmem>> -> memref<1x64x64xf32, #tpu.memory_space<vmem>>
    %dma_wait3A_361 = tpu.memref_squeeze %dma_wait3A_360 : memref<1x64x64xf32, #tpu.memory_space<vmem>> -> memref<64x64xf32, #tpu.memory_space<vmem>>
    %dma_wait3A_362 = arith.constant 0 : i32
    %dma_wait3A_363 = tpu.memref_slice %arg9[%dma_wait3A_357, %dma_wait3A_362] : memref<320x64xi32, #tpu.memory_space<vmem>> -> memref<1x64xi32, #tpu.memory_space<vmem>>
    %dma_wait3A_364 = tpu.memref_squeeze %dma_wait3A_363 : memref<1x64xi32, #tpu.memory_space<vmem>> -> memref<64xi32, #tpu.memory_space<vmem>>
    %dma_wait3A_365 = arith.constant 0 : i32
    %dma_wait3A_366 = arith.constant 0 : i32
    %dma_wait3A_367 = tpu.memref_slice %arg6[%dma_wait3A_365, %dma_wait3A_366] : memref<10112x64xf32, #tpu.memory_space<vmem_shared>> -> memref<10112x64xf32, #tpu.memory_space<vmem_shared>>
    tpu.wait_indirect_dma semaphore(%arg18 : memref<!tpu.dma_semaphore, #tpu.memory_space<semaphore_mem>>) src(%dma_wait3A_361 : memref<64x64xf32, #tpu.memory_space<vmem>>) dst(%dma_wait3A_367 : memref<10112x64xf32, #tpu.memory_space<vmem_shared>>)
    %dma_wait3A_368 = arith.constant 1 : i32
    %dma_wait3A_369 = arith.constant 0 : i32
    %dma_wait3A_370 = arith.constant 0 : i32
    %dma_wait3A_371 = arith.constant 0 : i32
    %dma_wait3A_372 = tpu.memref_slice %arg7[%dma_wait3A_368, %dma_wait3A_370, %dma_wait3A_371] : memref<8x64x64xf32, #tpu.memory_space<vmem>> -> memref<1x64x64xf32, #tpu.memory_space<vmem>>
    %dma_wait3A_373 = tpu.memref_squeeze %dma_wait3A_372 : memref<1x64x64xf32, #tpu.memory_space<vmem>> -> memref<64x64xf32, #tpu.memory_space<vmem>>
    %dma_wait3A_374 = arith.constant 0 : i32
    %dma_wait3A_375 = tpu.memref_slice %arg9[%dma_wait3A_369, %dma_wait3A_374] : memref<320x64xi32, #tpu.memory_space<vmem>> -> memref<1x64xi32, #tpu.memory_space<vmem>>
    %dma_wait3A_376 = tpu.memref_squeeze %dma_wait3A_375 : memref<1x64xi32, #tpu.memory_space<vmem>> -> memref<64xi32, #tpu.memory_space<vmem>>
    %dma_wait3A_377 = arith.constant 0 : i32
    %dma_wait3A_378 = arith.constant 0 : i32
    %dma_wait3A_379 = tpu.memref_slice %arg6[%dma_wait3A_377, %dma_wait3A_378] : memref<10112x64xf32, #tpu.memory_space<vmem_shared>> -> memref<10112x64xf32, #tpu.memory_space<vmem_shared>>
    tpu.wait_indirect_dma semaphore(%arg19 : memref<!tpu.dma_semaphore, #tpu.memory_space<semaphore_mem>>) src(%dma_wait3A_373 : memref<64x64xf32, #tpu.memory_space<vmem>>) dst(%dma_wait3A_379 : memref<10112x64xf32, #tpu.memory_space<vmem_shared>>)
    %dma_wait3A_380 = arith.constant 2 : i32
    %dma_wait3A_381 = arith.constant 0 : i32
    %dma_wait3A_382 = arith.constant 0 : i32
    %dma_wait3A_383 = arith.constant 0 : i32
    %dma_wait3A_384 = tpu.memref_slice %arg7[%dma_wait3A_380, %dma_wait3A_382, %dma_wait3A_383] : memref<8x64x64xf32, #tpu.memory_space<vmem>> -> memref<1x64x64xf32, #tpu.memory_space<vmem>>
    %dma_wait3A_385 = tpu.memref_squeeze %dma_wait3A_384 : memref<1x64x64xf32, #tpu.memory_space<vmem>> -> memref<64x64xf32, #tpu.memory_space<vmem>>
    %dma_wait3A_386 = arith.constant 0 : i32
    %dma_wait3A_387 = tpu.memref_slice %arg9[%dma_wait3A_381, %dma_wait3A_386] : memref<320x64xi32, #tpu.memory_space<vmem>> -> memref<1x64xi32, #tpu.memory_space<vmem>>
    %dma_wait3A_388 = tpu.memref_squeeze %dma_wait3A_387 : memref<1x64xi32, #tpu.memory_space<vmem>> -> memref<64xi32, #tpu.memory_space<vmem>>
    %dma_wait3A_389 = arith.constant 0 : i32
    %dma_wait3A_390 = arith.constant 0 : i32
    %dma_wait3A_391 = tpu.memref_slice %arg6[%dma_wait3A_389, %dma_wait3A_390] : memref<10112x64xf32, #tpu.memory_space<vmem_shared>> -> memref<10112x64xf32, #tpu.memory_space<vmem_shared>>
    tpu.wait_indirect_dma semaphore(%arg20 : memref<!tpu.dma_semaphore, #tpu.memory_space<semaphore_mem>>) src(%dma_wait3A_385 : memref<64x64xf32, #tpu.memory_space<vmem>>) dst(%dma_wait3A_391 : memref<10112x64xf32, #tpu.memory_space<vmem_shared>>)
    %dma_wait3A_392 = arith.constant 3 : i32
    %dma_wait3A_393 = arith.constant 0 : i32
    %dma_wait3A_394 = arith.constant 0 : i32
    %dma_wait3A_395 = arith.constant 0 : i32
    %dma_wait3A_396 = tpu.memref_slice %arg7[%dma_wait3A_392, %dma_wait3A_394, %dma_wait3A_395] : memref<8x64x64xf32, #tpu.memory_space<vmem>> -> memref<1x64x64xf32, #tpu.memory_space<vmem>>
    %dma_wait3A_397 = tpu.memref_squeeze %dma_wait3A_396 : memref<1x64x64xf32, #tpu.memory_space<vmem>> -> memref<64x64xf32, #tpu.memory_space<vmem>>
    %dma_wait3A_398 = arith.constant 0 : i32
    %dma_wait3A_399 = tpu.memref_slice %arg9[%dma_wait3A_393, %dma_wait3A_398] : memref<320x64xi32, #tpu.memory_space<vmem>> -> memref<1x64xi32, #tpu.memory_space<vmem>>
    %dma_wait3A_400 = tpu.memref_squeeze %dma_wait3A_399 : memref<1x64xi32, #tpu.memory_space<vmem>> -> memref<64xi32, #tpu.memory_space<vmem>>
    %dma_wait3A_401 = arith.constant 0 : i32
    %dma_wait3A_402 = arith.constant 0 : i32
    %dma_wait3A_403 = tpu.memref_slice %arg6[%dma_wait3A_401, %dma_wait3A_402] : memref<10112x64xf32, #tpu.memory_space<vmem_shared>> -> memref<10112x64xf32, #tpu.memory_space<vmem_shared>>
    tpu.wait_indirect_dma semaphore(%arg21 : memref<!tpu.dma_semaphore, #tpu.memory_space<semaphore_mem>>) src(%dma_wait3A_397 : memref<64x64xf32, #tpu.memory_space<vmem>>) dst(%dma_wait3A_403 : memref<10112x64xf32, #tpu.memory_space<vmem_shared>>)
    %dma_wait3A_404 = arith.constant 4 : i32
    %dma_wait3A_405 = arith.constant 0 : i32
    %dma_wait3A_406 = arith.constant 0 : i32
    %dma_wait3A_407 = arith.constant 0 : i32
    %dma_wait3A_408 = tpu.memref_slice %arg7[%dma_wait3A_404, %dma_wait3A_406, %dma_wait3A_407] : memref<8x64x64xf32, #tpu.memory_space<vmem>> -> memref<1x64x64xf32, #tpu.memory_space<vmem>>
    %dma_wait3A_409 = tpu.memref_squeeze %dma_wait3A_408 : memref<1x64x64xf32, #tpu.memory_space<vmem>> -> memref<64x64xf32, #tpu.memory_space<vmem>>
    %dma_wait3A_410 = arith.constant 0 : i32
    %dma_wait3A_411 = tpu.memref_slice %arg9[%dma_wait3A_405, %dma_wait3A_410] : memref<320x64xi32, #tpu.memory_space<vmem>> -> memref<1x64xi32, #tpu.memory_space<vmem>>
    %dma_wait3A_412 = tpu.memref_squeeze %dma_wait3A_411 : memref<1x64xi32, #tpu.memory_space<vmem>> -> memref<64xi32, #tpu.memory_space<vmem>>
    %dma_wait3A_413 = arith.constant 0 : i32
    %dma_wait3A_414 = arith.constant 0 : i32
    %dma_wait3A_415 = tpu.memref_slice %arg6[%dma_wait3A_413, %dma_wait3A_414] : memref<10112x64xf32, #tpu.memory_space<vmem_shared>> -> memref<10112x64xf32, #tpu.memory_space<vmem_shared>>
    tpu.wait_indirect_dma semaphore(%arg22 : memref<!tpu.dma_semaphore, #tpu.memory_space<semaphore_mem>>) src(%dma_wait3A_409 : memref<64x64xf32, #tpu.memory_space<vmem>>) dst(%dma_wait3A_415 : memref<10112x64xf32, #tpu.memory_space<vmem_shared>>)
    %dma_wait3A_416 = arith.constant 5 : i32
    %dma_wait3A_417 = arith.constant 0 : i32
    %dma_wait3A_418 = arith.constant 0 : i32
    %dma_wait3A_419 = arith.constant 0 : i32
    %dma_wait3A_420 = tpu.memref_slice %arg7[%dma_wait3A_416, %dma_wait3A_418, %dma_wait3A_419] : memref<8x64x64xf32, #tpu.memory_space<vmem>> -> memref<1x64x64xf32, #tpu.memory_space<vmem>>
    %dma_wait3A_421 = tpu.memref_squeeze %dma_wait3A_420 : memref<1x64x64xf32, #tpu.memory_space<vmem>> -> memref<64x64xf32, #tpu.memory_space<vmem>>
    %dma_wait3A_422 = arith.constant 0 : i32
    %dma_wait3A_423 = tpu.memref_slice %arg9[%dma_wait3A_417, %dma_wait3A_422] : memref<320x64xi32, #tpu.memory_space<vmem>> -> memref<1x64xi32, #tpu.memory_space<vmem>>
    %dma_wait3A_424 = tpu.memref_squeeze %dma_wait3A_423 : memref<1x64xi32, #tpu.memory_space<vmem>> -> memref<64xi32, #tpu.memory_space<vmem>>
    %dma_wait3A_425 = arith.constant 0 : i32
    %dma_wait3A_426 = arith.constant 0 : i32
    %dma_wait3A_427 = tpu.memref_slice %arg6[%dma_wait3A_425, %dma_wait3A_426] : memref<10112x64xf32, #tpu.memory_space<vmem_shared>> -> memref<10112x64xf32, #tpu.memory_space<vmem_shared>>
    tpu.wait_indirect_dma semaphore(%arg23 : memref<!tpu.dma_semaphore, #tpu.memory_space<semaphore_mem>>) src(%dma_wait3A_421 : memref<64x64xf32, #tpu.memory_space<vmem>>) dst(%dma_wait3A_427 : memref<10112x64xf32, #tpu.memory_space<vmem_shared>>)
    %dma_wait3A_428 = arith.constant 6 : i32
    %dma_wait3A_429 = arith.constant 0 : i32
    %dma_wait3A_430 = arith.constant 0 : i32
    %dma_wait3A_431 = arith.constant 0 : i32
    %dma_wait3A_432 = tpu.memref_slice %arg7[%dma_wait3A_428, %dma_wait3A_430, %dma_wait3A_431] : memref<8x64x64xf32, #tpu.memory_space<vmem>> -> memref<1x64x64xf32, #tpu.memory_space<vmem>>
    %dma_wait3A_433 = tpu.memref_squeeze %dma_wait3A_432 : memref<1x64x64xf32, #tpu.memory_space<vmem>> -> memref<64x64xf32, #tpu.memory_space<vmem>>
    %dma_wait3A_434 = arith.constant 0 : i32
    %dma_wait3A_435 = tpu.memref_slice %arg9[%dma_wait3A_429, %dma_wait3A_434] : memref<320x64xi32, #tpu.memory_space<vmem>> -> memref<1x64xi32, #tpu.memory_space<vmem>>
    %dma_wait3A_436 = tpu.memref_squeeze %dma_wait3A_435 : memref<1x64xi32, #tpu.memory_space<vmem>> -> memref<64xi32, #tpu.memory_space<vmem>>
    %dma_wait3A_437 = arith.constant 0 : i32
    %dma_wait3A_438 = arith.constant 0 : i32
    %dma_wait3A_439 = tpu.memref_slice %arg6[%dma_wait3A_437, %dma_wait3A_438] : memref<10112x64xf32, #tpu.memory_space<vmem_shared>> -> memref<10112x64xf32, #tpu.memory_space<vmem_shared>>
    tpu.wait_indirect_dma semaphore(%arg24 : memref<!tpu.dma_semaphore, #tpu.memory_space<semaphore_mem>>) src(%dma_wait3A_433 : memref<64x64xf32, #tpu.memory_space<vmem>>) dst(%dma_wait3A_439 : memref<10112x64xf32, #tpu.memory_space<vmem_shared>>)
    %dma_wait3A_440 = arith.constant 7 : i32
    %dma_wait3A_441 = arith.constant 0 : i32
    %dma_wait3A_442 = arith.constant 0 : i32
    %dma_wait3A_443 = arith.constant 0 : i32
    %dma_wait3A_444 = tpu.memref_slice %arg7[%dma_wait3A_440, %dma_wait3A_442, %dma_wait3A_443] : memref<8x64x64xf32, #tpu.memory_space<vmem>> -> memref<1x64x64xf32, #tpu.memory_space<vmem>>
    %dma_wait3A_445 = tpu.memref_squeeze %dma_wait3A_444 : memref<1x64x64xf32, #tpu.memory_space<vmem>> -> memref<64x64xf32, #tpu.memory_space<vmem>>
    %dma_wait3A_446 = arith.constant 0 : i32
    %dma_wait3A_447 = tpu.memref_slice %arg9[%dma_wait3A_441, %dma_wait3A_446] : memref<320x64xi32, #tpu.memory_space<vmem>> -> memref<1x64xi32, #tpu.memory_space<vmem>>
    %dma_wait3A_448 = tpu.memref_squeeze %dma_wait3A_447 : memref<1x64xi32, #tpu.memory_space<vmem>> -> memref<64xi32, #tpu.memory_space<vmem>>
    %dma_wait3A_449 = arith.constant 0 : i32
    %dma_wait3A_450 = arith.constant 0 : i32
    %dma_wait3A_451 = tpu.memref_slice %arg6[%dma_wait3A_449, %dma_wait3A_450] : memref<10112x64xf32, #tpu.memory_space<vmem_shared>> -> memref<10112x64xf32, #tpu.memory_space<vmem_shared>>
    tpu.wait_indirect_dma semaphore(%arg25 : memref<!tpu.dma_semaphore, #tpu.memory_space<semaphore_mem>>) src(%dma_wait3A_445 : memref<64x64xf32, #tpu.memory_space<vmem>>) dst(%dma_wait3A_451 : memref<10112x64xf32, #tpu.memory_space<vmem_shared>>)
    %barrier3A_452 = arith.constant 0 : index
    tpu.barrier barrier_id(%barrier3A_452)
    %mul3A_453 = arith.constant 632 : i32
    %mul3A_454 = arith.muli %arg1, %mul3A_453 : i32
    %mul3A_455 = arith.constant 64 : i32
    %mul3A_456 = arith.muli %arg0, %mul3A_455 : i32
    "tpu.region"() ({
      %run_scoped3A_457 = tpu.sem_alloc : memref<!tpu.dma_semaphore, #tpu.memory_space<semaphore_mem>>
      %dma_start3A_458 = tpu.memref_slice %arg5[%mul3A_454, %mul3A_456] : memref<10112x128xf32, #tpu.memory_space<hbm>> -> memref<632x64xf32, #tpu.memory_space<hbm>>
      %dma_start3A_459 = arith.constant 0 : i32
      %dma_start3A_460 = tpu.memref_slice %arg6[%mul3A_454, %dma_start3A_459] : memref<10112x64xf32, #tpu.memory_space<vmem_shared>> -> memref<632x64xf32, #tpu.memory_space<vmem_shared>>
      tpu.enqueue_dma source(%dma_start3A_460 : memref<632x64xf32, #tpu.memory_space<vmem_shared>>) target(%dma_start3A_458 : memref<632x64xf32, #tpu.memory_space<hbm>>) target_semaphore(%run_scoped3A_457 : memref<!tpu.dma_semaphore, #tpu.memory_space<semaphore_mem>>)
      %dma_wait3A_461 = tpu.memref_slice %arg5[%mul3A_454, %mul3A_456] : memref<10112x128xf32, #tpu.memory_space<hbm>> -> memref<632x64xf32, #tpu.memory_space<hbm>>
      %dma_wait3A_462 = arith.constant 0 : i32
      %dma_wait3A_463 = tpu.memref_slice %arg6[%mul3A_454, %dma_wait3A_462] : memref<10112x64xf32, #tpu.memory_space<vmem_shared>> -> memref<632x64xf32, #tpu.memory_space<vmem_shared>>
      tpu.wait_dma2 semaphore(%run_scoped3A_457 : memref<!tpu.dma_semaphore, #tpu.memory_space<semaphore_mem>>) src(%dma_wait3A_463 : memref<632x64xf32, #tpu.memory_space<vmem_shared>>) dst(%dma_wait3A_461 : memref<632x64xf32, #tpu.memory_space<hbm>>)
      tpu.yield
    }) : () -> ()
    return
  }
}

module attributes {stable_mosaic.version = 14 : i64} {
  func.func @_tc1a_body(%arg0: i32, %arg1: memref<2000x128xf32, #tpu.memory_space<vmem>>, %arg2: memref<128x256xf32, #tpu.memory_space<vmem>>, %arg3: memref<1x256xf32, #tpu.memory_space<vmem>>, %arg4: memref<256x128xf32, #tpu.memory_space<vmem>>, %arg5: memref<2000x128xf32, #tpu.memory_space<vmem>>) attributes {dimension_semantics = [#tpu.dimension_semantics<arbitrary>], iteration_bounds = array<i64: 5>, scalar_prefetch = 0 : i64, scratch_operands = 0 : i64, tpu.core_type = #tpu.core_type<tc>, window_params = [{transform_indices = @transform_0, window_bounds = array<i64: 2000, 128>}, {pipeline_mode = #tpu.pipeline_mode<synchronous>, transform_indices = @transform_1, window_bounds = array<i64: 128, 256>}, {pipeline_mode = #tpu.pipeline_mode<synchronous>, transform_indices = @transform_2, window_bounds = array<i64: 1, 256>}, {pipeline_mode = #tpu.pipeline_mode<synchronous>, transform_indices = @transform_3, window_bounds = array<i64: 256, 128>}, {transform_indices = @transform_4, window_bounds = array<i64: 2000, 128>}]} {
    %get3A = arith.constant 0 : index
    %get3A_0 = arith.constant 0 : index
    %get3A_1 = vector.load %arg1[%get3A, %get3A_0] : memref<2000x128xf32, #tpu.memory_space<vmem>>, vector<2000x128xf32>
    %get3A_2 = arith.constant 0 : index
    %get3A_3 = arith.constant 0 : index
    %get3A_4 = vector.load %arg2[%get3A_2, %get3A_3] : memref<128x256xf32, #tpu.memory_space<vmem>>, vector<128x256xf32>
    %dot_general3A = arith.constant dense<0.000000e+00> : vector<2000x256xf32>
    %dot_general3A_5 = tpu.matmul %get3A_1, %get3A_4, %dot_general3A {dimension_numbers = #tpu.dot_dimension_numbers<[1], [0], [0], [1], [0, 0, 1, 1], [], []>, transpose_lhs_hint = false} : vector<2000x128xf32>, vector<128x256xf32>, vector<2000x256xf32> -> vector<2000x256xf32>
    %get3A_6 = arith.constant 0 : index
    %get3A_7 = arith.constant 0 : index
    %get3A_8 = vector.load %arg3[%get3A_6, %get3A_7] : memref<1x256xf32, #tpu.memory_space<vmem>>, vector<1x256xf32>
    %add3A = vector.broadcast %get3A_8 : vector<1x256xf32> to vector<2000x256xf32>
    %add3A_9 = arith.addf %dot_general3A_5, %add3A : vector<2000x256xf32>
    %get3A_10 = arith.constant 0 : index
    %get3A_11 = arith.constant 0 : index
    %get3A_12 = vector.load %arg4[%get3A_10, %get3A_11] : memref<256x128xf32, #tpu.memory_space<vmem>>, vector<256x128xf32>
    %dot_general3A_13 = arith.constant dense<0.000000e+00> : vector<2000x128xf32>
    %dot_general3A_14 = tpu.matmul %add3A_9, %get3A_12, %dot_general3A_13 {dimension_numbers = #tpu.dot_dimension_numbers<[1], [0], [0], [1], [0, 0, 1, 1], [], []>, transpose_lhs_hint = false} : vector<2000x256xf32>, vector<256x128xf32>, vector<2000x128xf32> -> vector<2000x128xf32>
    %swap3A = arith.constant 0 : index
    %swap3A_15 = arith.constant 0 : index
    %swap3A_16 = vector.load %arg5[%swap3A, %swap3A_15] : memref<2000x128xf32, #tpu.memory_space<vmem>>, vector<2000x128xf32>
    tpu.vector_store %arg5[%swap3A, %swap3A_15], %dot_general3A_14 {strides = array<i32>} : memref<2000x128xf32, #tpu.memory_space<vmem>>, vector<2000x128xf32>,
    return
  }
  func.func @transform_0(%arg0: i32) -> (i32, i32) {
    %c0_i32 = arith.constant 0 : i32
    %c0_i32_0 = arith.constant 0 : i32
    return %arg0, %c0_i32 : i32, i32
  }
  func.func @transform_1(%arg0: i32) -> (i32, i32) {
    %c0_i32 = arith.constant 0 : i32
    %c0_i32_0 = arith.constant 0 : i32
    %c0_i32_1 = arith.constant 0 : i32
    return %c0_i32, %c0_i32_0 : i32, i32
  }
  func.func @transform_2(%arg0: i32) -> (i32, i32) {
    %c0_i32 = arith.constant 0 : i32
    %c0_i32_0 = arith.constant 0 : i32
    %c0_i32_1 = arith.constant 0 : i32
    return %c0_i32, %c0_i32_0 : i32, i32
  }
  func.func @transform_3(%arg0: i32) -> (i32, i32) {
    %c0_i32 = arith.constant 0 : i32
    %c0_i32_0 = arith.constant 0 : i32
    %c0_i32_1 = arith.constant 0 : i32
    return %c0_i32, %c0_i32_0 : i32, i32
  }
  func.func @transform_4(%arg0: i32) -> (i32, i32) {
    %c0_i32 = arith.constant 0 : i32
    %c0_i32_0 = arith.constant 0 : i32
    return %arg0, %c0_i32 : i32, i32
  }
}

module attributes {stable_mosaic.version = 14 : i64} {
  func.func @_tc1b_body(%arg0: i32, %arg1: memref<2x2000x16xf32, #tpu.memory_space<vmem>>, %arg2: memref<2000x128xf32, #tpu.memory_space<vmem>>, %arg3: memref<2x2000x64xf32, #tpu.memory_space<vmem>>) attributes {dimension_semantics = [#tpu.dimension_semantics<arbitrary>], iteration_bounds = array<i64: 5>, scalar_prefetch = 0 : i64, scratch_operands = 0 : i64, tpu.core_type = #tpu.core_type<tc>, window_params = [{transform_indices = @transform_0, window_bounds = array<i64: 2, 2000, 16>}, {transform_indices = @transform_1, window_bounds = array<i64: 2000, 128>}, {transform_indices = @transform_2, window_bounds = array<i64: 2, 2000, 64>}]} {
    %get3A = arith.constant 0 : index
    %get3A_0 = arith.constant 0 : index
    %get3A_1 = arith.constant 0 : index
    %get3A_2 = vector.load %arg1[%get3A, %get3A_0, %get3A_1] : memref<2x2000x16xf32, #tpu.memory_space<vmem>>, vector<1x2000x1xf32>
    %get3A_3 = vector.shape_cast %get3A_2 : vector<1x2000x1xf32> to vector<2000x1xf32>
    %get3A_4 = arith.constant 1 : index
    %get3A_5 = arith.constant 0 : index
    %get3A_6 = arith.constant 0 : index
    %get3A_7 = vector.load %arg1[%get3A_4, %get3A_5, %get3A_6] : memref<2x2000x16xf32, #tpu.memory_space<vmem>>, vector<1x2000x1xf32>
    %get3A_8 = vector.shape_cast %get3A_7 : vector<1x2000x1xf32> to vector<2000x1xf32>
    %add3A = arith.addf %get3A_3, %get3A_8 : vector<2000x1xf32>
    %add3A_9 = arith.constant 1.000000e+00 : f32
    %add3A_10 = vector.broadcast %add3A_9 : f32 to vector<2000x1xf32>
    %add3A_11 = arith.addf %add3A, %add3A_10 : vector<2000x1xf32>
    %rsqrt3A = math.rsqrt %add3A_11 : vector<2000x1xf32>
    %get3A_12 = arith.constant 0 : index
    %get3A_13 = arith.constant 0 : index
    %get3A_14 = vector.load %arg2[%get3A_12, %get3A_13] : memref<2000x128xf32, #tpu.memory_space<vmem>>, vector<2000x128xf32>
    %mul3A = vector.broadcast %rsqrt3A : vector<2000x1xf32> to vector<2000x128xf32>
    %mul3A_15 = arith.mulf %get3A_14, %mul3A : vector<2000x128xf32>
    %slice3A = vector.extract_strided_slice %mul3A_15 {offsets = [0, 0], sizes = [2000, 64], strides = [1, 1]} : vector<2000x128xf32> to vector<2000x64xf32>
    %swap3A = arith.constant 0 : index
    %swap3A_16 = arith.constant 0 : index
    %swap3A_17 = arith.constant 0 : index
    %swap3A_18 = vector.load %arg3[%swap3A, %swap3A_16, %swap3A_17] : memref<2x2000x64xf32, #tpu.memory_space<vmem>>, vector<1x2000x64xf32>
    %swap3A_19 = vector.shape_cast %swap3A_18 : vector<1x2000x64xf32> to vector<2000x64xf32>
    %swap3A_20 = vector.shape_cast %slice3A : vector<2000x64xf32> to vector<1x2000x64xf32>
    tpu.vector_store %arg3[%swap3A, %swap3A_16, %swap3A_17], %swap3A_20 {strides = array<i32>} : memref<2x2000x64xf32, #tpu.memory_space<vmem>>, vector<1x2000x64xf32>,
    %slice3A_21 = vector.extract_strided_slice %mul3A_15 {offsets = [0, 64], sizes = [2000, 64], strides = [1, 1]} : vector<2000x128xf32> to vector<2000x64xf32>
    %swap3A_22 = arith.constant 1 : index
    %swap3A_23 = arith.constant 0 : index
    %swap3A_24 = arith.constant 0 : index
    %swap3A_25 = vector.load %arg3[%swap3A_22, %swap3A_23, %swap3A_24] : memref<2x2000x64xf32, #tpu.memory_space<vmem>>, vector<1x2000x64xf32>
    %swap3A_26 = vector.shape_cast %swap3A_25 : vector<1x2000x64xf32> to vector<2000x64xf32>
    %swap3A_27 = vector.shape_cast %slice3A_21 : vector<2000x64xf32> to vector<1x2000x64xf32>
    tpu.vector_store %arg3[%swap3A_22, %swap3A_23, %swap3A_24], %swap3A_27 {strides = array<i32>} : memref<2x2000x64xf32, #tpu.memory_space<vmem>>, vector<1x2000x64xf32>,
    return
  }
  func.func @transform_0(%arg0: i32) -> (i32, i32, i32) {
    %c0_i32 = arith.constant 0 : i32
    %c0_i32_0 = arith.constant 0 : i32
    %c0_i32_1 = arith.constant 0 : i32
    return %c0_i32, %arg0, %c0_i32_0 : i32, i32, i32
  }
  func.func @transform_1(%arg0: i32) -> (i32, i32) {
    %c0_i32 = arith.constant 0 : i32
    %c0_i32_0 = arith.constant 0 : i32
    return %arg0, %c0_i32 : i32, i32
  }
  func.func @transform_2(%arg0: i32) -> (i32, i32, i32) {
    %c0_i32 = arith.constant 0 : i32
    %c0_i32_0 = arith.constant 0 : i32
    %c0_i32_1 = arith.constant 0 : i32
    return %c0_i32, %arg0, %c0_i32_0 : i32, i32, i32
  }
}

module attributes {stable_mosaic.version = 14 : i64} {
  func.func @_tc2_body(%arg0: i32, %arg1: memref<2x2000x16xf32, #tpu.memory_space<vmem>>, %arg2: memref<2000x128xf32, #tpu.memory_space<vmem>>, %arg3: memref<2x2000x64xf32, #tpu.memory_space<vmem>>, %arg4: memref<1x128xf32, #tpu.memory_space<vmem>>, %arg5: memref<128x128xf32, #tpu.memory_space<vmem>>, %arg6: memref<2x2000x64xf32, #tpu.memory_space<vmem>>) attributes {dimension_semantics = [#tpu.dimension_semantics<arbitrary>], iteration_bounds = array<i64: 5>, scalar_prefetch = 0 : i64, scratch_operands = 0 : i64, tpu.core_type = #tpu.core_type<tc>, window_params = [{transform_indices = @transform_0, window_bounds = array<i64: 2, 2000, 16>}, {transform_indices = @transform_1, window_bounds = array<i64: 2000, 128>}, {transform_indices = @transform_2, window_bounds = array<i64: 2, 2000, 64>}, {pipeline_mode = #tpu.pipeline_mode<synchronous>, transform_indices = @transform_3, window_bounds = array<i64: 1, 128>}, {pipeline_mode = #tpu.pipeline_mode<synchronous>, transform_indices = @transform_4, window_bounds = array<i64: 128, 128>}, {transform_indices = @transform_5, window_bounds = array<i64: 2, 2000, 64>}]} {
    %get3A = arith.constant 0 : index
    %get3A_0 = arith.constant 0 : index
    %get3A_1 = arith.constant 0 : index
    %get3A_2 = vector.load %arg1[%get3A, %get3A_0, %get3A_1] : memref<2x2000x16xf32, #tpu.memory_space<vmem>>, vector<1x2000x1xf32>
    %get3A_3 = vector.shape_cast %get3A_2 : vector<1x2000x1xf32> to vector<2000x1xf32>
    %get3A_4 = arith.constant 1 : index
    %get3A_5 = arith.constant 0 : index
    %get3A_6 = arith.constant 0 : index
    %get3A_7 = vector.load %arg1[%get3A_4, %get3A_5, %get3A_6] : memref<2x2000x16xf32, #tpu.memory_space<vmem>>, vector<1x2000x1xf32>
    %get3A_8 = vector.shape_cast %get3A_7 : vector<1x2000x1xf32> to vector<2000x1xf32>
    %add3A = arith.addf %get3A_3, %get3A_8 : vector<2000x1xf32>
    %add3A_9 = arith.constant 1.000000e+00 : f32
    %add3A_10 = vector.broadcast %add3A_9 : f32 to vector<2000x1xf32>
    %add3A_11 = arith.addf %add3A, %add3A_10 : vector<2000x1xf32>
    %rsqrt3A = math.rsqrt %add3A_11 : vector<2000x1xf32>
    %get3A_12 = arith.constant 0 : index
    %get3A_13 = arith.constant 0 : index
    %get3A_14 = vector.load %arg2[%get3A_12, %get3A_13] : memref<2000x128xf32, #tpu.memory_space<vmem>>, vector<2000x128xf32>
    %get3A_15 = arith.constant 0 : index
    %get3A_16 = arith.constant 0 : index
    %get3A_17 = arith.constant 0 : index
    %get3A_18 = vector.load %arg3[%get3A_15, %get3A_16, %get3A_17] : memref<2x2000x64xf32, #tpu.memory_space<vmem>>, vector<1x2000x64xf32>
    %get3A_19 = vector.shape_cast %get3A_18 : vector<1x2000x64xf32> to vector<2000x64xf32>
    %get3A_20 = arith.constant 1 : index
    %get3A_21 = arith.constant 0 : index
    %get3A_22 = arith.constant 0 : index
    %get3A_23 = vector.load %arg3[%get3A_20, %get3A_21, %get3A_22] : memref<2x2000x64xf32, #tpu.memory_space<vmem>>, vector<1x2000x64xf32>
    %get3A_24 = vector.shape_cast %get3A_23 : vector<1x2000x64xf32> to vector<2000x64xf32>
    %concatenate3A = tpu.concatenate %get3A_19, %get3A_24 in 1 : vector<2000x64xf32>, vector<2000x64xf32> -> vector<2000x128xf32>
    %add3A_25 = arith.addf %get3A_14, %concatenate3A : vector<2000x128xf32>
    %mul3A = vector.broadcast %rsqrt3A : vector<2000x1xf32> to vector<2000x128xf32>
    %mul3A_26 = arith.mulf %mul3A, %add3A_25 : vector<2000x128xf32>
    %get3A_27 = arith.constant 0 : index
    %get3A_28 = arith.constant 0 : index
    %get3A_29 = vector.load %arg4[%get3A_27, %get3A_28] : memref<1x128xf32, #tpu.memory_space<vmem>>, vector<1x128xf32>
    %add3A_30 = vector.broadcast %get3A_29 : vector<1x128xf32> to vector<2000x128xf32>
    %add3A_31 = arith.addf %mul3A_26, %add3A_30 : vector<2000x128xf32>
    %max3A = arith.constant 0.000000e+00 : f32
    %max3A_32 = vector.broadcast %max3A : f32 to vector<2000x128xf32>
    %max3A_33 = arith.maximumf %add3A_31, %max3A_32 : vector<2000x128xf32>
    %get3A_34 = arith.constant 0 : index
    %get3A_35 = arith.constant 0 : index
    %get3A_36 = vector.load %arg5[%get3A_34, %get3A_35] : memref<128x128xf32, #tpu.memory_space<vmem>>, vector<128x128xf32>
    %dot_general3A = arith.constant dense<0.000000e+00> : vector<2000x128xf32>
    %dot_general3A_37 = tpu.matmul %max3A_33, %get3A_36, %dot_general3A {dimension_numbers = #tpu.dot_dimension_numbers<[1], [0], [0], [1], [0, 0, 1, 1], [], []>, transpose_lhs_hint = false} : vector<2000x128xf32>, vector<128x128xf32>, vector<2000x128xf32> -> vector<2000x128xf32>
    %mul3A_38 = vector.broadcast %rsqrt3A : vector<2000x1xf32> to vector<2000x128xf32>
    %mul3A_39 = arith.mulf %dot_general3A_37, %mul3A_38 : vector<2000x128xf32>
    %slice3A = vector.extract_strided_slice %mul3A_39 {offsets = [0, 0], sizes = [2000, 64], strides = [1, 1]} : vector<2000x128xf32> to vector<2000x64xf32>
    %swap3A = arith.constant 0 : index
    %swap3A_40 = arith.constant 0 : index
    %swap3A_41 = arith.constant 0 : index
    %swap3A_42 = vector.load %arg6[%swap3A, %swap3A_40, %swap3A_41] : memref<2x2000x64xf32, #tpu.memory_space<vmem>>, vector<1x2000x64xf32>
    %swap3A_43 = vector.shape_cast %swap3A_42 : vector<1x2000x64xf32> to vector<2000x64xf32>
    %swap3A_44 = vector.shape_cast %slice3A : vector<2000x64xf32> to vector<1x2000x64xf32>
    tpu.vector_store %arg6[%swap3A, %swap3A_40, %swap3A_41], %swap3A_44 {strides = array<i32>} : memref<2x2000x64xf32, #tpu.memory_space<vmem>>, vector<1x2000x64xf32>,
    %slice3A_45 = vector.extract_strided_slice %mul3A_39 {offsets = [0, 64], sizes = [2000, 64], strides = [1, 1]} : vector<2000x128xf32> to vector<2000x64xf32>
    %swap3A_46 = arith.constant 1 : index
    %swap3A_47 = arith.constant 0 : index
    %swap3A_48 = arith.constant 0 : index
    %swap3A_49 = vector.load %arg6[%swap3A_46, %swap3A_47, %swap3A_48] : memref<2x2000x64xf32, #tpu.memory_space<vmem>>, vector<1x2000x64xf32>
    %swap3A_50 = vector.shape_cast %swap3A_49 : vector<1x2000x64xf32> to vector<2000x64xf32>
    %swap3A_51 = vector.shape_cast %slice3A_45 : vector<2000x64xf32> to vector<1x2000x64xf32>
    tpu.vector_store %arg6[%swap3A_46, %swap3A_47, %swap3A_48], %swap3A_51 {strides = array<i32>} : memref<2x2000x64xf32, #tpu.memory_space<vmem>>, vector<1x2000x64xf32>,
    return
  }
  func.func @transform_0(%arg0: i32) -> (i32, i32, i32) {
    %c0_i32 = arith.constant 0 : i32
    %c0_i32_0 = arith.constant 0 : i32
    %c0_i32_1 = arith.constant 0 : i32
    return %c0_i32, %arg0, %c0_i32_0 : i32, i32, i32
  }
  func.func @transform_1(%arg0: i32) -> (i32, i32) {
    %c0_i32 = arith.constant 0 : i32
    %c0_i32_0 = arith.constant 0 : i32
    return %arg0, %c0_i32 : i32, i32
  }
  func.func @transform_2(%arg0: i32) -> (i32, i32, i32) {
    %c0_i32 = arith.constant 0 : i32
    %c0_i32_0 = arith.constant 0 : i32
    %c0_i32_1 = arith.constant 0 : i32
    return %c0_i32, %arg0, %c0_i32_0 : i32, i32, i32
  }
  func.func @transform_3(%arg0: i32) -> (i32, i32) {
    %c0_i32 = arith.constant 0 : i32
    %c0_i32_0 = arith.constant 0 : i32
    %c0_i32_1 = arith.constant 0 : i32
    return %c0_i32, %c0_i32_0 : i32, i32
  }
  func.func @transform_4(%arg0: i32) -> (i32, i32) {
    %c0_i32 = arith.constant 0 : i32
    %c0_i32_0 = arith.constant 0 : i32
    %c0_i32_1 = arith.constant 0 : i32
    return %c0_i32, %c0_i32_0 : i32, i32
  }
  func.func @transform_5(%arg0: i32) -> (i32, i32, i32) {
    %c0_i32 = arith.constant 0 : i32
    %c0_i32_0 = arith.constant 0 : i32
    %c0_i32_1 = arith.constant 0 : i32
    return %c0_i32, %arg0, %c0_i32_0 : i32, i32, i32
  }
}

module attributes {stable_mosaic.version = 14 : i64} {
  func.func @_tc3_body(%arg0: i32, %arg1: memref<2x2000x16xf32, #tpu.memory_space<vmem>>, %arg2: memref<2000x128xf32, #tpu.memory_space<vmem>>, %arg3: memref<2x2000x64xf32, #tpu.memory_space<vmem>>, %arg4: memref<1x128xf32, #tpu.memory_space<vmem>>, %arg5: memref<2000x128xf32, #tpu.memory_space<vmem>>) attributes {dimension_semantics = [#tpu.dimension_semantics<arbitrary>], iteration_bounds = array<i64: 5>, scalar_prefetch = 0 : i64, scratch_operands = 0 : i64, tpu.core_type = #tpu.core_type<tc>, window_params = [{transform_indices = @transform_0, window_bounds = array<i64: 2, 2000, 16>}, {transform_indices = @transform_1, window_bounds = array<i64: 2000, 128>}, {transform_indices = @transform_2, window_bounds = array<i64: 2, 2000, 64>}, {pipeline_mode = #tpu.pipeline_mode<synchronous>, transform_indices = @transform_3, window_bounds = array<i64: 1, 128>}, {transform_indices = @transform_4, window_bounds = array<i64: 2000, 128>}]} {
    %get3A = arith.constant 0 : index
    %get3A_0 = arith.constant 0 : index
    %get3A_1 = arith.constant 0 : index
    %get3A_2 = vector.load %arg1[%get3A, %get3A_0, %get3A_1] : memref<2x2000x16xf32, #tpu.memory_space<vmem>>, vector<1x2000x1xf32>
    %get3A_3 = vector.shape_cast %get3A_2 : vector<1x2000x1xf32> to vector<2000x1xf32>
    %get3A_4 = arith.constant 1 : index
    %get3A_5 = arith.constant 0 : index
    %get3A_6 = arith.constant 0 : index
    %get3A_7 = vector.load %arg1[%get3A_4, %get3A_5, %get3A_6] : memref<2x2000x16xf32, #tpu.memory_space<vmem>>, vector<1x2000x1xf32>
    %get3A_8 = vector.shape_cast %get3A_7 : vector<1x2000x1xf32> to vector<2000x1xf32>
    %add3A = arith.addf %get3A_3, %get3A_8 : vector<2000x1xf32>
    %add3A_9 = arith.constant 1.000000e+00 : f32
    %add3A_10 = vector.broadcast %add3A_9 : f32 to vector<2000x1xf32>
    %add3A_11 = arith.addf %add3A, %add3A_10 : vector<2000x1xf32>
    %rsqrt3A = math.rsqrt %add3A_11 : vector<2000x1xf32>
    %get3A_12 = arith.constant 0 : index
    %get3A_13 = arith.constant 0 : index
    %get3A_14 = vector.load %arg2[%get3A_12, %get3A_13] : memref<2000x128xf32, #tpu.memory_space<vmem>>, vector<2000x128xf32>
    %get3A_15 = arith.constant 0 : index
    %get3A_16 = arith.constant 0 : index
    %get3A_17 = arith.constant 0 : index
    %get3A_18 = vector.load %arg3[%get3A_15, %get3A_16, %get3A_17] : memref<2x2000x64xf32, #tpu.memory_space<vmem>>, vector<1x2000x64xf32>
    %get3A_19 = vector.shape_cast %get3A_18 : vector<1x2000x64xf32> to vector<2000x64xf32>
    %get3A_20 = arith.constant 1 : index
    %get3A_21 = arith.constant 0 : index
    %get3A_22 = arith.constant 0 : index
    %get3A_23 = vector.load %arg3[%get3A_20, %get3A_21, %get3A_22] : memref<2x2000x64xf32, #tpu.memory_space<vmem>>, vector<1x2000x64xf32>
    %get3A_24 = vector.shape_cast %get3A_23 : vector<1x2000x64xf32> to vector<2000x64xf32>
    %concatenate3A = tpu.concatenate %get3A_19, %get3A_24 in 1 : vector<2000x64xf32>, vector<2000x64xf32> -> vector<2000x128xf32>
    %add3A_25 = arith.addf %get3A_14, %concatenate3A : vector<2000x128xf32>
    %mul3A = vector.broadcast %rsqrt3A : vector<2000x1xf32> to vector<2000x128xf32>
    %mul3A_26 = arith.mulf %mul3A, %add3A_25 : vector<2000x128xf32>
    %get3A_27 = arith.constant 0 : index
    %get3A_28 = arith.constant 0 : index
    %get3A_29 = vector.load %arg4[%get3A_27, %get3A_28] : memref<1x128xf32, #tpu.memory_space<vmem>>, vector<1x128xf32>
    %add3A_30 = vector.broadcast %get3A_29 : vector<1x128xf32> to vector<2000x128xf32>
    %add3A_31 = arith.addf %mul3A_26, %add3A_30 : vector<2000x128xf32>
    %max3A = arith.constant 0.000000e+00 : f32
    %max3A_32 = vector.broadcast %max3A : f32 to vector<2000x128xf32>
    %max3A_33 = arith.maximumf %add3A_31, %max3A_32 : vector<2000x128xf32>
    %swap3A = arith.constant 0 : index
    %swap3A_34 = arith.constant 0 : index
    %swap3A_35 = vector.load %arg5[%swap3A, %swap3A_34] : memref<2000x128xf32, #tpu.memory_space<vmem>>, vector<2000x128xf32>
    tpu.vector_store %arg5[%swap3A, %swap3A_34], %max3A_33 {strides = array<i32>} : memref<2000x128xf32, #tpu.memory_space<vmem>>, vector<2000x128xf32>,
    return
  }
  func.func @transform_0(%arg0: i32) -> (i32, i32, i32) {
    %c0_i32 = arith.constant 0 : i32
    %c0_i32_0 = arith.constant 0 : i32
    %c0_i32_1 = arith.constant 0 : i32
    return %c0_i32, %arg0, %c0_i32_0 : i32, i32, i32
  }
  func.func @transform_1(%arg0: i32) -> (i32, i32) {
    %c0_i32 = arith.constant 0 : i32
    %c0_i32_0 = arith.constant 0 : i32
    return %arg0, %c0_i32 : i32, i32
  }
  func.func @transform_2(%arg0: i32) -> (i32, i32, i32) {
    %c0_i32 = arith.constant 0 : i32
    %c0_i32_0 = arith.constant 0 : i32
    %c0_i32_1 = arith.constant 0 : i32
    return %c0_i32, %arg0, %c0_i32_0 : i32, i32, i32
  }
  func.func @transform_3(%arg0: i32) -> (i32, i32) {
    %c0_i32 = arith.constant 0 : i32
    %c0_i32_0 = arith.constant 0 : i32
    %c0_i32_1 = arith.constant 0 : i32
    return %c0_i32, %c0_i32_0 : i32, i32
  }
  func.func @transform_4(%arg0: i32) -> (i32, i32) {
    %c0_i32 = arith.constant 0 : i32
    %c0_i32_0 = arith.constant 0 : i32
    return %arg0, %c0_i32 : i32, i32
  }
}

</mosaic_0001>

<sc_bundles>
// kernel: kernel.12.cloned.1.call-start
scs
__scs_entry_jumppad:
0x0: {  	(pc) =	sbr.rel $0x88, $3  }
0x1: {  	(tag) =	ssettag $0x0;
	lr =	simm.s32 $0x1  }
0x2: {  	[smem:$0x3F99] =	sst lr;
	_ =	strace $0xD0000000  }
0x3: {  	_ = 	snop  }
0x4: {  	_ = 	snop  }
0x5: {  	_ = 	snop  }
0x6: {  	_ = 	snop  }
0x7: {  	_ = 	snop  }
__scs_overlays_trampoline_lowered:
0x8: {  	[smem:$0x3FA8] =	sst s0  }
0x9: {  	[smem:$0x3FA9] =	sst s1  }
0xa: {  	[smem:$0x3FAA] =	sst s2  }
0xb: {  	[smem:$0x3FAB] =	sst s3  }
0xc: {  	[smem:$0x3FAC] =	sst s4  }
0xd: {  	[smem:$0x3FAD] =	sst s5  }
0xe: {  	[smem:$0x3FAE] =	sst s6  }
0xf: {  	[smem:$0x3FAF] =	sst s7  }
0x10: {  	[smem:$0x3FB0] =	sst s8  }
0x11: {  	[smem:$0x3FB1] =	sst s9;
	s0 =	simm.s32 @!p0 $0x0  }
0x12: {  	s1 =	sld [smem:$0x3F97];
	s0 =	simm.s32 @p0 $0x1  }
0x13: {  	[smem:$0x3FB2] =	sst s0;
	s0 =	simm.s32 @!p1 $0x0  }
0x14: {  	s2 =	sld [smem:$0x3F96];
	s0 =	simm.s32 @p1 $0x1  }
0x15: {  	[smem:$0x3FB3] =	sst s0;
	s0 =	simm.s32 @!p2 $0x0  }
0x16: {  	s3 =	sld [smem:$0x3FDB];
	s0 =	simm.s32 @p2 $0x1  }
0x17: {  	s4 =	simm.s32 $0x1BF5;
	[smem:$0x3FB5] =	sst s0  }
0x18: {  	s0 =	sld [smem:$0x3F98];
	_ =	swait.ge [sflag:s4], $0x0  }
0x19: {  	s7 =	sld [smem:$0x3F99]  }
0x1a: {  	s8 =	sadd.s32 $0xFFFFE003, lr  }
0x1b: {  	s9 =	sadd.s32 $0xFFFFFEF7, lr;
	s5 =	simm.s32 $0xFFFFFFFF;
	p2 =	slt.u32 s8, $0xFFFFF086  }
0x1c: {  	p1 =	slt.u32 s9, $0xF7A;
	s5 =	simm.s32 @!p2 $0x0  }
0x1d: {  	s5 =	simm.s32 @p1 $0x1;
	p0 =	seq.s32 s7, s2  }
0x1e: {  	s7 =	smul.u32 @!p0 $0xF7A, s2;
	p2 =	seq.s32 @!p0 s5, $0x0  }
0x1f: {  	s9 =	smul.u32 $0xF7A, s1;
	s8 =	simm.s32 @!p0 $0x1BF5;
	p2 =	por !p2, p0  }
0x20: {  	[sflag:s8] =	ssyncset.s32 @!p0 $0xFFFFF086;
	s6 =	sadd.s32 @!p0 s3, s7;
	s7 =	simm.s32 @!p0 $0x108  }
0x21: {  	s3 =	sadd.s32 s3, s9;
	s6 =	sadd.s32 @!p0 $0x88, s6;
	s7 =	simm.s32 @p2 $0x1082  }
0x22: {  	[simem:s7], [sflag:s8] =	dma.local @!p0 [hbm:s6], $0xF7A  }
0x23: {  	s9 =	sor.u32 $0xD0000000, s2;
	s6 =	simm.s32 $0x108;
	_ =	swait.ge @!p0 [sflag:s8], $0x0  }
0x24: {  	s3 =	sadd.s32 $0x88, s3;
	s6 =	simm.s32 @!p1 $0x1082;
	[sflag:s4] =	ssyncset.s32 $0xFFFFF086  }
0x25: {  	[simem:s6], [sflag:s4] =	dma.local [hbm:s3], $0xF7A  }
0x26: {  	[smem:$0x3F99] =	sst s1;
	(tag) =	ssettag s2;
	_ =	strace s9  }
0x27: {  	s1 =	sld [smem:$0x3FA9]  }
0x28: {  	s2 =	sld [smem:$0x3FAA]  }
0x29: {  	s4 =	sld [smem:$0x3FAC]  }
0x2a: {  	p0 =	seq.s32 s5, $0x0;
	s5 =	sld [smem:$0x3FAD]  }
0x2b: {  	s6 =	sld [smem:$0x3FAE]  }
0x2c: {  	s7 =	sld [smem:$0x3FAF]  }
0x2d: {  	s3 =	simm.s32 $0x108;
	s8 =	sld [smem:$0x3FB0]  }
0x2e: {  	s3 =	simm.s32 @!p0 $0x1082;
	s9 =	sld [smem:$0x3FB1]  }
0x2f: {  	lr =	sadd.s32 s0, s3;
	s0 =	sld [smem:$0x3FA8]  }
0x30: {  	s3 =	sld [smem:$0x3FAB]  }
0x31: {  	[smem:$0x3FB4] =	sst s10  }
0x32: {  	s10 =	sld [smem:$0x3FB2];
	_ =	sdelay $0x3  }
0x33: {  	p0 =	seq.s32 s10, $0x1;
	s10 =	sld [smem:$0x3FB4];
	_ =	sdelay $0x3  }
0x34: {  	[smem:$0x3FB4] =	sst s10  }
0x35: {  	s10 =	sld [smem:$0x3FB3];
	_ =	sdelay $0x3  }
0x36: {  	p1 =	seq.s32 s10, $0x1;
	s10 =	sld [smem:$0x3FB4];
	_ =	sdelay $0x3  }
0x37: {  	[smem:$0x3FB4] =	sst s10  }
0x38: {  	s10 =	sld [smem:$0x3FB5]  }
0x39: {  	_ = 	snop;
	(pc) =	sbr.ind lr, $3  }
0x3a: {  	_ = 	snop  }
0x3b: {  	_ = 	snop  }
0x3c: {  	p2 =	seq.s32 s10, $0x1;
	s10 =	sld [smem:$0x3FB4]  }
0x3d: {  	_ =	shalt  }
0x3e: {  	_ =	shalt  }
0x3f: {  	_ =	shalt  }
0x40: {  	_ =	shalt  }
0x41: {  	_ =	shalt  }
0x42: {  	_ =	shalt  }
0x43: {  	_ =	shalt  }
0x44: {  	_ =	shalt  }
0x45: {  	_ =	shalt  }
0x46: {  	_ =	shalt  }
0x47: {  	_ =	shalt  }
0x48: {  	_ =	shalt  }
0x49: {  	_ =	shalt  }
0x4a: {  	_ =	shalt  }
0x4b: {  	_ =	shalt  }
0x4c: {  	_ =	shalt  }
0x4d: {  	_ =	shalt  }
0x4e: {  	_ =	shalt  }
0x4f: {  	_ =	shalt  }
0x50: {  	_ =	shalt  }
0x51: {  	_ =	shalt  }
0x52: {  	_ =	shalt  }
0x53: {  	_ =	shalt  }
0x54: {  	_ =	shalt  }
0x55: {  	_ =	shalt  }
0x56: {  	_ =	shalt  }
0x57: {  	_ =	shalt  }
0x58: {  	_ =	shalt  }
0x59: {  	_ =	shalt  }
0x5a: {  	_ =	shalt  }
0x5b: {  	_ =	shalt  }
0x5c: {  	_ =	shalt  }
0x5d: {  	_ =	shalt  }
0x5e: {  	_ =	shalt  }
0x5f: {  	_ =	shalt  }
0x60: {  	_ =	shalt  }
0x61: {  	_ =	shalt  }
0x62: {  	_ =	shalt  }
0x63: {  	_ =	shalt  }
0x64: {  	_ =	shalt  }
0x65: {  	_ =	shalt  }
0x66: {  	_ =	shalt  }
0x67: {  	_ =	shalt  }
0x68: {  	_ =	shalt  }
0x69: {  	_ =	shalt  }
0x6a: {  	_ =	shalt  }
0x6b: {  	_ =	shalt  }
0x6c: {  	_ =	shalt  }
0x6d: {  	_ =	shalt  }
0x6e: {  	_ =	shalt  }
0x6f: {  	_ =	shalt  }
0x70: {  	_ =	shalt  }
0x71: {  	_ =	shalt  }
0x72: {  	_ =	shalt  }
0x73: {  	_ =	shalt  }
0x74: {  	_ =	shalt  }
0x75: {  	_ =	shalt  }
0x76: {  	_ =	shalt  }
0x77: {  	_ =	shalt  }
0x78: {  	_ =	shalt  }
0x79: {  	_ =	shalt  }
0x7a: {  	_ =	shalt  }
0x7b: {  	_ =	shalt  }
0x7c: {  	_ =	shalt  }
0x7d: {  	_ =	shalt  }
0x7e: {  	_ =	shalt  }
0x7f: {  	_ =	shalt  }
0x80: {  	_ =	shalt  }
0x81: {  	_ =	shalt  }
0x82: {  	_ =	shalt  }
0x83: {  	_ =	shalt  }
0x84: {  	_ =	shalt  }
0x85: {  	_ =	shalt  }
0x86: {  	_ =	shalt  }
0x87: {  	_ =	shalt  }
.Lfunc_end0:
.L_simem_size_0:
called_computation.1_lowered:
.L_overlay_start_0:
0x88: {  	s2 =	sld [smem:$0x3FD9]  }
0x89: {  	s3 =	sld [smem:$0x3FFE];
	_ =	sdelay $0x1  }
0x8a: {  	s1 =	srdreg.scid  }
0x8b: {  	s0 =	sand.u32 $0x1, s1  }
0x8c: {  	s17 =	sshll.u32 s0, $0xA;
	s2 =	sadd.s32 s3, s2  }
0x8d: {  	s2 =	sadd.s32 s2, s17  }
0x8e: {  	[smem:$0x3FC0] =	sst s2  }
0x8f: {  	_ = 	snop  }
0x90: {  	s2 =	sld [smem:$0x3FD0];
	(tm) =	ssettm $0x1  }
0x91: {  	s18 =	sld [smem:$0x3FFB];
	_ =	sdelay $0x3  }
0x92: {  	_ =	strace s18  }
0x93: {  	s3 =	sld [smem:$0x3FFC];
	_ =	sdelay $0x3  }
0x94: {  	_ =	strace s3  }
0x95: {  	s3 =	sld [smem:$0x3FFD];
	_ =	sdelay $0x3  }
0x96: {  	_ =	strace s3  }
0x97: {  	_ =	strace $0x8FFFFFFF  }
0x98: {  	s19 =	sld [smem:$0x3FDB];
	_ =	sdelay $0x1  }
0x99: {  	s4 =	simm.s32 $_scs_section_size  }
0x9a: {  	s5 =	simm.s32 $_size__tile_overlayer_lowered;
	s6 =	simm.s32 $_tile_overlayer_lowered  }
0x9b: {  	s22 =	simm.s32 $0x1BFF;
	s21 =	sshll.u32 s6, $0x1;
	s3 =	sadd.s32 s4, s19  }
0x9c: {  	s7 =	simm.s32 $0x0;
	s20 =	sshll.u32 s5, $0x1;
	s5 =	sadd.s32 s21, s3  }
0x9d: {  	[timem:s7], [sflag:s22] =	dma.local [hbm:s5], s20  }
0x9e: {  	_ =	swait.ge [sflag:s22], s20  }
0x9f: {  	s4 =	ssub.s32 $0x0, s20;
	[sflag:s22] =	ssyncset.done $0x0  }
0xa0: {  	[sflag:s22] =	ssyncadd.s32 s4;
	_ =	sdelay $0x1  }
0xa1: {  	s23 =	simm.s32 $0x1B8B  }
0xa2: {  	_ =	swait.ge [sflag:s23], $0x1  }
0xa3: {  	[sflag:s23] =	ssyncset.done $0x0  }
0xa4: {  	s25 =	simm.s32 $0x1B8E;
	s24 =	sld [smem:$0x3FFE];
	[sflag:s23] =	ssyncadd.s32 $0xFFFFFFFF  }
0xa5: {  	s26 =	simm.s32 $execute0_lowered;
	[smem:$0x3FD2] =	sst s25  }
0xa6: {  	s5 =	sshll.u32 s26, $0x1;
	_ =	strace $0x80000049;
	[dreg:$0x1] =	wrdreg $0xFFFFFFFF  }
0xa7: {  	s28 =	simm.s32 $_size_execute0_lowered;
	s3 =	sadd.s32 s3, s5;
	[dreg:$0x0] =	wrdreg $0x0  }
0xa8: {  	s5 =	sshll.u32 s28, $0x1;
	[dreg:$0x2] =	wrdreg s3  }
0xa9: {  	[dreg:$0x3] =	wrdreg s5  }
0xaa: {  	[dreg:$0x4] =	wrdreg $0xC0  }
0xab: {  	_ =	task [dreg:s7], $0x5FFFF  }
0xac: {  	[dreg:$0x1] =	wrdreg $0xFFFFFFFF  }
0xad: {  	[dreg:$0x0] =	wrdreg $0x60  }
0xae: {  	[dreg:$0x2] =	wrdreg s2  }
0xaf: {  	[dreg:$0x3] =	wrdreg s24  }
0xb0: {  	[dreg:$0x4] =	wrdreg $0x0  }
0xb1: {  	[dreg:$0x5] =	wrdreg $0x9  }
0xb2: {  	_ =	task.clear_ibuf [dreg:s7], $0x6FFFF;
	_ =	strace $0x90000049  }
0xb3: {  	s29 =	simm.s32 $0x9;
	_ =	strace $0x8000004B  }
0xb4: {  	_ =	swait.ge [sflag:s29], $0x1  }
0xb5: {  	[sflag:s29] =	ssyncadd.s32 $0xFFFFFFFF  }
0xb6: {  	_ =	strace $0x9000004B  }
0xb7: {  	_ =	sfence  }
0xb8: {  	s30 =	sld [smem:$0x0];
	_ =	sdelay $0x2  }
0xb9: {  	s31 =	sshll.u32 s1, $0xD;
	s1 =	sshrl.u32 s1, $0x2  }
0xba: {  	s3 =	sand.u32 $0x4000, s31;
	s1 =	sadd.s32 s1, s30  }
0xbb: {  	s0 =	sor.u32 s3, s0;
	s1 =	sshll.u32 s1, $0x11  }
0xbc: {  	s0 =	sor.u32 s1, s0  }
0xbd: {  	s0 =	sadd.s32 $0x8F2B, s0  }
0xbe: {  	[sflag:s0] =	ssyncadd.remote.s32 $0x1  }
0xbf: {  	_ =	sfence.sel $0xFFFF  }
0xc0: {  	[dreg:$0x0] =	wrdreg $0xFFFFFFFF;
	(pc) =	sbr.abs _section_cstart, $3  }
0xc1: {  	[dreg:$0x1] =	wrdreg $0xFFFFFFFF  }
0xc2: {  	_ =	task.clear_ibuf [dreg:s7], $0x2FFFF;
	_ =	strace $0x9FFFFFFF  }
0xc3: {  	(tm) =	ssettm $0x7FFFFFFF  }
tec
execute0_lowered:
.L_overlay_start_1:
0x0: {  	(tag) =	ssettag $0x1  }
0x1: {  	s0 =	rddreg [dreg:$0x0]  }
0x2: {  	s1 =	rddreg [dreg:$0x1]  }
0x3: {  	s2 =	rddreg [dreg:$0x2];
	s3 =	simm.s32 $0x0;
	s10 =	stileid.u32  }
0x4: {  	s5 =	srdreg.scid;
	s15 =	simm.s32 $0x40;
	s16 =	simm.s32 $0x9E00  }
0x5: {  	s18 =	simm.s32 $0xAE00;
	s20 =	simm.s32 $0xBE00;
	s29 =	simm.s32 $0xFE00  }
0x6: {  	s31 =	simm.s32 $0x10E00;
	s17 =	simm.s32 $0x4;
	s19 =	simm.s32 $0x5  }
0x7: {  	s21 =	simm.s32 $0x6;
	s28 =	simm.s32 $0x9;
	s22 =	smul.u32 $0x5000, s10  }
0x8: {  	s30 =	simm.s32 $0xA;
	s14 =	simm.s32 $0x0;
	s4 =	smul.u32 $0x9E00, s10  }
0x9: {  	[smem:$0x7FF] =	sst s3;
	s5 =	sand.u32 $0x1, s5;
	s6 =	smul.u32 $0x13C00, s10  }
0xa: {  	s12 =	sshll.u32 s10, $0x6;
	s10 =	simm.s32 $0xD;
	_ =	strace $0x8000004A  }
0xb: {  	s7 =	sshll.u32 s5, $0x6;
	s23 =	ssub.s32 $0x2, s5;
	s5 =	smul.u32 $0x13880, s5  }
0xc: {  	[dreg:$0xb] =	wrdreg s14;
	s3 =	sshrl.u32 s22, $0x3;
	s8 =	sshrl.u32 s4, $0x3  }
0xd: {  	s6 =	sor.u32 s7, s6;
	s9 =	sshrl.u32 s23, $0x1;
	s26 =	sadd.s32 s4, s2  }
0xe: {  	s22 =	simm.s32 $0xCE00;
	s4 =	simm.s32 $0xC;
	s3 =	sadd.s32 s3, s1  }
0xf: {  	s8 =	sadd.s32 s8, s1;
	s6 =	sshrl.u32 s6, $0x3;
	s24 =	ssub.s32 s23, s9  }
0x10: {  	s7 =	sadd.s32 s0, s5;
	s13 =	sshrl.u32 s26, $0x3;
	s26 =	simm.s32 $0xEE00  }
0x11: {  	s0 =	simm.s32 $0x1;
	s23 =	simm.s32 $0x7;
	s5 =	simm.s32 $0xE  }
0x12: {  	s1 =	sadd.s32 s6, s1;
	s25 =	sadd.s32 $0x2600, s3;
	[dreg:$0xa] =	wrdreg s13  }
0x13: {  	s3 =	sadd.s32 $0xC600, s3;
	s8 =	sadd.s32 $0xB3800, s8;
	[dreg:$0x4] =	wrdreg s25  }
0x14: {  	s11 =	smax.u32 s24, $0x1;
	s24 =	simm.s32 $0xDE00;
	[dreg:$0x5] =	wrdreg s3  }
0x15: {  	s6 =	simm.s32 $0xF;
	[dreg:$0x6] =	wrdreg s8;
	s9 =	sadd.s32 $0xC7400, s1  }
0x16: {  	[dreg:$0x8] =	wrdreg s11;
	s11 =	sor.u32 $0x1C11, s12;
	s1 =	simm.s32 $0x2  }
0x17: {  	s12 =	simm.s32 $0x3;
	s25 =	simm.s32 $0x8;
	[dreg:$0x7] =	wrdreg s9  }
0x18: {  	s3 =	simm.s32 $0xB;
	s8 =	simm.s32 $0x10;
	[dreg:$0x9] =	wrdreg s11  }
.LBB2_1:
0x19: {  	s9 =	simm.s32 $0x11  }
0x1a: {  	s13 =	rddreg [dreg:$0x4];
	s11 =	simm.s32 $0x11E00;
	s14 =	simm.s32 $0x0  }
0x1b: {  	[tilespmem:s11], [sflag:$0x11] =	stream.linear.gather [hbm4b:s13+s14], $0x5000, $0x38;
	[tilespmem:$0x1BE00] =	vst v63  }
0x1c: {  	_ =	swait.ge [sflag:s9], $0x5000  }
0x1d: {  	s11 =	simm.s32 $0x0;
	[sflag:s9] =	ssyncset.done $0x0  }
0x1e: {  	s14 =	simm.s32 $0x16E00;
	s13 =	rddreg [dreg:$0x5];
	[sflag:s9] =	ssyncadd.s32 $0xFFFFB000  }
0x1f: {  	[tilespmem:s14], [sflag:$0x11] =	stream.linear.gather [hbm4b:s13+s11], $0x5000, $0x38;
	[tilespmem:$0x1BE00] =	vst v63  }
0x20: {  	_ =	swait.ge [sflag:s9], $0x5000  }
0x21: {  	s11 =	rddreg [dreg:$0x6]  }
0x22: {  	[sflag:s9] =	ssyncset.done $0x0;
	s13 =	rddreg [dreg:$0x9]  }
0x23: {  	s14 =	rddreg [dreg:$0xa];
	[sflag:s9] =	ssyncadd.s32 $0xFFFFB000  }
0x24: {  	[spmem:s14], [sflag:s13] =	dma.local [hbm:s11], $0x13C0  }
0x25: {  	_ =	swait.ge [sflag:s9], $0x13C0  }
0x26: {  	[sflag:s9] =	ssyncset.done $0x0  }
0x27: {  	[sflag:s9] =	ssyncadd.s32 $0xFFFFEC40  }
0x28: {  	s13 =	simm.s32 $0x11E00;
	[bflag:$0x0] =	sbarrier.arrive $0xFFFF  }
0x29: {  	[tilespmem:s16], [sflag:$0x1] =	stream.indirect.gather [hbm4b:s7+s15], $0x40, s13, s15, $0xb8;
	[tilespmem:$0x1BE00] =	vst v63  }
0x2a: {  	s14 =	simm.s32 $0x11E40  }
0x2b: {  	[tilespmem:s18], [sflag:$0x2] =	stream.indirect.gather [hbm4b:s7+s15], $0x40, s14, s15, $0xb8;
	[tilespmem:$0x1BE00] =	vst v63  }
0x2c: {  	s11 =	simm.s32 $0x11E80  }
0x2d: {  	[tilespmem:s20], [sflag:$0x3] =	stream.indirect.gather [hbm4b:s7+s15], $0x40, s11, s15, $0xb8;
	[tilespmem:$0x1BE00] =	vst v63  }
0x2e: {  	s13 =	simm.s32 $0x11EC0  }
0x2f: {  	[tilespmem:s22], [sflag:$0x4] =	stream.indirect.gather [hbm4b:s7+s15], $0x40, s13, s15, $0xb8;
	[tilespmem:$0x1BE00] =	vst v63  }
0x30: {  	s14 =	simm.s32 $0x11F00  }
0x31: {  	[tilespmem:s24], [sflag:$0x5] =	stream.indirect.gather [hbm4b:s7+s15], $0x40, s14, s15, $0xb8;
	[tilespmem:$0x1BE00] =	vst v63  }
0x32: {  	s11 =	simm.s32 $0x11F40  }
0x33: {  	[tilespmem:s26], [sflag:$0x6] =	stream.indirect.gather [hbm4b:s7+s15], $0x40, s11, s15, $0xb8;
	[tilespmem:$0x1BE00] =	vst v63  }
0x34: {  	s13 =	simm.s32 $0x11F80  }
0x35: {  	[tilespmem:s29], [sflag:$0x7] =	stream.indirect.gather [hbm4b:s7+s15], $0x40, s13, s15, $0xb8;
	[tilespmem:$0x1BE00] =	vst v63  }
0x36: {  	s14 =	simm.s32 $0x11FC0  }
0x37: {  	[tilespmem:s31], [sflag:$0x8] =	stream.indirect.gather [hbm4b:s7+s15], $0x40, s14, s15, $0xb8;
	[tilespmem:$0x1BE00] =	vst v63  }
0x38: {  	_ =	swait.ge [sflag:s0], $0x1000  }
0x39: {  	[sflag:s0] =	ssyncset.done $0x0  }
0x3a: {  	s9 =	simm.s32 $0x16E00;
	[sflag:s0] =	ssyncadd.s32 $0xFFFFF000  }
0x3b: {  	[spmem:s2] =	stream.indirect.scatter.add.f32 [tilespmem:s16], [sflag:$0x9], $0x40, s9, s15, $0xb8;
	[tilespmem:$0x1BE00] =	vst v63  }
0x3c: {  	_ =	swait.ge [sflag:s1], $0x1000  }
0x3d: {  	[sflag:s1] =	ssyncset.done $0x0  }
0x3e: {  	s11 =	simm.s32 $0x16E40;
	[sflag:s1] =	ssyncadd.s32 $0xFFFFF000  }
0x3f: {  	[spmem:s2] =	stream.indirect.scatter.add.f32 [tilespmem:s18], [sflag:$0xA], $0x40, s11, s15, $0xb8;
	[tilespmem:$0x1BE00] =	vst v63  }
0x40: {  	_ =	swait.ge [sflag:s12], $0x1000  }
0x41: {  	[sflag:s12] =	ssyncset.done $0x0  }
0x42: {  	s14 =	simm.s32 $0x16E80;
	[sflag:s12] =	ssyncadd.s32 $0xFFFFF000  }
0x43: {  	[spmem:s2] =	stream.indirect.scatter.add.f32 [tilespmem:s20], [sflag:$0xB], $0x40, s14, s15, $0xb8;
	[tilespmem:$0x1BE00] =	vst v63  }
0x44: {  	_ =	swait.ge [sflag:s17], $0x1000  }
0x45: {  	[sflag:s17] =	ssyncset.done $0x0  }
0x46: {  	s9 =	simm.s32 $0x16EC0;
	[sflag:s17] =	ssyncadd.s32 $0xFFFFF000  }
0x47: {  	[spmem:s2] =	stream.indirect.scatter.add.f32 [tilespmem:s22], [sflag:$0xC], $0x40, s9, s15, $0xb8;
	[tilespmem:$0x1BE00] =	vst v63  }
0x48: {  	_ =	swait.ge [sflag:s19], $0x1000  }
0x49: {  	[sflag:s19] =	ssyncset.done $0x0  }
0x4a: {  	s11 =	simm.s32 $0x16F00;
	[sflag:s19] =	ssyncadd.s32 $0xFFFFF000  }
0x4b: {  	[spmem:s2] =	stream.indirect.scatter.add.f32 [tilespmem:s24], [sflag:$0xD], $0x40, s11, s15, $0xb8;
	[tilespmem:$0x1BE00] =	vst v63  }
0x4c: {  	_ =	swait.ge [sflag:s21], $0x1000  }
0x4d: {  	[sflag:s21] =	ssyncset.done $0x0  }
0x4e: {  	s14 =	simm.s32 $0x16F40;
	[sflag:s21] =	ssyncadd.s32 $0xFFFFF000  }
0x4f: {  	[spmem:s2] =	stream.indirect.scatter.add.f32 [tilespmem:s26], [sflag:$0xE], $0x40, s14, s15, $0xb8;
	[tilespmem:$0x1BE00] =	vst v63  }
0x50: {  	_ =	swait.ge [sflag:s23], $0x1000  }
0x51: {  	[sflag:s23] =	ssyncset.done $0x0  }
0x52: {  	s9 =	simm.s32 $0x16F80;
	[sflag:s23] =	ssyncadd.s32 $0xFFFFF000  }
0x53: {  	[spmem:s2] =	stream.indirect.scatter.add.f32 [tilespmem:s29], [sflag:$0xF], $0x40, s9, s15, $0xb8;
	[tilespmem:$0x1BE00] =	vst v63  }
0x54: {  	_ =	swait.ge [sflag:s25], $0x1000  }
0x55: {  	[sflag:s25] =	ssyncset.done $0x0  }
0x56: {  	s11 =	simm.s32 $0x16FC0;
	[sflag:s25] =	ssyncadd.s32 $0xFFFFF000  }
0x57: {  	[spmem:s2] =	stream.indirect.scatter.add.f32 [tilespmem:s31], [sflag:$0x10], $0x40, s11, s15, $0xb8;
	[tilespmem:$0x1BE00] =	vst v63  }
0x58: {  	_ =	swait.ge [sflag:s28], $0x1000  }
0x59: {  	[sflag:s28] =	ssyncset.done $0x0  }
0x5a: {  	s14 =	simm.s32 $0x12000;
	[sflag:s28] =	ssyncadd.s32 $0xFFFFF000  }
0x5b: {  	[tilespmem:s16], [sflag:$0x1] =	stream.indirect.gather [hbm4b:s7+s15], $0x40, s14, s15, $0xb8;
	[tilespmem:$0x1BE00] =	vst v63  }
0x5c: {  	_ =	swait.ge [sflag:s30], $0x1000  }
0x5d: {  	[sflag:s30] =	ssyncset.done $0x0  }
0x5e: {  	s9 =	simm.s32 $0x12040;
	[sflag:s30] =	ssyncadd.s32 $0xFFFFF000  }
0x5f: {  	[tilespmem:s18], [sflag:$0x2] =	stream.indirect.gather [hbm4b:s7+s15], $0x40, s9, s15, $0xb8;
	[tilespmem:$0x1BE00] =	vst v63  }
0x60: {  	_ =	swait.ge [sflag:s3], $0x1000  }
0x61: {  	[sflag:s3] =	ssyncset.done $0x0  }
0x62: {  	s11 =	simm.s32 $0x12080;
	[sflag:s3] =	ssyncadd.s32 $0xFFFFF000  }
0x63: {  	[tilespmem:s20], [sflag:$0x3] =	stream.indirect.gather [hbm4b:s7+s15], $0x40, s11, s15, $0xb8;
	[tilespmem:$0x1BE00] =	vst v63  }
0x64: {  	_ =	swait.ge [sflag:s4], $0x1000  }
0x65: {  	[sflag:s4] =	ssyncset.done $0x0  }
0x66: {  	s14 =	simm.s32 $0x120C0;
	[sflag:s4] =	ssyncadd.s32 $0xFFFFF000  }
0x67: {  	[tilespmem:s22], [sflag:$0x4] =	stream.indirect.gather [hbm4b:s7+s15], $0x40, s14, s15, $0xb8;
	[tilespmem:$0x1BE00] =	vst v63  }
0x68: {  	_ =	swait.ge [sflag:s10], $0x1000  }
0x69: {  	[sflag:s10] =	ssyncset.done $0x0  }
0x6a: {  	s9 =	simm.s32 $0x12100;
	[sflag:s10] =	ssyncadd.s32 $0xFFFFF000  }
0x6b: {  	[tilespmem:s24], [sflag:$0x5] =	stream.indirect.gather [hbm4b:s7+s15], $0x40, s9, s15, $0xb8;
	[tilespmem:$0x1BE00] =	vst v63  }
0x6c: {  	_ =	swait.ge [sflag:s5], $0x1000  }
0x6d: {  	[sflag:s5] =	ssyncset.done $0x0  }
0x6e: {  	s11 =	simm.s32 $0x12140;
	[sflag:s5] =	ssyncadd.s32 $0xFFFFF000  }
0x6f: {  	[tilespmem:s26], [sflag:$0x6] =	stream.indirect.gather [hbm4b:s7+s15], $0x40, s11, s15, $0xb8;
	[tilespmem:$0x1BE00] =	vst v63  }
0x70: {  	_ =	swait.ge [sflag:s6], $0x1000  }
0x71: {  	[sflag:s6] =	ssyncset.done $0x0  }
0x72: {  	s14 =	simm.s32 $0x12180;
	[sflag:s6] =	ssyncadd.s32 $0xFFFFF000  }
0x73: {  	[tilespmem:s29], [sflag:$0x7] =	stream.indirect.gather [hbm4b:s7+s15], $0x40, s14, s15, $0xb8;
	[tilespmem:$0x1BE00] =	vst v63  }
0x74: {  	_ =	swait.ge [sflag:s8], $0x1000  }
0x75: {  	[sflag:s8] =	ssyncset.done $0x0  }
0x76: {  	s13 =	simm.s32 $0x800;
	s14 =	simm.s32 $0x121C0;
	[sflag:s8] =	ssyncadd.s32 $0xFFFFF000  }
.LBB2_2:
0x77: {  	[tilespmem:s31], [sflag:$0x8] =	stream.indirect.gather [hbm4b:s7+s15], $0x40, s14, s15, $0xb8;
	[tilespmem:$0x1BE00] =	vst v63  }
0x78: {  	s14 =	smov.u32 s13  }
0x79: {  	p0 =	sne.s32 s13, $0x13000;
	s13 =	sadd.s32 $0x800, s13;
	_ =	swait.ge [sflag:s0], $0x1000  }
0x7a: {  	s14 =	sshra.s32 s14, $0x2;
	[sflag:s0] =	ssyncset.done $0x0  }
0x7b: {  	s11 =	sadd.s32 $0x16E00, s14;
	[sflag:s0] =	ssyncadd.s32 $0xFFFFF000  }
0x7c: {  	[spmem:s2] =	stream.indirect.scatter.add.f32 [tilespmem:s16], [sflag:$0x9], $0x40, s11, s15, $0xb8;
	[tilespmem:$0x1BE00] =	vst v63  }
0x7d: {  	_ =	swait.ge [sflag:s1], $0x1000  }
0x7e: {  	[sflag:s1] =	ssyncset.done $0x0  }
0x7f: {  	s11 =	sadd.s32 $0x16E40, s14;
	[sflag:s1] =	ssyncadd.s32 $0xFFFFF000  }
0x80: {  	[spmem:s2] =	stream.indirect.scatter.add.f32 [tilespmem:s18], [sflag:$0xA], $0x40, s11, s15, $0xb8;
	[tilespmem:$0x1BE00] =	vst v63  }
0x81: {  	_ =	swait.ge [sflag:s12], $0x1000  }
0x82: {  	[sflag:s12] =	ssyncset.done $0x0  }
0x83: {  	s11 =	sadd.s32 $0x16E80, s14;
	[sflag:s12] =	ssyncadd.s32 $0xFFFFF000  }
0x84: {  	[spmem:s2] =	stream.indirect.scatter.add.f32 [tilespmem:s20], [sflag:$0xB], $0x40, s11, s15, $0xb8;
	[tilespmem:$0x1BE00] =	vst v63  }
0x85: {  	_ =	swait.ge [sflag:s17], $0x1000  }
0x86: {  	[sflag:s17] =	ssyncset.done $0x0  }
0x87: {  	s11 =	sadd.s32 $0x16EC0, s14;
	[sflag:s17] =	ssyncadd.s32 $0xFFFFF000  }
0x88: {  	[spmem:s2] =	stream.indirect.scatter.add.f32 [tilespmem:s22], [sflag:$0xC], $0x40, s11, s15, $0xb8;
	[tilespmem:$0x1BE00] =	vst v63  }
0x89: {  	_ =	swait.ge [sflag:s19], $0x1000  }
0x8a: {  	[sflag:s19] =	ssyncset.done $0x0  }
0x8b: {  	s11 =	sadd.s32 $0x16F00, s14;
	[sflag:s19] =	ssyncadd.s32 $0xFFFFF000  }
0x8c: {  	[spmem:s2] =	stream.indirect.scatter.add.f32 [tilespmem:s24], [sflag:$0xD], $0x40, s11, s15, $0xb8;
	[tilespmem:$0x1BE00] =	vst v63  }
0x8d: {  	_ =	swait.ge [sflag:s21], $0x1000  }
0x8e: {  	[sflag:s21] =	ssyncset.done $0x0  }
0x8f: {  	s11 =	sadd.s32 $0x16F40, s14;
	[sflag:s21] =	ssyncadd.s32 $0xFFFFF000  }
0x90: {  	[spmem:s2] =	stream.indirect.scatter.add.f32 [tilespmem:s26], [sflag:$0xE], $0x40, s11, s15, $0xb8;
	[tilespmem:$0x1BE00] =	vst v63  }
0x91: {  	_ =	swait.ge [sflag:s23], $0x1000  }
0x92: {  	[sflag:s23] =	ssyncset.done $0x0  }
0x93: {  	s11 =	sadd.s32 $0x16F80, s14;
	[sflag:s23] =	ssyncadd.s32 $0xFFFFF000  }
0x94: {  	[spmem:s2] =	stream.indirect.scatter.add.f32 [tilespmem:s29], [sflag:$0xF], $0x40, s11, s15, $0xb8;
	[tilespmem:$0x1BE00] =	vst v63  }
0x95: {  	_ =	swait.ge [sflag:s25], $0x1000  }
0x96: {  	[sflag:s25] =	ssyncset.done $0x0  }
0x97: {  	s11 =	sadd.s32 $0x16FC0, s14;
	[sflag:s25] =	ssyncadd.s32 $0xFFFFF000  }
0x98: {  	[spmem:s2] =	stream.indirect.scatter.add.f32 [tilespmem:s31], [sflag:$0x10], $0x40, s11, s15, $0xb8;
	[tilespmem:$0x1BE00] =	vst v63  }
0x99: {  	_ =	swait.ge [sflag:s28], $0x1000  }
0x9a: {  	[sflag:s28] =	ssyncset.done $0x0  }
0x9b: {  	s11 =	sadd.s32 $0x12000, s14;
	[sflag:s28] =	ssyncadd.s32 $0xFFFFF000  }
0x9c: {  	[tilespmem:s16], [sflag:$0x1] =	stream.indirect.gather [hbm4b:s7+s15], $0x40, s11, s15, $0xb8;
	[tilespmem:$0x1BE00] =	vst v63  }
0x9d: {  	_ =	swait.ge [sflag:s30], $0x1000  }
0x9e: {  	[sflag:s30] =	ssyncset.done $0x0  }
0x9f: {  	s11 =	sadd.s32 $0x12040, s14;
	[sflag:s30] =	ssyncadd.s32 $0xFFFFF000  }
0xa0: {  	[tilespmem:s18], [sflag:$0x2] =	stream.indirect.gather [hbm4b:s7+s15], $0x40, s11, s15, $0xb8;
	[tilespmem:$0x1BE00] =	vst v63  }
0xa1: {  	_ =	swait.ge [sflag:s3], $0x1000  }
0xa2: {  	[sflag:s3] =	ssyncset.done $0x0  }
0xa3: {  	s11 =	sadd.s32 $0x12080, s14;
	[sflag:s3] =	ssyncadd.s32 $0xFFFFF000  }
0xa4: {  	[tilespmem:s20], [sflag:$0x3] =	stream.indirect.gather [hbm4b:s7+s15], $0x40, s11, s15, $0xb8;
	[tilespmem:$0x1BE00] =	vst v63  }
0xa5: {  	_ =	swait.ge [sflag:s4], $0x1000  }
0xa6: {  	[sflag:s4] =	ssyncset.done $0x0  }
0xa7: {  	s11 =	sadd.s32 $0x120C0, s14;
	[sflag:s4] =	ssyncadd.s32 $0xFFFFF000  }
0xa8: {  	[tilespmem:s22], [sflag:$0x4] =	stream.indirect.gather [hbm4b:s7+s15], $0x40, s11, s15, $0xb8;
	[tilespmem:$0x1BE00] =	vst v63  }
0xa9: {  	_ =	swait.ge [sflag:s10], $0x1000  }
0xaa: {  	[sflag:s10] =	ssyncset.done $0x0  }
0xab: {  	s11 =	sadd.s32 $0x12100, s14;
	[sflag:s10] =	ssyncadd.s32 $0xFFFFF000  }
0xac: {  	[tilespmem:s24], [sflag:$0x5] =	stream.indirect.gather [hbm4b:s7+s15], $0x40, s11, s15, $0xb8;
	[tilespmem:$0x1BE00] =	vst v63  }
0xad: {  	_ =	swait.ge [sflag:s5], $0x1000  }
0xae: {  	[sflag:s5] =	ssyncset.done $0x0  }
0xaf: {  	s11 =	sadd.s32 $0x12140, s14;
	[sflag:s5] =	ssyncadd.s32 $0xFFFFF000  }
0xb0: {  	[tilespmem:s26], [sflag:$0x6] =	stream.indirect.gather [hbm4b:s7+s15], $0x40, s11, s15, $0xb8;
	[tilespmem:$0x1BE00] =	vst v63  }
0xb1: {  	_ =	swait.ge [sflag:s6], $0x1000  }
0xb2: {  	[sflag:s6] =	ssyncset.done $0x0  }
.Ltmp0:
0xb3: {  	s11 =	sadd.s32 $0x12180, s14;
	[sflag:s6] =	ssyncadd.s32 $0xFFFFF000;
	(pc) =	sbr.rel @p0 .LBB2_2-.Ltmp0, $4  }
0xb4: {  	[tilespmem:s29], [sflag:$0x7] =	stream.indirect.gather [hbm4b:s7+s15], $0x40, s11, s15, $0xb8;
	[tilespmem:$0x1BE00] =	vst v63  }
0xb5: {  	_ =	swait.ge [sflag:s8], $0x1000  }
0xb6: {  	[sflag:s8] =	ssyncset.done $0x0  }
0xb7: {  	s14 =	sadd.s32 $0x121C0, s14;
	[sflag:s8] =	ssyncadd.s32 $0xFFFFF000  }
0xb8: {  	[tilespmem:s31], [sflag:$0x8] =	stream.indirect.gather [hbm4b:s7+s15], $0x40, s14, s15, $0xb8;
	[tilespmem:$0x1BE00] =	vst v63  }
0xb9: {  	_ =	swait.ge [sflag:s0], $0x1000  }
0xba: {  	[sflag:s0] =	ssyncset.done $0x0  }
0xbb: {  	s9 =	simm.s32 $0x1BC00;
	[sflag:s0] =	ssyncadd.s32 $0xFFFFF000  }
0xbc: {  	[spmem:s2] =	stream.indirect.scatter.add.f32 [tilespmem:s16], [sflag:$0x9], $0x40, s9, s15, $0xb8;
	[tilespmem:$0x1BE00] =	vst v63  }
0xbd: {  	_ =	swait.ge [sflag:s1], $0x1000  }
0xbe: {  	[sflag:s1] =	ssyncset.done $0x0  }
0xbf: {  	s13 =	simm.s32 $0x1BC40;
	[sflag:s1] =	ssyncadd.s32 $0xFFFFF000  }
0xc0: {  	[spmem:s2] =	stream.indirect.scatter.add.f32 [tilespmem:s18], [sflag:$0xA], $0x40, s13, s15, $0xb8;
	[tilespmem:$0x1BE00] =	vst v63  }
0xc1: {  	_ =	swait.ge [sflag:s12], $0x1000  }
0xc2: {  	[sflag:s12] =	ssyncset.done $0x0  }
0xc3: {  	s14 =	simm.s32 $0x1BC80;
	[sflag:s12] =	ssyncadd.s32 $0xFFFFF000  }
0xc4: {  	[spmem:s2] =	stream.indirect.scatter.add.f32 [tilespmem:s20], [sflag:$0xB], $0x40, s14, s15, $0xb8;
	[tilespmem:$0x1BE00] =	vst v63  }
0xc5: {  	_ =	swait.ge [sflag:s17], $0x1000  }
0xc6: {  	[sflag:s17] =	ssyncset.done $0x0  }
0xc7: {  	s11 =	simm.s32 $0x1BCC0;
	[sflag:s17] =	ssyncadd.s32 $0xFFFFF000  }
0xc8: {  	[spmem:s2] =	stream.indirect.scatter.add.f32 [tilespmem:s22], [sflag:$0xC], $0x40, s11, s15, $0xb8;
	[tilespmem:$0x1BE00] =	vst v63  }
0xc9: {  	_ =	swait.ge [sflag:s19], $0x1000  }
0xca: {  	[sflag:s19] =	ssyncset.done $0x0  }
0xcb: {  	s13 =	simm.s32 $0x1BD00;
	[sflag:s19] =	ssyncadd.s32 $0xFFFFF000  }
0xcc: {  	[spmem:s2] =	stream.indirect.scatter.add.f32 [tilespmem:s24], [sflag:$0xD], $0x40, s13, s15, $0xb8;
	[tilespmem:$0x1BE00] =	vst v63  }
0xcd: {  	_ =	swait.ge [sflag:s21], $0x1000  }
0xce: {  	[sflag:s21] =	ssyncset.done $0x0  }
0xcf: {  	s14 =	simm.s32 $0x1BD40;
	[sflag:s21] =	ssyncadd.s32 $0xFFFFF000  }
0xd0: {  	[spmem:s2] =	stream.indirect.scatter.add.f32 [tilespmem:s26], [sflag:$0xE], $0x40, s14, s15, $0xb8;
	[tilespmem:$0x1BE00] =	vst v63  }
0xd1: {  	_ =	swait.ge [sflag:s23], $0x1000  }
0xd2: {  	[sflag:s23] =	ssyncset.done $0x0  }
0xd3: {  	s11 =	simm.s32 $0x1BD80;
	[sflag:s23] =	ssyncadd.s32 $0xFFFFF000  }
0xd4: {  	[spmem:s2] =	stream.indirect.scatter.add.f32 [tilespmem:s29], [sflag:$0xF], $0x40, s11, s15, $0xb8;
	[tilespmem:$0x1BE00] =	vst v63  }
0xd5: {  	_ =	swait.ge [sflag:s25], $0x1000  }
0xd6: {  	[sflag:s25] =	ssyncset.done $0x0  }
0xd7: {  	s13 =	simm.s32 $0x1BDC0;
	[sflag:s25] =	ssyncadd.s32 $0xFFFFF000  }
0xd8: {  	[spmem:s2] =	stream.indirect.scatter.add.f32 [tilespmem:s31], [sflag:$0x10], $0x40, s13, s15, $0xb8;
	[tilespmem:$0x1BE00] =	vst v63  }
0xd9: {  	_ =	swait.ge [sflag:s28], $0x1000  }
0xda: {  	[sflag:s28] =	ssyncset.done $0x0  }
0xdb: {  	[sflag:s28] =	ssyncadd.s32 $0xFFFFF000  }
0xdc: {  	_ =	swait.ge [sflag:s30], $0x1000  }
0xdd: {  	[sflag:s30] =	ssyncset.done $0x0  }
0xde: {  	[sflag:s30] =	ssyncadd.s32 $0xFFFFF000  }
0xdf: {  	_ =	swait.ge [sflag:s3], $0x1000  }
0xe0: {  	[sflag:s3] =	ssyncset.done $0x0  }
0xe1: {  	[sflag:s3] =	ssyncadd.s32 $0xFFFFF000  }
0xe2: {  	_ =	swait.ge [sflag:s4], $0x1000  }
0xe3: {  	[sflag:s4] =	ssyncset.done $0x0  }
0xe4: {  	[sflag:s4] =	ssyncadd.s32 $0xFFFFF000  }
0xe5: {  	_ =	swait.ge [sflag:s10], $0x1000  }
0xe6: {  	[sflag:s10] =	ssyncset.done $0x0  }
0xe7: {  	[sflag:s10] =	ssyncadd.s32 $0xFFFFF000  }
0xe8: {  	_ =	swait.ge [sflag:s5], $0x1000  }
0xe9: {  	[sflag:s5] =	ssyncset.done $0x0  }
0xea: {  	[sflag:s5] =	ssyncadd.s32 $0xFFFFF000  }
0xeb: {  	_ =	swait.ge [sflag:s6], $0x1000  }
0xec: {  	[sflag:s6] =	ssyncset.done $0x0  }
0xed: {  	[sflag:s6] =	ssyncadd.s32 $0xFFFFF000  }
0xee: {  	_ =	swait.ge [sflag:s8], $0x1000  }
0xef: {  	[sflag:s8] =	ssyncset.done $0x0  }
0xf0: {  	[sflag:s8] =	ssyncadd.s32 $0xFFFFF000  }
0xf1: {  	[bflag:$0x0] =	sbarrier.arrive $0xFFFF  }
0xf2: {  	s11 =	rddreg [dreg:$0x7]  }
0xf3: {  	s14 =	rddreg [dreg:$0x9]  }
0xf4: {  	s13 =	rddreg [dreg:$0xa]  }
0xf5: {  	[hbm:s11@s8], [sflag:s14] =	dma.strided [spmem:s13@s25], $0x13C0, s0, $0x8   }
0xf6: {  	s13 =	simm.s32 $0x11  }
0xf7: {  	_ =	swait.ge [sflag:s13], $0x13C0  }
0xf8: {  	s11 =	rddreg [dreg:$0xb]  }
0xf9: {  	s9 =	rddreg [dreg:$0x8];
	s14 =	sadd.s32 $0x1, s11  }
0xfa: {  	p0 =	sne.s32 s14, s9  }
.Ltmp1:
0xfb: {  	_ = 	snop;
	(pc) =	sbr.rel @p0 .LBB2_1-.Ltmp1, $3  }
0xfc: {  	_ =	sdelay $0x1  }
0xfd: {  	[sflag:s13] =	ssyncset.done $0x0  }
0xfe: {  	[sflag:s13] =	ssyncadd.s32 $0xFFFFEC40;
	[dreg:$0xb] =	wrdreg s14  }
0xff: {  	_ =	sfence.sel $0x180000  }
0x100: {  	[bflag:$0x0] =	sbarrier.arrive $0xFFFF  }
0x101: {  	_ =	strace $0x9000004A  }
0x102: {  	s0 =	stileid.u32;
	[bflag:$0x2] =	sbarrier.arrive $0xFFFF  }
0x103: {  	p0 =	sne.s32 s0, $0x0;
	s0 =	rddreg [dreg:$0x3]  }
0x104: {  	s0 =	sadd.s32 @!p0 $0x100000, s0  }
0x105: {  	[sflag:s0] =	ssyncadd.tile.s32 @!p0 $0x1;
	_ =	shalt  }
.Lfunc_end2:
_tile_overlayer_lowered:
.L_overlay_start_2:
0x106: {  	(tag) =	ssettag $0x2  }
0x107: {  	s0 =	rddreg [dreg:$0x0];
	s2 =	stileid.u32  }
0x108: {  	s1 =	rddreg [dreg:$0x1];
	p0 =	sne.s32 s2, $0x0  }
0x109: {  	s3 =	rddreg [dreg:$0x2];
	[bflag:$0x3] =	sbarrier.arrive $0xFFFF;
	s2 =	simm.s32 @!p0 $0x1C11  }
0x10a: {  	[timem:s3], [sflag:s2] =	dma.local @!p0 [hbm:s0], s1  }
0x10b: {  	s0 =	simm.s32 @!p0 $0x11  }
0x10c: {  	_ =	swait.ge @!p0 [sflag:s0], s1  }
0x10d: {  	s1 =	ssub.s32 @!p0 $0x0, s1;
	[sflag:s0] =	ssyncset.done @!p0 $0x0  }
0x10e: {  	[sflag:s0] =	ssyncadd.s32 @!p0 s1  }
0x10f: {  	[bflag:$0x3] =	sbarrier.arrive $0xFFFF  }
0x110: {  	_ =	shalt  }

// kernel: kernel.15.cloned.1.call-start
scs
__scs_entry_jumppad:
0x0: {  	(pc) =	sbr.rel $0x88, $3  }
0x1: {  	(tag) =	ssettag $0x0;
	lr =	simm.s32 $0x1  }
0x2: {  	[smem:$0x3F99] =	sst lr;
	_ =	strace $0xD0000000  }
0x3: {  	_ = 	snop  }
0x4: {  	_ = 	snop  }
0x5: {  	_ = 	snop  }
0x6: {  	_ = 	snop  }
0x7: {  	_ = 	snop  }
__scs_overlays_trampoline_lowered:
0x8: {  	[smem:$0x3FA8] =	sst s0  }
0x9: {  	[smem:$0x3FA9] =	sst s1  }
0xa: {  	[smem:$0x3FAA] =	sst s2  }
0xb: {  	[smem:$0x3FAB] =	sst s3  }
0xc: {  	[smem:$0x3FAC] =	sst s4  }
0xd: {  	[smem:$0x3FAD] =	sst s5  }
0xe: {  	[smem:$0x3FAE] =	sst s6  }
0xf: {  	[smem:$0x3FAF] =	sst s7  }
0x10: {  	[smem:$0x3FB0] =	sst s8  }
0x11: {  	[smem:$0x3FB1] =	sst s9;
	s0 =	simm.s32 @!p0 $0x0  }
0x12: {  	s1 =	sld [smem:$0x3F97];
	s0 =	simm.s32 @p0 $0x1  }
0x13: {  	[smem:$0x3FB2] =	sst s0;
	s0 =	simm.s32 @!p1 $0x0  }
0x14: {  	s2 =	sld [smem:$0x3F96];
	s0 =	simm.s32 @p1 $0x1  }
0x15: {  	[smem:$0x3FB3] =	sst s0;
	s0 =	simm.s32 @!p2 $0x0  }
0x16: {  	s3 =	sld [smem:$0x3FDB];
	s0 =	simm.s32 @p2 $0x1  }
0x17: {  	s4 =	simm.s32 $0x1BF5;
	[smem:$0x3FB5] =	sst s0  }
0x18: {  	s0 =	sld [smem:$0x3F98];
	_ =	swait.ge [sflag:s4], $0x0  }
0x19: {  	s7 =	sld [smem:$0x3F99]  }
0x1a: {  	s8 =	sadd.s32 $0xFFFFE003, lr  }
0x1b: {  	s9 =	sadd.s32 $0xFFFFFEF7, lr;
	s5 =	simm.s32 $0xFFFFFFFF;
	p2 =	slt.u32 s8, $0xFFFFF086  }
0x1c: {  	p1 =	slt.u32 s9, $0xF7A;
	s5 =	simm.s32 @!p2 $0x0  }
0x1d: {  	s5 =	simm.s32 @p1 $0x1;
	p0 =	seq.s32 s7, s2  }
0x1e: {  	s7 =	smul.u32 @!p0 $0xF7A, s2;
	p2 =	seq.s32 @!p0 s5, $0x0  }
0x1f: {  	s9 =	smul.u32 $0xF7A, s1;
	s8 =	simm.s32 @!p0 $0x1BF5;
	p2 =	por !p2, p0  }
0x20: {  	[sflag:s8] =	ssyncset.s32 @!p0 $0xFFFFF086;
	s6 =	sadd.s32 @!p0 s3, s7;
	s7 =	simm.s32 @!p0 $0x108  }
0x21: {  	s3 =	sadd.s32 s3, s9;
	s6 =	sadd.s32 @!p0 $0x88, s6;
	s7 =	simm.s32 @p2 $0x1082  }
0x22: {  	[simem:s7], [sflag:s8] =	dma.local @!p0 [hbm:s6], $0xF7A  }
0x23: {  	s9 =	sor.u32 $0xD0000000, s2;
	s6 =	simm.s32 $0x108;
	_ =	swait.ge @!p0 [sflag:s8], $0x0  }
0x24: {  	s3 =	sadd.s32 $0x88, s3;
	s6 =	simm.s32 @!p1 $0x1082;
	[sflag:s4] =	ssyncset.s32 $0xFFFFF086  }
0x25: {  	[simem:s6], [sflag:s4] =	dma.local [hbm:s3], $0xF7A  }
0x26: {  	[smem:$0x3F99] =	sst s1;
	(tag) =	ssettag s2;
	_ =	strace s9  }
0x27: {  	s1 =	sld [smem:$0x3FA9]  }
0x28: {  	s2 =	sld [smem:$0x3FAA]  }
0x29: {  	s4 =	sld [smem:$0x3FAC]  }
0x2a: {  	p0 =	seq.s32 s5, $0x0;
	s5 =	sld [smem:$0x3FAD]  }
0x2b: {  	s6 =	sld [smem:$0x3FAE]  }
0x2c: {  	s7 =	sld [smem:$0x3FAF]  }
0x2d: {  	s3 =	simm.s32 $0x108;
	s8 =	sld [smem:$0x3FB0]  }
0x2e: {  	s3 =	simm.s32 @!p0 $0x1082;
	s9 =	sld [smem:$0x3FB1]  }
0x2f: {  	lr =	sadd.s32 s0, s3;
	s0 =	sld [smem:$0x3FA8]  }
0x30: {  	s3 =	sld [smem:$0x3FAB]  }
0x31: {  	[smem:$0x3FB4] =	sst s10  }
0x32: {  	s10 =	sld [smem:$0x3FB2];
	_ =	sdelay $0x3  }
0x33: {  	p0 =	seq.s32 s10, $0x1;
	s10 =	sld [smem:$0x3FB4];
	_ =	sdelay $0x3  }
0x34: {  	[smem:$0x3FB4] =	sst s10  }
0x35: {  	s10 =	sld [smem:$0x3FB3];
	_ =	sdelay $0x3  }
0x36: {  	p1 =	seq.s32 s10, $0x1;
	s10 =	sld [smem:$0x3FB4];
	_ =	sdelay $0x3  }
0x37: {  	[smem:$0x3FB4] =	sst s10  }
0x38: {  	s10 =	sld [smem:$0x3FB5]  }
0x39: {  	_ = 	snop;
	(pc) =	sbr.ind lr, $3  }
0x3a: {  	_ = 	snop  }
0x3b: {  	_ = 	snop  }
0x3c: {  	p2 =	seq.s32 s10, $0x1;
	s10 =	sld [smem:$0x3FB4]  }
0x3d: {  	_ =	shalt  }
0x3e: {  	_ =	shalt  }
0x3f: {  	_ =	shalt  }
0x40: {  	_ =	shalt  }
0x41: {  	_ =	shalt  }
0x42: {  	_ =	shalt  }
0x43: {  	_ =	shalt  }
0x44: {  	_ =	shalt  }
0x45: {  	_ =	shalt  }
0x46: {  	_ =	shalt  }
0x47: {  	_ =	shalt  }
0x48: {  	_ =	shalt  }
0x49: {  	_ =	shalt  }
0x4a: {  	_ =	shalt  }
0x4b: {  	_ =	shalt  }
0x4c: {  	_ =	shalt  }
0x4d: {  	_ =	shalt  }
0x4e: {  	_ =	shalt  }
0x4f: {  	_ =	shalt  }
0x50: {  	_ =	shalt  }
0x51: {  	_ =	shalt  }
0x52: {  	_ =	shalt  }
0x53: {  	_ =	shalt  }
0x54: {  	_ =	shalt  }
0x55: {  	_ =	shalt  }
0x56: {  	_ =	shalt  }
0x57: {  	_ =	shalt  }
0x58: {  	_ =	shalt  }
0x59: {  	_ =	shalt  }
0x5a: {  	_ =	shalt  }
0x5b: {  	_ =	shalt  }
0x5c: {  	_ =	shalt  }
0x5d: {  	_ =	shalt  }
0x5e: {  	_ =	shalt  }
0x5f: {  	_ =	shalt  }
0x60: {  	_ =	shalt  }
0x61: {  	_ =	shalt  }
0x62: {  	_ =	shalt  }
0x63: {  	_ =	shalt  }
0x64: {  	_ =	shalt  }
0x65: {  	_ =	shalt  }
0x66: {  	_ =	shalt  }
0x67: {  	_ =	shalt  }
0x68: {  	_ =	shalt  }
0x69: {  	_ =	shalt  }
0x6a: {  	_ =	shalt  }
0x6b: {  	_ =	shalt  }
0x6c: {  	_ =	shalt  }
0x6d: {  	_ =	shalt  }
0x6e: {  	_ =	shalt  }
0x6f: {  	_ =	shalt  }
0x70: {  	_ =	shalt  }
0x71: {  	_ =	shalt  }
0x72: {  	_ =	shalt  }
0x73: {  	_ =	shalt  }
0x74: {  	_ =	shalt  }
0x75: {  	_ =	shalt  }
0x76: {  	_ =	shalt  }
0x77: {  	_ =	shalt  }
0x78: {  	_ =	shalt  }
0x79: {  	_ =	shalt  }
0x7a: {  	_ =	shalt  }
0x7b: {  	_ =	shalt  }
0x7c: {  	_ =	shalt  }
0x7d: {  	_ =	shalt  }
0x7e: {  	_ =	shalt  }
0x7f: {  	_ =	shalt  }
0x80: {  	_ =	shalt  }
0x81: {  	_ =	shalt  }
0x82: {  	_ =	shalt  }
0x83: {  	_ =	shalt  }
0x84: {  	_ =	shalt  }
0x85: {  	_ =	shalt  }
0x86: {  	_ =	shalt  }
0x87: {  	_ =	shalt  }
.Lfunc_end0:
.L_simem_size_0:
called_computation.2_lowered:
.L_overlay_start_0:
0x88: {  	s2 =	sld [smem:$0x3FD9]  }
0x89: {  	s3 =	sld [smem:$0x3FFE];
	_ =	sdelay $0x1  }
0x8a: {  	s1 =	srdreg.scid  }
0x8b: {  	s0 =	sand.u32 $0x1, s1  }
0x8c: {  	s17 =	sshll.u32 s0, $0xA;
	s2 =	sadd.s32 s3, s2  }
0x8d: {  	s2 =	sadd.s32 s2, s17  }
0x8e: {  	[smem:$0x3FC0] =	sst s2  }
0x8f: {  	_ = 	snop  }
0x90: {  	s2 =	sld [smem:$0x3FD0];
	(tm) =	ssettm $0x1  }
0x91: {  	s18 =	sld [smem:$0x3FFB];
	_ =	sdelay $0x3  }
0x92: {  	_ =	strace s18  }
0x93: {  	s3 =	sld [smem:$0x3FFC];
	_ =	sdelay $0x3  }
0x94: {  	_ =	strace s3  }
0x95: {  	s3 =	sld [smem:$0x3FFD];
	_ =	sdelay $0x3  }
0x96: {  	_ =	strace s3  }
0x97: {  	_ =	strace $0x8FFFFFFF  }
0x98: {  	s19 =	sld [smem:$0x3FDB];
	_ =	sdelay $0x1  }
0x99: {  	s4 =	simm.s32 $_scs_section_size  }
0x9a: {  	s5 =	simm.s32 $_size__tile_overlayer_lowered;
	s6 =	simm.s32 $_tile_overlayer_lowered  }
0x9b: {  	s22 =	simm.s32 $0x1BFF;
	s21 =	sshll.u32 s6, $0x1;
	s3 =	sadd.s32 s4, s19  }
0x9c: {  	s7 =	simm.s32 $0x0;
	s20 =	sshll.u32 s5, $0x1;
	s5 =	sadd.s32 s21, s3  }
0x9d: {  	[timem:s7], [sflag:s22] =	dma.local [hbm:s5], s20  }
0x9e: {  	_ =	swait.ge [sflag:s22], s20  }
0x9f: {  	s4 =	ssub.s32 $0x0, s20;
	[sflag:s22] =	ssyncset.done $0x0  }
0xa0: {  	[sflag:s22] =	ssyncadd.s32 s4;
	_ =	sdelay $0x1  }
0xa1: {  	s23 =	simm.s32 $0x1B8B  }
0xa2: {  	_ =	swait.ge [sflag:s23], $0x1  }
0xa3: {  	[sflag:s23] =	ssyncset.done $0x0  }
0xa4: {  	s25 =	simm.s32 $0x1B8E;
	s24 =	sld [smem:$0x3FFE];
	[sflag:s23] =	ssyncadd.s32 $0xFFFFFFFF  }
0xa5: {  	s26 =	simm.s32 $execute0_lowered;
	[smem:$0x3FD2] =	sst s25  }
0xa6: {  	s5 =	sshll.u32 s26, $0x1;
	_ =	strace $0x8000004C;
	[dreg:$0x1] =	wrdreg $0xFFFFFFFF  }
0xa7: {  	s28 =	simm.s32 $_size_execute0_lowered;
	s3 =	sadd.s32 s3, s5;
	[dreg:$0x0] =	wrdreg $0x0  }
0xa8: {  	s5 =	sshll.u32 s28, $0x1;
	[dreg:$0x2] =	wrdreg s3  }
0xa9: {  	[dreg:$0x3] =	wrdreg s5  }
0xaa: {  	[dreg:$0x4] =	wrdreg $0xC0  }
0xab: {  	_ =	task [dreg:s7], $0x5FFFF  }
0xac: {  	[dreg:$0x1] =	wrdreg $0xFFFFFFFF  }
0xad: {  	[dreg:$0x0] =	wrdreg $0x60  }
0xae: {  	[dreg:$0x2] =	wrdreg s2  }
0xaf: {  	[dreg:$0x3] =	wrdreg s24  }
0xb0: {  	[dreg:$0x4] =	wrdreg $0x0  }
0xb1: {  	[dreg:$0x5] =	wrdreg $0x9  }
0xb2: {  	_ =	task.clear_ibuf [dreg:s7], $0x6FFFF;
	_ =	strace $0x9000004C  }
0xb3: {  	s29 =	simm.s32 $0x9;
	_ =	strace $0x8000004E  }
0xb4: {  	_ =	swait.ge [sflag:s29], $0x1  }
0xb5: {  	[sflag:s29] =	ssyncadd.s32 $0xFFFFFFFF  }
0xb6: {  	_ =	strace $0x9000004E  }
0xb7: {  	_ =	sfence  }
0xb8: {  	s30 =	sld [smem:$0x0];
	_ =	sdelay $0x2  }
0xb9: {  	s31 =	sshll.u32 s1, $0xD;
	s1 =	sshrl.u32 s1, $0x2  }
0xba: {  	s3 =	sand.u32 $0x4000, s31;
	s1 =	sadd.s32 s1, s30  }
0xbb: {  	s0 =	sor.u32 s3, s0;
	s1 =	sshll.u32 s1, $0x11  }
0xbc: {  	s0 =	sor.u32 s1, s0  }
0xbd: {  	s0 =	sadd.s32 $0x8F2B, s0  }
0xbe: {  	[sflag:s0] =	ssyncadd.remote.s32 $0x1  }
0xbf: {  	_ =	sfence.sel $0xFFFF  }
0xc0: {  	[dreg:$0x0] =	wrdreg $0xFFFFFFFF;
	(pc) =	sbr.abs _section_cstart, $3  }
0xc1: {  	[dreg:$0x1] =	wrdreg $0xFFFFFFFF  }
0xc2: {  	_ =	task.clear_ibuf [dreg:s7], $0x2FFFF;
	_ =	strace $0x9FFFFFFF  }
0xc3: {  	(tm) =	ssettm $0x7FFFFFFF  }
tec
execute0_lowered:
.L_overlay_start_1:
0x0: {  	(tag) =	ssettag $0x1  }
0x1: {  	s0 =	rddreg [dreg:$0x0]  }
0x2: {  	s1 =	rddreg [dreg:$0x1]  }
0x3: {  	s2 =	rddreg [dreg:$0x2];
	s3 =	simm.s32 $0x0;
	s10 =	stileid.u32  }
0x4: {  	s5 =	srdreg.scid;
	s15 =	simm.s32 $0x40;
	s16 =	simm.s32 $0x9E00  }
0x5: {  	s18 =	simm.s32 $0xAE00;
	s20 =	simm.s32 $0xBE00;
	s29 =	simm.s32 $0xFE00  }
0x6: {  	s31 =	simm.s32 $0x10E00;
	s17 =	simm.s32 $0x4;
	s19 =	simm.s32 $0x5  }
0x7: {  	s21 =	simm.s32 $0x6;
	s28 =	simm.s32 $0x9;
	s22 =	smul.u32 $0x5000, s10  }
0x8: {  	s30 =	simm.s32 $0xA;
	s14 =	simm.s32 $0x0;
	s4 =	smul.u32 $0x9E00, s10  }
0x9: {  	[smem:$0x7FF] =	sst s3;
	s5 =	sand.u32 $0x1, s5;
	s6 =	smul.u32 $0x13C00, s10  }
0xa: {  	s12 =	sshll.u32 s10, $0x6;
	s10 =	simm.s32 $0xD;
	_ =	strace $0x8000004D  }
0xb: {  	s7 =	sshll.u32 s5, $0x6;
	s23 =	ssub.s32 $0x2, s5;
	s5 =	smul.u32 $0x13880, s5  }
0xc: {  	[dreg:$0xb] =	wrdreg s14;
	s3 =	sshrl.u32 s22, $0x3;
	s8 =	sshrl.u32 s4, $0x3  }
0xd: {  	s6 =	sor.u32 s7, s6;
	s9 =	sshrl.u32 s23, $0x1;
	s26 =	sadd.s32 s4, s2  }
0xe: {  	s22 =	simm.s32 $0xCE00;
	s4 =	simm.s32 $0xC;
	s3 =	sadd.s32 s3, s1  }
0xf: {  	s8 =	sadd.s32 s8, s1;
	s6 =	sshrl.u32 s6, $0x3;
	s24 =	ssub.s32 s23, s9  }
0x10: {  	s7 =	sadd.s32 s0, s5;
	s13 =	sshrl.u32 s26, $0x3;
	s26 =	simm.s32 $0xEE00  }
0x11: {  	s0 =	simm.s32 $0x1;
	s23 =	simm.s32 $0x7;
	s5 =	simm.s32 $0xE  }
0x12: {  	s1 =	sadd.s32 s6, s1;
	s25 =	sadd.s32 $0x2600, s3;
	[dreg:$0xa] =	wrdreg s13  }
0x13: {  	s3 =	sadd.s32 $0xC600, s3;
	s8 =	sadd.s32 $0xB3800, s8;
	[dreg:$0x4] =	wrdreg s25  }
0x14: {  	s11 =	smax.u32 s24, $0x1;
	s24 =	simm.s32 $0xDE00;
	[dreg:$0x5] =	wrdreg s3  }
0x15: {  	s6 =	simm.s32 $0xF;
	[dreg:$0x6] =	wrdreg s8;
	s9 =	sadd.s32 $0x65600, s1  }
0x16: {  	[dreg:$0x8] =	wrdreg s11;
	s11 =	sor.u32 $0x1C11, s12;
	s1 =	simm.s32 $0x2  }
0x17: {  	s12 =	simm.s32 $0x3;
	s25 =	simm.s32 $0x8;
	[dreg:$0x7] =	wrdreg s9  }
0x18: {  	s3 =	simm.s32 $0xB;
	s8 =	simm.s32 $0x10;
	[dreg:$0x9] =	wrdreg s11  }
.LBB2_1:
0x19: {  	s9 =	simm.s32 $0x11  }
0x1a: {  	s13 =	rddreg [dreg:$0x4];
	s11 =	simm.s32 $0x11E00;
	s14 =	simm.s32 $0x0  }
0x1b: {  	[tilespmem:s11], [sflag:$0x11] =	stream.linear.gather [hbm4b:s13+s14], $0x5000, $0x38;
	[tilespmem:$0x1BE00] =	vst v63  }
0x1c: {  	_ =	swait.ge [sflag:s9], $0x5000  }
0x1d: {  	s11 =	simm.s32 $0x0;
	[sflag:s9] =	ssyncset.done $0x0  }
0x1e: {  	s14 =	simm.s32 $0x16E00;
	s13 =	rddreg [dreg:$0x5];
	[sflag:s9] =	ssyncadd.s32 $0xFFFFB000  }
0x1f: {  	[tilespmem:s14], [sflag:$0x11] =	stream.linear.gather [hbm4b:s13+s11], $0x5000, $0x38;
	[tilespmem:$0x1BE00] =	vst v63  }
0x20: {  	_ =	swait.ge [sflag:s9], $0x5000  }
0x21: {  	s11 =	rddreg [dreg:$0x6]  }
0x22: {  	[sflag:s9] =	ssyncset.done $0x0;
	s13 =	rddreg [dreg:$0x9]  }
0x23: {  	s14 =	rddreg [dreg:$0xa];
	[sflag:s9] =	ssyncadd.s32 $0xFFFFB000  }
0x24: {  	[spmem:s14], [sflag:s13] =	dma.local [hbm:s11], $0x13C0  }
0x25: {  	_ =	swait.ge [sflag:s9], $0x13C0  }
0x26: {  	[sflag:s9] =	ssyncset.done $0x0  }
0x27: {  	[sflag:s9] =	ssyncadd.s32 $0xFFFFEC40  }
0x28: {  	s13 =	simm.s32 $0x11E00;
	[bflag:$0x0] =	sbarrier.arrive $0xFFFF  }
0x29: {  	[tilespmem:s16], [sflag:$0x1] =	stream.indirect.gather [hbm4b:s7+s15], $0x40, s13, s15, $0xb8;
	[tilespmem:$0x1BE00] =	vst v63  }
0x2a: {  	s14 =	simm.s32 $0x11E40  }
0x2b: {  	[tilespmem:s18], [sflag:$0x2] =	stream.indirect.gather [hbm4b:s7+s15], $0x40, s14, s15, $0xb8;
	[tilespmem:$0x1BE00] =	vst v63  }
0x2c: {  	s11 =	simm.s32 $0x11E80  }
0x2d: {  	[tilespmem:s20], [sflag:$0x3] =	stream.indirect.gather [hbm4b:s7+s15], $0x40, s11, s15, $0xb8;
	[tilespmem:$0x1BE00] =	vst v63  }
0x2e: {  	s13 =	simm.s32 $0x11EC0  }
0x2f: {  	[tilespmem:s22], [sflag:$0x4] =	stream.indirect.gather [hbm4b:s7+s15], $0x40, s13, s15, $0xb8;
	[tilespmem:$0x1BE00] =	vst v63  }
0x30: {  	s14 =	simm.s32 $0x11F00  }
0x31: {  	[tilespmem:s24], [sflag:$0x5] =	stream.indirect.gather [hbm4b:s7+s15], $0x40, s14, s15, $0xb8;
	[tilespmem:$0x1BE00] =	vst v63  }
0x32: {  	s11 =	simm.s32 $0x11F40  }
0x33: {  	[tilespmem:s26], [sflag:$0x6] =	stream.indirect.gather [hbm4b:s7+s15], $0x40, s11, s15, $0xb8;
	[tilespmem:$0x1BE00] =	vst v63  }
0x34: {  	s13 =	simm.s32 $0x11F80  }
0x35: {  	[tilespmem:s29], [sflag:$0x7] =	stream.indirect.gather [hbm4b:s7+s15], $0x40, s13, s15, $0xb8;
	[tilespmem:$0x1BE00] =	vst v63  }
0x36: {  	s14 =	simm.s32 $0x11FC0  }
0x37: {  	[tilespmem:s31], [sflag:$0x8] =	stream.indirect.gather [hbm4b:s7+s15], $0x40, s14, s15, $0xb8;
	[tilespmem:$0x1BE00] =	vst v63  }
0x38: {  	_ =	swait.ge [sflag:s0], $0x1000  }
0x39: {  	[sflag:s0] =	ssyncset.done $0x0  }
0x3a: {  	s9 =	simm.s32 $0x16E00;
	[sflag:s0] =	ssyncadd.s32 $0xFFFFF000  }
0x3b: {  	[spmem:s2] =	stream.indirect.scatter.add.f32 [tilespmem:s16], [sflag:$0x9], $0x40, s9, s15, $0xb8;
	[tilespmem:$0x1BE00] =	vst v63  }
0x3c: {  	_ =	swait.ge [sflag:s1], $0x1000  }
0x3d: {  	[sflag:s1] =	ssyncset.done $0x0  }
0x3e: {  	s11 =	simm.s32 $0x16E40;
	[sflag:s1] =	ssyncadd.s32 $0xFFFFF000  }
0x3f: {  	[spmem:s2] =	stream.indirect.scatter.add.f32 [tilespmem:s18], [sflag:$0xA], $0x40, s11, s15, $0xb8;
	[tilespmem:$0x1BE00] =	vst v63  }
0x40: {  	_ =	swait.ge [sflag:s12], $0x1000  }
0x41: {  	[sflag:s12] =	ssyncset.done $0x0  }
0x42: {  	s14 =	simm.s32 $0x16E80;
	[sflag:s12] =	ssyncadd.s32 $0xFFFFF000  }
0x43: {  	[spmem:s2] =	stream.indirect.scatter.add.f32 [tilespmem:s20], [sflag:$0xB], $0x40, s14, s15, $0xb8;
	[tilespmem:$0x1BE00] =	vst v63  }
0x44: {  	_ =	swait.ge [sflag:s17], $0x1000  }
0x45: {  	[sflag:s17] =	ssyncset.done $0x0  }
0x46: {  	s9 =	simm.s32 $0x16EC0;
	[sflag:s17] =	ssyncadd.s32 $0xFFFFF000  }
0x47: {  	[spmem:s2] =	stream.indirect.scatter.add.f32 [tilespmem:s22], [sflag:$0xC], $0x40, s9, s15, $0xb8;
	[tilespmem:$0x1BE00] =	vst v63  }
0x48: {  	_ =	swait.ge [sflag:s19], $0x1000  }
0x49: {  	[sflag:s19] =	ssyncset.done $0x0  }
0x4a: {  	s11 =	simm.s32 $0x16F00;
	[sflag:s19] =	ssyncadd.s32 $0xFFFFF000  }
0x4b: {  	[spmem:s2] =	stream.indirect.scatter.add.f32 [tilespmem:s24], [sflag:$0xD], $0x40, s11, s15, $0xb8;
	[tilespmem:$0x1BE00] =	vst v63  }
0x4c: {  	_ =	swait.ge [sflag:s21], $0x1000  }
0x4d: {  	[sflag:s21] =	ssyncset.done $0x0  }
0x4e: {  	s14 =	simm.s32 $0x16F40;
	[sflag:s21] =	ssyncadd.s32 $0xFFFFF000  }
0x4f: {  	[spmem:s2] =	stream.indirect.scatter.add.f32 [tilespmem:s26], [sflag:$0xE], $0x40, s14, s15, $0xb8;
	[tilespmem:$0x1BE00] =	vst v63  }
0x50: {  	_ =	swait.ge [sflag:s23], $0x1000  }
0x51: {  	[sflag:s23] =	ssyncset.done $0x0  }
0x52: {  	s9 =	simm.s32 $0x16F80;
	[sflag:s23] =	ssyncadd.s32 $0xFFFFF000  }
0x53: {  	[spmem:s2] =	stream.indirect.scatter.add.f32 [tilespmem:s29], [sflag:$0xF], $0x40, s9, s15, $0xb8;
	[tilespmem:$0x1BE00] =	vst v63  }
0x54: {  	_ =	swait.ge [sflag:s25], $0x1000  }
0x55: {  	[sflag:s25] =	ssyncset.done $0x0  }
0x56: {  	s11 =	simm.s32 $0x16FC0;
	[sflag:s25] =	ssyncadd.s32 $0xFFFFF000  }
0x57: {  	[spmem:s2] =	stream.indirect.scatter.add.f32 [tilespmem:s31], [sflag:$0x10], $0x40, s11, s15, $0xb8;
	[tilespmem:$0x1BE00] =	vst v63  }
0x58: {  	_ =	swait.ge [sflag:s28], $0x1000  }
0x59: {  	[sflag:s28] =	ssyncset.done $0x0  }
0x5a: {  	s14 =	simm.s32 $0x12000;
	[sflag:s28] =	ssyncadd.s32 $0xFFFFF000  }
0x5b: {  	[tilespmem:s16], [sflag:$0x1] =	stream.indirect.gather [hbm4b:s7+s15], $0x40, s14, s15, $0xb8;
	[tilespmem:$0x1BE00] =	vst v63  }
0x5c: {  	_ =	swait.ge [sflag:s30], $0x1000  }
0x5d: {  	[sflag:s30] =	ssyncset.done $0x0  }
0x5e: {  	s9 =	simm.s32 $0x12040;
	[sflag:s30] =	ssyncadd.s32 $0xFFFFF000  }
0x5f: {  	[tilespmem:s18], [sflag:$0x2] =	stream.indirect.gather [hbm4b:s7+s15], $0x40, s9, s15, $0xb8;
	[tilespmem:$0x1BE00] =	vst v63  }
0x60: {  	_ =	swait.ge [sflag:s3], $0x1000  }
0x61: {  	[sflag:s3] =	ssyncset.done $0x0  }
0x62: {  	s11 =	simm.s32 $0x12080;
	[sflag:s3] =	ssyncadd.s32 $0xFFFFF000  }
0x63: {  	[tilespmem:s20], [sflag:$0x3] =	stream.indirect.gather [hbm4b:s7+s15], $0x40, s11, s15, $0xb8;
	[tilespmem:$0x1BE00] =	vst v63  }
0x64: {  	_ =	swait.ge [sflag:s4], $0x1000  }
0x65: {  	[sflag:s4] =	ssyncset.done $0x0  }
0x66: {  	s14 =	simm.s32 $0x120C0;
	[sflag:s4] =	ssyncadd.s32 $0xFFFFF000  }
0x67: {  	[tilespmem:s22], [sflag:$0x4] =	stream.indirect.gather [hbm4b:s7+s15], $0x40, s14, s15, $0xb8;
	[tilespmem:$0x1BE00] =	vst v63  }
0x68: {  	_ =	swait.ge [sflag:s10], $0x1000  }
0x69: {  	[sflag:s10] =	ssyncset.done $0x0  }
0x6a: {  	s9 =	simm.s32 $0x12100;
	[sflag:s10] =	ssyncadd.s32 $0xFFFFF000  }
0x6b: {  	[tilespmem:s24], [sflag:$0x5] =	stream.indirect.gather [hbm4b:s7+s15], $0x40, s9, s15, $0xb8;
	[tilespmem:$0x1BE00] =	vst v63  }
0x6c: {  	_ =	swait.ge [sflag:s5], $0x1000  }
0x6d: {  	[sflag:s5] =	ssyncset.done $0x0  }
0x6e: {  	s11 =	simm.s32 $0x12140;
	[sflag:s5] =	ssyncadd.s32 $0xFFFFF000  }
0x6f: {  	[tilespmem:s26], [sflag:$0x6] =	stream.indirect.gather [hbm4b:s7+s15], $0x40, s11, s15, $0xb8;
	[tilespmem:$0x1BE00] =	vst v63  }
0x70: {  	_ =	swait.ge [sflag:s6], $0x1000  }
0x71: {  	[sflag:s6] =	ssyncset.done $0x0  }
0x72: {  	s14 =	simm.s32 $0x12180;
	[sflag:s6] =	ssyncadd.s32 $0xFFFFF000  }
0x73: {  	[tilespmem:s29], [sflag:$0x7] =	stream.indirect.gather [hbm4b:s7+s15], $0x40, s14, s15, $0xb8;
	[tilespmem:$0x1BE00] =	vst v63  }
0x74: {  	_ =	swait.ge [sflag:s8], $0x1000  }
0x75: {  	[sflag:s8] =	ssyncset.done $0x0  }
0x76: {  	s13 =	simm.s32 $0x800;
	s14 =	simm.s32 $0x121C0;
	[sflag:s8] =	ssyncadd.s32 $0xFFFFF000  }
.LBB2_2:
0x77: {  	[tilespmem:s31], [sflag:$0x8] =	stream.indirect.gather [hbm4b:s7+s15], $0x40, s14, s15, $0xb8;
	[tilespmem:$0x1BE00] =	vst v63  }
0x78: {  	s14 =	smov.u32 s13  }
0x79: {  	p0 =	sne.s32 s13, $0x13000;
	s13 =	sadd.s32 $0x800, s13;
	_ =	swait.ge [sflag:s0], $0x1000  }
0x7a: {  	s14 =	sshra.s32 s14, $0x2;
	[sflag:s0] =	ssyncset.done $0x0  }
0x7b: {  	s11 =	sadd.s32 $0x16E00, s14;
	[sflag:s0] =	ssyncadd.s32 $0xFFFFF000  }
0x7c: {  	[spmem:s2] =	stream.indirect.scatter.add.f32 [tilespmem:s16], [sflag:$0x9], $0x40, s11, s15, $0xb8;
	[tilespmem:$0x1BE00] =	vst v63  }
0x7d: {  	_ =	swait.ge [sflag:s1], $0x1000  }
0x7e: {  	[sflag:s1] =	ssyncset.done $0x0  }
0x7f: {  	s11 =	sadd.s32 $0x16E40, s14;
	[sflag:s1] =	ssyncadd.s32 $0xFFFFF000  }
0x80: {  	[spmem:s2] =	stream.indirect.scatter.add.f32 [tilespmem:s18], [sflag:$0xA], $0x40, s11, s15, $0xb8;
	[tilespmem:$0x1BE00] =	vst v63  }
0x81: {  	_ =	swait.ge [sflag:s12], $0x1000  }
0x82: {  	[sflag:s12] =	ssyncset.done $0x0  }
0x83: {  	s11 =	sadd.s32 $0x16E80, s14;
	[sflag:s12] =	ssyncadd.s32 $0xFFFFF000  }
0x84: {  	[spmem:s2] =	stream.indirect.scatter.add.f32 [tilespmem:s20], [sflag:$0xB], $0x40, s11, s15, $0xb8;
	[tilespmem:$0x1BE00] =	vst v63  }
0x85: {  	_ =	swait.ge [sflag:s17], $0x1000  }
0x86: {  	[sflag:s17] =	ssyncset.done $0x0  }
0x87: {  	s11 =	sadd.s32 $0x16EC0, s14;
	[sflag:s17] =	ssyncadd.s32 $0xFFFFF000  }
0x88: {  	[spmem:s2] =	stream.indirect.scatter.add.f32 [tilespmem:s22], [sflag:$0xC], $0x40, s11, s15, $0xb8;
	[tilespmem:$0x1BE00] =	vst v63  }
0x89: {  	_ =	swait.ge [sflag:s19], $0x1000  }
0x8a: {  	[sflag:s19] =	ssyncset.done $0x0  }
0x8b: {  	s11 =	sadd.s32 $0x16F00, s14;
	[sflag:s19] =	ssyncadd.s32 $0xFFFFF000  }
0x8c: {  	[spmem:s2] =	stream.indirect.scatter.add.f32 [tilespmem:s24], [sflag:$0xD], $0x40, s11, s15, $0xb8;
	[tilespmem:$0x1BE00] =	vst v63  }
0x8d: {  	_ =	swait.ge [sflag:s21], $0x1000  }
0x8e: {  	[sflag:s21] =	ssyncset.done $0x0  }
0x8f: {  	s11 =	sadd.s32 $0x16F40, s14;
	[sflag:s21] =	ssyncadd.s32 $0xFFFFF000  }
0x90: {  	[spmem:s2] =	stream.indirect.scatter.add.f32 [tilespmem:s26], [sflag:$0xE], $0x40, s11, s15, $0xb8;
	[tilespmem:$0x1BE00] =	vst v63  }
0x91: {  	_ =	swait.ge [sflag:s23], $0x1000  }
0x92: {  	[sflag:s23] =	ssyncset.done $0x0  }
0x93: {  	s11 =	sadd.s32 $0x16F80, s14;
	[sflag:s23] =	ssyncadd.s32 $0xFFFFF000  }
0x94: {  	[spmem:s2] =	stream.indirect.scatter.add.f32 [tilespmem:s29], [sflag:$0xF], $0x40, s11, s15, $0xb8;
	[tilespmem:$0x1BE00] =	vst v63  }
0x95: {  	_ =	swait.ge [sflag:s25], $0x1000  }
0x96: {  	[sflag:s25] =	ssyncset.done $0x0  }
0x97: {  	s11 =	sadd.s32 $0x16FC0, s14;
	[sflag:s25] =	ssyncadd.s32 $0xFFFFF000  }
0x98: {  	[spmem:s2] =	stream.indirect.scatter.add.f32 [tilespmem:s31], [sflag:$0x10], $0x40, s11, s15, $0xb8;
	[tilespmem:$0x1BE00] =	vst v63  }
0x99: {  	_ =	swait.ge [sflag:s28], $0x1000  }
0x9a: {  	[sflag:s28] =	ssyncset.done $0x0  }
0x9b: {  	s11 =	sadd.s32 $0x12000, s14;
	[sflag:s28] =	ssyncadd.s32 $0xFFFFF000  }
0x9c: {  	[tilespmem:s16], [sflag:$0x1] =	stream.indirect.gather [hbm4b:s7+s15], $0x40, s11, s15, $0xb8;
	[tilespmem:$0x1BE00] =	vst v63  }
0x9d: {  	_ =	swait.ge [sflag:s30], $0x1000  }
0x9e: {  	[sflag:s30] =	ssyncset.done $0x0  }
0x9f: {  	s11 =	sadd.s32 $0x12040, s14;
	[sflag:s30] =	ssyncadd.s32 $0xFFFFF000  }
0xa0: {  	[tilespmem:s18], [sflag:$0x2] =	stream.indirect.gather [hbm4b:s7+s15], $0x40, s11, s15, $0xb8;
	[tilespmem:$0x1BE00] =	vst v63  }
0xa1: {  	_ =	swait.ge [sflag:s3], $0x1000  }
0xa2: {  	[sflag:s3] =	ssyncset.done $0x0  }
0xa3: {  	s11 =	sadd.s32 $0x12080, s14;
	[sflag:s3] =	ssyncadd.s32 $0xFFFFF000  }
0xa4: {  	[tilespmem:s20], [sflag:$0x3] =	stream.indirect.gather [hbm4b:s7+s15], $0x40, s11, s15, $0xb8;
	[tilespmem:$0x1BE00] =	vst v63  }
0xa5: {  	_ =	swait.ge [sflag:s4], $0x1000  }
0xa6: {  	[sflag:s4] =	ssyncset.done $0x0  }
0xa7: {  	s11 =	sadd.s32 $0x120C0, s14;
	[sflag:s4] =	ssyncadd.s32 $0xFFFFF000  }
0xa8: {  	[tilespmem:s22], [sflag:$0x4] =	stream.indirect.gather [hbm4b:s7+s15], $0x40, s11, s15, $0xb8;
	[tilespmem:$0x1BE00] =	vst v63  }
0xa9: {  	_ =	swait.ge [sflag:s10], $0x1000  }
0xaa: {  	[sflag:s10] =	ssyncset.done $0x0  }
0xab: {  	s11 =	sadd.s32 $0x12100, s14;
	[sflag:s10] =	ssyncadd.s32 $0xFFFFF000  }
0xac: {  	[tilespmem:s24], [sflag:$0x5] =	stream.indirect.gather [hbm4b:s7+s15], $0x40, s11, s15, $0xb8;
	[tilespmem:$0x1BE00] =	vst v63  }
0xad: {  	_ =	swait.ge [sflag:s5], $0x1000  }
0xae: {  	[sflag:s5] =	ssyncset.done $0x0  }
0xaf: {  	s11 =	sadd.s32 $0x12140, s14;
	[sflag:s5] =	ssyncadd.s32 $0xFFFFF000  }
0xb0: {  	[tilespmem:s26], [sflag:$0x6] =	stream.indirect.gather [hbm4b:s7+s15], $0x40, s11, s15, $0xb8;
	[tilespmem:$0x1BE00] =	vst v63  }
0xb1: {  	_ =	swait.ge [sflag:s6], $0x1000  }
0xb2: {  	[sflag:s6] =	ssyncset.done $0x0  }
.Ltmp0:
0xb3: {  	s11 =	sadd.s32 $0x12180, s14;
	[sflag:s6] =	ssyncadd.s32 $0xFFFFF000;
	(pc) =	sbr.rel @p0 .LBB2_2-.Ltmp0, $4  }
0xb4: {  	[tilespmem:s29], [sflag:$0x7] =	stream.indirect.gather [hbm4b:s7+s15], $0x40, s11, s15, $0xb8;
	[tilespmem:$0x1BE00] =	vst v63  }
0xb5: {  	_ =	swait.ge [sflag:s8], $0x1000  }
0xb6: {  	[sflag:s8] =	ssyncset.done $0x0  }
0xb7: {  	s14 =	sadd.s32 $0x121C0, s14;
	[sflag:s8] =	ssyncadd.s32 $0xFFFFF000  }
0xb8: {  	[tilespmem:s31], [sflag:$0x8] =	stream.indirect.gather [hbm4b:s7+s15], $0x40, s14, s15, $0xb8;
	[tilespmem:$0x1BE00] =	vst v63  }
0xb9: {  	_ =	swait.ge [sflag:s0], $0x1000  }
0xba: {  	[sflag:s0] =	ssyncset.done $0x0  }
0xbb: {  	s9 =	simm.s32 $0x1BC00;
	[sflag:s0] =	ssyncadd.s32 $0xFFFFF000  }
0xbc: {  	[spmem:s2] =	stream.indirect.scatter.add.f32 [tilespmem:s16], [sflag:$0x9], $0x40, s9, s15, $0xb8;
	[tilespmem:$0x1BE00] =	vst v63  }
0xbd: {  	_ =	swait.ge [sflag:s1], $0x1000  }
0xbe: {  	[sflag:s1] =	ssyncset.done $0x0  }
0xbf: {  	s13 =	simm.s32 $0x1BC40;
	[sflag:s1] =	ssyncadd.s32 $0xFFFFF000  }
0xc0: {  	[spmem:s2] =	stream.indirect.scatter.add.f32 [tilespmem:s18], [sflag:$0xA], $0x40, s13, s15, $0xb8;
	[tilespmem:$0x1BE00] =	vst v63  }
0xc1: {  	_ =	swait.ge [sflag:s12], $0x1000  }
0xc2: {  	[sflag:s12] =	ssyncset.done $0x0  }
0xc3: {  	s14 =	simm.s32 $0x1BC80;
	[sflag:s12] =	ssyncadd.s32 $0xFFFFF000  }
0xc4: {  	[spmem:s2] =	stream.indirect.scatter.add.f32 [tilespmem:s20], [sflag:$0xB], $0x40, s14, s15, $0xb8;
	[tilespmem:$0x1BE00] =	vst v63  }
0xc5: {  	_ =	swait.ge [sflag:s17], $0x1000  }
0xc6: {  	[sflag:s17] =	ssyncset.done $0x0  }
0xc7: {  	s11 =	simm.s32 $0x1BCC0;
	[sflag:s17] =	ssyncadd.s32 $0xFFFFF000  }
0xc8: {  	[spmem:s2] =	stream.indirect.scatter.add.f32 [tilespmem:s22], [sflag:$0xC], $0x40, s11, s15, $0xb8;
	[tilespmem:$0x1BE00] =	vst v63  }
0xc9: {  	_ =	swait.ge [sflag:s19], $0x1000  }
0xca: {  	[sflag:s19] =	ssyncset.done $0x0  }
0xcb: {  	s13 =	simm.s32 $0x1BD00;
	[sflag:s19] =	ssyncadd.s32 $0xFFFFF000  }
0xcc: {  	[spmem:s2] =	stream.indirect.scatter.add.f32 [tilespmem:s24], [sflag:$0xD], $0x40, s13, s15, $0xb8;
	[tilespmem:$0x1BE00] =	vst v63  }
0xcd: {  	_ =	swait.ge [sflag:s21], $0x1000  }
0xce: {  	[sflag:s21] =	ssyncset.done $0x0  }
0xcf: {  	s14 =	simm.s32 $0x1BD40;
	[sflag:s21] =	ssyncadd.s32 $0xFFFFF000  }
0xd0: {  	[spmem:s2] =	stream.indirect.scatter.add.f32 [tilespmem:s26], [sflag:$0xE], $0x40, s14, s15, $0xb8;
	[tilespmem:$0x1BE00] =	vst v63  }
0xd1: {  	_ =	swait.ge [sflag:s23], $0x1000  }
0xd2: {  	[sflag:s23] =	ssyncset.done $0x0  }
0xd3: {  	s11 =	simm.s32 $0x1BD80;
	[sflag:s23] =	ssyncadd.s32 $0xFFFFF000  }
0xd4: {  	[spmem:s2] =	stream.indirect.scatter.add.f32 [tilespmem:s29], [sflag:$0xF], $0x40, s11, s15, $0xb8;
	[tilespmem:$0x1BE00] =	vst v63  }
0xd5: {  	_ =	swait.ge [sflag:s25], $0x1000  }
0xd6: {  	[sflag:s25] =	ssyncset.done $0x0  }
0xd7: {  	s13 =	simm.s32 $0x1BDC0;
	[sflag:s25] =	ssyncadd.s32 $0xFFFFF000  }
0xd8: {  	[spmem:s2] =	stream.indirect.scatter.add.f32 [tilespmem:s31], [sflag:$0x10], $0x40, s13, s15, $0xb8;
	[tilespmem:$0x1BE00] =	vst v63  }
0xd9: {  	_ =	swait.ge [sflag:s28], $0x1000  }
0xda: {  	[sflag:s28] =	ssyncset.done $0x0  }
0xdb: {  	[sflag:s28] =	ssyncadd.s32 $0xFFFFF000  }
0xdc: {  	_ =	swait.ge [sflag:s30], $0x1000  }
0xdd: {  	[sflag:s30] =	ssyncset.done $0x0  }
0xde: {  	[sflag:s30] =	ssyncadd.s32 $0xFFFFF000  }
0xdf: {  	_ =	swait.ge [sflag:s3], $0x1000  }
0xe0: {  	[sflag:s3] =	ssyncset.done $0x0  }
0xe1: {  	[sflag:s3] =	ssyncadd.s32 $0xFFFFF000  }
0xe2: {  	_ =	swait.ge [sflag:s4], $0x1000  }
0xe3: {  	[sflag:s4] =	ssyncset.done $0x0  }
0xe4: {  	[sflag:s4] =	ssyncadd.s32 $0xFFFFF000  }
0xe5: {  	_ =	swait.ge [sflag:s10], $0x1000  }
0xe6: {  	[sflag:s10] =	ssyncset.done $0x0  }
0xe7: {  	[sflag:s10] =	ssyncadd.s32 $0xFFFFF000  }
0xe8: {  	_ =	swait.ge [sflag:s5], $0x1000  }
0xe9: {  	[sflag:s5] =	ssyncset.done $0x0  }
0xea: {  	[sflag:s5] =	ssyncadd.s32 $0xFFFFF000  }
0xeb: {  	_ =	swait.ge [sflag:s6], $0x1000  }
0xec: {  	[sflag:s6] =	ssyncset.done $0x0  }
0xed: {  	[sflag:s6] =	ssyncadd.s32 $0xFFFFF000  }
0xee: {  	_ =	swait.ge [sflag:s8], $0x1000  }
0xef: {  	[sflag:s8] =	ssyncset.done $0x0  }
0xf0: {  	[sflag:s8] =	ssyncadd.s32 $0xFFFFF000  }
0xf1: {  	[bflag:$0x0] =	sbarrier.arrive $0xFFFF  }
0xf2: {  	s11 =	rddreg [dreg:$0x7]  }
0xf3: {  	s14 =	rddreg [dreg:$0x9]  }
0xf4: {  	s13 =	rddreg [dreg:$0xa]  }
0xf5: {  	[hbm:s11@s8], [sflag:s14] =	dma.strided [spmem:s13@s25], $0x13C0, s0, $0x8   }
0xf6: {  	s13 =	simm.s32 $0x11  }
0xf7: {  	_ =	swait.ge [sflag:s13], $0x13C0  }
0xf8: {  	s11 =	rddreg [dreg:$0xb]  }
0xf9: {  	s9 =	rddreg [dreg:$0x8];
	s14 =	sadd.s32 $0x1, s11  }
0xfa: {  	p0 =	sne.s32 s14, s9  }
.Ltmp1:
0xfb: {  	_ = 	snop;
	(pc) =	sbr.rel @p0 .LBB2_1-.Ltmp1, $3  }
0xfc: {  	_ =	sdelay $0x1  }
0xfd: {  	[sflag:s13] =	ssyncset.done $0x0  }
0xfe: {  	[sflag:s13] =	ssyncadd.s32 $0xFFFFEC40;
	[dreg:$0xb] =	wrdreg s14  }
0xff: {  	_ =	sfence.sel $0x180000  }
0x100: {  	[bflag:$0x0] =	sbarrier.arrive $0xFFFF  }
0x101: {  	_ =	strace $0x9000004D  }
0x102: {  	s0 =	stileid.u32;
	[bflag:$0x2] =	sbarrier.arrive $0xFFFF  }
0x103: {  	p0 =	sne.s32 s0, $0x0;
	s0 =	rddreg [dreg:$0x3]  }
0x104: {  	s0 =	sadd.s32 @!p0 $0x100000, s0  }
0x105: {  	[sflag:s0] =	ssyncadd.tile.s32 @!p0 $0x1;
	_ =	shalt  }
.Lfunc_end2:
_tile_overlayer_lowered:
.L_overlay_start_2:
0x106: {  	(tag) =	ssettag $0x2  }
0x107: {  	s0 =	rddreg [dreg:$0x0];
	s2 =	stileid.u32  }
0x108: {  	s1 =	rddreg [dreg:$0x1];
	p0 =	sne.s32 s2, $0x0  }
0x109: {  	s3 =	rddreg [dreg:$0x2];
	[bflag:$0x3] =	sbarrier.arrive $0xFFFF;
	s2 =	simm.s32 @!p0 $0x1C11  }
0x10a: {  	[timem:s3], [sflag:s2] =	dma.local @!p0 [hbm:s0], s1  }
0x10b: {  	s0 =	simm.s32 @!p0 $0x11  }
0x10c: {  	_ =	swait.ge @!p0 [sflag:s0], s1  }
0x10d: {  	s1 =	ssub.s32 @!p0 $0x0, s1;
	[sflag:s0] =	ssyncset.done @!p0 $0x0  }
0x10e: {  	[sflag:s0] =	ssyncadd.s32 @!p0 s1  }
0x10f: {  	[bflag:$0x3] =	sbarrier.arrive $0xFFFF  }
0x110: {  	_ =	shalt  }

// kernel: kernel.9.cloned.1.call-start
scs
__scs_entry_jumppad:
0x0: {  	(pc) =	sbr.rel $0x88, $3  }
0x1: {  	(tag) =	ssettag $0x0;
	lr =	simm.s32 $0x1  }
0x2: {  	[smem:$0x3F99] =	sst lr;
	_ =	strace $0xD0000000  }
0x3: {  	_ = 	snop  }
0x4: {  	_ = 	snop  }
0x5: {  	_ = 	snop  }
0x6: {  	_ = 	snop  }
0x7: {  	_ = 	snop  }
__scs_overlays_trampoline_lowered:
0x8: {  	[smem:$0x3FA8] =	sst s0  }
0x9: {  	[smem:$0x3FA9] =	sst s1  }
0xa: {  	[smem:$0x3FAA] =	sst s2  }
0xb: {  	[smem:$0x3FAB] =	sst s3  }
0xc: {  	[smem:$0x3FAC] =	sst s4  }
0xd: {  	[smem:$0x3FAD] =	sst s5  }
0xe: {  	[smem:$0x3FAE] =	sst s6  }
0xf: {  	[smem:$0x3FAF] =	sst s7  }
0x10: {  	[smem:$0x3FB0] =	sst s8  }
0x11: {  	[smem:$0x3FB1] =	sst s9;
	s0 =	simm.s32 @!p0 $0x0  }
0x12: {  	s1 =	sld [smem:$0x3F97];
	s0 =	simm.s32 @p0 $0x1  }
0x13: {  	[smem:$0x3FB2] =	sst s0;
	s0 =	simm.s32 @!p1 $0x0  }
0x14: {  	s2 =	sld [smem:$0x3F96];
	s0 =	simm.s32 @p1 $0x1  }
0x15: {  	[smem:$0x3FB3] =	sst s0;
	s0 =	simm.s32 @!p2 $0x0  }
0x16: {  	s3 =	sld [smem:$0x3FDB];
	s0 =	simm.s32 @p2 $0x1  }
0x17: {  	s4 =	simm.s32 $0x1BF5;
	[smem:$0x3FB5] =	sst s0  }
0x18: {  	s0 =	sld [smem:$0x3F98];
	_ =	swait.ge [sflag:s4], $0x0  }
0x19: {  	s7 =	sld [smem:$0x3F99]  }
0x1a: {  	s8 =	sadd.s32 $0xFFFFE003, lr  }
0x1b: {  	s9 =	sadd.s32 $0xFFFFFEF7, lr;
	s5 =	simm.s32 $0xFFFFFFFF;
	p2 =	slt.u32 s8, $0xFFFFF086  }
0x1c: {  	p1 =	slt.u32 s9, $0xF7A;
	s5 =	simm.s32 @!p2 $0x0  }
0x1d: {  	s5 =	simm.s32 @p1 $0x1;
	p0 =	seq.s32 s7, s2  }
0x1e: {  	s7 =	smul.u32 @!p0 $0xF7A, s2;
	p2 =	seq.s32 @!p0 s5, $0x0  }
0x1f: {  	s9 =	smul.u32 $0xF7A, s1;
	s8 =	simm.s32 @!p0 $0x1BF5;
	p2 =	por !p2, p0  }
0x20: {  	[sflag:s8] =	ssyncset.s32 @!p0 $0xFFFFF086;
	s6 =	sadd.s32 @!p0 s3, s7;
	s7 =	simm.s32 @!p0 $0x108  }
0x21: {  	s3 =	sadd.s32 s3, s9;
	s6 =	sadd.s32 @!p0 $0x88, s6;
	s7 =	simm.s32 @p2 $0x1082  }
0x22: {  	[simem:s7], [sflag:s8] =	dma.local @!p0 [hbm:s6], $0xF7A  }
0x23: {  	s9 =	sor.u32 $0xD0000000, s2;
	s6 =	simm.s32 $0x108;
	_ =	swait.ge @!p0 [sflag:s8], $0x0  }
0x24: {  	s3 =	sadd.s32 $0x88, s3;
	s6 =	simm.s32 @!p1 $0x1082;
	[sflag:s4] =	ssyncset.s32 $0xFFFFF086  }
0x25: {  	[simem:s6], [sflag:s4] =	dma.local [hbm:s3], $0xF7A  }
0x26: {  	[smem:$0x3F99] =	sst s1;
	(tag) =	ssettag s2;
	_ =	strace s9  }
0x27: {  	s1 =	sld [smem:$0x3FA9]  }
0x28: {  	s2 =	sld [smem:$0x3FAA]  }
0x29: {  	s4 =	sld [smem:$0x3FAC]  }
0x2a: {  	p0 =	seq.s32 s5, $0x0;
	s5 =	sld [smem:$0x3FAD]  }
0x2b: {  	s6 =	sld [smem:$0x3FAE]  }
0x2c: {  	s7 =	sld [smem:$0x3FAF]  }
0x2d: {  	s3 =	simm.s32 $0x108;
	s8 =	sld [smem:$0x3FB0]  }
0x2e: {  	s3 =	simm.s32 @!p0 $0x1082;
	s9 =	sld [smem:$0x3FB1]  }
0x2f: {  	lr =	sadd.s32 s0, s3;
	s0 =	sld [smem:$0x3FA8]  }
0x30: {  	s3 =	sld [smem:$0x3FAB]  }
0x31: {  	[smem:$0x3FB4] =	sst s10  }
0x32: {  	s10 =	sld [smem:$0x3FB2];
	_ =	sdelay $0x3  }
0x33: {  	p0 =	seq.s32 s10, $0x1;
	s10 =	sld [smem:$0x3FB4];
	_ =	sdelay $0x3  }
0x34: {  	[smem:$0x3FB4] =	sst s10  }
0x35: {  	s10 =	sld [smem:$0x3FB3];
	_ =	sdelay $0x3  }
0x36: {  	p1 =	seq.s32 s10, $0x1;
	s10 =	sld [smem:$0x3FB4];
	_ =	sdelay $0x3  }
0x37: {  	[smem:$0x3FB4] =	sst s10  }
0x38: {  	s10 =	sld [smem:$0x3FB5]  }
0x39: {  	_ = 	snop;
	(pc) =	sbr.ind lr, $3  }
0x3a: {  	_ = 	snop  }
0x3b: {  	_ = 	snop  }
0x3c: {  	p2 =	seq.s32 s10, $0x1;
	s10 =	sld [smem:$0x3FB4]  }
0x3d: {  	_ =	shalt  }
0x3e: {  	_ =	shalt  }
0x3f: {  	_ =	shalt  }
0x40: {  	_ =	shalt  }
0x41: {  	_ =	shalt  }
0x42: {  	_ =	shalt  }
0x43: {  	_ =	shalt  }
0x44: {  	_ =	shalt  }
0x45: {  	_ =	shalt  }
0x46: {  	_ =	shalt  }
0x47: {  	_ =	shalt  }
0x48: {  	_ =	shalt  }
0x49: {  	_ =	shalt  }
0x4a: {  	_ =	shalt  }
0x4b: {  	_ =	shalt  }
0x4c: {  	_ =	shalt  }
0x4d: {  	_ =	shalt  }
0x4e: {  	_ =	shalt  }
0x4f: {  	_ =	shalt  }
0x50: {  	_ =	shalt  }
0x51: {  	_ =	shalt  }
0x52: {  	_ =	shalt  }
0x53: {  	_ =	shalt  }
0x54: {  	_ =	shalt  }
0x55: {  	_ =	shalt  }
0x56: {  	_ =	shalt  }
0x57: {  	_ =	shalt  }
0x58: {  	_ =	shalt  }
0x59: {  	_ =	shalt  }
0x5a: {  	_ =	shalt  }
0x5b: {  	_ =	shalt  }
0x5c: {  	_ =	shalt  }
0x5d: {  	_ =	shalt  }
0x5e: {  	_ =	shalt  }
0x5f: {  	_ =	shalt  }
0x60: {  	_ =	shalt  }
0x61: {  	_ =	shalt  }
0x62: {  	_ =	shalt  }
0x63: {  	_ =	shalt  }
0x64: {  	_ =	shalt  }
0x65: {  	_ =	shalt  }
0x66: {  	_ =	shalt  }
0x67: {  	_ =	shalt  }
0x68: {  	_ =	shalt  }
0x69: {  	_ =	shalt  }
0x6a: {  	_ =	shalt  }
0x6b: {  	_ =	shalt  }
0x6c: {  	_ =	shalt  }
0x6d: {  	_ =	shalt  }
0x6e: {  	_ =	shalt  }
0x6f: {  	_ =	shalt  }
0x70: {  	_ =	shalt  }
0x71: {  	_ =	shalt  }
0x72: {  	_ =	shalt  }
0x73: {  	_ =	shalt  }
0x74: {  	_ =	shalt  }
0x75: {  	_ =	shalt  }
0x76: {  	_ =	shalt  }
0x77: {  	_ =	shalt  }
0x78: {  	_ =	shalt  }
0x79: {  	_ =	shalt  }
0x7a: {  	_ =	shalt  }
0x7b: {  	_ =	shalt  }
0x7c: {  	_ =	shalt  }
0x7d: {  	_ =	shalt  }
0x7e: {  	_ =	shalt  }
0x7f: {  	_ =	shalt  }
0x80: {  	_ =	shalt  }
0x81: {  	_ =	shalt  }
0x82: {  	_ =	shalt  }
0x83: {  	_ =	shalt  }
0x84: {  	_ =	shalt  }
0x85: {  	_ =	shalt  }
0x86: {  	_ =	shalt  }
0x87: {  	_ =	shalt  }
.Lfunc_end0:
.L_simem_size_0:
called_computation_lowered:
.L_overlay_start_0:
0x88: {  	s2 =	sld [smem:$0x3FD9]  }
0x89: {  	s3 =	sld [smem:$0x3FFE];
	_ =	sdelay $0x1  }
0x8a: {  	s1 =	srdreg.scid  }
0x8b: {  	s0 =	sand.u32 $0x1, s1  }
0x8c: {  	s17 =	sshll.u32 s0, $0xA;
	s2 =	sadd.s32 s3, s2  }
0x8d: {  	s2 =	sadd.s32 s2, s17  }
0x8e: {  	[smem:$0x3FC0] =	sst s2  }
0x8f: {  	_ = 	snop  }
0x90: {  	s2 =	sld [smem:$0x3FD0];
	(tm) =	ssettm $0x1  }
0x91: {  	s18 =	sld [smem:$0x3FFB];
	_ =	sdelay $0x3  }
0x92: {  	_ =	strace s18  }
0x93: {  	s3 =	sld [smem:$0x3FFC];
	_ =	sdelay $0x3  }
0x94: {  	_ =	strace s3  }
0x95: {  	s3 =	sld [smem:$0x3FFD];
	_ =	sdelay $0x3  }
0x96: {  	_ =	strace s3  }
0x97: {  	_ =	strace $0x8FFFFFFF  }
0x98: {  	s19 =	sld [smem:$0x3FDB];
	_ =	sdelay $0x1  }
0x99: {  	s4 =	simm.s32 $_scs_section_size  }
0x9a: {  	s5 =	simm.s32 $_size__tile_overlayer_lowered;
	s6 =	simm.s32 $_tile_overlayer_lowered  }
0x9b: {  	s22 =	simm.s32 $0x1BFF;
	s21 =	sshll.u32 s6, $0x1;
	s3 =	sadd.s32 s4, s19  }
0x9c: {  	s7 =	simm.s32 $0x0;
	s20 =	sshll.u32 s5, $0x1;
	s5 =	sadd.s32 s21, s3  }
0x9d: {  	[timem:s7], [sflag:s22] =	dma.local [hbm:s5], s20  }
0x9e: {  	_ =	swait.ge [sflag:s22], s20  }
0x9f: {  	s4 =	ssub.s32 $0x0, s20;
	[sflag:s22] =	ssyncset.done $0x0  }
0xa0: {  	[sflag:s22] =	ssyncadd.s32 s4;
	_ =	sdelay $0x1  }
0xa1: {  	s23 =	simm.s32 $0x1B8B  }
0xa2: {  	_ =	swait.ge [sflag:s23], $0x1  }
0xa3: {  	[sflag:s23] =	ssyncset.done $0x0  }
0xa4: {  	s25 =	simm.s32 $0x1B8E;
	s24 =	sld [smem:$0x3FFE];
	[sflag:s23] =	ssyncadd.s32 $0xFFFFFFFF  }
0xa5: {  	s26 =	simm.s32 $execute0_lowered;
	[smem:$0x3FD2] =	sst s25  }
0xa6: {  	s5 =	sshll.u32 s26, $0x1;
	_ =	strace $0x80000046;
	[dreg:$0x1] =	wrdreg $0xFFFFFFFF  }
0xa7: {  	s28 =	simm.s32 $_size_execute0_lowered;
	s3 =	sadd.s32 s3, s5;
	[dreg:$0x0] =	wrdreg $0x0  }
0xa8: {  	s5 =	sshll.u32 s28, $0x1;
	[dreg:$0x2] =	wrdreg s3  }
0xa9: {  	[dreg:$0x3] =	wrdreg s5  }
0xaa: {  	[dreg:$0x4] =	wrdreg $0xC0  }
0xab: {  	_ =	task [dreg:s7], $0x5FFFF  }
0xac: {  	[dreg:$0x1] =	wrdreg $0xFFFFFFFF  }
0xad: {  	[dreg:$0x0] =	wrdreg $0x60  }
0xae: {  	[dreg:$0x2] =	wrdreg s24  }
0xaf: {  	[dreg:$0x3] =	wrdreg s2  }
0xb0: {  	[dreg:$0x4] =	wrdreg $0x0  }
0xb1: {  	[dreg:$0x5] =	wrdreg $0x9  }
0xb2: {  	_ =	task.clear_ibuf [dreg:s7], $0x6FFFF;
	_ =	strace $0x90000046  }
0xb3: {  	s29 =	simm.s32 $0x9;
	_ =	strace $0x80000048  }
0xb4: {  	_ =	swait.ge [sflag:s29], $0x1  }
0xb5: {  	[sflag:s29] =	ssyncadd.s32 $0xFFFFFFFF  }
0xb6: {  	_ =	strace $0x90000048  }
0xb7: {  	_ =	sfence  }
0xb8: {  	s30 =	sld [smem:$0x0];
	_ =	sdelay $0x2  }
0xb9: {  	s31 =	sshll.u32 s1, $0xD;
	s1 =	sshrl.u32 s1, $0x2  }
0xba: {  	s3 =	sand.u32 $0x4000, s31;
	s1 =	sadd.s32 s1, s30  }
0xbb: {  	s0 =	sor.u32 s3, s0;
	s1 =	sshll.u32 s1, $0x11  }
0xbc: {  	s0 =	sor.u32 s1, s0  }
0xbd: {  	s0 =	sadd.s32 $0x8F2B, s0  }
0xbe: {  	[sflag:s0] =	ssyncadd.remote.s32 $0x1  }
0xbf: {  	_ =	sfence.sel $0xFFFF  }
0xc0: {  	[dreg:$0x0] =	wrdreg $0xFFFFFFFF;
	(pc) =	sbr.abs _section_cstart, $3  }
0xc1: {  	[dreg:$0x1] =	wrdreg $0xFFFFFFFF  }
0xc2: {  	_ =	task.clear_ibuf [dreg:s7], $0x2FFFF;
	_ =	strace $0x9FFFFFFF  }
0xc3: {  	(tm) =	ssettm $0x7FFFFFFF  }
tec
execute0_lowered:
.L_overlay_start_1:
0x0: {  	(tag) =	ssettag $0x1  }
0x1: {  	s4 =	rddreg [dreg:$0x0]  }
0x2: {  	s1 =	srdreg.scid;
	s7 =	rddreg [dreg:$0x1]  }
0x3: {  	s0 =	stileid.u32;
	s2 =	rddreg [dreg:$0x2]  }
0x4: {  	s3 =	simm.s32 $0x0;
	s13 =	simm.s32 $0x2780;
	s6 =	smul.u32 $0x5000, s0  }
0x5: {  	s5 =	sand.u32 $0x1, s1;
	s1 =	rddreg [dreg:$0x3];
	s28 =	smul.u32 $0x2780, s0  }
0x6: {  	s14 =	simm.s32 $0x1;
	[smem:$0x7FF] =	sst s3;
	s8 =	smul.u32 $0x2800, s5  }
0x7: {  	s31 =	sshll.u32 s0, $0x6;
	s9 =	smul.u32 $0x27800, s5;
	s5 =	ssub.s32 $0x2, s5  }
0x8: {  	_ =	strace $0x80000047;
	s10 =	sshrl.u32 s28, $0x3;
	s29 =	sshrl.u32 s5, $0x1  }
0x9: {  	s12 =	sadd.s32 s28, s2;
	s6 =	sadd.s32 s8, s6;
	s10 =	sadd.s32 s10, s4  }
0xa: {  	s9 =	sadd.s32 s28, s9;
	s11 =	ssub.s32 s5, s29;
	s6 =	sadd.s32 $0x50000, s6  }
0xb: {  	s8 =	simm.s32 $0x2B80;
	s30 =	sshrl.u32 s9, $0x3;
	s6 =	sshrl.u32 s6, $0x3  }
0xc: {  	s5 =	sadd.s32 $0x16600, s10;
	s9 =	simm.s32 $0x2;
	s6 =	sadd.s32 s6, s4  }
0xd: {  	s10 =	sor.u32 $0x1C02, s31;
	s4 =	sadd.s32 $0x2600, s6;
	s6 =	sadd.s32 s7, s30  }
0xe: {  	v0 =	vimm.f32 $1.000000000e+00;
	s7 =	smax.u32 s11, $0x1;
	s11 =	sshrl.u32 s12, $0x3;
	s12 =	simm.s32 $0x40  }
.LBB2_1:
0xf: {  	s15 =	simm.s32 $0x40;
	s16 =	simm.s32 $0x0  }
.LBB2_2:
0x10: {  	p0 =	sne.s32 s15, $0xFC0;
	[tilespmem:s16+$0x2780] =	vst v0;
	s16 =	smov.u32 s15;
	s15 =	sadd.s32 $0x40, s15  }
.Ltmp0:
0x11: {  	(pc) =	sbr.rel @p0 .LBB2_2-.Ltmp0, $2  }
0x12: {  	_ =	sdelay $0x2  }
0x13: {  	s16 =	sshra.s32 s16, $0x2  }
0x14: {  	[tilespmem:s16+$0x2780] =	vst v0;
	s15 =	simm.s32 $0x0  }
0x15: {  	[tilespmem:s8], [sflag:$0x2] =	stream.linear.gather [hbm4b:s4+s15], $0x2800, $0x38;
	[tilespmem:$0x5380] =	vst v63  }
0x16: {  	_ =	swait.ge [sflag:s9], $0x2800  }
0x17: {  	[sflag:s9] =	ssyncset.done $0x0  }
0x18: {  	[sflag:s9] =	ssyncadd.s32 $0xFFFFD800  }
0x19: {  	[spmem:s11], [sflag:s10] =	dma.local [hbm:s5], $0x4F0  }
0x1a: {  	_ =	swait.ge [sflag:s9], $0x4F0  }
0x1b: {  	[sflag:s9] =	ssyncset.done $0x0  }
0x1c: {  	[sflag:s9] =	ssyncadd.s32 $0xFFFFFB10  }
0x1d: {  	[bflag:$0x0] =	sbarrier.arrive $0xFFFF  }
.LBB2_4:
0x1e: {  	p0 =	sne.s32 s15, $0x9F00  }
.Ltmp1:
0x1f: {  	_ = 	snop;
	(pc) =	sbr.rel @p0 .LBB2_4-.Ltmp1, $4  }
0x20: {  	_ = 	snop  }
0x21: {  	s16 =	sshra.s32 s15, $0x2  }
0x22: {  	s15 =	sadd.s32 $0x100, s15;
	s16 =	sadd.s32 $0x2B80, s16  }
0x23: {  	[spmem:s2] =	stream.indirect.scatter.add.f32 [tilespmem:s13], [sflag:$0x1], $0x10, s16, s12, $0xb8;
	[tilespmem:$0x5380] =	vst v63  }
0x24: {  	_ =	swait.ge [sflag:s14], $0x400  }
0x25: {  	s15 =	simm.s32 $0x9F;
	[sflag:s14] =	ssyncset.done $0x0  }
.LBB2_6:
0x26: {  	p0 =	sne.s32 s15, $0x1;
	s15 =	sadd.s32 $0xFFFFFFFF, s15;
	[sflag:s14] =	ssyncadd.s32 $0xFFFFFC00  }
.Ltmp2:
0x27: {  	(pc) =	sbr.rel @p0 .LBB2_6-.Ltmp2, $3  }
0x28: {  	_ =	sdelay $0x1  }
0x29: {  	_ =	swait.ge [sflag:s14], $0x400  }
0x2a: {  	[sflag:s14] =	ssyncset.done $0x0  }
0x2b: {  	s3 =	sadd.s32 $0x1, s3  }
0x2c: {  	[sflag:s14] =	ssyncadd.s32 $0xFFFFFC00;
	p0 =	sne.s32 s3, s7  }
.Ltmp3:
0x2d: {  	[bflag:$0x0] =	sbarrier.arrive $0xFFFF;
	(pc) =	sbr.rel @p0 .LBB2_1-.Ltmp3, $4  }
0x2e: {  	[hbm:s6], [sflag:s10] =	dma.local [spmem:s11], $0x4F0  }
0x2f: {  	_ =	swait.ge [sflag:s9], $0x4F0  }
0x30: {  	[sflag:s9] =	ssyncset.done $0x0  }
0x31: {  	[sflag:s9] =	ssyncadd.s32 $0xFFFFFB10  }
0x32: {  	_ =	sfence.sel $0x180000  }
0x33: {  	[bflag:$0x0] =	sbarrier.arrive $0xFFFF  }
0x34: {  	p0 =	sne.s32 s0, $0x0;
	_ =	strace $0x90000047  }
0x35: {  	s0 =	sadd.s32 @!p0 $0x100000, s1;
	[bflag:$0x2] =	sbarrier.arrive $0xFFFF  }
0x36: {  	[sflag:s0] =	ssyncadd.tile.s32 @!p0 $0x1;
	_ =	shalt  }
.Lfunc_end2:
_tile_overlayer_lowered:
.L_overlay_start_2:
0x37: {  	(tag) =	ssettag $0x2  }
0x38: {  	s0 =	rddreg [dreg:$0x0];
	s2 =	stileid.u32  }
0x39: {  	s1 =	rddreg [dreg:$0x1];
	p0 =	sne.s32 s2, $0x0  }
0x3a: {  	s3 =	rddreg [dreg:$0x2];
	[bflag:$0x3] =	sbarrier.arrive $0xFFFF;
	s2 =	simm.s32 @!p0 $0x1C02  }
0x3b: {  	[timem:s3], [sflag:s2] =	dma.local @!p0 [hbm:s0], s1  }
0x3c: {  	s0 =	simm.s32 @!p0 $0x2  }
0x3d: {  	_ =	swait.ge @!p0 [sflag:s0], s1  }
0x3e: {  	s1 =	ssub.s32 @!p0 $0x0, s1;
	[sflag:s0] =	ssyncset.done @!p0 $0x0  }
0x3f: {  	[sflag:s0] =	ssyncadd.s32 @!p0 s1  }
0x40: {  	[bflag:$0x3] =	sbarrier.arrive $0xFFFF  }
0x41: {  	_ =	shalt  }

</sc_bundles>
